<compile_context>
chip_gen: v7x
topology: tpu7x:2x2x1
jax: 0.10.2.dev20260603
libtpu: 0.0.44.dev20260713+nightly
codegen_flags: <defaults>
</compile_context>

<pallas_src>
import functools

import jax
import jax.numpy as jnp
from jax import lax
from jax.experimental import pallas as pl
from jax.experimental.pallas import tpu as pltpu
from jax.experimental.pallas import tpu_sc as plsc

CH, CW = 448, 448
TOP, LEFT = 32, 32
NC, NS = 2, 16
NW = NC * NS
N = 192
IPW = N // NW
RB = 64
CPI = CH // RB
T = IPW * CPI
P = T // 2

_mesh = plsc.VectorSubcoreMesh(core_axis_name="c", subcore_axis_name="s")


@functools.partial(
    pl.kernel,
    out_type=jax.ShapeDtypeStruct((N, CH, CW), jnp.float32),
    mesh=_mesh,
    scratch_types=[
        pltpu.VMEM((2, RB, 512), jnp.float32),
        pltpu.VMEM((2, RB, CW), jnp.float32),
        pltpu.SemaphoreType.DMA,
        pltpu.SemaphoreType.DMA,
        pltpu.SemaphoreType.DMA,
        pltpu.SemaphoreType.DMA,
    ],
    compiler_params=pltpu.CompilerParams(use_tc_tiling_on_sc=True),
)
def _sc_crop(in_hbm, out_hbm, bin_, bout, l0, l1, s0, s1):
    wid = lax.axis_index("s") * NC + lax.axis_index("c")
    base = wid * IPW
    lsem = (l0, l1)
    ssem = (s0, s1)

    def coords(c):
        return base + c // CPI, lax.rem(c, CPI)

    def in_copies(s, img, rb):
        row0 = TOP + rb * RB
        return [
            pltpu.make_async_copy(
                in_hbm.at[img, pl.ds(row0, RB), :],
                bin_.at[s],
                lsem[s],
            )
        ]

    def out_copies(s, img, rb):
        row0 = rb * RB
        return [
            pltpu.make_async_copy(
                bout.at[s],
                out_hbm.at[img, pl.ds(row0, RB), :],
                ssem[s],
            )
        ]

    def start(cps):
        for c in cps:
            c.start()

    def wait(cps):
        for c in cps:
            c.wait()

    def shuffle(s):
        def body(r, carry):
            for k in range(CW // 16):
                bout[s, r, pl.ds(k * 16, 16)] = (
                    bin_[s, r, pl.ds(LEFT + k * 16, 16)])
            return carry

        lax.fori_loop(0, RB, body, 0)

    def stage(s, c, first, last):
        img, rb = coords(c)
        wait(in_copies(s, img, rb))
        if not first:
            wait(out_copies(s, img, rb))
        shuffle(s)
        start(out_copies(s, img, rb))
        if not last:
            img2, rb2 = coords(c + 2)
            start(in_copies(s, img2, rb2))

    img, rb = coords(0)
    start(in_copies(0, img, rb))
    img, rb = coords(1)
    start(in_copies(1, img, rb))

    stage(0, 0, True, False)
    stage(1, 1, True, False)

    def body(p, carry):
        stage(0, 2 * p, False, False)
        stage(1, 2 * p + 1, False, False)
        return carry

    lax.fori_loop(1, P - 1, body, 0)

    stage(0, T - 2, False, True)
    stage(1, T - 1, False, True)

    img, rb = coords(T - 2)
    wait(out_copies(0, img, rb))
    img, rb = coords(T - 1)
    wait(out_copies(1, img, rb))


def kernel(x):
    B, Tt, C, H, W = x.shape
    xf = x.reshape(N, H, W)
    out = _sc_crop(xf)
    return out.reshape(B, Tt * C, CH, CW)

# --- scband reference (transcript-rebuilt; emitter-appended) ---
"""Pipeline reference for scband-image-random-crop-16166256902668 (READ-ONLY COPY).

The authoritative reference and input builder live on the scoring server;
editing this copy changes nothing except your own understanding.
"""

import jax, jax.numpy as jnp
import numpy as np

CH, CW = 448, 448

def setup_inputs(seed: int = 0) -> dict:
    key = jax.random.key(seed)
    x = jax.random.normal(key, (8, 8, 3, 512, 512), dtype=jnp.float32)
    return {"x": x}

def reference(x):
    B, T, C, H, W = x.shape
    x = x.reshape(B, T * C, H, W)
    # eval-mode (deterministic) center crop positions, matching the module's
    # non-training branch of _sample_positions
    top = jnp.full((B,), (H - CH) // 2, dtype=jnp.int32)
    left = jnp.full((B,), (W - CW) // 2, dtype=jnp.int32)
    h_idx = top[:, None] + jnp.arange(CH, dtype=jnp.int32)[None, :]
    w_idx = left[:, None] + jnp.arange(CW, dtype=jnp.int32)[None, :]
    idx_h = jnp.broadcast_to(h_idx[:, None, :, None], (B, T * C, CH, W))
    x_h = jnp.take_along_axis(x, idx_h, axis=2)
    idx_w = jnp.broadcast_to(w_idx[:, None, None, :], (B, T * C, CH, CW))
    x_hw = jnp.take_along_axis(x_h, idx_w, axis=3)
    return x_hw

if __name__ == "__main__":
    import jax
    _d = setup_inputs()
    print(jax.jit(kernel)(*tuple(_d.values())))

</pallas_src>

<mosaic_0001>
#map = affine_map<(d0, d1) -> (0, 0, 0)>
module attributes {stable_mosaic.version = 14 : i64} {
  func.func @_sc_crop(%arg0: i32, %arg1: i32, %arg2: memref<192x512x512xf32, #tpu.memory_space<hbm>>, %arg3: memref<192x448x448xf32, #tpu.memory_space<hbm>>, %arg4: memref<2x64x512xf32, #tpu.memory_space<vmem>>, %arg5: memref<2x64x448xf32, #tpu.memory_space<vmem>>, %arg6: memref<!tpu.dma_semaphore, #tpu.memory_space<semaphore_mem>>, %arg7: memref<!tpu.dma_semaphore, #tpu.memory_space<semaphore_mem>>, %arg8: memref<!tpu.dma_semaphore, #tpu.memory_space<semaphore_mem>>, %arg9: memref<!tpu.dma_semaphore, #tpu.memory_space<semaphore_mem>>) attributes {dimension_semantics = [#tpu.dimension_semantics<core_parallel>, #tpu.dimension_semantics<subcore_parallel>], iteration_bounds = array<i64: 2, 16>, scalar_prefetch = 0 : i64, scratch_operands = 6 : i64, tpu.core_type = #tpu.core_type<sc_vector_subcore>, window_params = [{transform_indices = #map}, {transform_indices = #map}]} {
    %mul3A = arith.constant 2 : i32
    %mul3A_0 = arith.muli %arg1, %mul3A : i32
    %add3A = arith.addi %mul3A_0, %arg0 : i32
    %mul3A_1 = arith.constant 6 : i32
    %mul3A_2 = arith.muli %add3A, %mul3A_1 : i32
    %add3A_3 = arith.constant 0 : i32
    %add3A_4 = arith.addi %mul3A_2, %add3A_3 : i32
    %rem3A = arith.constant 0 : i32
    %rem3A_5 = arith.constant 7 : i32
    %rem3A_6 = arith.remsi %rem3A, %rem3A_5 : i32
    %mul3A_7 = arith.constant 64 : i32
    %mul3A_8 = arith.muli %rem3A_6, %mul3A_7 : i32
    %add3A_9 = arith.constant 32 : i32
    %add3A_10 = arith.addi %add3A_9, %mul3A_8 : i32
    %dma_start3A = arith.constant 0 : i32
    %dma_start3A_11 = arith.constant 0 : i32
    %dma_start3A_12 = arith.constant 0 : i32
    %dma_start3A_13 = tpu.memref_slice %arg4[%dma_start3A, %dma_start3A_11, %dma_start3A_12] : memref<2x64x512xf32, #tpu.memory_space<vmem>> -> memref<1x64x512xf32, #tpu.memory_space<vmem>>
    %dma_start3A_14 = tpu.memref_squeeze %dma_start3A_13 : memref<1x64x512xf32, #tpu.memory_space<vmem>> -> memref<64x512xf32, #tpu.memory_space<vmem>>
    %dma_start3A_15 = arith.constant 0 : i32
    %dma_start3A_16 = tpu.memref_slice %arg2[%add3A_4, %add3A_10, %dma_start3A_15] : memref<192x512x512xf32, #tpu.memory_space<hbm>> -> memref<1x64x512xf32, #tpu.memory_space<hbm>>
    %dma_start3A_17 = tpu.memref_squeeze %dma_start3A_16 : memref<1x64x512xf32, #tpu.memory_space<hbm>> -> memref<64x512xf32, #tpu.memory_space<hbm>>
    %dma_start3A_18 = arith.constant 0 : i32
    %dma_start3A_19 = arith.constant 0 : i32
    %dma_start3A_20 = tpu.memref_slice %arg4[%dma_start3A, %dma_start3A_18, %dma_start3A_19] : memref<2x64x512xf32, #tpu.memory_space<vmem>> -> memref<1x64x512xf32, #tpu.memory_space<vmem>>
    %dma_start3A_21 = tpu.memref_squeeze %dma_start3A_20 : memref<1x64x512xf32, #tpu.memory_space<vmem>> -> memref<64x512xf32, #tpu.memory_space<vmem>>
    %dma_start3A_22 = arith.constant 0 : i32
    %dma_start3A_23 = tpu.memref_slice %arg2[%add3A_4, %add3A_10, %dma_start3A_22] : memref<192x512x512xf32, #tpu.memory_space<hbm>> -> memref<1x64x512xf32, #tpu.memory_space<hbm>>
    %dma_start3A_24 = tpu.memref_squeeze %dma_start3A_23 : memref<1x64x512xf32, #tpu.memory_space<hbm>> -> memref<64x512xf32, #tpu.memory_space<hbm>>
    tpu.enqueue_dma source(%dma_start3A_24 : memref<64x512xf32, #tpu.memory_space<hbm>>) target(%dma_start3A_21 : memref<64x512xf32, #tpu.memory_space<vmem>>) target_semaphore(%arg6 : memref<!tpu.dma_semaphore, #tpu.memory_space<semaphore_mem>>)
    %add3A_25 = arith.constant 0 : i32
    %add3A_26 = arith.addi %mul3A_2, %add3A_25 : i32
    %rem3A_27 = arith.constant 1 : i32
    %rem3A_28 = arith.constant 7 : i32
    %rem3A_29 = arith.remsi %rem3A_27, %rem3A_28 : i32
    %mul3A_30 = arith.constant 64 : i32
    %mul3A_31 = arith.muli %rem3A_29, %mul3A_30 : i32
    %add3A_32 = arith.constant 32 : i32
    %add3A_33 = arith.addi %add3A_32, %mul3A_31 : i32
    %dma_start3A_34 = arith.constant 1 : i32
    %dma_start3A_35 = arith.constant 0 : i32
    %dma_start3A_36 = arith.constant 0 : i32
    %dma_start3A_37 = tpu.memref_slice %arg4[%dma_start3A_34, %dma_start3A_35, %dma_start3A_36] : memref<2x64x512xf32, #tpu.memory_space<vmem>> -> memref<1x64x512xf32, #tpu.memory_space<vmem>>
    %dma_start3A_38 = tpu.memref_squeeze %dma_start3A_37 : memref<1x64x512xf32, #tpu.memory_space<vmem>> -> memref<64x512xf32, #tpu.memory_space<vmem>>
    %dma_start3A_39 = arith.constant 0 : i32
    %dma_start3A_40 = tpu.memref_slice %arg2[%add3A_26, %add3A_33, %dma_start3A_39] : memref<192x512x512xf32, #tpu.memory_space<hbm>> -> memref<1x64x512xf32, #tpu.memory_space<hbm>>
    %dma_start3A_41 = tpu.memref_squeeze %dma_start3A_40 : memref<1x64x512xf32, #tpu.memory_space<hbm>> -> memref<64x512xf32, #tpu.memory_space<hbm>>
    %dma_start3A_42 = arith.constant 0 : i32
    %dma_start3A_43 = arith.constant 0 : i32
    %dma_start3A_44 = tpu.memref_slice %arg4[%dma_start3A_34, %dma_start3A_42, %dma_start3A_43] : memref<2x64x512xf32, #tpu.memory_space<vmem>> -> memref<1x64x512xf32, #tpu.memory_space<vmem>>
    %dma_start3A_45 = tpu.memref_squeeze %dma_start3A_44 : memref<1x64x512xf32, #tpu.memory_space<vmem>> -> memref<64x512xf32, #tpu.memory_space<vmem>>
    %dma_start3A_46 = arith.constant 0 : i32
    %dma_start3A_47 = tpu.memref_slice %arg2[%add3A_26, %add3A_33, %dma_start3A_46] : memref<192x512x512xf32, #tpu.memory_space<hbm>> -> memref<1x64x512xf32, #tpu.memory_space<hbm>>
    %dma_start3A_48 = tpu.memref_squeeze %dma_start3A_47 : memref<1x64x512xf32, #tpu.memory_space<hbm>> -> memref<64x512xf32, #tpu.memory_space<hbm>>
    tpu.enqueue_dma source(%dma_start3A_48 : memref<64x512xf32, #tpu.memory_space<hbm>>) target(%dma_start3A_45 : memref<64x512xf32, #tpu.memory_space<vmem>>) target_semaphore(%arg7 : memref<!tpu.dma_semaphore, #tpu.memory_space<semaphore_mem>>)
    %add3A_49 = arith.constant 0 : i32
    %add3A_50 = arith.addi %mul3A_2, %add3A_49 : i32
    %rem3A_51 = arith.constant 0 : i32
    %rem3A_52 = arith.constant 7 : i32
    %rem3A_53 = arith.remsi %rem3A_51, %rem3A_52 : i32
    %mul3A_54 = arith.constant 64 : i32
    %mul3A_55 = arith.muli %rem3A_53, %mul3A_54 : i32
    %add3A_56 = arith.constant 32 : i32
    %add3A_57 = arith.addi %add3A_56, %mul3A_55 : i32
    %dma_wait3A = arith.constant 0 : i32
    %dma_wait3A_58 = arith.constant 0 : i32
    %dma_wait3A_59 = arith.constant 0 : i32
    %dma_wait3A_60 = tpu.memref_slice %arg4[%dma_wait3A, %dma_wait3A_58, %dma_wait3A_59] : memref<2x64x512xf32, #tpu.memory_space<vmem>> -> memref<1x64x512xf32, #tpu.memory_space<vmem>>
    %dma_wait3A_61 = tpu.memref_squeeze %dma_wait3A_60 : memref<1x64x512xf32, #tpu.memory_space<vmem>> -> memref<64x512xf32, #tpu.memory_space<vmem>>
    %dma_wait3A_62 = arith.constant 0 : i32
    %dma_wait3A_63 = tpu.memref_slice %arg2[%add3A_50, %add3A_57, %dma_wait3A_62] : memref<192x512x512xf32, #tpu.memory_space<hbm>> -> memref<1x64x512xf32, #tpu.memory_space<hbm>>
    %dma_wait3A_64 = tpu.memref_squeeze %dma_wait3A_63 : memref<1x64x512xf32, #tpu.memory_space<hbm>> -> memref<64x512xf32, #tpu.memory_space<hbm>>
    %dma_wait3A_65 = arith.constant 0 : i32
    %dma_wait3A_66 = arith.constant 0 : i32
    %dma_wait3A_67 = tpu.memref_slice %arg4[%dma_wait3A, %dma_wait3A_65, %dma_wait3A_66] : memref<2x64x512xf32, #tpu.memory_space<vmem>> -> memref<1x64x512xf32, #tpu.memory_space<vmem>>
    %dma_wait3A_68 = tpu.memref_squeeze %dma_wait3A_67 : memref<1x64x512xf32, #tpu.memory_space<vmem>> -> memref<64x512xf32, #tpu.memory_space<vmem>>
    %dma_wait3A_69 = arith.constant 0 : i32
    %dma_wait3A_70 = tpu.memref_slice %arg2[%add3A_50, %add3A_57, %dma_wait3A_69] : memref<192x512x512xf32, #tpu.memory_space<hbm>> -> memref<1x64x512xf32, #tpu.memory_space<hbm>>
    %dma_wait3A_71 = tpu.memref_squeeze %dma_wait3A_70 : memref<1x64x512xf32, #tpu.memory_space<hbm>> -> memref<64x512xf32, #tpu.memory_space<hbm>>
    tpu.wait_dma2 semaphore(%arg6 : memref<!tpu.dma_semaphore, #tpu.memory_space<semaphore_mem>>) src(%dma_wait3A_71 : memref<64x512xf32, #tpu.memory_space<hbm>>) dst(%dma_wait3A_68 : memref<64x512xf32, #tpu.memory_space<vmem>>)
    %scan3A = arith.constant 0 : i32
    %scan3A_72 = arith.constant 0 : i32
    %scan3A_73 = arith.constant 64 : i32
    %scan3A_74 = arith.addi %scan3A_72, %scan3A_73 : i32
    %scan3A_75 = arith.constant 1 : i32
    scf.for %scan3A_367 = %scan3A_72 to %scan3A_74 step %scan3A_75  : i32 {
      %get3A = arith.constant 0 : i32
      %get3A_368 = arith.index_cast %get3A : i32 to index
      %get3A_369 = arith.index_cast %scan3A_367 : i32 to index
      %get3A_370 = arith.constant 32 : index
      %get3A_371 = tpu.vector_load %arg4[%get3A_368, %get3A_369, %get3A_370] {strides = array<i32>} : memref<2x64x512xf32, #tpu.memory_space<vmem>>, vector<1x1x16xf32>,
      %get3A_372 = vector.shape_cast %get3A_371 : vector<1x1x16xf32> to vector<16xf32>
      %swap3A = arith.constant 0 : i32
      %swap3A_373 = arith.index_cast %swap3A : i32 to index
      %swap3A_374 = arith.index_cast %scan3A_367 : i32 to index
      %swap3A_375 = arith.constant 0 : index
      %swap3A_376 = tpu.vector_load %arg5[%swap3A_373, %swap3A_374, %swap3A_375] {strides = array<i32>} : memref<2x64x448xf32, #tpu.memory_space<vmem>>, vector<1x1x16xf32>,
      %swap3A_377 = vector.shape_cast %swap3A_376 : vector<1x1x16xf32> to vector<16xf32>
      %swap3A_378 = vector.shape_cast %get3A_372 : vector<16xf32> to vector<1x1x16xf32>
      tpu.vector_store %arg5[%swap3A_373, %swap3A_374, %swap3A_375], %swap3A_378 {strides = array<i32>} : memref<2x64x448xf32, #tpu.memory_space<vmem>>, vector<1x1x16xf32>,
      %get3A_379 = arith.constant 0 : i32
      %get3A_380 = arith.index_cast %get3A_379 : i32 to index
      %get3A_381 = arith.index_cast %scan3A_367 : i32 to index
      %get3A_382 = arith.constant 48 : index
      %get3A_383 = tpu.vector_load %arg4[%get3A_380, %get3A_381, %get3A_382] {strides = array<i32>} : memref<2x64x512xf32, #tpu.memory_space<vmem>>, vector<1x1x16xf32>,
      %get3A_384 = vector.shape_cast %get3A_383 : vector<1x1x16xf32> to vector<16xf32>
      %swap3A_385 = arith.constant 0 : i32
      %swap3A_386 = arith.index_cast %swap3A_385 : i32 to index
      %swap3A_387 = arith.index_cast %scan3A_367 : i32 to index
      %swap3A_388 = arith.constant 16 : index
      %swap3A_389 = tpu.vector_load %arg5[%swap3A_386, %swap3A_387, %swap3A_388] {strides = array<i32>} : memref<2x64x448xf32, #tpu.memory_space<vmem>>, vector<1x1x16xf32>,
      %swap3A_390 = vector.shape_cast %swap3A_389 : vector<1x1x16xf32> to vector<16xf32>
      %swap3A_391 = vector.shape_cast %get3A_384 : vector<16xf32> to vector<1x1x16xf32>
      tpu.vector_store %arg5[%swap3A_386, %swap3A_387, %swap3A_388], %swap3A_391 {strides = array<i32>} : memref<2x64x448xf32, #tpu.memory_space<vmem>>, vector<1x1x16xf32>,
      %get3A_392 = arith.constant 0 : i32
      %get3A_393 = arith.index_cast %get3A_392 : i32 to index
      %get3A_394 = arith.index_cast %scan3A_367 : i32 to index
      %get3A_395 = arith.constant 64 : index
      %get3A_396 = tpu.vector_load %arg4[%get3A_393, %get3A_394, %get3A_395] {strides = array<i32>} : memref<2x64x512xf32, #tpu.memory_space<vmem>>, vector<1x1x16xf32>,
      %get3A_397 = vector.shape_cast %get3A_396 : vector<1x1x16xf32> to vector<16xf32>
      %swap3A_398 = arith.constant 0 : i32
      %swap3A_399 = arith.index_cast %swap3A_398 : i32 to index
      %swap3A_400 = arith.index_cast %scan3A_367 : i32 to index
      %swap3A_401 = arith.constant 32 : index
      %swap3A_402 = tpu.vector_load %arg5[%swap3A_399, %swap3A_400, %swap3A_401] {strides = array<i32>} : memref<2x64x448xf32, #tpu.memory_space<vmem>>, vector<1x1x16xf32>,
      %swap3A_403 = vector.shape_cast %swap3A_402 : vector<1x1x16xf32> to vector<16xf32>
      %swap3A_404 = vector.shape_cast %get3A_397 : vector<16xf32> to vector<1x1x16xf32>
      tpu.vector_store %arg5[%swap3A_399, %swap3A_400, %swap3A_401], %swap3A_404 {strides = array<i32>} : memref<2x64x448xf32, #tpu.memory_space<vmem>>, vector<1x1x16xf32>,
      %get3A_405 = arith.constant 0 : i32
      %get3A_406 = arith.index_cast %get3A_405 : i32 to index
      %get3A_407 = arith.index_cast %scan3A_367 : i32 to index
      %get3A_408 = arith.constant 80 : index
      %get3A_409 = tpu.vector_load %arg4[%get3A_406, %get3A_407, %get3A_408] {strides = array<i32>} : memref<2x64x512xf32, #tpu.memory_space<vmem>>, vector<1x1x16xf32>,
      %get3A_410 = vector.shape_cast %get3A_409 : vector<1x1x16xf32> to vector<16xf32>
      %swap3A_411 = arith.constant 0 : i32
      %swap3A_412 = arith.index_cast %swap3A_411 : i32 to index
      %swap3A_413 = arith.index_cast %scan3A_367 : i32 to index
      %swap3A_414 = arith.constant 48 : index
      %swap3A_415 = tpu.vector_load %arg5[%swap3A_412, %swap3A_413, %swap3A_414] {strides = array<i32>} : memref<2x64x448xf32, #tpu.memory_space<vmem>>, vector<1x1x16xf32>,
      %swap3A_416 = vector.shape_cast %swap3A_415 : vector<1x1x16xf32> to vector<16xf32>
      %swap3A_417 = vector.shape_cast %get3A_410 : vector<16xf32> to vector<1x1x16xf32>
      tpu.vector_store %arg5[%swap3A_412, %swap3A_413, %swap3A_414], %swap3A_417 {strides = array<i32>} : memref<2x64x448xf32, #tpu.memory_space<vmem>>, vector<1x1x16xf32>,
      %get3A_418 = arith.constant 0 : i32
      %get3A_419 = arith.index_cast %get3A_418 : i32 to index
      %get3A_420 = arith.index_cast %scan3A_367 : i32 to index
      %get3A_421 = arith.constant 96 : index
      %get3A_422 = tpu.vector_load %arg4[%get3A_419, %get3A_420, %get3A_421] {strides = array<i32>} : memref<2x64x512xf32, #tpu.memory_space<vmem>>, vector<1x1x16xf32>,
      %get3A_423 = vector.shape_cast %get3A_422 : vector<1x1x16xf32> to vector<16xf32>
      %swap3A_424 = arith.constant 0 : i32
      %swap3A_425 = arith.index_cast %swap3A_424 : i32 to index
      %swap3A_426 = arith.index_cast %scan3A_367 : i32 to index
      %swap3A_427 = arith.constant 64 : index
      %swap3A_428 = tpu.vector_load %arg5[%swap3A_425, %swap3A_426, %swap3A_427] {strides = array<i32>} : memref<2x64x448xf32, #tpu.memory_space<vmem>>, vector<1x1x16xf32>,
      %swap3A_429 = vector.shape_cast %swap3A_428 : vector<1x1x16xf32> to vector<16xf32>
      %swap3A_430 = vector.shape_cast %get3A_423 : vector<16xf32> to vector<1x1x16xf32>
      tpu.vector_store %arg5[%swap3A_425, %swap3A_426, %swap3A_427], %swap3A_430 {strides = array<i32>} : memref<2x64x448xf32, #tpu.memory_space<vmem>>, vector<1x1x16xf32>,
      %get3A_431 = arith.constant 0 : i32
      %get3A_432 = arith.index_cast %get3A_431 : i32 to index
      %get3A_433 = arith.index_cast %scan3A_367 : i32 to index
      %get3A_434 = arith.constant 112 : index
      %get3A_435 = tpu.vector_load %arg4[%get3A_432, %get3A_433, %get3A_434] {strides = array<i32>} : memref<2x64x512xf32, #tpu.memory_space<vmem>>, vector<1x1x16xf32>,
      %get3A_436 = vector.shape_cast %get3A_435 : vector<1x1x16xf32> to vector<16xf32>
      %swap3A_437 = arith.constant 0 : i32
      %swap3A_438 = arith.index_cast %swap3A_437 : i32 to index
      %swap3A_439 = arith.index_cast %scan3A_367 : i32 to index
      %swap3A_440 = arith.constant 80 : index
      %swap3A_441 = tpu.vector_load %arg5[%swap3A_438, %swap3A_439, %swap3A_440] {strides = array<i32>} : memref<2x64x448xf32, #tpu.memory_space<vmem>>, vector<1x1x16xf32>,
      %swap3A_442 = vector.shape_cast %swap3A_441 : vector<1x1x16xf32> to vector<16xf32>
      %swap3A_443 = vector.shape_cast %get3A_436 : vector<16xf32> to vector<1x1x16xf32>
      tpu.vector_store %arg5[%swap3A_438, %swap3A_439, %swap3A_440], %swap3A_443 {strides = array<i32>} : memref<2x64x448xf32, #tpu.memory_space<vmem>>, vector<1x1x16xf32>,
      %get3A_444 = arith.constant 0 : i32
      %get3A_445 = arith.index_cast %get3A_444 : i32 to index
      %get3A_446 = arith.index_cast %scan3A_367 : i32 to index
      %get3A_447 = arith.constant 128 : index
      %get3A_448 = tpu.vector_load %arg4[%get3A_445, %get3A_446, %get3A_447] {strides = array<i32>} : memref<2x64x512xf32, #tpu.memory_space<vmem>>, vector<1x1x16xf32>,
      %get3A_449 = vector.shape_cast %get3A_448 : vector<1x1x16xf32> to vector<16xf32>
      %swap3A_450 = arith.constant 0 : i32
      %swap3A_451 = arith.index_cast %swap3A_450 : i32 to index
      %swap3A_452 = arith.index_cast %scan3A_367 : i32 to index
      %swap3A_453 = arith.constant 96 : index
      %swap3A_454 = tpu.vector_load %arg5[%swap3A_451, %swap3A_452, %swap3A_453] {strides = array<i32>} : memref<2x64x448xf32, #tpu.memory_space<vmem>>, vector<1x1x16xf32>,
      %swap3A_455 = vector.shape_cast %swap3A_454 : vector<1x1x16xf32> to vector<16xf32>
      %swap3A_456 = vector.shape_cast %get3A_449 : vector<16xf32> to vector<1x1x16xf32>
      tpu.vector_store %arg5[%swap3A_451, %swap3A_452, %swap3A_453], %swap3A_456 {strides = array<i32>} : memref<2x64x448xf32, #tpu.memory_space<vmem>>, vector<1x1x16xf32>,
      %get3A_457 = arith.constant 0 : i32
      %get3A_458 = arith.index_cast %get3A_457 : i32 to index
      %get3A_459 = arith.index_cast %scan3A_367 : i32 to index
      %get3A_460 = arith.constant 144 : index
      %get3A_461 = tpu.vector_load %arg4[%get3A_458, %get3A_459, %get3A_460] {strides = array<i32>} : memref<2x64x512xf32, #tpu.memory_space<vmem>>, vector<1x1x16xf32>,
      %get3A_462 = vector.shape_cast %get3A_461 : vector<1x1x16xf32> to vector<16xf32>
      %swap3A_463 = arith.constant 0 : i32
      %swap3A_464 = arith.index_cast %swap3A_463 : i32 to index
      %swap3A_465 = arith.index_cast %scan3A_367 : i32 to index
      %swap3A_466 = arith.constant 112 : index
      %swap3A_467 = tpu.vector_load %arg5[%swap3A_464, %swap3A_465, %swap3A_466] {strides = array<i32>} : memref<2x64x448xf32, #tpu.memory_space<vmem>>, vector<1x1x16xf32>,
      %swap3A_468 = vector.shape_cast %swap3A_467 : vector<1x1x16xf32> to vector<16xf32>
      %swap3A_469 = vector.shape_cast %get3A_462 : vector<16xf32> to vector<1x1x16xf32>
      tpu.vector_store %arg5[%swap3A_464, %swap3A_465, %swap3A_466], %swap3A_469 {strides = array<i32>} : memref<2x64x448xf32, #tpu.memory_space<vmem>>, vector<1x1x16xf32>,
      %get3A_470 = arith.constant 0 : i32
      %get3A_471 = arith.index_cast %get3A_470 : i32 to index
      %get3A_472 = arith.index_cast %scan3A_367 : i32 to index
      %get3A_473 = arith.constant 160 : index
      %get3A_474 = tpu.vector_load %arg4[%get3A_471, %get3A_472, %get3A_473] {strides = array<i32>} : memref<2x64x512xf32, #tpu.memory_space<vmem>>, vector<1x1x16xf32>,
      %get3A_475 = vector.shape_cast %get3A_474 : vector<1x1x16xf32> to vector<16xf32>
      %swap3A_476 = arith.constant 0 : i32
      %swap3A_477 = arith.index_cast %swap3A_476 : i32 to index
      %swap3A_478 = arith.index_cast %scan3A_367 : i32 to index
      %swap3A_479 = arith.constant 128 : index
      %swap3A_480 = tpu.vector_load %arg5[%swap3A_477, %swap3A_478, %swap3A_479] {strides = array<i32>} : memref<2x64x448xf32, #tpu.memory_space<vmem>>, vector<1x1x16xf32>,
      %swap3A_481 = vector.shape_cast %swap3A_480 : vector<1x1x16xf32> to vector<16xf32>
      %swap3A_482 = vector.shape_cast %get3A_475 : vector<16xf32> to vector<1x1x16xf32>
      tpu.vector_store %arg5[%swap3A_477, %swap3A_478, %swap3A_479], %swap3A_482 {strides = array<i32>} : memref<2x64x448xf32, #tpu.memory_space<vmem>>, vector<1x1x16xf32>,
      %get3A_483 = arith.constant 0 : i32
      %get3A_484 = arith.index_cast %get3A_483 : i32 to index
      %get3A_485 = arith.index_cast %scan3A_367 : i32 to index
      %get3A_486 = arith.constant 176 : index
      %get3A_487 = tpu.vector_load %arg4[%get3A_484, %get3A_485, %get3A_486] {strides = array<i32>} : memref<2x64x512xf32, #tpu.memory_space<vmem>>, vector<1x1x16xf32>,
      %get3A_488 = vector.shape_cast %get3A_487 : vector<1x1x16xf32> to vector<16xf32>
      %swap3A_489 = arith.constant 0 : i32
      %swap3A_490 = arith.index_cast %swap3A_489 : i32 to index
      %swap3A_491 = arith.index_cast %scan3A_367 : i32 to index
      %swap3A_492 = arith.constant 144 : index
      %swap3A_493 = tpu.vector_load %arg5[%swap3A_490, %swap3A_491, %swap3A_492] {strides = array<i32>} : memref<2x64x448xf32, #tpu.memory_space<vmem>>, vector<1x1x16xf32>,
      %swap3A_494 = vector.shape_cast %swap3A_493 : vector<1x1x16xf32> to vector<16xf32>
      %swap3A_495 = vector.shape_cast %get3A_488 : vector<16xf32> to vector<1x1x16xf32>
      tpu.vector_store %arg5[%swap3A_490, %swap3A_491, %swap3A_492], %swap3A_495 {strides = array<i32>} : memref<2x64x448xf32, #tpu.memory_space<vmem>>, vector<1x1x16xf32>,
      %get3A_496 = arith.constant 0 : i32
      %get3A_497 = arith.index_cast %get3A_496 : i32 to index
      %get3A_498 = arith.index_cast %scan3A_367 : i32 to index
      %get3A_499 = arith.constant 192 : index
      %get3A_500 = tpu.vector_load %arg4[%get3A_497, %get3A_498, %get3A_499] {strides = array<i32>} : memref<2x64x512xf32, #tpu.memory_space<vmem>>, vector<1x1x16xf32>,
      %get3A_501 = vector.shape_cast %get3A_500 : vector<1x1x16xf32> to vector<16xf32>
      %swap3A_502 = arith.constant 0 : i32
      %swap3A_503 = arith.index_cast %swap3A_502 : i32 to index
      %swap3A_504 = arith.index_cast %scan3A_367 : i32 to index
      %swap3A_505 = arith.constant 160 : index
      %swap3A_506 = tpu.vector_load %arg5[%swap3A_503, %swap3A_504, %swap3A_505] {strides = array<i32>} : memref<2x64x448xf32, #tpu.memory_space<vmem>>, vector<1x1x16xf32>,
      %swap3A_507 = vector.shape_cast %swap3A_506 : vector<1x1x16xf32> to vector<16xf32>
      %swap3A_508 = vector.shape_cast %get3A_501 : vector<16xf32> to vector<1x1x16xf32>
      tpu.vector_store %arg5[%swap3A_503, %swap3A_504, %swap3A_505], %swap3A_508 {strides = array<i32>} : memref<2x64x448xf32, #tpu.memory_space<vmem>>, vector<1x1x16xf32>,
      %get3A_509 = arith.constant 0 : i32
      %get3A_510 = arith.index_cast %get3A_509 : i32 to index
      %get3A_511 = arith.index_cast %scan3A_367 : i32 to index
      %get3A_512 = arith.constant 208 : index
      %get3A_513 = tpu.vector_load %arg4[%get3A_510, %get3A_511, %get3A_512] {strides = array<i32>} : memref<2x64x512xf32, #tpu.memory_space<vmem>>, vector<1x1x16xf32>,
      %get3A_514 = vector.shape_cast %get3A_513 : vector<1x1x16xf32> to vector<16xf32>
      %swap3A_515 = arith.constant 0 : i32
      %swap3A_516 = arith.index_cast %swap3A_515 : i32 to index
      %swap3A_517 = arith.index_cast %scan3A_367 : i32 to index
      %swap3A_518 = arith.constant 176 : index
      %swap3A_519 = tpu.vector_load %arg5[%swap3A_516, %swap3A_517, %swap3A_518] {strides = array<i32>} : memref<2x64x448xf32, #tpu.memory_space<vmem>>, vector<1x1x16xf32>,
      %swap3A_520 = vector.shape_cast %swap3A_519 : vector<1x1x16xf32> to vector<16xf32>
      %swap3A_521 = vector.shape_cast %get3A_514 : vector<16xf32> to vector<1x1x16xf32>
      tpu.vector_store %arg5[%swap3A_516, %swap3A_517, %swap3A_518], %swap3A_521 {strides = array<i32>} : memref<2x64x448xf32, #tpu.memory_space<vmem>>, vector<1x1x16xf32>,
      %get3A_522 = arith.constant 0 : i32
      %get3A_523 = arith.index_cast %get3A_522 : i32 to index
      %get3A_524 = arith.index_cast %scan3A_367 : i32 to index
      %get3A_525 = arith.constant 224 : index
      %get3A_526 = tpu.vector_load %arg4[%get3A_523, %get3A_524, %get3A_525] {strides = array<i32>} : memref<2x64x512xf32, #tpu.memory_space<vmem>>, vector<1x1x16xf32>,
      %get3A_527 = vector.shape_cast %get3A_526 : vector<1x1x16xf32> to vector<16xf32>
      %swap3A_528 = arith.constant 0 : i32
      %swap3A_529 = arith.index_cast %swap3A_528 : i32 to index
      %swap3A_530 = arith.index_cast %scan3A_367 : i32 to index
      %swap3A_531 = arith.constant 192 : index
      %swap3A_532 = tpu.vector_load %arg5[%swap3A_529, %swap3A_530, %swap3A_531] {strides = array<i32>} : memref<2x64x448xf32, #tpu.memory_space<vmem>>, vector<1x1x16xf32>,
      %swap3A_533 = vector.shape_cast %swap3A_532 : vector<1x1x16xf32> to vector<16xf32>
      %swap3A_534 = vector.shape_cast %get3A_527 : vector<16xf32> to vector<1x1x16xf32>
      tpu.vector_store %arg5[%swap3A_529, %swap3A_530, %swap3A_531], %swap3A_534 {strides = array<i32>} : memref<2x64x448xf32, #tpu.memory_space<vmem>>, vector<1x1x16xf32>,
      %get3A_535 = arith.constant 0 : i32
      %get3A_536 = arith.index_cast %get3A_535 : i32 to index
      %get3A_537 = arith.index_cast %scan3A_367 : i32 to index
      %get3A_538 = arith.constant 240 : index
      %get3A_539 = tpu.vector_load %arg4[%get3A_536, %get3A_537, %get3A_538] {strides = array<i32>} : memref<2x64x512xf32, #tpu.memory_space<vmem>>, vector<1x1x16xf32>,
      %get3A_540 = vector.shape_cast %get3A_539 : vector<1x1x16xf32> to vector<16xf32>
      %swap3A_541 = arith.constant 0 : i32
      %swap3A_542 = arith.index_cast %swap3A_541 : i32 to index
      %swap3A_543 = arith.index_cast %scan3A_367 : i32 to index
      %swap3A_544 = arith.constant 208 : index
      %swap3A_545 = tpu.vector_load %arg5[%swap3A_542, %swap3A_543, %swap3A_544] {strides = array<i32>} : memref<2x64x448xf32, #tpu.memory_space<vmem>>, vector<1x1x16xf32>,
      %swap3A_546 = vector.shape_cast %swap3A_545 : vector<1x1x16xf32> to vector<16xf32>
      %swap3A_547 = vector.shape_cast %get3A_540 : vector<16xf32> to vector<1x1x16xf32>
      tpu.vector_store %arg5[%swap3A_542, %swap3A_543, %swap3A_544], %swap3A_547 {strides = array<i32>} : memref<2x64x448xf32, #tpu.memory_space<vmem>>, vector<1x1x16xf32>,
      %get3A_548 = arith.constant 0 : i32
      %get3A_549 = arith.index_cast %get3A_548 : i32 to index
      %get3A_550 = arith.index_cast %scan3A_367 : i32 to index
      %get3A_551 = arith.constant 256 : index
      %get3A_552 = tpu.vector_load %arg4[%get3A_549, %get3A_550, %get3A_551] {strides = array<i32>} : memref<2x64x512xf32, #tpu.memory_space<vmem>>, vector<1x1x16xf32>,
      %get3A_553 = vector.shape_cast %get3A_552 : vector<1x1x16xf32> to vector<16xf32>
      %swap3A_554 = arith.constant 0 : i32
      %swap3A_555 = arith.index_cast %swap3A_554 : i32 to index
      %swap3A_556 = arith.index_cast %scan3A_367 : i32 to index
      %swap3A_557 = arith.constant 224 : index
      %swap3A_558 = tpu.vector_load %arg5[%swap3A_555, %swap3A_556, %swap3A_557] {strides = array<i32>} : memref<2x64x448xf32, #tpu.memory_space<vmem>>, vector<1x1x16xf32>,
      %swap3A_559 = vector.shape_cast %swap3A_558 : vector<1x1x16xf32> to vector<16xf32>
      %swap3A_560 = vector.shape_cast %get3A_553 : vector<16xf32> to vector<1x1x16xf32>
      tpu.vector_store %arg5[%swap3A_555, %swap3A_556, %swap3A_557], %swap3A_560 {strides = array<i32>} : memref<2x64x448xf32, #tpu.memory_space<vmem>>, vector<1x1x16xf32>,
      %get3A_561 = arith.constant 0 : i32
      %get3A_562 = arith.index_cast %get3A_561 : i32 to index
      %get3A_563 = arith.index_cast %scan3A_367 : i32 to index
      %get3A_564 = arith.constant 272 : index
      %get3A_565 = tpu.vector_load %arg4[%get3A_562, %get3A_563, %get3A_564] {strides = array<i32>} : memref<2x64x512xf32, #tpu.memory_space<vmem>>, vector<1x1x16xf32>,
      %get3A_566 = vector.shape_cast %get3A_565 : vector<1x1x16xf32> to vector<16xf32>
      %swap3A_567 = arith.constant 0 : i32
      %swap3A_568 = arith.index_cast %swap3A_567 : i32 to index
      %swap3A_569 = arith.index_cast %scan3A_367 : i32 to index
      %swap3A_570 = arith.constant 240 : index
      %swap3A_571 = tpu.vector_load %arg5[%swap3A_568, %swap3A_569, %swap3A_570] {strides = array<i32>} : memref<2x64x448xf32, #tpu.memory_space<vmem>>, vector<1x1x16xf32>,
      %swap3A_572 = vector.shape_cast %swap3A_571 : vector<1x1x16xf32> to vector<16xf32>
      %swap3A_573 = vector.shape_cast %get3A_566 : vector<16xf32> to vector<1x1x16xf32>
      tpu.vector_store %arg5[%swap3A_568, %swap3A_569, %swap3A_570], %swap3A_573 {strides = array<i32>} : memref<2x64x448xf32, #tpu.memory_space<vmem>>, vector<1x1x16xf32>,
      %get3A_574 = arith.constant 0 : i32
      %get3A_575 = arith.index_cast %get3A_574 : i32 to index
      %get3A_576 = arith.index_cast %scan3A_367 : i32 to index
      %get3A_577 = arith.constant 288 : index
      %get3A_578 = tpu.vector_load %arg4[%get3A_575, %get3A_576, %get3A_577] {strides = array<i32>} : memref<2x64x512xf32, #tpu.memory_space<vmem>>, vector<1x1x16xf32>,
      %get3A_579 = vector.shape_cast %get3A_578 : vector<1x1x16xf32> to vector<16xf32>
      %swap3A_580 = arith.constant 0 : i32
      %swap3A_581 = arith.index_cast %swap3A_580 : i32 to index
      %swap3A_582 = arith.index_cast %scan3A_367 : i32 to index
      %swap3A_583 = arith.constant 256 : index
      %swap3A_584 = tpu.vector_load %arg5[%swap3A_581, %swap3A_582, %swap3A_583] {strides = array<i32>} : memref<2x64x448xf32, #tpu.memory_space<vmem>>, vector<1x1x16xf32>,
      %swap3A_585 = vector.shape_cast %swap3A_584 : vector<1x1x16xf32> to vector<16xf32>
      %swap3A_586 = vector.shape_cast %get3A_579 : vector<16xf32> to vector<1x1x16xf32>
      tpu.vector_store %arg5[%swap3A_581, %swap3A_582, %swap3A_583], %swap3A_586 {strides = array<i32>} : memref<2x64x448xf32, #tpu.memory_space<vmem>>, vector<1x1x16xf32>,
      %get3A_587 = arith.constant 0 : i32
      %get3A_588 = arith.index_cast %get3A_587 : i32 to index
      %get3A_589 = arith.index_cast %scan3A_367 : i32 to index
      %get3A_590 = arith.constant 304 : index
      %get3A_591 = tpu.vector_load %arg4[%get3A_588, %get3A_589, %get3A_590] {strides = array<i32>} : memref<2x64x512xf32, #tpu.memory_space<vmem>>, vector<1x1x16xf32>,
      %get3A_592 = vector.shape_cast %get3A_591 : vector<1x1x16xf32> to vector<16xf32>
      %swap3A_593 = arith.constant 0 : i32
      %swap3A_594 = arith.index_cast %swap3A_593 : i32 to index
      %swap3A_595 = arith.index_cast %scan3A_367 : i32 to index
      %swap3A_596 = arith.constant 272 : index
      %swap3A_597 = tpu.vector_load %arg5[%swap3A_594, %swap3A_595, %swap3A_596] {strides = array<i32>} : memref<2x64x448xf32, #tpu.memory_space<vmem>>, vector<1x1x16xf32>,
      %swap3A_598 = vector.shape_cast %swap3A_597 : vector<1x1x16xf32> to vector<16xf32>
      %swap3A_599 = vector.shape_cast %get3A_592 : vector<16xf32> to vector<1x1x16xf32>
      tpu.vector_store %arg5[%swap3A_594, %swap3A_595, %swap3A_596], %swap3A_599 {strides = array<i32>} : memref<2x64x448xf32, #tpu.memory_space<vmem>>, vector<1x1x16xf32>,
      %get3A_600 = arith.constant 0 : i32
      %get3A_601 = arith.index_cast %get3A_600 : i32 to index
      %get3A_602 = arith.index_cast %scan3A_367 : i32 to index
      %get3A_603 = arith.constant 320 : index
      %get3A_604 = tpu.vector_load %arg4[%get3A_601, %get3A_602, %get3A_603] {strides = array<i32>} : memref<2x64x512xf32, #tpu.memory_space<vmem>>, vector<1x1x16xf32>,
      %get3A_605 = vector.shape_cast %get3A_604 : vector<1x1x16xf32> to vector<16xf32>
      %swap3A_606 = arith.constant 0 : i32
      %swap3A_607 = arith.index_cast %swap3A_606 : i32 to index
      %swap3A_608 = arith.index_cast %scan3A_367 : i32 to index
      %swap3A_609 = arith.constant 288 : index
      %swap3A_610 = tpu.vector_load %arg5[%swap3A_607, %swap3A_608, %swap3A_609] {strides = array<i32>} : memref<2x64x448xf32, #tpu.memory_space<vmem>>, vector<1x1x16xf32>,
      %swap3A_611 = vector.shape_cast %swap3A_610 : vector<1x1x16xf32> to vector<16xf32>
      %swap3A_612 = vector.shape_cast %get3A_605 : vector<16xf32> to vector<1x1x16xf32>
      tpu.vector_store %arg5[%swap3A_607, %swap3A_608, %swap3A_609], %swap3A_612 {strides = array<i32>} : memref<2x64x448xf32, #tpu.memory_space<vmem>>, vector<1x1x16xf32>,
      %get3A_613 = arith.constant 0 : i32
      %get3A_614 = arith.index_cast %get3A_613 : i32 to index
      %get3A_615 = arith.index_cast %scan3A_367 : i32 to index
      %get3A_616 = arith.constant 336 : index
      %get3A_617 = tpu.vector_load %arg4[%get3A_614, %get3A_615, %get3A_616] {strides = array<i32>} : memref<2x64x512xf32, #tpu.memory_space<vmem>>, vector<1x1x16xf32>,
      %get3A_618 = vector.shape_cast %get3A_617 : vector<1x1x16xf32> to vector<16xf32>
      %swap3A_619 = arith.constant 0 : i32
      %swap3A_620 = arith.index_cast %swap3A_619 : i32 to index
      %swap3A_621 = arith.index_cast %scan3A_367 : i32 to index
      %swap3A_622 = arith.constant 304 : index
      %swap3A_623 = tpu.vector_load %arg5[%swap3A_620, %swap3A_621, %swap3A_622] {strides = array<i32>} : memref<2x64x448xf32, #tpu.memory_space<vmem>>, vector<1x1x16xf32>,
      %swap3A_624 = vector.shape_cast %swap3A_623 : vector<1x1x16xf32> to vector<16xf32>
      %swap3A_625 = vector.shape_cast %get3A_618 : vector<16xf32> to vector<1x1x16xf32>
      tpu.vector_store %arg5[%swap3A_620, %swap3A_621, %swap3A_622], %swap3A_625 {strides = array<i32>} : memref<2x64x448xf32, #tpu.memory_space<vmem>>, vector<1x1x16xf32>,
      %get3A_626 = arith.constant 0 : i32
      %get3A_627 = arith.index_cast %get3A_626 : i32 to index
      %get3A_628 = arith.index_cast %scan3A_367 : i32 to index
      %get3A_629 = arith.constant 352 : index
      %get3A_630 = tpu.vector_load %arg4[%get3A_627, %get3A_628, %get3A_629] {strides = array<i32>} : memref<2x64x512xf32, #tpu.memory_space<vmem>>, vector<1x1x16xf32>,
      %get3A_631 = vector.shape_cast %get3A_630 : vector<1x1x16xf32> to vector<16xf32>
      %swap3A_632 = arith.constant 0 : i32
      %swap3A_633 = arith.index_cast %swap3A_632 : i32 to index
      %swap3A_634 = arith.index_cast %scan3A_367 : i32 to index
      %swap3A_635 = arith.constant 320 : index
      %swap3A_636 = tpu.vector_load %arg5[%swap3A_633, %swap3A_634, %swap3A_635] {strides = array<i32>} : memref<2x64x448xf32, #tpu.memory_space<vmem>>, vector<1x1x16xf32>,
      %swap3A_637 = vector.shape_cast %swap3A_636 : vector<1x1x16xf32> to vector<16xf32>
      %swap3A_638 = vector.shape_cast %get3A_631 : vector<16xf32> to vector<1x1x16xf32>
      tpu.vector_store %arg5[%swap3A_633, %swap3A_634, %swap3A_635], %swap3A_638 {strides = array<i32>} : memref<2x64x448xf32, #tpu.memory_space<vmem>>, vector<1x1x16xf32>,
      %get3A_639 = arith.constant 0 : i32
      %get3A_640 = arith.index_cast %get3A_639 : i32 to index
      %get3A_641 = arith.index_cast %scan3A_367 : i32 to index
      %get3A_642 = arith.constant 368 : index
      %get3A_643 = tpu.vector_load %arg4[%get3A_640, %get3A_641, %get3A_642] {strides = array<i32>} : memref<2x64x512xf32, #tpu.memory_space<vmem>>, vector<1x1x16xf32>,
      %get3A_644 = vector.shape_cast %get3A_643 : vector<1x1x16xf32> to vector<16xf32>
      %swap3A_645 = arith.constant 0 : i32
      %swap3A_646 = arith.index_cast %swap3A_645 : i32 to index
      %swap3A_647 = arith.index_cast %scan3A_367 : i32 to index
      %swap3A_648 = arith.constant 336 : index
      %swap3A_649 = tpu.vector_load %arg5[%swap3A_646, %swap3A_647, %swap3A_648] {strides = array<i32>} : memref<2x64x448xf32, #tpu.memory_space<vmem>>, vector<1x1x16xf32>,
      %swap3A_650 = vector.shape_cast %swap3A_649 : vector<1x1x16xf32> to vector<16xf32>
      %swap3A_651 = vector.shape_cast %get3A_644 : vector<16xf32> to vector<1x1x16xf32>
      tpu.vector_store %arg5[%swap3A_646, %swap3A_647, %swap3A_648], %swap3A_651 {strides = array<i32>} : memref<2x64x448xf32, #tpu.memory_space<vmem>>, vector<1x1x16xf32>,
      %get3A_652 = arith.constant 0 : i32
      %get3A_653 = arith.index_cast %get3A_652 : i32 to index
      %get3A_654 = arith.index_cast %scan3A_367 : i32 to index
      %get3A_655 = arith.constant 384 : index
      %get3A_656 = tpu.vector_load %arg4[%get3A_653, %get3A_654, %get3A_655] {strides = array<i32>} : memref<2x64x512xf32, #tpu.memory_space<vmem>>, vector<1x1x16xf32>,
      %get3A_657 = vector.shape_cast %get3A_656 : vector<1x1x16xf32> to vector<16xf32>
      %swap3A_658 = arith.constant 0 : i32
      %swap3A_659 = arith.index_cast %swap3A_658 : i32 to index
      %swap3A_660 = arith.index_cast %scan3A_367 : i32 to index
      %swap3A_661 = arith.constant 352 : index
      %swap3A_662 = tpu.vector_load %arg5[%swap3A_659, %swap3A_660, %swap3A_661] {strides = array<i32>} : memref<2x64x448xf32, #tpu.memory_space<vmem>>, vector<1x1x16xf32>,
      %swap3A_663 = vector.shape_cast %swap3A_662 : vector<1x1x16xf32> to vector<16xf32>
      %swap3A_664 = vector.shape_cast %get3A_657 : vector<16xf32> to vector<1x1x16xf32>
      tpu.vector_store %arg5[%swap3A_659, %swap3A_660, %swap3A_661], %swap3A_664 {strides = array<i32>} : memref<2x64x448xf32, #tpu.memory_space<vmem>>, vector<1x1x16xf32>,
      %get3A_665 = arith.constant 0 : i32
      %get3A_666 = arith.index_cast %get3A_665 : i32 to index
      %get3A_667 = arith.index_cast %scan3A_367 : i32 to index
      %get3A_668 = arith.constant 400 : index
      %get3A_669 = tpu.vector_load %arg4[%get3A_666, %get3A_667, %get3A_668] {strides = array<i32>} : memref<2x64x512xf32, #tpu.memory_space<vmem>>, vector<1x1x16xf32>,
      %get3A_670 = vector.shape_cast %get3A_669 : vector<1x1x16xf32> to vector<16xf32>
      %swap3A_671 = arith.constant 0 : i32
      %swap3A_672 = arith.index_cast %swap3A_671 : i32 to index
      %swap3A_673 = arith.index_cast %scan3A_367 : i32 to index
      %swap3A_674 = arith.constant 368 : index
      %swap3A_675 = tpu.vector_load %arg5[%swap3A_672, %swap3A_673, %swap3A_674] {strides = array<i32>} : memref<2x64x448xf32, #tpu.memory_space<vmem>>, vector<1x1x16xf32>,
      %swap3A_676 = vector.shape_cast %swap3A_675 : vector<1x1x16xf32> to vector<16xf32>
      %swap3A_677 = vector.shape_cast %get3A_670 : vector<16xf32> to vector<1x1x16xf32>
      tpu.vector_store %arg5[%swap3A_672, %swap3A_673, %swap3A_674], %swap3A_677 {strides = array<i32>} : memref<2x64x448xf32, #tpu.memory_space<vmem>>, vector<1x1x16xf32>,
      %get3A_678 = arith.constant 0 : i32
      %get3A_679 = arith.index_cast %get3A_678 : i32 to index
      %get3A_680 = arith.index_cast %scan3A_367 : i32 to index
      %get3A_681 = arith.constant 416 : index
      %get3A_682 = tpu.vector_load %arg4[%get3A_679, %get3A_680, %get3A_681] {strides = array<i32>} : memref<2x64x512xf32, #tpu.memory_space<vmem>>, vector<1x1x16xf32>,
      %get3A_683 = vector.shape_cast %get3A_682 : vector<1x1x16xf32> to vector<16xf32>
      %swap3A_684 = arith.constant 0 : i32
      %swap3A_685 = arith.index_cast %swap3A_684 : i32 to index
      %swap3A_686 = arith.index_cast %scan3A_367 : i32 to index
      %swap3A_687 = arith.constant 384 : index
      %swap3A_688 = tpu.vector_load %arg5[%swap3A_685, %swap3A_686, %swap3A_687] {strides = array<i32>} : memref<2x64x448xf32, #tpu.memory_space<vmem>>, vector<1x1x16xf32>,
      %swap3A_689 = vector.shape_cast %swap3A_688 : vector<1x1x16xf32> to vector<16xf32>
      %swap3A_690 = vector.shape_cast %get3A_683 : vector<16xf32> to vector<1x1x16xf32>
      tpu.vector_store %arg5[%swap3A_685, %swap3A_686, %swap3A_687], %swap3A_690 {strides = array<i32>} : memref<2x64x448xf32, #tpu.memory_space<vmem>>, vector<1x1x16xf32>,
      %get3A_691 = arith.constant 0 : i32
      %get3A_692 = arith.index_cast %get3A_691 : i32 to index
      %get3A_693 = arith.index_cast %scan3A_367 : i32 to index
      %get3A_694 = arith.constant 432 : index
      %get3A_695 = tpu.vector_load %arg4[%get3A_692, %get3A_693, %get3A_694] {strides = array<i32>} : memref<2x64x512xf32, #tpu.memory_space<vmem>>, vector<1x1x16xf32>,
      %get3A_696 = vector.shape_cast %get3A_695 : vector<1x1x16xf32> to vector<16xf32>
      %swap3A_697 = arith.constant 0 : i32
      %swap3A_698 = arith.index_cast %swap3A_697 : i32 to index
      %swap3A_699 = arith.index_cast %scan3A_367 : i32 to index
      %swap3A_700 = arith.constant 400 : index
      %swap3A_701 = tpu.vector_load %arg5[%swap3A_698, %swap3A_699, %swap3A_700] {strides = array<i32>} : memref<2x64x448xf32, #tpu.memory_space<vmem>>, vector<1x1x16xf32>,
      %swap3A_702 = vector.shape_cast %swap3A_701 : vector<1x1x16xf32> to vector<16xf32>
      %swap3A_703 = vector.shape_cast %get3A_696 : vector<16xf32> to vector<1x1x16xf32>
      tpu.vector_store %arg5[%swap3A_698, %swap3A_699, %swap3A_700], %swap3A_703 {strides = array<i32>} : memref<2x64x448xf32, #tpu.memory_space<vmem>>, vector<1x1x16xf32>,
      %get3A_704 = arith.constant 0 : i32
      %get3A_705 = arith.index_cast %get3A_704 : i32 to index
      %get3A_706 = arith.index_cast %scan3A_367 : i32 to index
      %get3A_707 = arith.constant 448 : index
      %get3A_708 = tpu.vector_load %arg4[%get3A_705, %get3A_706, %get3A_707] {strides = array<i32>} : memref<2x64x512xf32, #tpu.memory_space<vmem>>, vector<1x1x16xf32>,
      %get3A_709 = vector.shape_cast %get3A_708 : vector<1x1x16xf32> to vector<16xf32>
      %swap3A_710 = arith.constant 0 : i32
      %swap3A_711 = arith.index_cast %swap3A_710 : i32 to index
      %swap3A_712 = arith.index_cast %scan3A_367 : i32 to index
      %swap3A_713 = arith.constant 416 : index
      %swap3A_714 = tpu.vector_load %arg5[%swap3A_711, %swap3A_712, %swap3A_713] {strides = array<i32>} : memref<2x64x448xf32, #tpu.memory_space<vmem>>, vector<1x1x16xf32>,
      %swap3A_715 = vector.shape_cast %swap3A_714 : vector<1x1x16xf32> to vector<16xf32>
      %swap3A_716 = vector.shape_cast %get3A_709 : vector<16xf32> to vector<1x1x16xf32>
      tpu.vector_store %arg5[%swap3A_711, %swap3A_712, %swap3A_713], %swap3A_716 {strides = array<i32>} : memref<2x64x448xf32, #tpu.memory_space<vmem>>, vector<1x1x16xf32>,
      %get3A_717 = arith.constant 0 : i32
      %get3A_718 = arith.index_cast %get3A_717 : i32 to index
      %get3A_719 = arith.index_cast %scan3A_367 : i32 to index
      %get3A_720 = arith.constant 464 : index
      %get3A_721 = tpu.vector_load %arg4[%get3A_718, %get3A_719, %get3A_720] {strides = array<i32>} : memref<2x64x512xf32, #tpu.memory_space<vmem>>, vector<1x1x16xf32>,
      %get3A_722 = vector.shape_cast %get3A_721 : vector<1x1x16xf32> to vector<16xf32>
      %swap3A_723 = arith.constant 0 : i32
      %swap3A_724 = arith.index_cast %swap3A_723 : i32 to index
      %swap3A_725 = arith.index_cast %scan3A_367 : i32 to index
      %swap3A_726 = arith.constant 432 : index
      %swap3A_727 = tpu.vector_load %arg5[%swap3A_724, %swap3A_725, %swap3A_726] {strides = array<i32>} : memref<2x64x448xf32, #tpu.memory_space<vmem>>, vector<1x1x16xf32>,
      %swap3A_728 = vector.shape_cast %swap3A_727 : vector<1x1x16xf32> to vector<16xf32>
      %swap3A_729 = vector.shape_cast %get3A_722 : vector<16xf32> to vector<1x1x16xf32>
      tpu.vector_store %arg5[%swap3A_724, %swap3A_725, %swap3A_726], %swap3A_729 {strides = array<i32>} : memref<2x64x448xf32, #tpu.memory_space<vmem>>, vector<1x1x16xf32>,
    }
    %scan3A_76 = arith.constant 64 : i32
    %mul3A_77 = arith.constant 64 : i32
    %mul3A_78 = arith.muli %rem3A_53, %mul3A_77 : i32
    %dma_start3A_79 = arith.constant 0 : i32
    %dma_start3A_80 = arith.constant 0 : i32
    %dma_start3A_81 = arith.constant 0 : i32
    %dma_start3A_82 = tpu.memref_slice %arg5[%dma_start3A_79, %dma_start3A_80, %dma_start3A_81] : memref<2x64x448xf32, #tpu.memory_space<vmem>> -> memref<1x64x448xf32, #tpu.memory_space<vmem>>
    %dma_start3A_83 = tpu.memref_squeeze %dma_start3A_82 : memref<1x64x448xf32, #tpu.memory_space<vmem>> -> memref<64x448xf32, #tpu.memory_space<vmem>>
    %dma_start3A_84 = arith.constant 0 : i32
    %dma_start3A_85 = tpu.memref_slice %arg3[%add3A_50, %mul3A_78, %dma_start3A_84] : memref<192x448x448xf32, #tpu.memory_space<hbm>> -> memref<1x64x448xf32, #tpu.memory_space<hbm>>
    %dma_start3A_86 = tpu.memref_squeeze %dma_start3A_85 : memref<1x64x448xf32, #tpu.memory_space<hbm>> -> memref<64x448xf32, #tpu.memory_space<hbm>>
    %dma_start3A_87 = arith.constant 0 : i32
    %dma_start3A_88 = tpu.memref_slice %arg3[%add3A_50, %mul3A_78, %dma_start3A_87] : memref<192x448x448xf32, #tpu.memory_space<hbm>> -> memref<1x64x448xf32, #tpu.memory_space<hbm>>
    %dma_start3A_89 = tpu.memref_squeeze %dma_start3A_88 : memref<1x64x448xf32, #tpu.memory_space<hbm>> -> memref<64x448xf32, #tpu.memory_space<hbm>>
    %dma_start3A_90 = arith.constant 0 : i32
    %dma_start3A_91 = arith.constant 0 : i32
    %dma_start3A_92 = tpu.memref_slice %arg5[%dma_start3A_79, %dma_start3A_90, %dma_start3A_91] : memref<2x64x448xf32, #tpu.memory_space<vmem>> -> memref<1x64x448xf32, #tpu.memory_space<vmem>>
    %dma_start3A_93 = tpu.memref_squeeze %dma_start3A_92 : memref<1x64x448xf32, #tpu.memory_space<vmem>> -> memref<64x448xf32, #tpu.memory_space<vmem>>
    tpu.enqueue_dma source(%dma_start3A_93 : memref<64x448xf32, #tpu.memory_space<vmem>>) target(%dma_start3A_89 : memref<64x448xf32, #tpu.memory_space<hbm>>) target_semaphore(%arg8 : memref<!tpu.dma_semaphore, #tpu.memory_space<semaphore_mem>>)
    %add3A_94 = arith.constant 0 : i32
    %add3A_95 = arith.addi %mul3A_2, %add3A_94 : i32
    %rem3A_96 = arith.constant 2 : i32
    %rem3A_97 = arith.constant 7 : i32
    %rem3A_98 = arith.remsi %rem3A_96, %rem3A_97 : i32
    %mul3A_99 = arith.constant 64 : i32
    %mul3A_100 = arith.muli %rem3A_98, %mul3A_99 : i32
    %add3A_101 = arith.constant 32 : i32
    %add3A_102 = arith.addi %add3A_101, %mul3A_100 : i32
    %dma_start3A_103 = arith.constant 0 : i32
    %dma_start3A_104 = arith.constant 0 : i32
    %dma_start3A_105 = arith.constant 0 : i32
    %dma_start3A_106 = tpu.memref_slice %arg4[%dma_start3A_103, %dma_start3A_104, %dma_start3A_105] : memref<2x64x512xf32, #tpu.memory_space<vmem>> -> memref<1x64x512xf32, #tpu.memory_space<vmem>>
    %dma_start3A_107 = tpu.memref_squeeze %dma_start3A_106 : memref<1x64x512xf32, #tpu.memory_space<vmem>> -> memref<64x512xf32, #tpu.memory_space<vmem>>
    %dma_start3A_108 = arith.constant 0 : i32
    %dma_start3A_109 = tpu.memref_slice %arg2[%add3A_95, %add3A_102, %dma_start3A_108] : memref<192x512x512xf32, #tpu.memory_space<hbm>> -> memref<1x64x512xf32, #tpu.memory_space<hbm>>
    %dma_start3A_110 = tpu.memref_squeeze %dma_start3A_109 : memref<1x64x512xf32, #tpu.memory_space<hbm>> -> memref<64x512xf32, #tpu.memory_space<hbm>>
    %dma_start3A_111 = arith.constant 0 : i32
    %dma_start3A_112 = arith.constant 0 : i32
    %dma_start3A_113 = tpu.memref_slice %arg4[%dma_start3A_103, %dma_start3A_111, %dma_start3A_112] : memref<2x64x512xf32, #tpu.memory_space<vmem>> -> memref<1x64x512xf32, #tpu.memory_space<vmem>>
    %dma_start3A_114 = tpu.memref_squeeze %dma_start3A_113 : memref<1x64x512xf32, #tpu.memory_space<vmem>> -> memref<64x512xf32, #tpu.memory_space<vmem>>
    %dma_start3A_115 = arith.constant 0 : i32
    %dma_start3A_116 = tpu.memref_slice %arg2[%add3A_95, %add3A_102, %dma_start3A_115] : memref<192x512x512xf32, #tpu.memory_space<hbm>> -> memref<1x64x512xf32, #tpu.memory_space<hbm>>
    %dma_start3A_117 = tpu.memref_squeeze %dma_start3A_116 : memref<1x64x512xf32, #tpu.memory_space<hbm>> -> memref<64x512xf32, #tpu.memory_space<hbm>>
    tpu.enqueue_dma source(%dma_start3A_117 : memref<64x512xf32, #tpu.memory_space<hbm>>) target(%dma_start3A_114 : memref<64x512xf32, #tpu.memory_space<vmem>>) target_semaphore(%arg6 : memref<!tpu.dma_semaphore, #tpu.memory_space<semaphore_mem>>)
    %add3A_118 = arith.constant 0 : i32
    %add3A_119 = arith.addi %mul3A_2, %add3A_118 : i32
    %rem3A_120 = arith.constant 1 : i32
    %rem3A_121 = arith.constant 7 : i32
    %rem3A_122 = arith.remsi %rem3A_120, %rem3A_121 : i32
    %mul3A_123 = arith.constant 64 : i32
    %mul3A_124 = arith.muli %rem3A_122, %mul3A_123 : i32
    %add3A_125 = arith.constant 32 : i32
    %add3A_126 = arith.addi %add3A_125, %mul3A_124 : i32
    %dma_wait3A_127 = arith.constant 1 : i32
    %dma_wait3A_128 = arith.constant 0 : i32
    %dma_wait3A_129 = arith.constant 0 : i32
    %dma_wait3A_130 = tpu.memref_slice %arg4[%dma_wait3A_127, %dma_wait3A_128, %dma_wait3A_129] : memref<2x64x512xf32, #tpu.memory_space<vmem>> -> memref<1x64x512xf32, #tpu.memory_space<vmem>>
    %dma_wait3A_131 = tpu.memref_squeeze %dma_wait3A_130 : memref<1x64x512xf32, #tpu.memory_space<vmem>> -> memref<64x512xf32, #tpu.memory_space<vmem>>
    %dma_wait3A_132 = arith.constant 0 : i32
    %dma_wait3A_133 = tpu.memref_slice %arg2[%add3A_119, %add3A_126, %dma_wait3A_132] : memref<192x512x512xf32, #tpu.memory_space<hbm>> -> memref<1x64x512xf32, #tpu.memory_space<hbm>>
    %dma_wait3A_134 = tpu.memref_squeeze %dma_wait3A_133 : memref<1x64x512xf32, #tpu.memory_space<hbm>> -> memref<64x512xf32, #tpu.memory_space<hbm>>
    %dma_wait3A_135 = arith.constant 0 : i32
    %dma_wait3A_136 = arith.constant 0 : i32
    %dma_wait3A_137 = tpu.memref_slice %arg4[%dma_wait3A_127, %dma_wait3A_135, %dma_wait3A_136] : memref<2x64x512xf32, #tpu.memory_space<vmem>> -> memref<1x64x512xf32, #tpu.memory_space<vmem>>
    %dma_wait3A_138 = tpu.memref_squeeze %dma_wait3A_137 : memref<1x64x512xf32, #tpu.memory_space<vmem>> -> memref<64x512xf32, #tpu.memory_space<vmem>>
    %dma_wait3A_139 = arith.constant 0 : i32
    %dma_wait3A_140 = tpu.memref_slice %arg2[%add3A_119, %add3A_126, %dma_wait3A_139] : memref<192x512x512xf32, #tpu.memory_space<hbm>> -> memref<1x64x512xf32, #tpu.memory_space<hbm>>
    %dma_wait3A_141 = tpu.memref_squeeze %dma_wait3A_140 : memref<1x64x512xf32, #tpu.memory_space<hbm>> -> memref<64x512xf32, #tpu.memory_space<hbm>>
    tpu.wait_dma2 semaphore(%arg7 : memref<!tpu.dma_semaphore, #tpu.memory_space<semaphore_mem>>) src(%dma_wait3A_141 : memref<64x512xf32, #tpu.memory_space<hbm>>) dst(%dma_wait3A_138 : memref<64x512xf32, #tpu.memory_space<vmem>>)
    %scan3A_142 = arith.constant 0 : i32
    %scan3A_143 = arith.constant 0 : i32
    %scan3A_144 = arith.constant 64 : i32
    %scan3A_145 = arith.addi %scan3A_143, %scan3A_144 : i32
    %scan3A_146 = arith.constant 1 : i32
    scf.for %scan3A_367 = %scan3A_143 to %scan3A_145 step %scan3A_146  : i32 {
      %get3A = arith.constant 1 : i32
      %get3A_368 = arith.index_cast %get3A : i32 to index
      %get3A_369 = arith.index_cast %scan3A_367 : i32 to index
      %get3A_370 = arith.constant 32 : index
      %get3A_371 = tpu.vector_load %arg4[%get3A_368, %get3A_369, %get3A_370] {strides = array<i32>} : memref<2x64x512xf32, #tpu.memory_space<vmem>>, vector<1x1x16xf32>,
      %get3A_372 = vector.shape_cast %get3A_371 : vector<1x1x16xf32> to vector<16xf32>
      %swap3A = arith.constant 1 : i32
      %swap3A_373 = arith.index_cast %swap3A : i32 to index
      %swap3A_374 = arith.index_cast %scan3A_367 : i32 to index
      %swap3A_375 = arith.constant 0 : index
      %swap3A_376 = tpu.vector_load %arg5[%swap3A_373, %swap3A_374, %swap3A_375] {strides = array<i32>} : memref<2x64x448xf32, #tpu.memory_space<vmem>>, vector<1x1x16xf32>,
      %swap3A_377 = vector.shape_cast %swap3A_376 : vector<1x1x16xf32> to vector<16xf32>
      %swap3A_378 = vector.shape_cast %get3A_372 : vector<16xf32> to vector<1x1x16xf32>
      tpu.vector_store %arg5[%swap3A_373, %swap3A_374, %swap3A_375], %swap3A_378 {strides = array<i32>} : memref<2x64x448xf32, #tpu.memory_space<vmem>>, vector<1x1x16xf32>,
      %get3A_379 = arith.constant 1 : i32
      %get3A_380 = arith.index_cast %get3A_379 : i32 to index
      %get3A_381 = arith.index_cast %scan3A_367 : i32 to index
      %get3A_382 = arith.constant 48 : index
      %get3A_383 = tpu.vector_load %arg4[%get3A_380, %get3A_381, %get3A_382] {strides = array<i32>} : memref<2x64x512xf32, #tpu.memory_space<vmem>>, vector<1x1x16xf32>,
      %get3A_384 = vector.shape_cast %get3A_383 : vector<1x1x16xf32> to vector<16xf32>
      %swap3A_385 = arith.constant 1 : i32
      %swap3A_386 = arith.index_cast %swap3A_385 : i32 to index
      %swap3A_387 = arith.index_cast %scan3A_367 : i32 to index
      %swap3A_388 = arith.constant 16 : index
      %swap3A_389 = tpu.vector_load %arg5[%swap3A_386, %swap3A_387, %swap3A_388] {strides = array<i32>} : memref<2x64x448xf32, #tpu.memory_space<vmem>>, vector<1x1x16xf32>,
      %swap3A_390 = vector.shape_cast %swap3A_389 : vector<1x1x16xf32> to vector<16xf32>
      %swap3A_391 = vector.shape_cast %get3A_384 : vector<16xf32> to vector<1x1x16xf32>
      tpu.vector_store %arg5[%swap3A_386, %swap3A_387, %swap3A_388], %swap3A_391 {strides = array<i32>} : memref<2x64x448xf32, #tpu.memory_space<vmem>>, vector<1x1x16xf32>,
      %get3A_392 = arith.constant 1 : i32
      %get3A_393 = arith.index_cast %get3A_392 : i32 to index
      %get3A_394 = arith.index_cast %scan3A_367 : i32 to index
      %get3A_395 = arith.constant 64 : index
      %get3A_396 = tpu.vector_load %arg4[%get3A_393, %get3A_394, %get3A_395] {strides = array<i32>} : memref<2x64x512xf32, #tpu.memory_space<vmem>>, vector<1x1x16xf32>,
      %get3A_397 = vector.shape_cast %get3A_396 : vector<1x1x16xf32> to vector<16xf32>
      %swap3A_398 = arith.constant 1 : i32
      %swap3A_399 = arith.index_cast %swap3A_398 : i32 to index
      %swap3A_400 = arith.index_cast %scan3A_367 : i32 to index
      %swap3A_401 = arith.constant 32 : index
      %swap3A_402 = tpu.vector_load %arg5[%swap3A_399, %swap3A_400, %swap3A_401] {strides = array<i32>} : memref<2x64x448xf32, #tpu.memory_space<vmem>>, vector<1x1x16xf32>,
      %swap3A_403 = vector.shape_cast %swap3A_402 : vector<1x1x16xf32> to vector<16xf32>
      %swap3A_404 = vector.shape_cast %get3A_397 : vector<16xf32> to vector<1x1x16xf32>
      tpu.vector_store %arg5[%swap3A_399, %swap3A_400, %swap3A_401], %swap3A_404 {strides = array<i32>} : memref<2x64x448xf32, #tpu.memory_space<vmem>>, vector<1x1x16xf32>,
      %get3A_405 = arith.constant 1 : i32
      %get3A_406 = arith.index_cast %get3A_405 : i32 to index
      %get3A_407 = arith.index_cast %scan3A_367 : i32 to index
      %get3A_408 = arith.constant 80 : index
      %get3A_409 = tpu.vector_load %arg4[%get3A_406, %get3A_407, %get3A_408] {strides = array<i32>} : memref<2x64x512xf32, #tpu.memory_space<vmem>>, vector<1x1x16xf32>,
      %get3A_410 = vector.shape_cast %get3A_409 : vector<1x1x16xf32> to vector<16xf32>
      %swap3A_411 = arith.constant 1 : i32
      %swap3A_412 = arith.index_cast %swap3A_411 : i32 to index
      %swap3A_413 = arith.index_cast %scan3A_367 : i32 to index
      %swap3A_414 = arith.constant 48 : index
      %swap3A_415 = tpu.vector_load %arg5[%swap3A_412, %swap3A_413, %swap3A_414] {strides = array<i32>} : memref<2x64x448xf32, #tpu.memory_space<vmem>>, vector<1x1x16xf32>,
      %swap3A_416 = vector.shape_cast %swap3A_415 : vector<1x1x16xf32> to vector<16xf32>
      %swap3A_417 = vector.shape_cast %get3A_410 : vector<16xf32> to vector<1x1x16xf32>
      tpu.vector_store %arg5[%swap3A_412, %swap3A_413, %swap3A_414], %swap3A_417 {strides = array<i32>} : memref<2x64x448xf32, #tpu.memory_space<vmem>>, vector<1x1x16xf32>,
      %get3A_418 = arith.constant 1 : i32
      %get3A_419 = arith.index_cast %get3A_418 : i32 to index
      %get3A_420 = arith.index_cast %scan3A_367 : i32 to index
      %get3A_421 = arith.constant 96 : index
      %get3A_422 = tpu.vector_load %arg4[%get3A_419, %get3A_420, %get3A_421] {strides = array<i32>} : memref<2x64x512xf32, #tpu.memory_space<vmem>>, vector<1x1x16xf32>,
      %get3A_423 = vector.shape_cast %get3A_422 : vector<1x1x16xf32> to vector<16xf32>
      %swap3A_424 = arith.constant 1 : i32
      %swap3A_425 = arith.index_cast %swap3A_424 : i32 to index
      %swap3A_426 = arith.index_cast %scan3A_367 : i32 to index
      %swap3A_427 = arith.constant 64 : index
      %swap3A_428 = tpu.vector_load %arg5[%swap3A_425, %swap3A_426, %swap3A_427] {strides = array<i32>} : memref<2x64x448xf32, #tpu.memory_space<vmem>>, vector<1x1x16xf32>,
      %swap3A_429 = vector.shape_cast %swap3A_428 : vector<1x1x16xf32> to vector<16xf32>
      %swap3A_430 = vector.shape_cast %get3A_423 : vector<16xf32> to vector<1x1x16xf32>
      tpu.vector_store %arg5[%swap3A_425, %swap3A_426, %swap3A_427], %swap3A_430 {strides = array<i32>} : memref<2x64x448xf32, #tpu.memory_space<vmem>>, vector<1x1x16xf32>,
      %get3A_431 = arith.constant 1 : i32
      %get3A_432 = arith.index_cast %get3A_431 : i32 to index
      %get3A_433 = arith.index_cast %scan3A_367 : i32 to index
      %get3A_434 = arith.constant 112 : index
      %get3A_435 = tpu.vector_load %arg4[%get3A_432, %get3A_433, %get3A_434] {strides = array<i32>} : memref<2x64x512xf32, #tpu.memory_space<vmem>>, vector<1x1x16xf32>,
      %get3A_436 = vector.shape_cast %get3A_435 : vector<1x1x16xf32> to vector<16xf32>
      %swap3A_437 = arith.constant 1 : i32
      %swap3A_438 = arith.index_cast %swap3A_437 : i32 to index
      %swap3A_439 = arith.index_cast %scan3A_367 : i32 to index
      %swap3A_440 = arith.constant 80 : index
      %swap3A_441 = tpu.vector_load %arg5[%swap3A_438, %swap3A_439, %swap3A_440] {strides = array<i32>} : memref<2x64x448xf32, #tpu.memory_space<vmem>>, vector<1x1x16xf32>,
      %swap3A_442 = vector.shape_cast %swap3A_441 : vector<1x1x16xf32> to vector<16xf32>
      %swap3A_443 = vector.shape_cast %get3A_436 : vector<16xf32> to vector<1x1x16xf32>
      tpu.vector_store %arg5[%swap3A_438, %swap3A_439, %swap3A_440], %swap3A_443 {strides = array<i32>} : memref<2x64x448xf32, #tpu.memory_space<vmem>>, vector<1x1x16xf32>,
      %get3A_444 = arith.constant 1 : i32
      %get3A_445 = arith.index_cast %get3A_444 : i32 to index
      %get3A_446 = arith.index_cast %scan3A_367 : i32 to index
      %get3A_447 = arith.constant 128 : index
      %get3A_448 = tpu.vector_load %arg4[%get3A_445, %get3A_446, %get3A_447] {strides = array<i32>} : memref<2x64x512xf32, #tpu.memory_space<vmem>>, vector<1x1x16xf32>,
      %get3A_449 = vector.shape_cast %get3A_448 : vector<1x1x16xf32> to vector<16xf32>
      %swap3A_450 = arith.constant 1 : i32
      %swap3A_451 = arith.index_cast %swap3A_450 : i32 to index
      %swap3A_452 = arith.index_cast %scan3A_367 : i32 to index
      %swap3A_453 = arith.constant 96 : index
      %swap3A_454 = tpu.vector_load %arg5[%swap3A_451, %swap3A_452, %swap3A_453] {strides = array<i32>} : memref<2x64x448xf32, #tpu.memory_space<vmem>>, vector<1x1x16xf32>,
      %swap3A_455 = vector.shape_cast %swap3A_454 : vector<1x1x16xf32> to vector<16xf32>
      %swap3A_456 = vector.shape_cast %get3A_449 : vector<16xf32> to vector<1x1x16xf32>
      tpu.vector_store %arg5[%swap3A_451, %swap3A_452, %swap3A_453], %swap3A_456 {strides = array<i32>} : memref<2x64x448xf32, #tpu.memory_space<vmem>>, vector<1x1x16xf32>,
      %get3A_457 = arith.constant 1 : i32
      %get3A_458 = arith.index_cast %get3A_457 : i32 to index
      %get3A_459 = arith.index_cast %scan3A_367 : i32 to index
      %get3A_460 = arith.constant 144 : index
      %get3A_461 = tpu.vector_load %arg4[%get3A_458, %get3A_459, %get3A_460] {strides = array<i32>} : memref<2x64x512xf32, #tpu.memory_space<vmem>>, vector<1x1x16xf32>,
      %get3A_462 = vector.shape_cast %get3A_461 : vector<1x1x16xf32> to vector<16xf32>
      %swap3A_463 = arith.constant 1 : i32
      %swap3A_464 = arith.index_cast %swap3A_463 : i32 to index
      %swap3A_465 = arith.index_cast %scan3A_367 : i32 to index
      %swap3A_466 = arith.constant 112 : index
      %swap3A_467 = tpu.vector_load %arg5[%swap3A_464, %swap3A_465, %swap3A_466] {strides = array<i32>} : memref<2x64x448xf32, #tpu.memory_space<vmem>>, vector<1x1x16xf32>,
      %swap3A_468 = vector.shape_cast %swap3A_467 : vector<1x1x16xf32> to vector<16xf32>
      %swap3A_469 = vector.shape_cast %get3A_462 : vector<16xf32> to vector<1x1x16xf32>
      tpu.vector_store %arg5[%swap3A_464, %swap3A_465, %swap3A_466], %swap3A_469 {strides = array<i32>} : memref<2x64x448xf32, #tpu.memory_space<vmem>>, vector<1x1x16xf32>,
      %get3A_470 = arith.constant 1 : i32
      %get3A_471 = arith.index_cast %get3A_470 : i32 to index
      %get3A_472 = arith.index_cast %scan3A_367 : i32 to index
      %get3A_473 = arith.constant 160 : index
      %get3A_474 = tpu.vector_load %arg4[%get3A_471, %get3A_472, %get3A_473] {strides = array<i32>} : memref<2x64x512xf32, #tpu.memory_space<vmem>>, vector<1x1x16xf32>,
      %get3A_475 = vector.shape_cast %get3A_474 : vector<1x1x16xf32> to vector<16xf32>
      %swap3A_476 = arith.constant 1 : i32
      %swap3A_477 = arith.index_cast %swap3A_476 : i32 to index
      %swap3A_478 = arith.index_cast %scan3A_367 : i32 to index
      %swap3A_479 = arith.constant 128 : index
      %swap3A_480 = tpu.vector_load %arg5[%swap3A_477, %swap3A_478, %swap3A_479] {strides = array<i32>} : memref<2x64x448xf32, #tpu.memory_space<vmem>>, vector<1x1x16xf32>,
      %swap3A_481 = vector.shape_cast %swap3A_480 : vector<1x1x16xf32> to vector<16xf32>
      %swap3A_482 = vector.shape_cast %get3A_475 : vector<16xf32> to vector<1x1x16xf32>
      tpu.vector_store %arg5[%swap3A_477, %swap3A_478, %swap3A_479], %swap3A_482 {strides = array<i32>} : memref<2x64x448xf32, #tpu.memory_space<vmem>>, vector<1x1x16xf32>,
      %get3A_483 = arith.constant 1 : i32
      %get3A_484 = arith.index_cast %get3A_483 : i32 to index
      %get3A_485 = arith.index_cast %scan3A_367 : i32 to index
      %get3A_486 = arith.constant 176 : index
      %get3A_487 = tpu.vector_load %arg4[%get3A_484, %get3A_485, %get3A_486] {strides = array<i32>} : memref<2x64x512xf32, #tpu.memory_space<vmem>>, vector<1x1x16xf32>,
      %get3A_488 = vector.shape_cast %get3A_487 : vector<1x1x16xf32> to vector<16xf32>
      %swap3A_489 = arith.constant 1 : i32
      %swap3A_490 = arith.index_cast %swap3A_489 : i32 to index
      %swap3A_491 = arith.index_cast %scan3A_367 : i32 to index
      %swap3A_492 = arith.constant 144 : index
      %swap3A_493 = tpu.vector_load %arg5[%swap3A_490, %swap3A_491, %swap3A_492] {strides = array<i32>} : memref<2x64x448xf32, #tpu.memory_space<vmem>>, vector<1x1x16xf32>,
      %swap3A_494 = vector.shape_cast %swap3A_493 : vector<1x1x16xf32> to vector<16xf32>
      %swap3A_495 = vector.shape_cast %get3A_488 : vector<16xf32> to vector<1x1x16xf32>
      tpu.vector_store %arg5[%swap3A_490, %swap3A_491, %swap3A_492], %swap3A_495 {strides = array<i32>} : memref<2x64x448xf32, #tpu.memory_space<vmem>>, vector<1x1x16xf32>,
      %get3A_496 = arith.constant 1 : i32
      %get3A_497 = arith.index_cast %get3A_496 : i32 to index
      %get3A_498 = arith.index_cast %scan3A_367 : i32 to index
      %get3A_499 = arith.constant 192 : index
      %get3A_500 = tpu.vector_load %arg4[%get3A_497, %get3A_498, %get3A_499] {strides = array<i32>} : memref<2x64x512xf32, #tpu.memory_space<vmem>>, vector<1x1x16xf32>,
      %get3A_501 = vector.shape_cast %get3A_500 : vector<1x1x16xf32> to vector<16xf32>
      %swap3A_502 = arith.constant 1 : i32
      %swap3A_503 = arith.index_cast %swap3A_502 : i32 to index
      %swap3A_504 = arith.index_cast %scan3A_367 : i32 to index
      %swap3A_505 = arith.constant 160 : index
      %swap3A_506 = tpu.vector_load %arg5[%swap3A_503, %swap3A_504, %swap3A_505] {strides = array<i32>} : memref<2x64x448xf32, #tpu.memory_space<vmem>>, vector<1x1x16xf32>,
      %swap3A_507 = vector.shape_cast %swap3A_506 : vector<1x1x16xf32> to vector<16xf32>
      %swap3A_508 = vector.shape_cast %get3A_501 : vector<16xf32> to vector<1x1x16xf32>
      tpu.vector_store %arg5[%swap3A_503, %swap3A_504, %swap3A_505], %swap3A_508 {strides = array<i32>} : memref<2x64x448xf32, #tpu.memory_space<vmem>>, vector<1x1x16xf32>,
      %get3A_509 = arith.constant 1 : i32
      %get3A_510 = arith.index_cast %get3A_509 : i32 to index
      %get3A_511 = arith.index_cast %scan3A_367 : i32 to index
      %get3A_512 = arith.constant 208 : index
      %get3A_513 = tpu.vector_load %arg4[%get3A_510, %get3A_511, %get3A_512] {strides = array<i32>} : memref<2x64x512xf32, #tpu.memory_space<vmem>>, vector<1x1x16xf32>,
      %get3A_514 = vector.shape_cast %get3A_513 : vector<1x1x16xf32> to vector<16xf32>
      %swap3A_515 = arith.constant 1 : i32
      %swap3A_516 = arith.index_cast %swap3A_515 : i32 to index
      %swap3A_517 = arith.index_cast %scan3A_367 : i32 to index
      %swap3A_518 = arith.constant 176 : index
      %swap3A_519 = tpu.vector_load %arg5[%swap3A_516, %swap3A_517, %swap3A_518] {strides = array<i32>} : memref<2x64x448xf32, #tpu.memory_space<vmem>>, vector<1x1x16xf32>,
      %swap3A_520 = vector.shape_cast %swap3A_519 : vector<1x1x16xf32> to vector<16xf32>
      %swap3A_521 = vector.shape_cast %get3A_514 : vector<16xf32> to vector<1x1x16xf32>
      tpu.vector_store %arg5[%swap3A_516, %swap3A_517, %swap3A_518], %swap3A_521 {strides = array<i32>} : memref<2x64x448xf32, #tpu.memory_space<vmem>>, vector<1x1x16xf32>,
      %get3A_522 = arith.constant 1 : i32
      %get3A_523 = arith.index_cast %get3A_522 : i32 to index
      %get3A_524 = arith.index_cast %scan3A_367 : i32 to index
      %get3A_525 = arith.constant 224 : index
      %get3A_526 = tpu.vector_load %arg4[%get3A_523, %get3A_524, %get3A_525] {strides = array<i32>} : memref<2x64x512xf32, #tpu.memory_space<vmem>>, vector<1x1x16xf32>,
      %get3A_527 = vector.shape_cast %get3A_526 : vector<1x1x16xf32> to vector<16xf32>
      %swap3A_528 = arith.constant 1 : i32
      %swap3A_529 = arith.index_cast %swap3A_528 : i32 to index
      %swap3A_530 = arith.index_cast %scan3A_367 : i32 to index
      %swap3A_531 = arith.constant 192 : index
      %swap3A_532 = tpu.vector_load %arg5[%swap3A_529, %swap3A_530, %swap3A_531] {strides = array<i32>} : memref<2x64x448xf32, #tpu.memory_space<vmem>>, vector<1x1x16xf32>,
      %swap3A_533 = vector.shape_cast %swap3A_532 : vector<1x1x16xf32> to vector<16xf32>
      %swap3A_534 = vector.shape_cast %get3A_527 : vector<16xf32> to vector<1x1x16xf32>
      tpu.vector_store %arg5[%swap3A_529, %swap3A_530, %swap3A_531], %swap3A_534 {strides = array<i32>} : memref<2x64x448xf32, #tpu.memory_space<vmem>>, vector<1x1x16xf32>,
      %get3A_535 = arith.constant 1 : i32
      %get3A_536 = arith.index_cast %get3A_535 : i32 to index
      %get3A_537 = arith.index_cast %scan3A_367 : i32 to index
      %get3A_538 = arith.constant 240 : index
      %get3A_539 = tpu.vector_load %arg4[%get3A_536, %get3A_537, %get3A_538] {strides = array<i32>} : memref<2x64x512xf32, #tpu.memory_space<vmem>>, vector<1x1x16xf32>,
      %get3A_540 = vector.shape_cast %get3A_539 : vector<1x1x16xf32> to vector<16xf32>
      %swap3A_541 = arith.constant 1 : i32
      %swap3A_542 = arith.index_cast %swap3A_541 : i32 to index
      %swap3A_543 = arith.index_cast %scan3A_367 : i32 to index
      %swap3A_544 = arith.constant 208 : index
      %swap3A_545 = tpu.vector_load %arg5[%swap3A_542, %swap3A_543, %swap3A_544] {strides = array<i32>} : memref<2x64x448xf32, #tpu.memory_space<vmem>>, vector<1x1x16xf32>,
      %swap3A_546 = vector.shape_cast %swap3A_545 : vector<1x1x16xf32> to vector<16xf32>
      %swap3A_547 = vector.shape_cast %get3A_540 : vector<16xf32> to vector<1x1x16xf32>
      tpu.vector_store %arg5[%swap3A_542, %swap3A_543, %swap3A_544], %swap3A_547 {strides = array<i32>} : memref<2x64x448xf32, #tpu.memory_space<vmem>>, vector<1x1x16xf32>,
      %get3A_548 = arith.constant 1 : i32
      %get3A_549 = arith.index_cast %get3A_548 : i32 to index
      %get3A_550 = arith.index_cast %scan3A_367 : i32 to index
      %get3A_551 = arith.constant 256 : index
      %get3A_552 = tpu.vector_load %arg4[%get3A_549, %get3A_550, %get3A_551] {strides = array<i32>} : memref<2x64x512xf32, #tpu.memory_space<vmem>>, vector<1x1x16xf32>,
      %get3A_553 = vector.shape_cast %get3A_552 : vector<1x1x16xf32> to vector<16xf32>
      %swap3A_554 = arith.constant 1 : i32
      %swap3A_555 = arith.index_cast %swap3A_554 : i32 to index
      %swap3A_556 = arith.index_cast %scan3A_367 : i32 to index
      %swap3A_557 = arith.constant 224 : index
      %swap3A_558 = tpu.vector_load %arg5[%swap3A_555, %swap3A_556, %swap3A_557] {strides = array<i32>} : memref<2x64x448xf32, #tpu.memory_space<vmem>>, vector<1x1x16xf32>,
      %swap3A_559 = vector.shape_cast %swap3A_558 : vector<1x1x16xf32> to vector<16xf32>
      %swap3A_560 = vector.shape_cast %get3A_553 : vector<16xf32> to vector<1x1x16xf32>
      tpu.vector_store %arg5[%swap3A_555, %swap3A_556, %swap3A_557], %swap3A_560 {strides = array<i32>} : memref<2x64x448xf32, #tpu.memory_space<vmem>>, vector<1x1x16xf32>,
      %get3A_561 = arith.constant 1 : i32
      %get3A_562 = arith.index_cast %get3A_561 : i32 to index
      %get3A_563 = arith.index_cast %scan3A_367 : i32 to index
      %get3A_564 = arith.constant 272 : index
      %get3A_565 = tpu.vector_load %arg4[%get3A_562, %get3A_563, %get3A_564] {strides = array<i32>} : memref<2x64x512xf32, #tpu.memory_space<vmem>>, vector<1x1x16xf32>,
      %get3A_566 = vector.shape_cast %get3A_565 : vector<1x1x16xf32> to vector<16xf32>
      %swap3A_567 = arith.constant 1 : i32
      %swap3A_568 = arith.index_cast %swap3A_567 : i32 to index
      %swap3A_569 = arith.index_cast %scan3A_367 : i32 to index
      %swap3A_570 = arith.constant 240 : index
      %swap3A_571 = tpu.vector_load %arg5[%swap3A_568, %swap3A_569, %swap3A_570] {strides = array<i32>} : memref<2x64x448xf32, #tpu.memory_space<vmem>>, vector<1x1x16xf32>,
      %swap3A_572 = vector.shape_cast %swap3A_571 : vector<1x1x16xf32> to vector<16xf32>
      %swap3A_573 = vector.shape_cast %get3A_566 : vector<16xf32> to vector<1x1x16xf32>
      tpu.vector_store %arg5[%swap3A_568, %swap3A_569, %swap3A_570], %swap3A_573 {strides = array<i32>} : memref<2x64x448xf32, #tpu.memory_space<vmem>>, vector<1x1x16xf32>,
      %get3A_574 = arith.constant 1 : i32
      %get3A_575 = arith.index_cast %get3A_574 : i32 to index
      %get3A_576 = arith.index_cast %scan3A_367 : i32 to index
      %get3A_577 = arith.constant 288 : index
      %get3A_578 = tpu.vector_load %arg4[%get3A_575, %get3A_576, %get3A_577] {strides = array<i32>} : memref<2x64x512xf32, #tpu.memory_space<vmem>>, vector<1x1x16xf32>,
      %get3A_579 = vector.shape_cast %get3A_578 : vector<1x1x16xf32> to vector<16xf32>
      %swap3A_580 = arith.constant 1 : i32
      %swap3A_581 = arith.index_cast %swap3A_580 : i32 to index
      %swap3A_582 = arith.index_cast %scan3A_367 : i32 to index
      %swap3A_583 = arith.constant 256 : index
      %swap3A_584 = tpu.vector_load %arg5[%swap3A_581, %swap3A_582, %swap3A_583] {strides = array<i32>} : memref<2x64x448xf32, #tpu.memory_space<vmem>>, vector<1x1x16xf32>,
      %swap3A_585 = vector.shape_cast %swap3A_584 : vector<1x1x16xf32> to vector<16xf32>
      %swap3A_586 = vector.shape_cast %get3A_579 : vector<16xf32> to vector<1x1x16xf32>
      tpu.vector_store %arg5[%swap3A_581, %swap3A_582, %swap3A_583], %swap3A_586 {strides = array<i32>} : memref<2x64x448xf32, #tpu.memory_space<vmem>>, vector<1x1x16xf32>,
      %get3A_587 = arith.constant 1 : i32
      %get3A_588 = arith.index_cast %get3A_587 : i32 to index
      %get3A_589 = arith.index_cast %scan3A_367 : i32 to index
      %get3A_590 = arith.constant 304 : index
      %get3A_591 = tpu.vector_load %arg4[%get3A_588, %get3A_589, %get3A_590] {strides = array<i32>} : memref<2x64x512xf32, #tpu.memory_space<vmem>>, vector<1x1x16xf32>,
      %get3A_592 = vector.shape_cast %get3A_591 : vector<1x1x16xf32> to vector<16xf32>
      %swap3A_593 = arith.constant 1 : i32
      %swap3A_594 = arith.index_cast %swap3A_593 : i32 to index
      %swap3A_595 = arith.index_cast %scan3A_367 : i32 to index
      %swap3A_596 = arith.constant 272 : index
      %swap3A_597 = tpu.vector_load %arg5[%swap3A_594, %swap3A_595, %swap3A_596] {strides = array<i32>} : memref<2x64x448xf32, #tpu.memory_space<vmem>>, vector<1x1x16xf32>,
      %swap3A_598 = vector.shape_cast %swap3A_597 : vector<1x1x16xf32> to vector<16xf32>
      %swap3A_599 = vector.shape_cast %get3A_592 : vector<16xf32> to vector<1x1x16xf32>
      tpu.vector_store %arg5[%swap3A_594, %swap3A_595, %swap3A_596], %swap3A_599 {strides = array<i32>} : memref<2x64x448xf32, #tpu.memory_space<vmem>>, vector<1x1x16xf32>,
      %get3A_600 = arith.constant 1 : i32
      %get3A_601 = arith.index_cast %get3A_600 : i32 to index
      %get3A_602 = arith.index_cast %scan3A_367 : i32 to index
      %get3A_603 = arith.constant 320 : index
      %get3A_604 = tpu.vector_load %arg4[%get3A_601, %get3A_602, %get3A_603] {strides = array<i32>} : memref<2x64x512xf32, #tpu.memory_space<vmem>>, vector<1x1x16xf32>,
      %get3A_605 = vector.shape_cast %get3A_604 : vector<1x1x16xf32> to vector<16xf32>
      %swap3A_606 = arith.constant 1 : i32
      %swap3A_607 = arith.index_cast %swap3A_606 : i32 to index
      %swap3A_608 = arith.index_cast %scan3A_367 : i32 to index
      %swap3A_609 = arith.constant 288 : index
      %swap3A_610 = tpu.vector_load %arg5[%swap3A_607, %swap3A_608, %swap3A_609] {strides = array<i32>} : memref<2x64x448xf32, #tpu.memory_space<vmem>>, vector<1x1x16xf32>,
      %swap3A_611 = vector.shape_cast %swap3A_610 : vector<1x1x16xf32> to vector<16xf32>
      %swap3A_612 = vector.shape_cast %get3A_605 : vector<16xf32> to vector<1x1x16xf32>
      tpu.vector_store %arg5[%swap3A_607, %swap3A_608, %swap3A_609], %swap3A_612 {strides = array<i32>} : memref<2x64x448xf32, #tpu.memory_space<vmem>>, vector<1x1x16xf32>,
      %get3A_613 = arith.constant 1 : i32
      %get3A_614 = arith.index_cast %get3A_613 : i32 to index
      %get3A_615 = arith.index_cast %scan3A_367 : i32 to index
      %get3A_616 = arith.constant 336 : index
      %get3A_617 = tpu.vector_load %arg4[%get3A_614, %get3A_615, %get3A_616] {strides = array<i32>} : memref<2x64x512xf32, #tpu.memory_space<vmem>>, vector<1x1x16xf32>,
      %get3A_618 = vector.shape_cast %get3A_617 : vector<1x1x16xf32> to vector<16xf32>
      %swap3A_619 = arith.constant 1 : i32
      %swap3A_620 = arith.index_cast %swap3A_619 : i32 to index
      %swap3A_621 = arith.index_cast %scan3A_367 : i32 to index
      %swap3A_622 = arith.constant 304 : index
      %swap3A_623 = tpu.vector_load %arg5[%swap3A_620, %swap3A_621, %swap3A_622] {strides = array<i32>} : memref<2x64x448xf32, #tpu.memory_space<vmem>>, vector<1x1x16xf32>,
      %swap3A_624 = vector.shape_cast %swap3A_623 : vector<1x1x16xf32> to vector<16xf32>
      %swap3A_625 = vector.shape_cast %get3A_618 : vector<16xf32> to vector<1x1x16xf32>
      tpu.vector_store %arg5[%swap3A_620, %swap3A_621, %swap3A_622], %swap3A_625 {strides = array<i32>} : memref<2x64x448xf32, #tpu.memory_space<vmem>>, vector<1x1x16xf32>,
      %get3A_626 = arith.constant 1 : i32
      %get3A_627 = arith.index_cast %get3A_626 : i32 to index
      %get3A_628 = arith.index_cast %scan3A_367 : i32 to index
      %get3A_629 = arith.constant 352 : index
      %get3A_630 = tpu.vector_load %arg4[%get3A_627, %get3A_628, %get3A_629] {strides = array<i32>} : memref<2x64x512xf32, #tpu.memory_space<vmem>>, vector<1x1x16xf32>,
      %get3A_631 = vector.shape_cast %get3A_630 : vector<1x1x16xf32> to vector<16xf32>
      %swap3A_632 = arith.constant 1 : i32
      %swap3A_633 = arith.index_cast %swap3A_632 : i32 to index
      %swap3A_634 = arith.index_cast %scan3A_367 : i32 to index
      %swap3A_635 = arith.constant 320 : index
      %swap3A_636 = tpu.vector_load %arg5[%swap3A_633, %swap3A_634, %swap3A_635] {strides = array<i32>} : memref<2x64x448xf32, #tpu.memory_space<vmem>>, vector<1x1x16xf32>,
      %swap3A_637 = vector.shape_cast %swap3A_636 : vector<1x1x16xf32> to vector<16xf32>
      %swap3A_638 = vector.shape_cast %get3A_631 : vector<16xf32> to vector<1x1x16xf32>
      tpu.vector_store %arg5[%swap3A_633, %swap3A_634, %swap3A_635], %swap3A_638 {strides = array<i32>} : memref<2x64x448xf32, #tpu.memory_space<vmem>>, vector<1x1x16xf32>,
      %get3A_639 = arith.constant 1 : i32
      %get3A_640 = arith.index_cast %get3A_639 : i32 to index
      %get3A_641 = arith.index_cast %scan3A_367 : i32 to index
      %get3A_642 = arith.constant 368 : index
      %get3A_643 = tpu.vector_load %arg4[%get3A_640, %get3A_641, %get3A_642] {strides = array<i32>} : memref<2x64x512xf32, #tpu.memory_space<vmem>>, vector<1x1x16xf32>,
      %get3A_644 = vector.shape_cast %get3A_643 : vector<1x1x16xf32> to vector<16xf32>
      %swap3A_645 = arith.constant 1 : i32
      %swap3A_646 = arith.index_cast %swap3A_645 : i32 to index
      %swap3A_647 = arith.index_cast %scan3A_367 : i32 to index
      %swap3A_648 = arith.constant 336 : index
      %swap3A_649 = tpu.vector_load %arg5[%swap3A_646, %swap3A_647, %swap3A_648] {strides = array<i32>} : memref<2x64x448xf32, #tpu.memory_space<vmem>>, vector<1x1x16xf32>,
      %swap3A_650 = vector.shape_cast %swap3A_649 : vector<1x1x16xf32> to vector<16xf32>
      %swap3A_651 = vector.shape_cast %get3A_644 : vector<16xf32> to vector<1x1x16xf32>
      tpu.vector_store %arg5[%swap3A_646, %swap3A_647, %swap3A_648], %swap3A_651 {strides = array<i32>} : memref<2x64x448xf32, #tpu.memory_space<vmem>>, vector<1x1x16xf32>,
      %get3A_652 = arith.constant 1 : i32
      %get3A_653 = arith.index_cast %get3A_652 : i32 to index
      %get3A_654 = arith.index_cast %scan3A_367 : i32 to index
      %get3A_655 = arith.constant 384 : index
      %get3A_656 = tpu.vector_load %arg4[%get3A_653, %get3A_654, %get3A_655] {strides = array<i32>} : memref<2x64x512xf32, #tpu.memory_space<vmem>>, vector<1x1x16xf32>,
      %get3A_657 = vector.shape_cast %get3A_656 : vector<1x1x16xf32> to vector<16xf32>
      %swap3A_658 = arith.constant 1 : i32
      %swap3A_659 = arith.index_cast %swap3A_658 : i32 to index
      %swap3A_660 = arith.index_cast %scan3A_367 : i32 to index
      %swap3A_661 = arith.constant 352 : index
      %swap3A_662 = tpu.vector_load %arg5[%swap3A_659, %swap3A_660, %swap3A_661] {strides = array<i32>} : memref<2x64x448xf32, #tpu.memory_space<vmem>>, vector<1x1x16xf32>,
      %swap3A_663 = vector.shape_cast %swap3A_662 : vector<1x1x16xf32> to vector<16xf32>
      %swap3A_664 = vector.shape_cast %get3A_657 : vector<16xf32> to vector<1x1x16xf32>
      tpu.vector_store %arg5[%swap3A_659, %swap3A_660, %swap3A_661], %swap3A_664 {strides = array<i32>} : memref<2x64x448xf32, #tpu.memory_space<vmem>>, vector<1x1x16xf32>,
      %get3A_665 = arith.constant 1 : i32
      %get3A_666 = arith.index_cast %get3A_665 : i32 to index
      %get3A_667 = arith.index_cast %scan3A_367 : i32 to index
      %get3A_668 = arith.constant 400 : index
      %get3A_669 = tpu.vector_load %arg4[%get3A_666, %get3A_667, %get3A_668] {strides = array<i32>} : memref<2x64x512xf32, #tpu.memory_space<vmem>>, vector<1x1x16xf32>,
      %get3A_670 = vector.shape_cast %get3A_669 : vector<1x1x16xf32> to vector<16xf32>
      %swap3A_671 = arith.constant 1 : i32
      %swap3A_672 = arith.index_cast %swap3A_671 : i32 to index
      %swap3A_673 = arith.index_cast %scan3A_367 : i32 to index
      %swap3A_674 = arith.constant 368 : index
      %swap3A_675 = tpu.vector_load %arg5[%swap3A_672, %swap3A_673, %swap3A_674] {strides = array<i32>} : memref<2x64x448xf32, #tpu.memory_space<vmem>>, vector<1x1x16xf32>,
      %swap3A_676 = vector.shape_cast %swap3A_675 : vector<1x1x16xf32> to vector<16xf32>
      %swap3A_677 = vector.shape_cast %get3A_670 : vector<16xf32> to vector<1x1x16xf32>
      tpu.vector_store %arg5[%swap3A_672, %swap3A_673, %swap3A_674], %swap3A_677 {strides = array<i32>} : memref<2x64x448xf32, #tpu.memory_space<vmem>>, vector<1x1x16xf32>,
      %get3A_678 = arith.constant 1 : i32
      %get3A_679 = arith.index_cast %get3A_678 : i32 to index
      %get3A_680 = arith.index_cast %scan3A_367 : i32 to index
      %get3A_681 = arith.constant 416 : index
      %get3A_682 = tpu.vector_load %arg4[%get3A_679, %get3A_680, %get3A_681] {strides = array<i32>} : memref<2x64x512xf32, #tpu.memory_space<vmem>>, vector<1x1x16xf32>,
      %get3A_683 = vector.shape_cast %get3A_682 : vector<1x1x16xf32> to vector<16xf32>
      %swap3A_684 = arith.constant 1 : i32
      %swap3A_685 = arith.index_cast %swap3A_684 : i32 to index
      %swap3A_686 = arith.index_cast %scan3A_367 : i32 to index
      %swap3A_687 = arith.constant 384 : index
      %swap3A_688 = tpu.vector_load %arg5[%swap3A_685, %swap3A_686, %swap3A_687] {strides = array<i32>} : memref<2x64x448xf32, #tpu.memory_space<vmem>>, vector<1x1x16xf32>,
      %swap3A_689 = vector.shape_cast %swap3A_688 : vector<1x1x16xf32> to vector<16xf32>
      %swap3A_690 = vector.shape_cast %get3A_683 : vector<16xf32> to vector<1x1x16xf32>
      tpu.vector_store %arg5[%swap3A_685, %swap3A_686, %swap3A_687], %swap3A_690 {strides = array<i32>} : memref<2x64x448xf32, #tpu.memory_space<vmem>>, vector<1x1x16xf32>,
      %get3A_691 = arith.constant 1 : i32
      %get3A_692 = arith.index_cast %get3A_691 : i32 to index
      %get3A_693 = arith.index_cast %scan3A_367 : i32 to index
      %get3A_694 = arith.constant 432 : index
      %get3A_695 = tpu.vector_load %arg4[%get3A_692, %get3A_693, %get3A_694] {strides = array<i32>} : memref<2x64x512xf32, #tpu.memory_space<vmem>>, vector<1x1x16xf32>,
      %get3A_696 = vector.shape_cast %get3A_695 : vector<1x1x16xf32> to vector<16xf32>
      %swap3A_697 = arith.constant 1 : i32
      %swap3A_698 = arith.index_cast %swap3A_697 : i32 to index
      %swap3A_699 = arith.index_cast %scan3A_367 : i32 to index
      %swap3A_700 = arith.constant 400 : index
      %swap3A_701 = tpu.vector_load %arg5[%swap3A_698, %swap3A_699, %swap3A_700] {strides = array<i32>} : memref<2x64x448xf32, #tpu.memory_space<vmem>>, vector<1x1x16xf32>,
      %swap3A_702 = vector.shape_cast %swap3A_701 : vector<1x1x16xf32> to vector<16xf32>
      %swap3A_703 = vector.shape_cast %get3A_696 : vector<16xf32> to vector<1x1x16xf32>
      tpu.vector_store %arg5[%swap3A_698, %swap3A_699, %swap3A_700], %swap3A_703 {strides = array<i32>} : memref<2x64x448xf32, #tpu.memory_space<vmem>>, vector<1x1x16xf32>,
      %get3A_704 = arith.constant 1 : i32
      %get3A_705 = arith.index_cast %get3A_704 : i32 to index
      %get3A_706 = arith.index_cast %scan3A_367 : i32 to index
      %get3A_707 = arith.constant 448 : index
      %get3A_708 = tpu.vector_load %arg4[%get3A_705, %get3A_706, %get3A_707] {strides = array<i32>} : memref<2x64x512xf32, #tpu.memory_space<vmem>>, vector<1x1x16xf32>,
      %get3A_709 = vector.shape_cast %get3A_708 : vector<1x1x16xf32> to vector<16xf32>
      %swap3A_710 = arith.constant 1 : i32
      %swap3A_711 = arith.index_cast %swap3A_710 : i32 to index
      %swap3A_712 = arith.index_cast %scan3A_367 : i32 to index
      %swap3A_713 = arith.constant 416 : index
      %swap3A_714 = tpu.vector_load %arg5[%swap3A_711, %swap3A_712, %swap3A_713] {strides = array<i32>} : memref<2x64x448xf32, #tpu.memory_space<vmem>>, vector<1x1x16xf32>,
      %swap3A_715 = vector.shape_cast %swap3A_714 : vector<1x1x16xf32> to vector<16xf32>
      %swap3A_716 = vector.shape_cast %get3A_709 : vector<16xf32> to vector<1x1x16xf32>
      tpu.vector_store %arg5[%swap3A_711, %swap3A_712, %swap3A_713], %swap3A_716 {strides = array<i32>} : memref<2x64x448xf32, #tpu.memory_space<vmem>>, vector<1x1x16xf32>,
      %get3A_717 = arith.constant 1 : i32
      %get3A_718 = arith.index_cast %get3A_717 : i32 to index
      %get3A_719 = arith.index_cast %scan3A_367 : i32 to index
      %get3A_720 = arith.constant 464 : index
      %get3A_721 = tpu.vector_load %arg4[%get3A_718, %get3A_719, %get3A_720] {strides = array<i32>} : memref<2x64x512xf32, #tpu.memory_space<vmem>>, vector<1x1x16xf32>,
      %get3A_722 = vector.shape_cast %get3A_721 : vector<1x1x16xf32> to vector<16xf32>
      %swap3A_723 = arith.constant 1 : i32
      %swap3A_724 = arith.index_cast %swap3A_723 : i32 to index
      %swap3A_725 = arith.index_cast %scan3A_367 : i32 to index
      %swap3A_726 = arith.constant 432 : index
      %swap3A_727 = tpu.vector_load %arg5[%swap3A_724, %swap3A_725, %swap3A_726] {strides = array<i32>} : memref<2x64x448xf32, #tpu.memory_space<vmem>>, vector<1x1x16xf32>,
      %swap3A_728 = vector.shape_cast %swap3A_727 : vector<1x1x16xf32> to vector<16xf32>
      %swap3A_729 = vector.shape_cast %get3A_722 : vector<16xf32> to vector<1x1x16xf32>
      tpu.vector_store %arg5[%swap3A_724, %swap3A_725, %swap3A_726], %swap3A_729 {strides = array<i32>} : memref<2x64x448xf32, #tpu.memory_space<vmem>>, vector<1x1x16xf32>,
    }
    %scan3A_147 = arith.constant 64 : i32
    %mul3A_148 = arith.constant 64 : i32
    %mul3A_149 = arith.muli %rem3A_122, %mul3A_148 : i32
    %dma_start3A_150 = arith.constant 1 : i32
    %dma_start3A_151 = arith.constant 0 : i32
    %dma_start3A_152 = arith.constant 0 : i32
    %dma_start3A_153 = tpu.memref_slice %arg5[%dma_start3A_150, %dma_start3A_151, %dma_start3A_152] : memref<2x64x448xf32, #tpu.memory_space<vmem>> -> memref<1x64x448xf32, #tpu.memory_space<vmem>>
    %dma_start3A_154 = tpu.memref_squeeze %dma_start3A_153 : memref<1x64x448xf32, #tpu.memory_space<vmem>> -> memref<64x448xf32, #tpu.memory_space<vmem>>
    %dma_start3A_155 = arith.constant 0 : i32
    %dma_start3A_156 = tpu.memref_slice %arg3[%add3A_119, %mul3A_149, %dma_start3A_155] : memref<192x448x448xf32, #tpu.memory_space<hbm>> -> memref<1x64x448xf32, #tpu.memory_space<hbm>>
    %dma_start3A_157 = tpu.memref_squeeze %dma_start3A_156 : memref<1x64x448xf32, #tpu.memory_space<hbm>> -> memref<64x448xf32, #tpu.memory_space<hbm>>
    %dma_start3A_158 = arith.constant 0 : i32
    %dma_start3A_159 = tpu.memref_slice %arg3[%add3A_119, %mul3A_149, %dma_start3A_158] : memref<192x448x448xf32, #tpu.memory_space<hbm>> -> memref<1x64x448xf32, #tpu.memory_space<hbm>>
    %dma_start3A_160 = tpu.memref_squeeze %dma_start3A_159 : memref<1x64x448xf32, #tpu.memory_space<hbm>> -> memref<64x448xf32, #tpu.memory_space<hbm>>
    %dma_start3A_161 = arith.constant 0 : i32
    %dma_start3A_162 = arith.constant 0 : i32
    %dma_start3A_163 = tpu.memref_slice %arg5[%dma_start3A_150, %dma_start3A_161, %dma_start3A_162] : memref<2x64x448xf32, #tpu.memory_space<vmem>> -> memref<1x64x448xf32, #tpu.memory_space<vmem>>
    %dma_start3A_164 = tpu.memref_squeeze %dma_start3A_163 : memref<1x64x448xf32, #tpu.memory_space<vmem>> -> memref<64x448xf32, #tpu.memory_space<vmem>>
    tpu.enqueue_dma source(%dma_start3A_164 : memref<64x448xf32, #tpu.memory_space<vmem>>) target(%dma_start3A_160 : memref<64x448xf32, #tpu.memory_space<hbm>>) target_semaphore(%arg9 : memref<!tpu.dma_semaphore, #tpu.memory_space<semaphore_mem>>)
    %add3A_165 = arith.constant 0 : i32
    %add3A_166 = arith.addi %mul3A_2, %add3A_165 : i32
    %rem3A_167 = arith.constant 3 : i32
    %rem3A_168 = arith.constant 7 : i32
    %rem3A_169 = arith.remsi %rem3A_167, %rem3A_168 : i32
    %mul3A_170 = arith.constant 64 : i32
    %mul3A_171 = arith.muli %rem3A_169, %mul3A_170 : i32
    %add3A_172 = arith.constant 32 : i32
    %add3A_173 = arith.addi %add3A_172, %mul3A_171 : i32
    %dma_start3A_174 = arith.constant 1 : i32
    %dma_start3A_175 = arith.constant 0 : i32
    %dma_start3A_176 = arith.constant 0 : i32
    %dma_start3A_177 = tpu.memref_slice %arg4[%dma_start3A_174, %dma_start3A_175, %dma_start3A_176] : memref<2x64x512xf32, #tpu.memory_space<vmem>> -> memref<1x64x512xf32, #tpu.memory_space<vmem>>
    %dma_start3A_178 = tpu.memref_squeeze %dma_start3A_177 : memref<1x64x512xf32, #tpu.memory_space<vmem>> -> memref<64x512xf32, #tpu.memory_space<vmem>>
    %dma_start3A_179 = arith.constant 0 : i32
    %dma_start3A_180 = tpu.memref_slice %arg2[%add3A_166, %add3A_173, %dma_start3A_179] : memref<192x512x512xf32, #tpu.memory_space<hbm>> -> memref<1x64x512xf32, #tpu.memory_space<hbm>>
    %dma_start3A_181 = tpu.memref_squeeze %dma_start3A_180 : memref<1x64x512xf32, #tpu.memory_space<hbm>> -> memref<64x512xf32, #tpu.memory_space<hbm>>
    %dma_start3A_182 = arith.constant 0 : i32
    %dma_start3A_183 = arith.constant 0 : i32
    %dma_start3A_184 = tpu.memref_slice %arg4[%dma_start3A_174, %dma_start3A_182, %dma_start3A_183] : memref<2x64x512xf32, #tpu.memory_space<vmem>> -> memref<1x64x512xf32, #tpu.memory_space<vmem>>
    %dma_start3A_185 = tpu.memref_squeeze %dma_start3A_184 : memref<1x64x512xf32, #tpu.memory_space<vmem>> -> memref<64x512xf32, #tpu.memory_space<vmem>>
    %dma_start3A_186 = arith.constant 0 : i32
    %dma_start3A_187 = tpu.memref_slice %arg2[%add3A_166, %add3A_173, %dma_start3A_186] : memref<192x512x512xf32, #tpu.memory_space<hbm>> -> memref<1x64x512xf32, #tpu.memory_space<hbm>>
    %dma_start3A_188 = tpu.memref_squeeze %dma_start3A_187 : memref<1x64x512xf32, #tpu.memory_space<hbm>> -> memref<64x512xf32, #tpu.memory_space<hbm>>
    tpu.enqueue_dma source(%dma_start3A_188 : memref<64x512xf32, #tpu.memory_space<hbm>>) target(%dma_start3A_185 : memref<64x512xf32, #tpu.memory_space<vmem>>) target_semaphore(%arg7 : memref<!tpu.dma_semaphore, #tpu.memory_space<semaphore_mem>>)
    %scan3A_189 = arith.constant 0 : i32
    %scan3A_190 = arith.constant 1 : i32
    %scan3A_191 = arith.constant 19 : i32
    %scan3A_192 = arith.addi %scan3A_190, %scan3A_191 : i32
    %scan3A_193 = arith.constant 1 : i32
    scf.for %scan3A_367 = %scan3A_190 to %scan3A_192 step %scan3A_193  : i32 {
      %mul3A_368 = arith.constant 2 : i32
      %mul3A_369 = arith.muli %mul3A_368, %scan3A_367 : i32
      %jit3A = arith.constant 7 : i32
      %div3A = arith.divsi %mul3A_369, %jit3A : i32
      %sign3A = arith.constant 0 : i32
      %sign3A_370 = arith.cmpi sgt, %mul3A_369, %sign3A : i32
      %sign3A_371 = arith.extui %sign3A_370 : i1 to i32
      %sign3A_372 = arith.constant 0 : i32
      %sign3A_373 = arith.cmpi slt, %mul3A_369, %sign3A_372 : i32
      %sign3A_374 = arith.extui %sign3A_373 : i1 to i32
      %sign3A_375 = arith.subi %sign3A_371, %sign3A_374 : i32
      %sign3A_376 = arith.constant 0 : i32
      %sign3A_377 = arith.cmpi sgt, %jit3A, %sign3A_376 : i32
      %sign3A_378 = arith.extui %sign3A_377 : i1 to i32
      %sign3A_379 = arith.constant 0 : i32
      %sign3A_380 = arith.cmpi slt, %jit3A, %sign3A_379 : i32
      %sign3A_381 = arith.extui %sign3A_380 : i1 to i32
      %sign3A_382 = arith.subi %sign3A_378, %sign3A_381 : i32
      %ne3A = arith.cmpi ne, %sign3A_375, %sign3A_382 : i32
      %rem3A_383 = arith.remsi %mul3A_369, %jit3A : i32
      %ne3A_384 = arith.constant 0 : i32
      %ne3A_385 = arith.cmpi ne, %rem3A_383, %ne3A_384 : i32
      %and3A = arith.andi %ne3A, %ne3A_385 : i1
      %sub3A = arith.constant 1 : i32
      %sub3A_386 = arith.subi %div3A, %sub3A : i32
      %select_n3A = arith.select %and3A, %sub3A_386, %div3A : i32
      %add3A_387 = arith.addi %mul3A_2, %select_n3A : i32
      %rem3A_388 = arith.constant 7 : i32
      %rem3A_389 = arith.remsi %mul3A_369, %rem3A_388 : i32
      %mul3A_390 = arith.constant 64 : i32
      %mul3A_391 = arith.muli %rem3A_389, %mul3A_390 : i32
      %add3A_392 = arith.constant 32 : i32
      %add3A_393 = arith.addi %add3A_392, %mul3A_391 : i32
      %dma_wait3A_394 = arith.constant 0 : i32
      %dma_wait3A_395 = arith.constant 0 : i32
      %dma_wait3A_396 = arith.constant 0 : i32
      %dma_wait3A_397 = tpu.memref_slice %arg4[%dma_wait3A_394, %dma_wait3A_395, %dma_wait3A_396] : memref<2x64x512xf32, #tpu.memory_space<vmem>> -> memref<1x64x512xf32, #tpu.memory_space<vmem>>
      %dma_wait3A_398 = tpu.memref_squeeze %dma_wait3A_397 : memref<1x64x512xf32, #tpu.memory_space<vmem>> -> memref<64x512xf32, #tpu.memory_space<vmem>>
      %dma_wait3A_399 = arith.constant 0 : i32
      %dma_wait3A_400 = tpu.memref_slice %arg2[%add3A_387, %add3A_393, %dma_wait3A_399] : memref<192x512x512xf32, #tpu.memory_space<hbm>> -> memref<1x64x512xf32, #tpu.memory_space<hbm>>
      %dma_wait3A_401 = tpu.memref_squeeze %dma_wait3A_400 : memref<1x64x512xf32, #tpu.memory_space<hbm>> -> memref<64x512xf32, #tpu.memory_space<hbm>>
      %dma_wait3A_402 = arith.constant 0 : i32
      %dma_wait3A_403 = arith.constant 0 : i32
      %dma_wait3A_404 = tpu.memref_slice %arg4[%dma_wait3A_394, %dma_wait3A_402, %dma_wait3A_403] : memref<2x64x512xf32, #tpu.memory_space<vmem>> -> memref<1x64x512xf32, #tpu.memory_space<vmem>>
      %dma_wait3A_405 = tpu.memref_squeeze %dma_wait3A_404 : memref<1x64x512xf32, #tpu.memory_space<vmem>> -> memref<64x512xf32, #tpu.memory_space<vmem>>
      %dma_wait3A_406 = arith.constant 0 : i32
      %dma_wait3A_407 = tpu.memref_slice %arg2[%add3A_387, %add3A_393, %dma_wait3A_406] : memref<192x512x512xf32, #tpu.memory_space<hbm>> -> memref<1x64x512xf32, #tpu.memory_space<hbm>>
      %dma_wait3A_408 = tpu.memref_squeeze %dma_wait3A_407 : memref<1x64x512xf32, #tpu.memory_space<hbm>> -> memref<64x512xf32, #tpu.memory_space<hbm>>
      tpu.wait_dma2 semaphore(%arg6 : memref<!tpu.dma_semaphore, #tpu.memory_space<semaphore_mem>>) src(%dma_wait3A_408 : memref<64x512xf32, #tpu.memory_space<hbm>>) dst(%dma_wait3A_405 : memref<64x512xf32, #tpu.memory_space<vmem>>)
      %mul3A_409 = arith.constant 64 : i32
      %mul3A_410 = arith.muli %rem3A_389, %mul3A_409 : i32
      %dma_wait3A_411 = arith.constant 0 : i32
      %dma_wait3A_412 = arith.constant 0 : i32
      %dma_wait3A_413 = arith.constant 0 : i32
      %dma_wait3A_414 = tpu.memref_slice %arg5[%dma_wait3A_411, %dma_wait3A_412, %dma_wait3A_413] : memref<2x64x448xf32, #tpu.memory_space<vmem>> -> memref<1x64x448xf32, #tpu.memory_space<vmem>>
      %dma_wait3A_415 = tpu.memref_squeeze %dma_wait3A_414 : memref<1x64x448xf32, #tpu.memory_space<vmem>> -> memref<64x448xf32, #tpu.memory_space<vmem>>
      %dma_wait3A_416 = arith.constant 0 : i32
      %dma_wait3A_417 = tpu.memref_slice %arg3[%add3A_387, %mul3A_410, %dma_wait3A_416] : memref<192x448x448xf32, #tpu.memory_space<hbm>> -> memref<1x64x448xf32, #tpu.memory_space<hbm>>
      %dma_wait3A_418 = tpu.memref_squeeze %dma_wait3A_417 : memref<1x64x448xf32, #tpu.memory_space<hbm>> -> memref<64x448xf32, #tpu.memory_space<hbm>>
      %dma_wait3A_419 = arith.constant 0 : i32
      %dma_wait3A_420 = tpu.memref_slice %arg3[%add3A_387, %mul3A_410, %dma_wait3A_419] : memref<192x448x448xf32, #tpu.memory_space<hbm>> -> memref<1x64x448xf32, #tpu.memory_space<hbm>>
      %dma_wait3A_421 = tpu.memref_squeeze %dma_wait3A_420 : memref<1x64x448xf32, #tpu.memory_space<hbm>> -> memref<64x448xf32, #tpu.memory_space<hbm>>
      %dma_wait3A_422 = arith.constant 0 : i32
      %dma_wait3A_423 = arith.constant 0 : i32
      %dma_wait3A_424 = tpu.memref_slice %arg5[%dma_wait3A_411, %dma_wait3A_422, %dma_wait3A_423] : memref<2x64x448xf32, #tpu.memory_space<vmem>> -> memref<1x64x448xf32, #tpu.memory_space<vmem>>
      %dma_wait3A_425 = tpu.memref_squeeze %dma_wait3A_424 : memref<1x64x448xf32, #tpu.memory_space<vmem>> -> memref<64x448xf32, #tpu.memory_space<vmem>>
      tpu.wait_dma2 semaphore(%arg8 : memref<!tpu.dma_semaphore, #tpu.memory_space<semaphore_mem>>) src(%dma_wait3A_425 : memref<64x448xf32, #tpu.memory_space<vmem>>) dst(%dma_wait3A_421 : memref<64x448xf32, #tpu.memory_space<hbm>>)
      %scan3A_426 = arith.constant 0 : i32
      %scan3A_427 = arith.constant 0 : i32
      %scan3A_428 = arith.constant 64 : i32
      %scan3A_429 = arith.addi %scan3A_427, %scan3A_428 : i32
      %scan3A_430 = arith.constant 1 : i32
      scf.for %scan3A_635 = %scan3A_427 to %scan3A_429 step %scan3A_430  : i32 {
        %get3A = arith.constant 0 : i32
        %get3A_636 = arith.index_cast %get3A : i32 to index
        %get3A_637 = arith.index_cast %scan3A_635 : i32 to index
        %get3A_638 = arith.constant 32 : index
        %get3A_639 = tpu.vector_load %arg4[%get3A_636, %get3A_637, %get3A_638] {strides = array<i32>} : memref<2x64x512xf32, #tpu.memory_space<vmem>>, vector<1x1x16xf32>,
        %get3A_640 = vector.shape_cast %get3A_639 : vector<1x1x16xf32> to vector<16xf32>
        %swap3A = arith.constant 0 : i32
        %swap3A_641 = arith.index_cast %swap3A : i32 to index
        %swap3A_642 = arith.index_cast %scan3A_635 : i32 to index
        %swap3A_643 = arith.constant 0 : index
        %swap3A_644 = tpu.vector_load %arg5[%swap3A_641, %swap3A_642, %swap3A_643] {strides = array<i32>} : memref<2x64x448xf32, #tpu.memory_space<vmem>>, vector<1x1x16xf32>,
        %swap3A_645 = vector.shape_cast %swap3A_644 : vector<1x1x16xf32> to vector<16xf32>
        %swap3A_646 = vector.shape_cast %get3A_640 : vector<16xf32> to vector<1x1x16xf32>
        tpu.vector_store %arg5[%swap3A_641, %swap3A_642, %swap3A_643], %swap3A_646 {strides = array<i32>} : memref<2x64x448xf32, #tpu.memory_space<vmem>>, vector<1x1x16xf32>,
        %get3A_647 = arith.constant 0 : i32
        %get3A_648 = arith.index_cast %get3A_647 : i32 to index
        %get3A_649 = arith.index_cast %scan3A_635 : i32 to index
        %get3A_650 = arith.constant 48 : index
        %get3A_651 = tpu.vector_load %arg4[%get3A_648, %get3A_649, %get3A_650] {strides = array<i32>} : memref<2x64x512xf32, #tpu.memory_space<vmem>>, vector<1x1x16xf32>,
        %get3A_652 = vector.shape_cast %get3A_651 : vector<1x1x16xf32> to vector<16xf32>
        %swap3A_653 = arith.constant 0 : i32
        %swap3A_654 = arith.index_cast %swap3A_653 : i32 to index
        %swap3A_655 = arith.index_cast %scan3A_635 : i32 to index
        %swap3A_656 = arith.constant 16 : index
        %swap3A_657 = tpu.vector_load %arg5[%swap3A_654, %swap3A_655, %swap3A_656] {strides = array<i32>} : memref<2x64x448xf32, #tpu.memory_space<vmem>>, vector<1x1x16xf32>,
        %swap3A_658 = vector.shape_cast %swap3A_657 : vector<1x1x16xf32> to vector<16xf32>
        %swap3A_659 = vector.shape_cast %get3A_652 : vector<16xf32> to vector<1x1x16xf32>
        tpu.vector_store %arg5[%swap3A_654, %swap3A_655, %swap3A_656], %swap3A_659 {strides = array<i32>} : memref<2x64x448xf32, #tpu.memory_space<vmem>>, vector<1x1x16xf32>,
        %get3A_660 = arith.constant 0 : i32
        %get3A_661 = arith.index_cast %get3A_660 : i32 to index
        %get3A_662 = arith.index_cast %scan3A_635 : i32 to index
        %get3A_663 = arith.constant 64 : index
        %get3A_664 = tpu.vector_load %arg4[%get3A_661, %get3A_662, %get3A_663] {strides = array<i32>} : memref<2x64x512xf32, #tpu.memory_space<vmem>>, vector<1x1x16xf32>,
        %get3A_665 = vector.shape_cast %get3A_664 : vector<1x1x16xf32> to vector<16xf32>
        %swap3A_666 = arith.constant 0 : i32
        %swap3A_667 = arith.index_cast %swap3A_666 : i32 to index
        %swap3A_668 = arith.index_cast %scan3A_635 : i32 to index
        %swap3A_669 = arith.constant 32 : index
        %swap3A_670 = tpu.vector_load %arg5[%swap3A_667, %swap3A_668, %swap3A_669] {strides = array<i32>} : memref<2x64x448xf32, #tpu.memory_space<vmem>>, vector<1x1x16xf32>,
        %swap3A_671 = vector.shape_cast %swap3A_670 : vector<1x1x16xf32> to vector<16xf32>
        %swap3A_672 = vector.shape_cast %get3A_665 : vector<16xf32> to vector<1x1x16xf32>
        tpu.vector_store %arg5[%swap3A_667, %swap3A_668, %swap3A_669], %swap3A_672 {strides = array<i32>} : memref<2x64x448xf32, #tpu.memory_space<vmem>>, vector<1x1x16xf32>,
        %get3A_673 = arith.constant 0 : i32
        %get3A_674 = arith.index_cast %get3A_673 : i32 to index
        %get3A_675 = arith.index_cast %scan3A_635 : i32 to index
        %get3A_676 = arith.constant 80 : index
        %get3A_677 = tpu.vector_load %arg4[%get3A_674, %get3A_675, %get3A_676] {strides = array<i32>} : memref<2x64x512xf32, #tpu.memory_space<vmem>>, vector<1x1x16xf32>,
        %get3A_678 = vector.shape_cast %get3A_677 : vector<1x1x16xf32> to vector<16xf32>
        %swap3A_679 = arith.constant 0 : i32
        %swap3A_680 = arith.index_cast %swap3A_679 : i32 to index
        %swap3A_681 = arith.index_cast %scan3A_635 : i32 to index
        %swap3A_682 = arith.constant 48 : index
        %swap3A_683 = tpu.vector_load %arg5[%swap3A_680, %swap3A_681, %swap3A_682] {strides = array<i32>} : memref<2x64x448xf32, #tpu.memory_space<vmem>>, vector<1x1x16xf32>,
        %swap3A_684 = vector.shape_cast %swap3A_683 : vector<1x1x16xf32> to vector<16xf32>
        %swap3A_685 = vector.shape_cast %get3A_678 : vector<16xf32> to vector<1x1x16xf32>
        tpu.vector_store %arg5[%swap3A_680, %swap3A_681, %swap3A_682], %swap3A_685 {strides = array<i32>} : memref<2x64x448xf32, #tpu.memory_space<vmem>>, vector<1x1x16xf32>,
        %get3A_686 = arith.constant 0 : i32
        %get3A_687 = arith.index_cast %get3A_686 : i32 to index
        %get3A_688 = arith.index_cast %scan3A_635 : i32 to index
        %get3A_689 = arith.constant 96 : index
        %get3A_690 = tpu.vector_load %arg4[%get3A_687, %get3A_688, %get3A_689] {strides = array<i32>} : memref<2x64x512xf32, #tpu.memory_space<vmem>>, vector<1x1x16xf32>,
        %get3A_691 = vector.shape_cast %get3A_690 : vector<1x1x16xf32> to vector<16xf32>
        %swap3A_692 = arith.constant 0 : i32
        %swap3A_693 = arith.index_cast %swap3A_692 : i32 to index
        %swap3A_694 = arith.index_cast %scan3A_635 : i32 to index
        %swap3A_695 = arith.constant 64 : index
        %swap3A_696 = tpu.vector_load %arg5[%swap3A_693, %swap3A_694, %swap3A_695] {strides = array<i32>} : memref<2x64x448xf32, #tpu.memory_space<vmem>>, vector<1x1x16xf32>,
        %swap3A_697 = vector.shape_cast %swap3A_696 : vector<1x1x16xf32> to vector<16xf32>
        %swap3A_698 = vector.shape_cast %get3A_691 : vector<16xf32> to vector<1x1x16xf32>
        tpu.vector_store %arg5[%swap3A_693, %swap3A_694, %swap3A_695], %swap3A_698 {strides = array<i32>} : memref<2x64x448xf32, #tpu.memory_space<vmem>>, vector<1x1x16xf32>,
        %get3A_699 = arith.constant 0 : i32
        %get3A_700 = arith.index_cast %get3A_699 : i32 to index
        %get3A_701 = arith.index_cast %scan3A_635 : i32 to index
        %get3A_702 = arith.constant 112 : index
        %get3A_703 = tpu.vector_load %arg4[%get3A_700, %get3A_701, %get3A_702] {strides = array<i32>} : memref<2x64x512xf32, #tpu.memory_space<vmem>>, vector<1x1x16xf32>,
        %get3A_704 = vector.shape_cast %get3A_703 : vector<1x1x16xf32> to vector<16xf32>
        %swap3A_705 = arith.constant 0 : i32
        %swap3A_706 = arith.index_cast %swap3A_705 : i32 to index
        %swap3A_707 = arith.index_cast %scan3A_635 : i32 to index
        %swap3A_708 = arith.constant 80 : index
        %swap3A_709 = tpu.vector_load %arg5[%swap3A_706, %swap3A_707, %swap3A_708] {strides = array<i32>} : memref<2x64x448xf32, #tpu.memory_space<vmem>>, vector<1x1x16xf32>,
        %swap3A_710 = vector.shape_cast %swap3A_709 : vector<1x1x16xf32> to vector<16xf32>
        %swap3A_711 = vector.shape_cast %get3A_704 : vector<16xf32> to vector<1x1x16xf32>
        tpu.vector_store %arg5[%swap3A_706, %swap3A_707, %swap3A_708], %swap3A_711 {strides = array<i32>} : memref<2x64x448xf32, #tpu.memory_space<vmem>>, vector<1x1x16xf32>,
        %get3A_712 = arith.constant 0 : i32
        %get3A_713 = arith.index_cast %get3A_712 : i32 to index
        %get3A_714 = arith.index_cast %scan3A_635 : i32 to index
        %get3A_715 = arith.constant 128 : index
        %get3A_716 = tpu.vector_load %arg4[%get3A_713, %get3A_714, %get3A_715] {strides = array<i32>} : memref<2x64x512xf32, #tpu.memory_space<vmem>>, vector<1x1x16xf32>,
        %get3A_717 = vector.shape_cast %get3A_716 : vector<1x1x16xf32> to vector<16xf32>
        %swap3A_718 = arith.constant 0 : i32
        %swap3A_719 = arith.index_cast %swap3A_718 : i32 to index
        %swap3A_720 = arith.index_cast %scan3A_635 : i32 to index
        %swap3A_721 = arith.constant 96 : index
        %swap3A_722 = tpu.vector_load %arg5[%swap3A_719, %swap3A_720, %swap3A_721] {strides = array<i32>} : memref<2x64x448xf32, #tpu.memory_space<vmem>>, vector<1x1x16xf32>,
        %swap3A_723 = vector.shape_cast %swap3A_722 : vector<1x1x16xf32> to vector<16xf32>
        %swap3A_724 = vector.shape_cast %get3A_717 : vector<16xf32> to vector<1x1x16xf32>
        tpu.vector_store %arg5[%swap3A_719, %swap3A_720, %swap3A_721], %swap3A_724 {strides = array<i32>} : memref<2x64x448xf32, #tpu.memory_space<vmem>>, vector<1x1x16xf32>,
        %get3A_725 = arith.constant 0 : i32
        %get3A_726 = arith.index_cast %get3A_725 : i32 to index
        %get3A_727 = arith.index_cast %scan3A_635 : i32 to index
        %get3A_728 = arith.constant 144 : index
        %get3A_729 = tpu.vector_load %arg4[%get3A_726, %get3A_727, %get3A_728] {strides = array<i32>} : memref<2x64x512xf32, #tpu.memory_space<vmem>>, vector<1x1x16xf32>,
        %get3A_730 = vector.shape_cast %get3A_729 : vector<1x1x16xf32> to vector<16xf32>
        %swap3A_731 = arith.constant 0 : i32
        %swap3A_732 = arith.index_cast %swap3A_731 : i32 to index
        %swap3A_733 = arith.index_cast %scan3A_635 : i32 to index
        %swap3A_734 = arith.constant 112 : index
        %swap3A_735 = tpu.vector_load %arg5[%swap3A_732, %swap3A_733, %swap3A_734] {strides = array<i32>} : memref<2x64x448xf32, #tpu.memory_space<vmem>>, vector<1x1x16xf32>,
        %swap3A_736 = vector.shape_cast %swap3A_735 : vector<1x1x16xf32> to vector<16xf32>
        %swap3A_737 = vector.shape_cast %get3A_730 : vector<16xf32> to vector<1x1x16xf32>
        tpu.vector_store %arg5[%swap3A_732, %swap3A_733, %swap3A_734], %swap3A_737 {strides = array<i32>} : memref<2x64x448xf32, #tpu.memory_space<vmem>>, vector<1x1x16xf32>,
        %get3A_738 = arith.constant 0 : i32
        %get3A_739 = arith.index_cast %get3A_738 : i32 to index
        %get3A_740 = arith.index_cast %scan3A_635 : i32 to index
        %get3A_741 = arith.constant 160 : index
        %get3A_742 = tpu.vector_load %arg4[%get3A_739, %get3A_740, %get3A_741] {strides = array<i32>} : memref<2x64x512xf32, #tpu.memory_space<vmem>>, vector<1x1x16xf32>,
        %get3A_743 = vector.shape_cast %get3A_742 : vector<1x1x16xf32> to vector<16xf32>
        %swap3A_744 = arith.constant 0 : i32
        %swap3A_745 = arith.index_cast %swap3A_744 : i32 to index
        %swap3A_746 = arith.index_cast %scan3A_635 : i32 to index
        %swap3A_747 = arith.constant 128 : index
        %swap3A_748 = tpu.vector_load %arg5[%swap3A_745, %swap3A_746, %swap3A_747] {strides = array<i32>} : memref<2x64x448xf32, #tpu.memory_space<vmem>>, vector<1x1x16xf32>,
        %swap3A_749 = vector.shape_cast %swap3A_748 : vector<1x1x16xf32> to vector<16xf32>
        %swap3A_750 = vector.shape_cast %get3A_743 : vector<16xf32> to vector<1x1x16xf32>
        tpu.vector_store %arg5[%swap3A_745, %swap3A_746, %swap3A_747], %swap3A_750 {strides = array<i32>} : memref<2x64x448xf32, #tpu.memory_space<vmem>>, vector<1x1x16xf32>,
        %get3A_751 = arith.constant 0 : i32
        %get3A_752 = arith.index_cast %get3A_751 : i32 to index
        %get3A_753 = arith.index_cast %scan3A_635 : i32 to index
        %get3A_754 = arith.constant 176 : index
        %get3A_755 = tpu.vector_load %arg4[%get3A_752, %get3A_753, %get3A_754] {strides = array<i32>} : memref<2x64x512xf32, #tpu.memory_space<vmem>>, vector<1x1x16xf32>,
        %get3A_756 = vector.shape_cast %get3A_755 : vector<1x1x16xf32> to vector<16xf32>
        %swap3A_757 = arith.constant 0 : i32
        %swap3A_758 = arith.index_cast %swap3A_757 : i32 to index
        %swap3A_759 = arith.index_cast %scan3A_635 : i32 to index
        %swap3A_760 = arith.constant 144 : index
        %swap3A_761 = tpu.vector_load %arg5[%swap3A_758, %swap3A_759, %swap3A_760] {strides = array<i32>} : memref<2x64x448xf32, #tpu.memory_space<vmem>>, vector<1x1x16xf32>,
        %swap3A_762 = vector.shape_cast %swap3A_761 : vector<1x1x16xf32> to vector<16xf32>
        %swap3A_763 = vector.shape_cast %get3A_756 : vector<16xf32> to vector<1x1x16xf32>
        tpu.vector_store %arg5[%swap3A_758, %swap3A_759, %swap3A_760], %swap3A_763 {strides = array<i32>} : memref<2x64x448xf32, #tpu.memory_space<vmem>>, vector<1x1x16xf32>,
        %get3A_764 = arith.constant 0 : i32
        %get3A_765 = arith.index_cast %get3A_764 : i32 to index
        %get3A_766 = arith.index_cast %scan3A_635 : i32 to index
        %get3A_767 = arith.constant 192 : index
        %get3A_768 = tpu.vector_load %arg4[%get3A_765, %get3A_766, %get3A_767] {strides = array<i32>} : memref<2x64x512xf32, #tpu.memory_space<vmem>>, vector<1x1x16xf32>,
        %get3A_769 = vector.shape_cast %get3A_768 : vector<1x1x16xf32> to vector<16xf32>
        %swap3A_770 = arith.constant 0 : i32
        %swap3A_771 = arith.index_cast %swap3A_770 : i32 to index
        %swap3A_772 = arith.index_cast %scan3A_635 : i32 to index
        %swap3A_773 = arith.constant 160 : index
        %swap3A_774 = tpu.vector_load %arg5[%swap3A_771, %swap3A_772, %swap3A_773] {strides = array<i32>} : memref<2x64x448xf32, #tpu.memory_space<vmem>>, vector<1x1x16xf32>,
        %swap3A_775 = vector.shape_cast %swap3A_774 : vector<1x1x16xf32> to vector<16xf32>
        %swap3A_776 = vector.shape_cast %get3A_769 : vector<16xf32> to vector<1x1x16xf32>
        tpu.vector_store %arg5[%swap3A_771, %swap3A_772, %swap3A_773], %swap3A_776 {strides = array<i32>} : memref<2x64x448xf32, #tpu.memory_space<vmem>>, vector<1x1x16xf32>,
        %get3A_777 = arith.constant 0 : i32
        %get3A_778 = arith.index_cast %get3A_777 : i32 to index
        %get3A_779 = arith.index_cast %scan3A_635 : i32 to index
        %get3A_780 = arith.constant 208 : index
        %get3A_781 = tpu.vector_load %arg4[%get3A_778, %get3A_779, %get3A_780] {strides = array<i32>} : memref<2x64x512xf32, #tpu.memory_space<vmem>>, vector<1x1x16xf32>,
        %get3A_782 = vector.shape_cast %get3A_781 : vector<1x1x16xf32> to vector<16xf32>
        %swap3A_783 = arith.constant 0 : i32
        %swap3A_784 = arith.index_cast %swap3A_783 : i32 to index
        %swap3A_785 = arith.index_cast %scan3A_635 : i32 to index
        %swap3A_786 = arith.constant 176 : index
        %swap3A_787 = tpu.vector_load %arg5[%swap3A_784, %swap3A_785, %swap3A_786] {strides = array<i32>} : memref<2x64x448xf32, #tpu.memory_space<vmem>>, vector<1x1x16xf32>,
        %swap3A_788 = vector.shape_cast %swap3A_787 : vector<1x1x16xf32> to vector<16xf32>
        %swap3A_789 = vector.shape_cast %get3A_782 : vector<16xf32> to vector<1x1x16xf32>
        tpu.vector_store %arg5[%swap3A_784, %swap3A_785, %swap3A_786], %swap3A_789 {strides = array<i32>} : memref<2x64x448xf32, #tpu.memory_space<vmem>>, vector<1x1x16xf32>,
        %get3A_790 = arith.constant 0 : i32
        %get3A_791 = arith.index_cast %get3A_790 : i32 to index
        %get3A_792 = arith.index_cast %scan3A_635 : i32 to index
        %get3A_793 = arith.constant 224 : index
        %get3A_794 = tpu.vector_load %arg4[%get3A_791, %get3A_792, %get3A_793] {strides = array<i32>} : memref<2x64x512xf32, #tpu.memory_space<vmem>>, vector<1x1x16xf32>,
        %get3A_795 = vector.shape_cast %get3A_794 : vector<1x1x16xf32> to vector<16xf32>
        %swap3A_796 = arith.constant 0 : i32
        %swap3A_797 = arith.index_cast %swap3A_796 : i32 to index
        %swap3A_798 = arith.index_cast %scan3A_635 : i32 to index
        %swap3A_799 = arith.constant 192 : index
        %swap3A_800 = tpu.vector_load %arg5[%swap3A_797, %swap3A_798, %swap3A_799] {strides = array<i32>} : memref<2x64x448xf32, #tpu.memory_space<vmem>>, vector<1x1x16xf32>,
        %swap3A_801 = vector.shape_cast %swap3A_800 : vector<1x1x16xf32> to vector<16xf32>
        %swap3A_802 = vector.shape_cast %get3A_795 : vector<16xf32> to vector<1x1x16xf32>
        tpu.vector_store %arg5[%swap3A_797, %swap3A_798, %swap3A_799], %swap3A_802 {strides = array<i32>} : memref<2x64x448xf32, #tpu.memory_space<vmem>>, vector<1x1x16xf32>,
        %get3A_803 = arith.constant 0 : i32
        %get3A_804 = arith.index_cast %get3A_803 : i32 to index
        %get3A_805 = arith.index_cast %scan3A_635 : i32 to index
        %get3A_806 = arith.constant 240 : index
        %get3A_807 = tpu.vector_load %arg4[%get3A_804, %get3A_805, %get3A_806] {strides = array<i32>} : memref<2x64x512xf32, #tpu.memory_space<vmem>>, vector<1x1x16xf32>,
        %get3A_808 = vector.shape_cast %get3A_807 : vector<1x1x16xf32> to vector<16xf32>
        %swap3A_809 = arith.constant 0 : i32
        %swap3A_810 = arith.index_cast %swap3A_809 : i32 to index
        %swap3A_811 = arith.index_cast %scan3A_635 : i32 to index
        %swap3A_812 = arith.constant 208 : index
        %swap3A_813 = tpu.vector_load %arg5[%swap3A_810, %swap3A_811, %swap3A_812] {strides = array<i32>} : memref<2x64x448xf32, #tpu.memory_space<vmem>>, vector<1x1x16xf32>,
        %swap3A_814 = vector.shape_cast %swap3A_813 : vector<1x1x16xf32> to vector<16xf32>
        %swap3A_815 = vector.shape_cast %get3A_808 : vector<16xf32> to vector<1x1x16xf32>
        tpu.vector_store %arg5[%swap3A_810, %swap3A_811, %swap3A_812], %swap3A_815 {strides = array<i32>} : memref<2x64x448xf32, #tpu.memory_space<vmem>>, vector<1x1x16xf32>,
        %get3A_816 = arith.constant 0 : i32
        %get3A_817 = arith.index_cast %get3A_816 : i32 to index
        %get3A_818 = arith.index_cast %scan3A_635 : i32 to index
        %get3A_819 = arith.constant 256 : index
        %get3A_820 = tpu.vector_load %arg4[%get3A_817, %get3A_818, %get3A_819] {strides = array<i32>} : memref<2x64x512xf32, #tpu.memory_space<vmem>>, vector<1x1x16xf32>,
        %get3A_821 = vector.shape_cast %get3A_820 : vector<1x1x16xf32> to vector<16xf32>
        %swap3A_822 = arith.constant 0 : i32
        %swap3A_823 = arith.index_cast %swap3A_822 : i32 to index
        %swap3A_824 = arith.index_cast %scan3A_635 : i32 to index
        %swap3A_825 = arith.constant 224 : index
        %swap3A_826 = tpu.vector_load %arg5[%swap3A_823, %swap3A_824, %swap3A_825] {strides = array<i32>} : memref<2x64x448xf32, #tpu.memory_space<vmem>>, vector<1x1x16xf32>,
        %swap3A_827 = vector.shape_cast %swap3A_826 : vector<1x1x16xf32> to vector<16xf32>
        %swap3A_828 = vector.shape_cast %get3A_821 : vector<16xf32> to vector<1x1x16xf32>
        tpu.vector_store %arg5[%swap3A_823, %swap3A_824, %swap3A_825], %swap3A_828 {strides = array<i32>} : memref<2x64x448xf32, #tpu.memory_space<vmem>>, vector<1x1x16xf32>,
        %get3A_829 = arith.constant 0 : i32
        %get3A_830 = arith.index_cast %get3A_829 : i32 to index
        %get3A_831 = arith.index_cast %scan3A_635 : i32 to index
        %get3A_832 = arith.constant 272 : index
        %get3A_833 = tpu.vector_load %arg4[%get3A_830, %get3A_831, %get3A_832] {strides = array<i32>} : memref<2x64x512xf32, #tpu.memory_space<vmem>>, vector<1x1x16xf32>,
        %get3A_834 = vector.shape_cast %get3A_833 : vector<1x1x16xf32> to vector<16xf32>
        %swap3A_835 = arith.constant 0 : i32
        %swap3A_836 = arith.index_cast %swap3A_835 : i32 to index
        %swap3A_837 = arith.index_cast %scan3A_635 : i32 to index
        %swap3A_838 = arith.constant 240 : index
        %swap3A_839 = tpu.vector_load %arg5[%swap3A_836, %swap3A_837, %swap3A_838] {strides = array<i32>} : memref<2x64x448xf32, #tpu.memory_space<vmem>>, vector<1x1x16xf32>,
        %swap3A_840 = vector.shape_cast %swap3A_839 : vector<1x1x16xf32> to vector<16xf32>
        %swap3A_841 = vector.shape_cast %get3A_834 : vector<16xf32> to vector<1x1x16xf32>
        tpu.vector_store %arg5[%swap3A_836, %swap3A_837, %swap3A_838], %swap3A_841 {strides = array<i32>} : memref<2x64x448xf32, #tpu.memory_space<vmem>>, vector<1x1x16xf32>,
        %get3A_842 = arith.constant 0 : i32
        %get3A_843 = arith.index_cast %get3A_842 : i32 to index
        %get3A_844 = arith.index_cast %scan3A_635 : i32 to index
        %get3A_845 = arith.constant 288 : index
        %get3A_846 = tpu.vector_load %arg4[%get3A_843, %get3A_844, %get3A_845] {strides = array<i32>} : memref<2x64x512xf32, #tpu.memory_space<vmem>>, vector<1x1x16xf32>,
        %get3A_847 = vector.shape_cast %get3A_846 : vector<1x1x16xf32> to vector<16xf32>
        %swap3A_848 = arith.constant 0 : i32
        %swap3A_849 = arith.index_cast %swap3A_848 : i32 to index
        %swap3A_850 = arith.index_cast %scan3A_635 : i32 to index
        %swap3A_851 = arith.constant 256 : index
        %swap3A_852 = tpu.vector_load %arg5[%swap3A_849, %swap3A_850, %swap3A_851] {strides = array<i32>} : memref<2x64x448xf32, #tpu.memory_space<vmem>>, vector<1x1x16xf32>,
        %swap3A_853 = vector.shape_cast %swap3A_852 : vector<1x1x16xf32> to vector<16xf32>
        %swap3A_854 = vector.shape_cast %get3A_847 : vector<16xf32> to vector<1x1x16xf32>
        tpu.vector_store %arg5[%swap3A_849, %swap3A_850, %swap3A_851], %swap3A_854 {strides = array<i32>} : memref<2x64x448xf32, #tpu.memory_space<vmem>>, vector<1x1x16xf32>,
        %get3A_855 = arith.constant 0 : i32
        %get3A_856 = arith.index_cast %get3A_855 : i32 to index
        %get3A_857 = arith.index_cast %scan3A_635 : i32 to index
        %get3A_858 = arith.constant 304 : index
        %get3A_859 = tpu.vector_load %arg4[%get3A_856, %get3A_857, %get3A_858] {strides = array<i32>} : memref<2x64x512xf32, #tpu.memory_space<vmem>>, vector<1x1x16xf32>,
        %get3A_860 = vector.shape_cast %get3A_859 : vector<1x1x16xf32> to vector<16xf32>
        %swap3A_861 = arith.constant 0 : i32
        %swap3A_862 = arith.index_cast %swap3A_861 : i32 to index
        %swap3A_863 = arith.index_cast %scan3A_635 : i32 to index
        %swap3A_864 = arith.constant 272 : index
        %swap3A_865 = tpu.vector_load %arg5[%swap3A_862, %swap3A_863, %swap3A_864] {strides = array<i32>} : memref<2x64x448xf32, #tpu.memory_space<vmem>>, vector<1x1x16xf32>,
        %swap3A_866 = vector.shape_cast %swap3A_865 : vector<1x1x16xf32> to vector<16xf32>
        %swap3A_867 = vector.shape_cast %get3A_860 : vector<16xf32> to vector<1x1x16xf32>
        tpu.vector_store %arg5[%swap3A_862, %swap3A_863, %swap3A_864], %swap3A_867 {strides = array<i32>} : memref<2x64x448xf32, #tpu.memory_space<vmem>>, vector<1x1x16xf32>,
        %get3A_868 = arith.constant 0 : i32
        %get3A_869 = arith.index_cast %get3A_868 : i32 to index
        %get3A_870 = arith.index_cast %scan3A_635 : i32 to index
        %get3A_871 = arith.constant 320 : index
        %get3A_872 = tpu.vector_load %arg4[%get3A_869, %get3A_870, %get3A_871] {strides = array<i32>} : memref<2x64x512xf32, #tpu.memory_space<vmem>>, vector<1x1x16xf32>,
        %get3A_873 = vector.shape_cast %get3A_872 : vector<1x1x16xf32> to vector<16xf32>
        %swap3A_874 = arith.constant 0 : i32
        %swap3A_875 = arith.index_cast %swap3A_874 : i32 to index
        %swap3A_876 = arith.index_cast %scan3A_635 : i32 to index
        %swap3A_877 = arith.constant 288 : index
        %swap3A_878 = tpu.vector_load %arg5[%swap3A_875, %swap3A_876, %swap3A_877] {strides = array<i32>} : memref<2x64x448xf32, #tpu.memory_space<vmem>>, vector<1x1x16xf32>,
        %swap3A_879 = vector.shape_cast %swap3A_878 : vector<1x1x16xf32> to vector<16xf32>
        %swap3A_880 = vector.shape_cast %get3A_873 : vector<16xf32> to vector<1x1x16xf32>
        tpu.vector_store %arg5[%swap3A_875, %swap3A_876, %swap3A_877], %swap3A_880 {strides = array<i32>} : memref<2x64x448xf32, #tpu.memory_space<vmem>>, vector<1x1x16xf32>,
        %get3A_881 = arith.constant 0 : i32
        %get3A_882 = arith.index_cast %get3A_881 : i32 to index
        %get3A_883 = arith.index_cast %scan3A_635 : i32 to index
        %get3A_884 = arith.constant 336 : index
        %get3A_885 = tpu.vector_load %arg4[%get3A_882, %get3A_883, %get3A_884] {strides = array<i32>} : memref<2x64x512xf32, #tpu.memory_space<vmem>>, vector<1x1x16xf32>,
        %get3A_886 = vector.shape_cast %get3A_885 : vector<1x1x16xf32> to vector<16xf32>
        %swap3A_887 = arith.constant 0 : i32
        %swap3A_888 = arith.index_cast %swap3A_887 : i32 to index
        %swap3A_889 = arith.index_cast %scan3A_635 : i32 to index
        %swap3A_890 = arith.constant 304 : index
        %swap3A_891 = tpu.vector_load %arg5[%swap3A_888, %swap3A_889, %swap3A_890] {strides = array<i32>} : memref<2x64x448xf32, #tpu.memory_space<vmem>>, vector<1x1x16xf32>,
        %swap3A_892 = vector.shape_cast %swap3A_891 : vector<1x1x16xf32> to vector<16xf32>
        %swap3A_893 = vector.shape_cast %get3A_886 : vector<16xf32> to vector<1x1x16xf32>
        tpu.vector_store %arg5[%swap3A_888, %swap3A_889, %swap3A_890], %swap3A_893 {strides = array<i32>} : memref<2x64x448xf32, #tpu.memory_space<vmem>>, vector<1x1x16xf32>,
        %get3A_894 = arith.constant 0 : i32
        %get3A_895 = arith.index_cast %get3A_894 : i32 to index
        %get3A_896 = arith.index_cast %scan3A_635 : i32 to index
        %get3A_897 = arith.constant 352 : index
        %get3A_898 = tpu.vector_load %arg4[%get3A_895, %get3A_896, %get3A_897] {strides = array<i32>} : memref<2x64x512xf32, #tpu.memory_space<vmem>>, vector<1x1x16xf32>,
        %get3A_899 = vector.shape_cast %get3A_898 : vector<1x1x16xf32> to vector<16xf32>
        %swap3A_900 = arith.constant 0 : i32
        %swap3A_901 = arith.index_cast %swap3A_900 : i32 to index
        %swap3A_902 = arith.index_cast %scan3A_635 : i32 to index
        %swap3A_903 = arith.constant 320 : index
        %swap3A_904 = tpu.vector_load %arg5[%swap3A_901, %swap3A_902, %swap3A_903] {strides = array<i32>} : memref<2x64x448xf32, #tpu.memory_space<vmem>>, vector<1x1x16xf32>,
        %swap3A_905 = vector.shape_cast %swap3A_904 : vector<1x1x16xf32> to vector<16xf32>
        %swap3A_906 = vector.shape_cast %get3A_899 : vector<16xf32> to vector<1x1x16xf32>
        tpu.vector_store %arg5[%swap3A_901, %swap3A_902, %swap3A_903], %swap3A_906 {strides = array<i32>} : memref<2x64x448xf32, #tpu.memory_space<vmem>>, vector<1x1x16xf32>,
        %get3A_907 = arith.constant 0 : i32
        %get3A_908 = arith.index_cast %get3A_907 : i32 to index
        %get3A_909 = arith.index_cast %scan3A_635 : i32 to index
        %get3A_910 = arith.constant 368 : index
        %get3A_911 = tpu.vector_load %arg4[%get3A_908, %get3A_909, %get3A_910] {strides = array<i32>} : memref<2x64x512xf32, #tpu.memory_space<vmem>>, vector<1x1x16xf32>,
        %get3A_912 = vector.shape_cast %get3A_911 : vector<1x1x16xf32> to vector<16xf32>
        %swap3A_913 = arith.constant 0 : i32
        %swap3A_914 = arith.index_cast %swap3A_913 : i32 to index
        %swap3A_915 = arith.index_cast %scan3A_635 : i32 to index
        %swap3A_916 = arith.constant 336 : index
        %swap3A_917 = tpu.vector_load %arg5[%swap3A_914, %swap3A_915, %swap3A_916] {strides = array<i32>} : memref<2x64x448xf32, #tpu.memory_space<vmem>>, vector<1x1x16xf32>,
        %swap3A_918 = vector.shape_cast %swap3A_917 : vector<1x1x16xf32> to vector<16xf32>
        %swap3A_919 = vector.shape_cast %get3A_912 : vector<16xf32> to vector<1x1x16xf32>
        tpu.vector_store %arg5[%swap3A_914, %swap3A_915, %swap3A_916], %swap3A_919 {strides = array<i32>} : memref<2x64x448xf32, #tpu.memory_space<vmem>>, vector<1x1x16xf32>,
        %get3A_920 = arith.constant 0 : i32
        %get3A_921 = arith.index_cast %get3A_920 : i32 to index
        %get3A_922 = arith.index_cast %scan3A_635 : i32 to index
        %get3A_923 = arith.constant 384 : index
        %get3A_924 = tpu.vector_load %arg4[%get3A_921, %get3A_922, %get3A_923] {strides = array<i32>} : memref<2x64x512xf32, #tpu.memory_space<vmem>>, vector<1x1x16xf32>,
        %get3A_925 = vector.shape_cast %get3A_924 : vector<1x1x16xf32> to vector<16xf32>
        %swap3A_926 = arith.constant 0 : i32
        %swap3A_927 = arith.index_cast %swap3A_926 : i32 to index
        %swap3A_928 = arith.index_cast %scan3A_635 : i32 to index
        %swap3A_929 = arith.constant 352 : index
        %swap3A_930 = tpu.vector_load %arg5[%swap3A_927, %swap3A_928, %swap3A_929] {strides = array<i32>} : memref<2x64x448xf32, #tpu.memory_space<vmem>>, vector<1x1x16xf32>,
        %swap3A_931 = vector.shape_cast %swap3A_930 : vector<1x1x16xf32> to vector<16xf32>
        %swap3A_932 = vector.shape_cast %get3A_925 : vector<16xf32> to vector<1x1x16xf32>
        tpu.vector_store %arg5[%swap3A_927, %swap3A_928, %swap3A_929], %swap3A_932 {strides = array<i32>} : memref<2x64x448xf32, #tpu.memory_space<vmem>>, vector<1x1x16xf32>,
        %get3A_933 = arith.constant 0 : i32
        %get3A_934 = arith.index_cast %get3A_933 : i32 to index
        %get3A_935 = arith.index_cast %scan3A_635 : i32 to index
        %get3A_936 = arith.constant 400 : index
        %get3A_937 = tpu.vector_load %arg4[%get3A_934, %get3A_935, %get3A_936] {strides = array<i32>} : memref<2x64x512xf32, #tpu.memory_space<vmem>>, vector<1x1x16xf32>,
        %get3A_938 = vector.shape_cast %get3A_937 : vector<1x1x16xf32> to vector<16xf32>
        %swap3A_939 = arith.constant 0 : i32
        %swap3A_940 = arith.index_cast %swap3A_939 : i32 to index
        %swap3A_941 = arith.index_cast %scan3A_635 : i32 to index
        %swap3A_942 = arith.constant 368 : index
        %swap3A_943 = tpu.vector_load %arg5[%swap3A_940, %swap3A_941, %swap3A_942] {strides = array<i32>} : memref<2x64x448xf32, #tpu.memory_space<vmem>>, vector<1x1x16xf32>,
        %swap3A_944 = vector.shape_cast %swap3A_943 : vector<1x1x16xf32> to vector<16xf32>
        %swap3A_945 = vector.shape_cast %get3A_938 : vector<16xf32> to vector<1x1x16xf32>
        tpu.vector_store %arg5[%swap3A_940, %swap3A_941, %swap3A_942], %swap3A_945 {strides = array<i32>} : memref<2x64x448xf32, #tpu.memory_space<vmem>>, vector<1x1x16xf32>,
        %get3A_946 = arith.constant 0 : i32
        %get3A_947 = arith.index_cast %get3A_946 : i32 to index
        %get3A_948 = arith.index_cast %scan3A_635 : i32 to index
        %get3A_949 = arith.constant 416 : index
        %get3A_950 = tpu.vector_load %arg4[%get3A_947, %get3A_948, %get3A_949] {strides = array<i32>} : memref<2x64x512xf32, #tpu.memory_space<vmem>>, vector<1x1x16xf32>,
        %get3A_951 = vector.shape_cast %get3A_950 : vector<1x1x16xf32> to vector<16xf32>
        %swap3A_952 = arith.constant 0 : i32
        %swap3A_953 = arith.index_cast %swap3A_952 : i32 to index
        %swap3A_954 = arith.index_cast %scan3A_635 : i32 to index
        %swap3A_955 = arith.constant 384 : index
        %swap3A_956 = tpu.vector_load %arg5[%swap3A_953, %swap3A_954, %swap3A_955] {strides = array<i32>} : memref<2x64x448xf32, #tpu.memory_space<vmem>>, vector<1x1x16xf32>,
        %swap3A_957 = vector.shape_cast %swap3A_956 : vector<1x1x16xf32> to vector<16xf32>
        %swap3A_958 = vector.shape_cast %get3A_951 : vector<16xf32> to vector<1x1x16xf32>
        tpu.vector_store %arg5[%swap3A_953, %swap3A_954, %swap3A_955], %swap3A_958 {strides = array<i32>} : memref<2x64x448xf32, #tpu.memory_space<vmem>>, vector<1x1x16xf32>,
        %get3A_959 = arith.constant 0 : i32
        %get3A_960 = arith.index_cast %get3A_959 : i32 to index
        %get3A_961 = arith.index_cast %scan3A_635 : i32 to index
        %get3A_962 = arith.constant 432 : index
        %get3A_963 = tpu.vector_load %arg4[%get3A_960, %get3A_961, %get3A_962] {strides = array<i32>} : memref<2x64x512xf32, #tpu.memory_space<vmem>>, vector<1x1x16xf32>,
        %get3A_964 = vector.shape_cast %get3A_963 : vector<1x1x16xf32> to vector<16xf32>
        %swap3A_965 = arith.constant 0 : i32
        %swap3A_966 = arith.index_cast %swap3A_965 : i32 to index
        %swap3A_967 = arith.index_cast %scan3A_635 : i32 to index
        %swap3A_968 = arith.constant 400 : index
        %swap3A_969 = tpu.vector_load %arg5[%swap3A_966, %swap3A_967, %swap3A_968] {strides = array<i32>} : memref<2x64x448xf32, #tpu.memory_space<vmem>>, vector<1x1x16xf32>,
        %swap3A_970 = vector.shape_cast %swap3A_969 : vector<1x1x16xf32> to vector<16xf32>
        %swap3A_971 = vector.shape_cast %get3A_964 : vector<16xf32> to vector<1x1x16xf32>
        tpu.vector_store %arg5[%swap3A_966, %swap3A_967, %swap3A_968], %swap3A_971 {strides = array<i32>} : memref<2x64x448xf32, #tpu.memory_space<vmem>>, vector<1x1x16xf32>,
        %get3A_972 = arith.constant 0 : i32
        %get3A_973 = arith.index_cast %get3A_972 : i32 to index
        %get3A_974 = arith.index_cast %scan3A_635 : i32 to index
        %get3A_975 = arith.constant 448 : index
        %get3A_976 = tpu.vector_load %arg4[%get3A_973, %get3A_974, %get3A_975] {strides = array<i32>} : memref<2x64x512xf32, #tpu.memory_space<vmem>>, vector<1x1x16xf32>,
        %get3A_977 = vector.shape_cast %get3A_976 : vector<1x1x16xf32> to vector<16xf32>
        %swap3A_978 = arith.constant 0 : i32
        %swap3A_979 = arith.index_cast %swap3A_978 : i32 to index
        %swap3A_980 = arith.index_cast %scan3A_635 : i32 to index
        %swap3A_981 = arith.constant 416 : index
        %swap3A_982 = tpu.vector_load %arg5[%swap3A_979, %swap3A_980, %swap3A_981] {strides = array<i32>} : memref<2x64x448xf32, #tpu.memory_space<vmem>>, vector<1x1x16xf32>,
        %swap3A_983 = vector.shape_cast %swap3A_982 : vector<1x1x16xf32> to vector<16xf32>
        %swap3A_984 = vector.shape_cast %get3A_977 : vector<16xf32> to vector<1x1x16xf32>
        tpu.vector_store %arg5[%swap3A_979, %swap3A_980, %swap3A_981], %swap3A_984 {strides = array<i32>} : memref<2x64x448xf32, #tpu.memory_space<vmem>>, vector<1x1x16xf32>,
        %get3A_985 = arith.constant 0 : i32
        %get3A_986 = arith.index_cast %get3A_985 : i32 to index
        %get3A_987 = arith.index_cast %scan3A_635 : i32 to index
        %get3A_988 = arith.constant 464 : index
        %get3A_989 = tpu.vector_load %arg4[%get3A_986, %get3A_987, %get3A_988] {strides = array<i32>} : memref<2x64x512xf32, #tpu.memory_space<vmem>>, vector<1x1x16xf32>,
        %get3A_990 = vector.shape_cast %get3A_989 : vector<1x1x16xf32> to vector<16xf32>
        %swap3A_991 = arith.constant 0 : i32
        %swap3A_992 = arith.index_cast %swap3A_991 : i32 to index
        %swap3A_993 = arith.index_cast %scan3A_635 : i32 to index
        %swap3A_994 = arith.constant 432 : index
        %swap3A_995 = tpu.vector_load %arg5[%swap3A_992, %swap3A_993, %swap3A_994] {strides = array<i32>} : memref<2x64x448xf32, #tpu.memory_space<vmem>>, vector<1x1x16xf32>,
        %swap3A_996 = vector.shape_cast %swap3A_995 : vector<1x1x16xf32> to vector<16xf32>
        %swap3A_997 = vector.shape_cast %get3A_990 : vector<16xf32> to vector<1x1x16xf32>
        tpu.vector_store %arg5[%swap3A_992, %swap3A_993, %swap3A_994], %swap3A_997 {strides = array<i32>} : memref<2x64x448xf32, #tpu.memory_space<vmem>>, vector<1x1x16xf32>,
      }
      %scan3A_431 = arith.constant 64 : i32
      %mul3A_432 = arith.constant 64 : i32
      %mul3A_433 = arith.muli %rem3A_389, %mul3A_432 : i32
      %dma_start3A_434 = arith.constant 0 : i32
      %dma_start3A_435 = arith.constant 0 : i32
      %dma_start3A_436 = arith.constant 0 : i32
      %dma_start3A_437 = tpu.memref_slice %arg5[%dma_start3A_434, %dma_start3A_435, %dma_start3A_436] : memref<2x64x448xf32, #tpu.memory_space<vmem>> -> memref<1x64x448xf32, #tpu.memory_space<vmem>>
      %dma_start3A_438 = tpu.memref_squeeze %dma_start3A_437 : memref<1x64x448xf32, #tpu.memory_space<vmem>> -> memref<64x448xf32, #tpu.memory_space<vmem>>
      %dma_start3A_439 = arith.constant 0 : i32
      %dma_start3A_440 = tpu.memref_slice %arg3[%add3A_387, %mul3A_433, %dma_start3A_439] : memref<192x448x448xf32, #tpu.memory_space<hbm>> -> memref<1x64x448xf32, #tpu.memory_space<hbm>>
      %dma_start3A_441 = tpu.memref_squeeze %dma_start3A_440 : memref<1x64x448xf32, #tpu.memory_space<hbm>> -> memref<64x448xf32, #tpu.memory_space<hbm>>
      %dma_start3A_442 = arith.constant 0 : i32
      %dma_start3A_443 = tpu.memref_slice %arg3[%add3A_387, %mul3A_433, %dma_start3A_442] : memref<192x448x448xf32, #tpu.memory_space<hbm>> -> memref<1x64x448xf32, #tpu.memory_space<hbm>>
      %dma_start3A_444 = tpu.memref_squeeze %dma_start3A_443 : memref<1x64x448xf32, #tpu.memory_space<hbm>> -> memref<64x448xf32, #tpu.memory_space<hbm>>
      %dma_start3A_445 = arith.constant 0 : i32
      %dma_start3A_446 = arith.constant 0 : i32
      %dma_start3A_447 = tpu.memref_slice %arg5[%dma_start3A_434, %dma_start3A_445, %dma_start3A_446] : memref<2x64x448xf32, #tpu.memory_space<vmem>> -> memref<1x64x448xf32, #tpu.memory_space<vmem>>
      %dma_start3A_448 = tpu.memref_squeeze %dma_start3A_447 : memref<1x64x448xf32, #tpu.memory_space<vmem>> -> memref<64x448xf32, #tpu.memory_space<vmem>>
      tpu.enqueue_dma source(%dma_start3A_448 : memref<64x448xf32, #tpu.memory_space<vmem>>) target(%dma_start3A_444 : memref<64x448xf32, #tpu.memory_space<hbm>>) target_semaphore(%arg8 : memref<!tpu.dma_semaphore, #tpu.memory_space<semaphore_mem>>)
      %add3A_449 = arith.constant 2 : i32
      %add3A_450 = arith.addi %mul3A_369, %add3A_449 : i32
      %jit3A_451 = arith.constant 7 : i32
      %div3A_452 = arith.divsi %add3A_450, %jit3A_451 : i32
      %sign3A_453 = arith.constant 0 : i32
      %sign3A_454 = arith.cmpi sgt, %add3A_450, %sign3A_453 : i32
      %sign3A_455 = arith.extui %sign3A_454 : i1 to i32
      %sign3A_456 = arith.constant 0 : i32
      %sign3A_457 = arith.cmpi slt, %add3A_450, %sign3A_456 : i32
      %sign3A_458 = arith.extui %sign3A_457 : i1 to i32
      %sign3A_459 = arith.subi %sign3A_455, %sign3A_458 : i32
      %sign3A_460 = arith.constant 0 : i32
      %sign3A_461 = arith.cmpi sgt, %jit3A_451, %sign3A_460 : i32
      %sign3A_462 = arith.extui %sign3A_461 : i1 to i32
      %sign3A_463 = arith.constant 0 : i32
      %sign3A_464 = arith.cmpi slt, %jit3A_451, %sign3A_463 : i32
      %sign3A_465 = arith.extui %sign3A_464 : i1 to i32
      %sign3A_466 = arith.subi %sign3A_462, %sign3A_465 : i32
      %ne3A_467 = arith.cmpi ne, %sign3A_459, %sign3A_466 : i32
      %rem3A_468 = arith.remsi %add3A_450, %jit3A_451 : i32
      %ne3A_469 = arith.constant 0 : i32
      %ne3A_470 = arith.cmpi ne, %rem3A_468, %ne3A_469 : i32
      %and3A_471 = arith.andi %ne3A_467, %ne3A_470 : i1
      %sub3A_472 = arith.constant 1 : i32
      %sub3A_473 = arith.subi %div3A_452, %sub3A_472 : i32
      %select_n3A_474 = arith.select %and3A_471, %sub3A_473, %div3A_452 : i32
      %add3A_475 = arith.addi %mul3A_2, %select_n3A_474 : i32
      %rem3A_476 = arith.constant 7 : i32
      %rem3A_477 = arith.remsi %add3A_450, %rem3A_476 : i32
      %mul3A_478 = arith.constant 64 : i32
      %mul3A_479 = arith.muli %rem3A_477, %mul3A_478 : i32
      %add3A_480 = arith.constant 32 : i32
      %add3A_481 = arith.addi %add3A_480, %mul3A_479 : i32
      %dma_start3A_482 = arith.constant 0 : i32
      %dma_start3A_483 = arith.constant 0 : i32
      %dma_start3A_484 = arith.constant 0 : i32
      %dma_start3A_485 = tpu.memref_slice %arg4[%dma_start3A_482, %dma_start3A_483, %dma_start3A_484] : memref<2x64x512xf32, #tpu.memory_space<vmem>> -> memref<1x64x512xf32, #tpu.memory_space<vmem>>
      %dma_start3A_486 = tpu.memref_squeeze %dma_start3A_485 : memref<1x64x512xf32, #tpu.memory_space<vmem>> -> memref<64x512xf32, #tpu.memory_space<vmem>>
      %dma_start3A_487 = arith.constant 0 : i32
      %dma_start3A_488 = tpu.memref_slice %arg2[%add3A_475, %add3A_481, %dma_start3A_487] : memref<192x512x512xf32, #tpu.memory_space<hbm>> -> memref<1x64x512xf32, #tpu.memory_space<hbm>>
      %dma_start3A_489 = tpu.memref_squeeze %dma_start3A_488 : memref<1x64x512xf32, #tpu.memory_space<hbm>> -> memref<64x512xf32, #tpu.memory_space<hbm>>
      %dma_start3A_490 = arith.constant 0 : i32
      %dma_start3A_491 = arith.constant 0 : i32
      %dma_start3A_492 = tpu.memref_slice %arg4[%dma_start3A_482, %dma_start3A_490, %dma_start3A_491] : memref<2x64x512xf32, #tpu.memory_space<vmem>> -> memref<1x64x512xf32, #tpu.memory_space<vmem>>
      %dma_start3A_493 = tpu.memref_squeeze %dma_start3A_492 : memref<1x64x512xf32, #tpu.memory_space<vmem>> -> memref<64x512xf32, #tpu.memory_space<vmem>>
      %dma_start3A_494 = arith.constant 0 : i32
      %dma_start3A_495 = tpu.memref_slice %arg2[%add3A_475, %add3A_481, %dma_start3A_494] : memref<192x512x512xf32, #tpu.memory_space<hbm>> -> memref<1x64x512xf32, #tpu.memory_space<hbm>>
      %dma_start3A_496 = tpu.memref_squeeze %dma_start3A_495 : memref<1x64x512xf32, #tpu.memory_space<hbm>> -> memref<64x512xf32, #tpu.memory_space<hbm>>
      tpu.enqueue_dma source(%dma_start3A_496 : memref<64x512xf32, #tpu.memory_space<hbm>>) target(%dma_start3A_493 : memref<64x512xf32, #tpu.memory_space<vmem>>) target_semaphore(%arg6 : memref<!tpu.dma_semaphore, #tpu.memory_space<semaphore_mem>>)
      %mul3A_497 = arith.constant 2 : i32
      %mul3A_498 = arith.muli %mul3A_497, %scan3A_367 : i32
      %add3A_499 = arith.constant 1 : i32
      %add3A_500 = arith.addi %mul3A_498, %add3A_499 : i32
      %jit3A_501 = arith.constant 7 : i32
      %div3A_502 = arith.divsi %add3A_500, %jit3A_501 : i32
      %sign3A_503 = arith.constant 0 : i32
      %sign3A_504 = arith.cmpi sgt, %add3A_500, %sign3A_503 : i32
      %sign3A_505 = arith.extui %sign3A_504 : i1 to i32
      %sign3A_506 = arith.constant 0 : i32
      %sign3A_507 = arith.cmpi slt, %add3A_500, %sign3A_506 : i32
      %sign3A_508 = arith.extui %sign3A_507 : i1 to i32
      %sign3A_509 = arith.subi %sign3A_505, %sign3A_508 : i32
      %sign3A_510 = arith.constant 0 : i32
      %sign3A_511 = arith.cmpi sgt, %jit3A_501, %sign3A_510 : i32
      %sign3A_512 = arith.extui %sign3A_511 : i1 to i32
      %sign3A_513 = arith.constant 0 : i32
      %sign3A_514 = arith.cmpi slt, %jit3A_501, %sign3A_513 : i32
      %sign3A_515 = arith.extui %sign3A_514 : i1 to i32
      %sign3A_516 = arith.subi %sign3A_512, %sign3A_515 : i32
      %ne3A_517 = arith.cmpi ne, %sign3A_509, %sign3A_516 : i32
      %rem3A_518 = arith.remsi %add3A_500, %jit3A_501 : i32
      %ne3A_519 = arith.constant 0 : i32
      %ne3A_520 = arith.cmpi ne, %rem3A_518, %ne3A_519 : i32
      %and3A_521 = arith.andi %ne3A_517, %ne3A_520 : i1
      %sub3A_522 = arith.constant 1 : i32
      %sub3A_523 = arith.subi %div3A_502, %sub3A_522 : i32
      %select_n3A_524 = arith.select %and3A_521, %sub3A_523, %div3A_502 : i32
      %add3A_525 = arith.addi %mul3A_2, %select_n3A_524 : i32
      %rem3A_526 = arith.constant 7 : i32
      %rem3A_527 = arith.remsi %add3A_500, %rem3A_526 : i32
      %mul3A_528 = arith.constant 64 : i32
      %mul3A_529 = arith.muli %rem3A_527, %mul3A_528 : i32
      %add3A_530 = arith.constant 32 : i32
      %add3A_531 = arith.addi %add3A_530, %mul3A_529 : i32
      %dma_wait3A_532 = arith.constant 1 : i32
      %dma_wait3A_533 = arith.constant 0 : i32
      %dma_wait3A_534 = arith.constant 0 : i32
      %dma_wait3A_535 = tpu.memref_slice %arg4[%dma_wait3A_532, %dma_wait3A_533, %dma_wait3A_534] : memref<2x64x512xf32, #tpu.memory_space<vmem>> -> memref<1x64x512xf32, #tpu.memory_space<vmem>>
      %dma_wait3A_536 = tpu.memref_squeeze %dma_wait3A_535 : memref<1x64x512xf32, #tpu.memory_space<vmem>> -> memref<64x512xf32, #tpu.memory_space<vmem>>
      %dma_wait3A_537 = arith.constant 0 : i32
      %dma_wait3A_538 = tpu.memref_slice %arg2[%add3A_525, %add3A_531, %dma_wait3A_537] : memref<192x512x512xf32, #tpu.memory_space<hbm>> -> memref<1x64x512xf32, #tpu.memory_space<hbm>>
      %dma_wait3A_539 = tpu.memref_squeeze %dma_wait3A_538 : memref<1x64x512xf32, #tpu.memory_space<hbm>> -> memref<64x512xf32, #tpu.memory_space<hbm>>
      %dma_wait3A_540 = arith.constant 0 : i32
      %dma_wait3A_541 = arith.constant 0 : i32
      %dma_wait3A_542 = tpu.memref_slice %arg4[%dma_wait3A_532, %dma_wait3A_540, %dma_wait3A_541] : memref<2x64x512xf32, #tpu.memory_space<vmem>> -> memref<1x64x512xf32, #tpu.memory_space<vmem>>
      %dma_wait3A_543 = tpu.memref_squeeze %dma_wait3A_542 : memref<1x64x512xf32, #tpu.memory_space<vmem>> -> memref<64x512xf32, #tpu.memory_space<vmem>>
      %dma_wait3A_544 = arith.constant 0 : i32
      %dma_wait3A_545 = tpu.memref_slice %arg2[%add3A_525, %add3A_531, %dma_wait3A_544] : memref<192x512x512xf32, #tpu.memory_space<hbm>> -> memref<1x64x512xf32, #tpu.memory_space<hbm>>
      %dma_wait3A_546 = tpu.memref_squeeze %dma_wait3A_545 : memref<1x64x512xf32, #tpu.memory_space<hbm>> -> memref<64x512xf32, #tpu.memory_space<hbm>>
      tpu.wait_dma2 semaphore(%arg7 : memref<!tpu.dma_semaphore, #tpu.memory_space<semaphore_mem>>) src(%dma_wait3A_546 : memref<64x512xf32, #tpu.memory_space<hbm>>) dst(%dma_wait3A_543 : memref<64x512xf32, #tpu.memory_space<vmem>>)
      %mul3A_547 = arith.constant 64 : i32
      %mul3A_548 = arith.muli %rem3A_527, %mul3A_547 : i32
      %dma_wait3A_549 = arith.constant 1 : i32
      %dma_wait3A_550 = arith.constant 0 : i32
      %dma_wait3A_551 = arith.constant 0 : i32
      %dma_wait3A_552 = tpu.memref_slice %arg5[%dma_wait3A_549, %dma_wait3A_550, %dma_wait3A_551] : memref<2x64x448xf32, #tpu.memory_space<vmem>> -> memref<1x64x448xf32, #tpu.memory_space<vmem>>
      %dma_wait3A_553 = tpu.memref_squeeze %dma_wait3A_552 : memref<1x64x448xf32, #tpu.memory_space<vmem>> -> memref<64x448xf32, #tpu.memory_space<vmem>>
      %dma_wait3A_554 = arith.constant 0 : i32
      %dma_wait3A_555 = tpu.memref_slice %arg3[%add3A_525, %mul3A_548, %dma_wait3A_554] : memref<192x448x448xf32, #tpu.memory_space<hbm>> -> memref<1x64x448xf32, #tpu.memory_space<hbm>>
      %dma_wait3A_556 = tpu.memref_squeeze %dma_wait3A_555 : memref<1x64x448xf32, #tpu.memory_space<hbm>> -> memref<64x448xf32, #tpu.memory_space<hbm>>
      %dma_wait3A_557 = arith.constant 0 : i32
      %dma_wait3A_558 = tpu.memref_slice %arg3[%add3A_525, %mul3A_548, %dma_wait3A_557] : memref<192x448x448xf32, #tpu.memory_space<hbm>> -> memref<1x64x448xf32, #tpu.memory_space<hbm>>
      %dma_wait3A_559 = tpu.memref_squeeze %dma_wait3A_558 : memref<1x64x448xf32, #tpu.memory_space<hbm>> -> memref<64x448xf32, #tpu.memory_space<hbm>>
      %dma_wait3A_560 = arith.constant 0 : i32
      %dma_wait3A_561 = arith.constant 0 : i32
      %dma_wait3A_562 = tpu.memref_slice %arg5[%dma_wait3A_549, %dma_wait3A_560, %dma_wait3A_561] : memref<2x64x448xf32, #tpu.memory_space<vmem>> -> memref<1x64x448xf32, #tpu.memory_space<vmem>>
      %dma_wait3A_563 = tpu.memref_squeeze %dma_wait3A_562 : memref<1x64x448xf32, #tpu.memory_space<vmem>> -> memref<64x448xf32, #tpu.memory_space<vmem>>
      tpu.wait_dma2 semaphore(%arg9 : memref<!tpu.dma_semaphore, #tpu.memory_space<semaphore_mem>>) src(%dma_wait3A_563 : memref<64x448xf32, #tpu.memory_space<vmem>>) dst(%dma_wait3A_559 : memref<64x448xf32, #tpu.memory_space<hbm>>)
      %scan3A_564 = arith.constant 0 : i32
      %scan3A_565 = arith.constant 0 : i32
      %scan3A_566 = arith.constant 64 : i32
      %scan3A_567 = arith.addi %scan3A_565, %scan3A_566 : i32
      %scan3A_568 = arith.constant 1 : i32
      scf.for %scan3A_635 = %scan3A_565 to %scan3A_567 step %scan3A_568  : i32 {
        %get3A = arith.constant 1 : i32
        %get3A_636 = arith.index_cast %get3A : i32 to index
        %get3A_637 = arith.index_cast %scan3A_635 : i32 to index
        %get3A_638 = arith.constant 32 : index
        %get3A_639 = tpu.vector_load %arg4[%get3A_636, %get3A_637, %get3A_638] {strides = array<i32>} : memref<2x64x512xf32, #tpu.memory_space<vmem>>, vector<1x1x16xf32>,
        %get3A_640 = vector.shape_cast %get3A_639 : vector<1x1x16xf32> to vector<16xf32>
        %swap3A = arith.constant 1 : i32
        %swap3A_641 = arith.index_cast %swap3A : i32 to index
        %swap3A_642 = arith.index_cast %scan3A_635 : i32 to index
        %swap3A_643 = arith.constant 0 : index
        %swap3A_644 = tpu.vector_load %arg5[%swap3A_641, %swap3A_642, %swap3A_643] {strides = array<i32>} : memref<2x64x448xf32, #tpu.memory_space<vmem>>, vector<1x1x16xf32>,
        %swap3A_645 = vector.shape_cast %swap3A_644 : vector<1x1x16xf32> to vector<16xf32>
        %swap3A_646 = vector.shape_cast %get3A_640 : vector<16xf32> to vector<1x1x16xf32>
        tpu.vector_store %arg5[%swap3A_641, %swap3A_642, %swap3A_643], %swap3A_646 {strides = array<i32>} : memref<2x64x448xf32, #tpu.memory_space<vmem>>, vector<1x1x16xf32>,
        %get3A_647 = arith.constant 1 : i32
        %get3A_648 = arith.index_cast %get3A_647 : i32 to index
        %get3A_649 = arith.index_cast %scan3A_635 : i32 to index
        %get3A_650 = arith.constant 48 : index
        %get3A_651 = tpu.vector_load %arg4[%get3A_648, %get3A_649, %get3A_650] {strides = array<i32>} : memref<2x64x512xf32, #tpu.memory_space<vmem>>, vector<1x1x16xf32>,
        %get3A_652 = vector.shape_cast %get3A_651 : vector<1x1x16xf32> to vector<16xf32>
        %swap3A_653 = arith.constant 1 : i32
        %swap3A_654 = arith.index_cast %swap3A_653 : i32 to index
        %swap3A_655 = arith.index_cast %scan3A_635 : i32 to index
        %swap3A_656 = arith.constant 16 : index
        %swap3A_657 = tpu.vector_load %arg5[%swap3A_654, %swap3A_655, %swap3A_656] {strides = array<i32>} : memref<2x64x448xf32, #tpu.memory_space<vmem>>, vector<1x1x16xf32>,
        %swap3A_658 = vector.shape_cast %swap3A_657 : vector<1x1x16xf32> to vector<16xf32>
        %swap3A_659 = vector.shape_cast %get3A_652 : vector<16xf32> to vector<1x1x16xf32>
        tpu.vector_store %arg5[%swap3A_654, %swap3A_655, %swap3A_656], %swap3A_659 {strides = array<i32>} : memref<2x64x448xf32, #tpu.memory_space<vmem>>, vector<1x1x16xf32>,
        %get3A_660 = arith.constant 1 : i32
        %get3A_661 = arith.index_cast %get3A_660 : i32 to index
        %get3A_662 = arith.index_cast %scan3A_635 : i32 to index
        %get3A_663 = arith.constant 64 : index
        %get3A_664 = tpu.vector_load %arg4[%get3A_661, %get3A_662, %get3A_663] {strides = array<i32>} : memref<2x64x512xf32, #tpu.memory_space<vmem>>, vector<1x1x16xf32>,
        %get3A_665 = vector.shape_cast %get3A_664 : vector<1x1x16xf32> to vector<16xf32>
        %swap3A_666 = arith.constant 1 : i32
        %swap3A_667 = arith.index_cast %swap3A_666 : i32 to index
        %swap3A_668 = arith.index_cast %scan3A_635 : i32 to index
        %swap3A_669 = arith.constant 32 : index
        %swap3A_670 = tpu.vector_load %arg5[%swap3A_667, %swap3A_668, %swap3A_669] {strides = array<i32>} : memref<2x64x448xf32, #tpu.memory_space<vmem>>, vector<1x1x16xf32>,
        %swap3A_671 = vector.shape_cast %swap3A_670 : vector<1x1x16xf32> to vector<16xf32>
        %swap3A_672 = vector.shape_cast %get3A_665 : vector<16xf32> to vector<1x1x16xf32>
        tpu.vector_store %arg5[%swap3A_667, %swap3A_668, %swap3A_669], %swap3A_672 {strides = array<i32>} : memref<2x64x448xf32, #tpu.memory_space<vmem>>, vector<1x1x16xf32>,
        %get3A_673 = arith.constant 1 : i32
        %get3A_674 = arith.index_cast %get3A_673 : i32 to index
        %get3A_675 = arith.index_cast %scan3A_635 : i32 to index
        %get3A_676 = arith.constant 80 : index
        %get3A_677 = tpu.vector_load %arg4[%get3A_674, %get3A_675, %get3A_676] {strides = array<i32>} : memref<2x64x512xf32, #tpu.memory_space<vmem>>, vector<1x1x16xf32>,
        %get3A_678 = vector.shape_cast %get3A_677 : vector<1x1x16xf32> to vector<16xf32>
        %swap3A_679 = arith.constant 1 : i32
        %swap3A_680 = arith.index_cast %swap3A_679 : i32 to index
        %swap3A_681 = arith.index_cast %scan3A_635 : i32 to index
        %swap3A_682 = arith.constant 48 : index
        %swap3A_683 = tpu.vector_load %arg5[%swap3A_680, %swap3A_681, %swap3A_682] {strides = array<i32>} : memref<2x64x448xf32, #tpu.memory_space<vmem>>, vector<1x1x16xf32>,
        %swap3A_684 = vector.shape_cast %swap3A_683 : vector<1x1x16xf32> to vector<16xf32>
        %swap3A_685 = vector.shape_cast %get3A_678 : vector<16xf32> to vector<1x1x16xf32>
        tpu.vector_store %arg5[%swap3A_680, %swap3A_681, %swap3A_682], %swap3A_685 {strides = array<i32>} : memref<2x64x448xf32, #tpu.memory_space<vmem>>, vector<1x1x16xf32>,
        %get3A_686 = arith.constant 1 : i32
        %get3A_687 = arith.index_cast %get3A_686 : i32 to index
        %get3A_688 = arith.index_cast %scan3A_635 : i32 to index
        %get3A_689 = arith.constant 96 : index
        %get3A_690 = tpu.vector_load %arg4[%get3A_687, %get3A_688, %get3A_689] {strides = array<i32>} : memref<2x64x512xf32, #tpu.memory_space<vmem>>, vector<1x1x16xf32>,
        %get3A_691 = vector.shape_cast %get3A_690 : vector<1x1x16xf32> to vector<16xf32>
        %swap3A_692 = arith.constant 1 : i32
        %swap3A_693 = arith.index_cast %swap3A_692 : i32 to index
        %swap3A_694 = arith.index_cast %scan3A_635 : i32 to index
        %swap3A_695 = arith.constant 64 : index
        %swap3A_696 = tpu.vector_load %arg5[%swap3A_693, %swap3A_694, %swap3A_695] {strides = array<i32>} : memref<2x64x448xf32, #tpu.memory_space<vmem>>, vector<1x1x16xf32>,
        %swap3A_697 = vector.shape_cast %swap3A_696 : vector<1x1x16xf32> to vector<16xf32>
        %swap3A_698 = vector.shape_cast %get3A_691 : vector<16xf32> to vector<1x1x16xf32>
        tpu.vector_store %arg5[%swap3A_693, %swap3A_694, %swap3A_695], %swap3A_698 {strides = array<i32>} : memref<2x64x448xf32, #tpu.memory_space<vmem>>, vector<1x1x16xf32>,
        %get3A_699 = arith.constant 1 : i32
        %get3A_700 = arith.index_cast %get3A_699 : i32 to index
        %get3A_701 = arith.index_cast %scan3A_635 : i32 to index
        %get3A_702 = arith.constant 112 : index
        %get3A_703 = tpu.vector_load %arg4[%get3A_700, %get3A_701, %get3A_702] {strides = array<i32>} : memref<2x64x512xf32, #tpu.memory_space<vmem>>, vector<1x1x16xf32>,
        %get3A_704 = vector.shape_cast %get3A_703 : vector<1x1x16xf32> to vector<16xf32>
        %swap3A_705 = arith.constant 1 : i32
        %swap3A_706 = arith.index_cast %swap3A_705 : i32 to index
        %swap3A_707 = arith.index_cast %scan3A_635 : i32 to index
        %swap3A_708 = arith.constant 80 : index
        %swap3A_709 = tpu.vector_load %arg5[%swap3A_706, %swap3A_707, %swap3A_708] {strides = array<i32>} : memref<2x64x448xf32, #tpu.memory_space<vmem>>, vector<1x1x16xf32>,
        %swap3A_710 = vector.shape_cast %swap3A_709 : vector<1x1x16xf32> to vector<16xf32>
        %swap3A_711 = vector.shape_cast %get3A_704 : vector<16xf32> to vector<1x1x16xf32>
        tpu.vector_store %arg5[%swap3A_706, %swap3A_707, %swap3A_708], %swap3A_711 {strides = array<i32>} : memref<2x64x448xf32, #tpu.memory_space<vmem>>, vector<1x1x16xf32>,
        %get3A_712 = arith.constant 1 : i32
        %get3A_713 = arith.index_cast %get3A_712 : i32 to index
        %get3A_714 = arith.index_cast %scan3A_635 : i32 to index
        %get3A_715 = arith.constant 128 : index
        %get3A_716 = tpu.vector_load %arg4[%get3A_713, %get3A_714, %get3A_715] {strides = array<i32>} : memref<2x64x512xf32, #tpu.memory_space<vmem>>, vector<1x1x16xf32>,
        %get3A_717 = vector.shape_cast %get3A_716 : vector<1x1x16xf32> to vector<16xf32>
        %swap3A_718 = arith.constant 1 : i32
        %swap3A_719 = arith.index_cast %swap3A_718 : i32 to index
        %swap3A_720 = arith.index_cast %scan3A_635 : i32 to index
        %swap3A_721 = arith.constant 96 : index
        %swap3A_722 = tpu.vector_load %arg5[%swap3A_719, %swap3A_720, %swap3A_721] {strides = array<i32>} : memref<2x64x448xf32, #tpu.memory_space<vmem>>, vector<1x1x16xf32>,
        %swap3A_723 = vector.shape_cast %swap3A_722 : vector<1x1x16xf32> to vector<16xf32>
        %swap3A_724 = vector.shape_cast %get3A_717 : vector<16xf32> to vector<1x1x16xf32>
        tpu.vector_store %arg5[%swap3A_719, %swap3A_720, %swap3A_721], %swap3A_724 {strides = array<i32>} : memref<2x64x448xf32, #tpu.memory_space<vmem>>, vector<1x1x16xf32>,
        %get3A_725 = arith.constant 1 : i32
        %get3A_726 = arith.index_cast %get3A_725 : i32 to index
        %get3A_727 = arith.index_cast %scan3A_635 : i32 to index
        %get3A_728 = arith.constant 144 : index
        %get3A_729 = tpu.vector_load %arg4[%get3A_726, %get3A_727, %get3A_728] {strides = array<i32>} : memref<2x64x512xf32, #tpu.memory_space<vmem>>, vector<1x1x16xf32>,
        %get3A_730 = vector.shape_cast %get3A_729 : vector<1x1x16xf32> to vector<16xf32>
        %swap3A_731 = arith.constant 1 : i32
        %swap3A_732 = arith.index_cast %swap3A_731 : i32 to index
        %swap3A_733 = arith.index_cast %scan3A_635 : i32 to index
        %swap3A_734 = arith.constant 112 : index
        %swap3A_735 = tpu.vector_load %arg5[%swap3A_732, %swap3A_733, %swap3A_734] {strides = array<i32>} : memref<2x64x448xf32, #tpu.memory_space<vmem>>, vector<1x1x16xf32>,
        %swap3A_736 = vector.shape_cast %swap3A_735 : vector<1x1x16xf32> to vector<16xf32>
        %swap3A_737 = vector.shape_cast %get3A_730 : vector<16xf32> to vector<1x1x16xf32>
        tpu.vector_store %arg5[%swap3A_732, %swap3A_733, %swap3A_734], %swap3A_737 {strides = array<i32>} : memref<2x64x448xf32, #tpu.memory_space<vmem>>, vector<1x1x16xf32>,
        %get3A_738 = arith.constant 1 : i32
        %get3A_739 = arith.index_cast %get3A_738 : i32 to index
        %get3A_740 = arith.index_cast %scan3A_635 : i32 to index
        %get3A_741 = arith.constant 160 : index
        %get3A_742 = tpu.vector_load %arg4[%get3A_739, %get3A_740, %get3A_741] {strides = array<i32>} : memref<2x64x512xf32, #tpu.memory_space<vmem>>, vector<1x1x16xf32>,
        %get3A_743 = vector.shape_cast %get3A_742 : vector<1x1x16xf32> to vector<16xf32>
        %swap3A_744 = arith.constant 1 : i32
        %swap3A_745 = arith.index_cast %swap3A_744 : i32 to index
        %swap3A_746 = arith.index_cast %scan3A_635 : i32 to index
        %swap3A_747 = arith.constant 128 : index
        %swap3A_748 = tpu.vector_load %arg5[%swap3A_745, %swap3A_746, %swap3A_747] {strides = array<i32>} : memref<2x64x448xf32, #tpu.memory_space<vmem>>, vector<1x1x16xf32>,
        %swap3A_749 = vector.shape_cast %swap3A_748 : vector<1x1x16xf32> to vector<16xf32>
        %swap3A_750 = vector.shape_cast %get3A_743 : vector<16xf32> to vector<1x1x16xf32>
        tpu.vector_store %arg5[%swap3A_745, %swap3A_746, %swap3A_747], %swap3A_750 {strides = array<i32>} : memref<2x64x448xf32, #tpu.memory_space<vmem>>, vector<1x1x16xf32>,
        %get3A_751 = arith.constant 1 : i32
        %get3A_752 = arith.index_cast %get3A_751 : i32 to index
        %get3A_753 = arith.index_cast %scan3A_635 : i32 to index
        %get3A_754 = arith.constant 176 : index
        %get3A_755 = tpu.vector_load %arg4[%get3A_752, %get3A_753, %get3A_754] {strides = array<i32>} : memref<2x64x512xf32, #tpu.memory_space<vmem>>, vector<1x1x16xf32>,
        %get3A_756 = vector.shape_cast %get3A_755 : vector<1x1x16xf32> to vector<16xf32>
        %swap3A_757 = arith.constant 1 : i32
        %swap3A_758 = arith.index_cast %swap3A_757 : i32 to index
        %swap3A_759 = arith.index_cast %scan3A_635 : i32 to index
        %swap3A_760 = arith.constant 144 : index
        %swap3A_761 = tpu.vector_load %arg5[%swap3A_758, %swap3A_759, %swap3A_760] {strides = array<i32>} : memref<2x64x448xf32, #tpu.memory_space<vmem>>, vector<1x1x16xf32>,
        %swap3A_762 = vector.shape_cast %swap3A_761 : vector<1x1x16xf32> to vector<16xf32>
        %swap3A_763 = vector.shape_cast %get3A_756 : vector<16xf32> to vector<1x1x16xf32>
        tpu.vector_store %arg5[%swap3A_758, %swap3A_759, %swap3A_760], %swap3A_763 {strides = array<i32>} : memref<2x64x448xf32, #tpu.memory_space<vmem>>, vector<1x1x16xf32>,
        %get3A_764 = arith.constant 1 : i32
        %get3A_765 = arith.index_cast %get3A_764 : i32 to index
        %get3A_766 = arith.index_cast %scan3A_635 : i32 to index
        %get3A_767 = arith.constant 192 : index
        %get3A_768 = tpu.vector_load %arg4[%get3A_765, %get3A_766, %get3A_767] {strides = array<i32>} : memref<2x64x512xf32, #tpu.memory_space<vmem>>, vector<1x1x16xf32>,
        %get3A_769 = vector.shape_cast %get3A_768 : vector<1x1x16xf32> to vector<16xf32>
        %swap3A_770 = arith.constant 1 : i32
        %swap3A_771 = arith.index_cast %swap3A_770 : i32 to index
        %swap3A_772 = arith.index_cast %scan3A_635 : i32 to index
        %swap3A_773 = arith.constant 160 : index
        %swap3A_774 = tpu.vector_load %arg5[%swap3A_771, %swap3A_772, %swap3A_773] {strides = array<i32>} : memref<2x64x448xf32, #tpu.memory_space<vmem>>, vector<1x1x16xf32>,
        %swap3A_775 = vector.shape_cast %swap3A_774 : vector<1x1x16xf32> to vector<16xf32>
        %swap3A_776 = vector.shape_cast %get3A_769 : vector<16xf32> to vector<1x1x16xf32>
        tpu.vector_store %arg5[%swap3A_771, %swap3A_772, %swap3A_773], %swap3A_776 {strides = array<i32>} : memref<2x64x448xf32, #tpu.memory_space<vmem>>, vector<1x1x16xf32>,
        %get3A_777 = arith.constant 1 : i32
        %get3A_778 = arith.index_cast %get3A_777 : i32 to index
        %get3A_779 = arith.index_cast %scan3A_635 : i32 to index
        %get3A_780 = arith.constant 208 : index
        %get3A_781 = tpu.vector_load %arg4[%get3A_778, %get3A_779, %get3A_780] {strides = array<i32>} : memref<2x64x512xf32, #tpu.memory_space<vmem>>, vector<1x1x16xf32>,
        %get3A_782 = vector.shape_cast %get3A_781 : vector<1x1x16xf32> to vector<16xf32>
        %swap3A_783 = arith.constant 1 : i32
        %swap3A_784 = arith.index_cast %swap3A_783 : i32 to index
        %swap3A_785 = arith.index_cast %scan3A_635 : i32 to index
        %swap3A_786 = arith.constant 176 : index
        %swap3A_787 = tpu.vector_load %arg5[%swap3A_784, %swap3A_785, %swap3A_786] {strides = array<i32>} : memref<2x64x448xf32, #tpu.memory_space<vmem>>, vector<1x1x16xf32>,
        %swap3A_788 = vector.shape_cast %swap3A_787 : vector<1x1x16xf32> to vector<16xf32>
        %swap3A_789 = vector.shape_cast %get3A_782 : vector<16xf32> to vector<1x1x16xf32>
        tpu.vector_store %arg5[%swap3A_784, %swap3A_785, %swap3A_786], %swap3A_789 {strides = array<i32>} : memref<2x64x448xf32, #tpu.memory_space<vmem>>, vector<1x1x16xf32>,
        %get3A_790 = arith.constant 1 : i32
        %get3A_791 = arith.index_cast %get3A_790 : i32 to index
        %get3A_792 = arith.index_cast %scan3A_635 : i32 to index
        %get3A_793 = arith.constant 224 : index
        %get3A_794 = tpu.vector_load %arg4[%get3A_791, %get3A_792, %get3A_793] {strides = array<i32>} : memref<2x64x512xf32, #tpu.memory_space<vmem>>, vector<1x1x16xf32>,
        %get3A_795 = vector.shape_cast %get3A_794 : vector<1x1x16xf32> to vector<16xf32>
        %swap3A_796 = arith.constant 1 : i32
        %swap3A_797 = arith.index_cast %swap3A_796 : i32 to index
        %swap3A_798 = arith.index_cast %scan3A_635 : i32 to index
        %swap3A_799 = arith.constant 192 : index
        %swap3A_800 = tpu.vector_load %arg5[%swap3A_797, %swap3A_798, %swap3A_799] {strides = array<i32>} : memref<2x64x448xf32, #tpu.memory_space<vmem>>, vector<1x1x16xf32>,
        %swap3A_801 = vector.shape_cast %swap3A_800 : vector<1x1x16xf32> to vector<16xf32>
        %swap3A_802 = vector.shape_cast %get3A_795 : vector<16xf32> to vector<1x1x16xf32>
        tpu.vector_store %arg5[%swap3A_797, %swap3A_798, %swap3A_799], %swap3A_802 {strides = array<i32>} : memref<2x64x448xf32, #tpu.memory_space<vmem>>, vector<1x1x16xf32>,
        %get3A_803 = arith.constant 1 : i32
        %get3A_804 = arith.index_cast %get3A_803 : i32 to index
        %get3A_805 = arith.index_cast %scan3A_635 : i32 to index
        %get3A_806 = arith.constant 240 : index
        %get3A_807 = tpu.vector_load %arg4[%get3A_804, %get3A_805, %get3A_806] {strides = array<i32>} : memref<2x64x512xf32, #tpu.memory_space<vmem>>, vector<1x1x16xf32>,
        %get3A_808 = vector.shape_cast %get3A_807 : vector<1x1x16xf32> to vector<16xf32>
        %swap3A_809 = arith.constant 1 : i32
        %swap3A_810 = arith.index_cast %swap3A_809 : i32 to index
        %swap3A_811 = arith.index_cast %scan3A_635 : i32 to index
        %swap3A_812 = arith.constant 208 : index
        %swap3A_813 = tpu.vector_load %arg5[%swap3A_810, %swap3A_811, %swap3A_812] {strides = array<i32>} : memref<2x64x448xf32, #tpu.memory_space<vmem>>, vector<1x1x16xf32>,
        %swap3A_814 = vector.shape_cast %swap3A_813 : vector<1x1x16xf32> to vector<16xf32>
        %swap3A_815 = vector.shape_cast %get3A_808 : vector<16xf32> to vector<1x1x16xf32>
        tpu.vector_store %arg5[%swap3A_810, %swap3A_811, %swap3A_812], %swap3A_815 {strides = array<i32>} : memref<2x64x448xf32, #tpu.memory_space<vmem>>, vector<1x1x16xf32>,
        %get3A_816 = arith.constant 1 : i32
        %get3A_817 = arith.index_cast %get3A_816 : i32 to index
        %get3A_818 = arith.index_cast %scan3A_635 : i32 to index
        %get3A_819 = arith.constant 256 : index
        %get3A_820 = tpu.vector_load %arg4[%get3A_817, %get3A_818, %get3A_819] {strides = array<i32>} : memref<2x64x512xf32, #tpu.memory_space<vmem>>, vector<1x1x16xf32>,
        %get3A_821 = vector.shape_cast %get3A_820 : vector<1x1x16xf32> to vector<16xf32>
        %swap3A_822 = arith.constant 1 : i32
        %swap3A_823 = arith.index_cast %swap3A_822 : i32 to index
        %swap3A_824 = arith.index_cast %scan3A_635 : i32 to index
        %swap3A_825 = arith.constant 224 : index
        %swap3A_826 = tpu.vector_load %arg5[%swap3A_823, %swap3A_824, %swap3A_825] {strides = array<i32>} : memref<2x64x448xf32, #tpu.memory_space<vmem>>, vector<1x1x16xf32>,
        %swap3A_827 = vector.shape_cast %swap3A_826 : vector<1x1x16xf32> to vector<16xf32>
        %swap3A_828 = vector.shape_cast %get3A_821 : vector<16xf32> to vector<1x1x16xf32>
        tpu.vector_store %arg5[%swap3A_823, %swap3A_824, %swap3A_825], %swap3A_828 {strides = array<i32>} : memref<2x64x448xf32, #tpu.memory_space<vmem>>, vector<1x1x16xf32>,
        %get3A_829 = arith.constant 1 : i32
        %get3A_830 = arith.index_cast %get3A_829 : i32 to index
        %get3A_831 = arith.index_cast %scan3A_635 : i32 to index
        %get3A_832 = arith.constant 272 : index
        %get3A_833 = tpu.vector_load %arg4[%get3A_830, %get3A_831, %get3A_832] {strides = array<i32>} : memref<2x64x512xf32, #tpu.memory_space<vmem>>, vector<1x1x16xf32>,
        %get3A_834 = vector.shape_cast %get3A_833 : vector<1x1x16xf32> to vector<16xf32>
        %swap3A_835 = arith.constant 1 : i32
        %swap3A_836 = arith.index_cast %swap3A_835 : i32 to index
        %swap3A_837 = arith.index_cast %scan3A_635 : i32 to index
        %swap3A_838 = arith.constant 240 : index
        %swap3A_839 = tpu.vector_load %arg5[%swap3A_836, %swap3A_837, %swap3A_838] {strides = array<i32>} : memref<2x64x448xf32, #tpu.memory_space<vmem>>, vector<1x1x16xf32>,
        %swap3A_840 = vector.shape_cast %swap3A_839 : vector<1x1x16xf32> to vector<16xf32>
        %swap3A_841 = vector.shape_cast %get3A_834 : vector<16xf32> to vector<1x1x16xf32>
        tpu.vector_store %arg5[%swap3A_836, %swap3A_837, %swap3A_838], %swap3A_841 {strides = array<i32>} : memref<2x64x448xf32, #tpu.memory_space<vmem>>, vector<1x1x16xf32>,
        %get3A_842 = arith.constant 1 : i32
        %get3A_843 = arith.index_cast %get3A_842 : i32 to index
        %get3A_844 = arith.index_cast %scan3A_635 : i32 to index
        %get3A_845 = arith.constant 288 : index
        %get3A_846 = tpu.vector_load %arg4[%get3A_843, %get3A_844, %get3A_845] {strides = array<i32>} : memref<2x64x512xf32, #tpu.memory_space<vmem>>, vector<1x1x16xf32>,
        %get3A_847 = vector.shape_cast %get3A_846 : vector<1x1x16xf32> to vector<16xf32>
        %swap3A_848 = arith.constant 1 : i32
        %swap3A_849 = arith.index_cast %swap3A_848 : i32 to index
        %swap3A_850 = arith.index_cast %scan3A_635 : i32 to index
        %swap3A_851 = arith.constant 256 : index
        %swap3A_852 = tpu.vector_load %arg5[%swap3A_849, %swap3A_850, %swap3A_851] {strides = array<i32>} : memref<2x64x448xf32, #tpu.memory_space<vmem>>, vector<1x1x16xf32>,
        %swap3A_853 = vector.shape_cast %swap3A_852 : vector<1x1x16xf32> to vector<16xf32>
        %swap3A_854 = vector.shape_cast %get3A_847 : vector<16xf32> to vector<1x1x16xf32>
        tpu.vector_store %arg5[%swap3A_849, %swap3A_850, %swap3A_851], %swap3A_854 {strides = array<i32>} : memref<2x64x448xf32, #tpu.memory_space<vmem>>, vector<1x1x16xf32>,
        %get3A_855 = arith.constant 1 : i32
        %get3A_856 = arith.index_cast %get3A_855 : i32 to index
        %get3A_857 = arith.index_cast %scan3A_635 : i32 to index
        %get3A_858 = arith.constant 304 : index
        %get3A_859 = tpu.vector_load %arg4[%get3A_856, %get3A_857, %get3A_858] {strides = array<i32>} : memref<2x64x512xf32, #tpu.memory_space<vmem>>, vector<1x1x16xf32>,
        %get3A_860 = vector.shape_cast %get3A_859 : vector<1x1x16xf32> to vector<16xf32>
        %swap3A_861 = arith.constant 1 : i32
        %swap3A_862 = arith.index_cast %swap3A_861 : i32 to index
        %swap3A_863 = arith.index_cast %scan3A_635 : i32 to index
        %swap3A_864 = arith.constant 272 : index
        %swap3A_865 = tpu.vector_load %arg5[%swap3A_862, %swap3A_863, %swap3A_864] {strides = array<i32>} : memref<2x64x448xf32, #tpu.memory_space<vmem>>, vector<1x1x16xf32>,
        %swap3A_866 = vector.shape_cast %swap3A_865 : vector<1x1x16xf32> to vector<16xf32>
        %swap3A_867 = vector.shape_cast %get3A_860 : vector<16xf32> to vector<1x1x16xf32>
        tpu.vector_store %arg5[%swap3A_862, %swap3A_863, %swap3A_864], %swap3A_867 {strides = array<i32>} : memref<2x64x448xf32, #tpu.memory_space<vmem>>, vector<1x1x16xf32>,
        %get3A_868 = arith.constant 1 : i32
        %get3A_869 = arith.index_cast %get3A_868 : i32 to index
        %get3A_870 = arith.index_cast %scan3A_635 : i32 to index
        %get3A_871 = arith.constant 320 : index
        %get3A_872 = tpu.vector_load %arg4[%get3A_869, %get3A_870, %get3A_871] {strides = array<i32>} : memref<2x64x512xf32, #tpu.memory_space<vmem>>, vector<1x1x16xf32>,
        %get3A_873 = vector.shape_cast %get3A_872 : vector<1x1x16xf32> to vector<16xf32>
        %swap3A_874 = arith.constant 1 : i32
        %swap3A_875 = arith.index_cast %swap3A_874 : i32 to index
        %swap3A_876 = arith.index_cast %scan3A_635 : i32 to index
        %swap3A_877 = arith.constant 288 : index
        %swap3A_878 = tpu.vector_load %arg5[%swap3A_875, %swap3A_876, %swap3A_877] {strides = array<i32>} : memref<2x64x448xf32, #tpu.memory_space<vmem>>, vector<1x1x16xf32>,
        %swap3A_879 = vector.shape_cast %swap3A_878 : vector<1x1x16xf32> to vector<16xf32>
        %swap3A_880 = vector.shape_cast %get3A_873 : vector<16xf32> to vector<1x1x16xf32>
        tpu.vector_store %arg5[%swap3A_875, %swap3A_876, %swap3A_877], %swap3A_880 {strides = array<i32>} : memref<2x64x448xf32, #tpu.memory_space<vmem>>, vector<1x1x16xf32>,
        %get3A_881 = arith.constant 1 : i32
        %get3A_882 = arith.index_cast %get3A_881 : i32 to index
        %get3A_883 = arith.index_cast %scan3A_635 : i32 to index
        %get3A_884 = arith.constant 336 : index
        %get3A_885 = tpu.vector_load %arg4[%get3A_882, %get3A_883, %get3A_884] {strides = array<i32>} : memref<2x64x512xf32, #tpu.memory_space<vmem>>, vector<1x1x16xf32>,
        %get3A_886 = vector.shape_cast %get3A_885 : vector<1x1x16xf32> to vector<16xf32>
        %swap3A_887 = arith.constant 1 : i32
        %swap3A_888 = arith.index_cast %swap3A_887 : i32 to index
        %swap3A_889 = arith.index_cast %scan3A_635 : i32 to index
        %swap3A_890 = arith.constant 304 : index
        %swap3A_891 = tpu.vector_load %arg5[%swap3A_888, %swap3A_889, %swap3A_890] {strides = array<i32>} : memref<2x64x448xf32, #tpu.memory_space<vmem>>, vector<1x1x16xf32>,
        %swap3A_892 = vector.shape_cast %swap3A_891 : vector<1x1x16xf32> to vector<16xf32>
        %swap3A_893 = vector.shape_cast %get3A_886 : vector<16xf32> to vector<1x1x16xf32>
        tpu.vector_store %arg5[%swap3A_888, %swap3A_889, %swap3A_890], %swap3A_893 {strides = array<i32>} : memref<2x64x448xf32, #tpu.memory_space<vmem>>, vector<1x1x16xf32>,
        %get3A_894 = arith.constant 1 : i32
        %get3A_895 = arith.index_cast %get3A_894 : i32 to index
        %get3A_896 = arith.index_cast %scan3A_635 : i32 to index
        %get3A_897 = arith.constant 352 : index
        %get3A_898 = tpu.vector_load %arg4[%get3A_895, %get3A_896, %get3A_897] {strides = array<i32>} : memref<2x64x512xf32, #tpu.memory_space<vmem>>, vector<1x1x16xf32>,
        %get3A_899 = vector.shape_cast %get3A_898 : vector<1x1x16xf32> to vector<16xf32>
        %swap3A_900 = arith.constant 1 : i32
        %swap3A_901 = arith.index_cast %swap3A_900 : i32 to index
        %swap3A_902 = arith.index_cast %scan3A_635 : i32 to index
        %swap3A_903 = arith.constant 320 : index
        %swap3A_904 = tpu.vector_load %arg5[%swap3A_901, %swap3A_902, %swap3A_903] {strides = array<i32>} : memref<2x64x448xf32, #tpu.memory_space<vmem>>, vector<1x1x16xf32>,
        %swap3A_905 = vector.shape_cast %swap3A_904 : vector<1x1x16xf32> to vector<16xf32>
        %swap3A_906 = vector.shape_cast %get3A_899 : vector<16xf32> to vector<1x1x16xf32>
        tpu.vector_store %arg5[%swap3A_901, %swap3A_902, %swap3A_903], %swap3A_906 {strides = array<i32>} : memref<2x64x448xf32, #tpu.memory_space<vmem>>, vector<1x1x16xf32>,
        %get3A_907 = arith.constant 1 : i32
        %get3A_908 = arith.index_cast %get3A_907 : i32 to index
        %get3A_909 = arith.index_cast %scan3A_635 : i32 to index
        %get3A_910 = arith.constant 368 : index
        %get3A_911 = tpu.vector_load %arg4[%get3A_908, %get3A_909, %get3A_910] {strides = array<i32>} : memref<2x64x512xf32, #tpu.memory_space<vmem>>, vector<1x1x16xf32>,
        %get3A_912 = vector.shape_cast %get3A_911 : vector<1x1x16xf32> to vector<16xf32>
        %swap3A_913 = arith.constant 1 : i32
        %swap3A_914 = arith.index_cast %swap3A_913 : i32 to index
        %swap3A_915 = arith.index_cast %scan3A_635 : i32 to index
        %swap3A_916 = arith.constant 336 : index
        %swap3A_917 = tpu.vector_load %arg5[%swap3A_914, %swap3A_915, %swap3A_916] {strides = array<i32>} : memref<2x64x448xf32, #tpu.memory_space<vmem>>, vector<1x1x16xf32>,
        %swap3A_918 = vector.shape_cast %swap3A_917 : vector<1x1x16xf32> to vector<16xf32>
        %swap3A_919 = vector.shape_cast %get3A_912 : vector<16xf32> to vector<1x1x16xf32>
        tpu.vector_store %arg5[%swap3A_914, %swap3A_915, %swap3A_916], %swap3A_919 {strides = array<i32>} : memref<2x64x448xf32, #tpu.memory_space<vmem>>, vector<1x1x16xf32>,
        %get3A_920 = arith.constant 1 : i32
        %get3A_921 = arith.index_cast %get3A_920 : i32 to index
        %get3A_922 = arith.index_cast %scan3A_635 : i32 to index
        %get3A_923 = arith.constant 384 : index
        %get3A_924 = tpu.vector_load %arg4[%get3A_921, %get3A_922, %get3A_923] {strides = array<i32>} : memref<2x64x512xf32, #tpu.memory_space<vmem>>, vector<1x1x16xf32>,
        %get3A_925 = vector.shape_cast %get3A_924 : vector<1x1x16xf32> to vector<16xf32>
        %swap3A_926 = arith.constant 1 : i32
        %swap3A_927 = arith.index_cast %swap3A_926 : i32 to index
        %swap3A_928 = arith.index_cast %scan3A_635 : i32 to index
        %swap3A_929 = arith.constant 352 : index
        %swap3A_930 = tpu.vector_load %arg5[%swap3A_927, %swap3A_928, %swap3A_929] {strides = array<i32>} : memref<2x64x448xf32, #tpu.memory_space<vmem>>, vector<1x1x16xf32>,
        %swap3A_931 = vector.shape_cast %swap3A_930 : vector<1x1x16xf32> to vector<16xf32>
        %swap3A_932 = vector.shape_cast %get3A_925 : vector<16xf32> to vector<1x1x16xf32>
        tpu.vector_store %arg5[%swap3A_927, %swap3A_928, %swap3A_929], %swap3A_932 {strides = array<i32>} : memref<2x64x448xf32, #tpu.memory_space<vmem>>, vector<1x1x16xf32>,
        %get3A_933 = arith.constant 1 : i32
        %get3A_934 = arith.index_cast %get3A_933 : i32 to index
        %get3A_935 = arith.index_cast %scan3A_635 : i32 to index
        %get3A_936 = arith.constant 400 : index
        %get3A_937 = tpu.vector_load %arg4[%get3A_934, %get3A_935, %get3A_936] {strides = array<i32>} : memref<2x64x512xf32, #tpu.memory_space<vmem>>, vector<1x1x16xf32>,
        %get3A_938 = vector.shape_cast %get3A_937 : vector<1x1x16xf32> to vector<16xf32>
        %swap3A_939 = arith.constant 1 : i32
        %swap3A_940 = arith.index_cast %swap3A_939 : i32 to index
        %swap3A_941 = arith.index_cast %scan3A_635 : i32 to index
        %swap3A_942 = arith.constant 368 : index
        %swap3A_943 = tpu.vector_load %arg5[%swap3A_940, %swap3A_941, %swap3A_942] {strides = array<i32>} : memref<2x64x448xf32, #tpu.memory_space<vmem>>, vector<1x1x16xf32>,
        %swap3A_944 = vector.shape_cast %swap3A_943 : vector<1x1x16xf32> to vector<16xf32>
        %swap3A_945 = vector.shape_cast %get3A_938 : vector<16xf32> to vector<1x1x16xf32>
        tpu.vector_store %arg5[%swap3A_940, %swap3A_941, %swap3A_942], %swap3A_945 {strides = array<i32>} : memref<2x64x448xf32, #tpu.memory_space<vmem>>, vector<1x1x16xf32>,
        %get3A_946 = arith.constant 1 : i32
        %get3A_947 = arith.index_cast %get3A_946 : i32 to index
        %get3A_948 = arith.index_cast %scan3A_635 : i32 to index
        %get3A_949 = arith.constant 416 : index
        %get3A_950 = tpu.vector_load %arg4[%get3A_947, %get3A_948, %get3A_949] {strides = array<i32>} : memref<2x64x512xf32, #tpu.memory_space<vmem>>, vector<1x1x16xf32>,
        %get3A_951 = vector.shape_cast %get3A_950 : vector<1x1x16xf32> to vector<16xf32>
        %swap3A_952 = arith.constant 1 : i32
        %swap3A_953 = arith.index_cast %swap3A_952 : i32 to index
        %swap3A_954 = arith.index_cast %scan3A_635 : i32 to index
        %swap3A_955 = arith.constant 384 : index
        %swap3A_956 = tpu.vector_load %arg5[%swap3A_953, %swap3A_954, %swap3A_955] {strides = array<i32>} : memref<2x64x448xf32, #tpu.memory_space<vmem>>, vector<1x1x16xf32>,
        %swap3A_957 = vector.shape_cast %swap3A_956 : vector<1x1x16xf32> to vector<16xf32>
        %swap3A_958 = vector.shape_cast %get3A_951 : vector<16xf32> to vector<1x1x16xf32>
        tpu.vector_store %arg5[%swap3A_953, %swap3A_954, %swap3A_955], %swap3A_958 {strides = array<i32>} : memref<2x64x448xf32, #tpu.memory_space<vmem>>, vector<1x1x16xf32>,
        %get3A_959 = arith.constant 1 : i32
        %get3A_960 = arith.index_cast %get3A_959 : i32 to index
        %get3A_961 = arith.index_cast %scan3A_635 : i32 to index
        %get3A_962 = arith.constant 432 : index
        %get3A_963 = tpu.vector_load %arg4[%get3A_960, %get3A_961, %get3A_962] {strides = array<i32>} : memref<2x64x512xf32, #tpu.memory_space<vmem>>, vector<1x1x16xf32>,
        %get3A_964 = vector.shape_cast %get3A_963 : vector<1x1x16xf32> to vector<16xf32>
        %swap3A_965 = arith.constant 1 : i32
        %swap3A_966 = arith.index_cast %swap3A_965 : i32 to index
        %swap3A_967 = arith.index_cast %scan3A_635 : i32 to index
        %swap3A_968 = arith.constant 400 : index
        %swap3A_969 = tpu.vector_load %arg5[%swap3A_966, %swap3A_967, %swap3A_968] {strides = array<i32>} : memref<2x64x448xf32, #tpu.memory_space<vmem>>, vector<1x1x16xf32>,
        %swap3A_970 = vector.shape_cast %swap3A_969 : vector<1x1x16xf32> to vector<16xf32>
        %swap3A_971 = vector.shape_cast %get3A_964 : vector<16xf32> to vector<1x1x16xf32>
        tpu.vector_store %arg5[%swap3A_966, %swap3A_967, %swap3A_968], %swap3A_971 {strides = array<i32>} : memref<2x64x448xf32, #tpu.memory_space<vmem>>, vector<1x1x16xf32>,
        %get3A_972 = arith.constant 1 : i32
        %get3A_973 = arith.index_cast %get3A_972 : i32 to index
        %get3A_974 = arith.index_cast %scan3A_635 : i32 to index
        %get3A_975 = arith.constant 448 : index
        %get3A_976 = tpu.vector_load %arg4[%get3A_973, %get3A_974, %get3A_975] {strides = array<i32>} : memref<2x64x512xf32, #tpu.memory_space<vmem>>, vector<1x1x16xf32>,
        %get3A_977 = vector.shape_cast %get3A_976 : vector<1x1x16xf32> to vector<16xf32>
        %swap3A_978 = arith.constant 1 : i32
        %swap3A_979 = arith.index_cast %swap3A_978 : i32 to index
        %swap3A_980 = arith.index_cast %scan3A_635 : i32 to index
        %swap3A_981 = arith.constant 416 : index
        %swap3A_982 = tpu.vector_load %arg5[%swap3A_979, %swap3A_980, %swap3A_981] {strides = array<i32>} : memref<2x64x448xf32, #tpu.memory_space<vmem>>, vector<1x1x16xf32>,
        %swap3A_983 = vector.shape_cast %swap3A_982 : vector<1x1x16xf32> to vector<16xf32>
        %swap3A_984 = vector.shape_cast %get3A_977 : vector<16xf32> to vector<1x1x16xf32>
        tpu.vector_store %arg5[%swap3A_979, %swap3A_980, %swap3A_981], %swap3A_984 {strides = array<i32>} : memref<2x64x448xf32, #tpu.memory_space<vmem>>, vector<1x1x16xf32>,
        %get3A_985 = arith.constant 1 : i32
        %get3A_986 = arith.index_cast %get3A_985 : i32 to index
        %get3A_987 = arith.index_cast %scan3A_635 : i32 to index
        %get3A_988 = arith.constant 464 : index
        %get3A_989 = tpu.vector_load %arg4[%get3A_986, %get3A_987, %get3A_988] {strides = array<i32>} : memref<2x64x512xf32, #tpu.memory_space<vmem>>, vector<1x1x16xf32>,
        %get3A_990 = vector.shape_cast %get3A_989 : vector<1x1x16xf32> to vector<16xf32>
        %swap3A_991 = arith.constant 1 : i32
        %swap3A_992 = arith.index_cast %swap3A_991 : i32 to index
        %swap3A_993 = arith.index_cast %scan3A_635 : i32 to index
        %swap3A_994 = arith.constant 432 : index
        %swap3A_995 = tpu.vector_load %arg5[%swap3A_992, %swap3A_993, %swap3A_994] {strides = array<i32>} : memref<2x64x448xf32, #tpu.memory_space<vmem>>, vector<1x1x16xf32>,
        %swap3A_996 = vector.shape_cast %swap3A_995 : vector<1x1x16xf32> to vector<16xf32>
        %swap3A_997 = vector.shape_cast %get3A_990 : vector<16xf32> to vector<1x1x16xf32>
        tpu.vector_store %arg5[%swap3A_992, %swap3A_993, %swap3A_994], %swap3A_997 {strides = array<i32>} : memref<2x64x448xf32, #tpu.memory_space<vmem>>, vector<1x1x16xf32>,
      }
      %scan3A_569 = arith.constant 64 : i32
      %mul3A_570 = arith.constant 64 : i32
      %mul3A_571 = arith.muli %rem3A_527, %mul3A_570 : i32
      %dma_start3A_572 = arith.constant 1 : i32
      %dma_start3A_573 = arith.constant 0 : i32
      %dma_start3A_574 = arith.constant 0 : i32
      %dma_start3A_575 = tpu.memref_slice %arg5[%dma_start3A_572, %dma_start3A_573, %dma_start3A_574] : memref<2x64x448xf32, #tpu.memory_space<vmem>> -> memref<1x64x448xf32, #tpu.memory_space<vmem>>
      %dma_start3A_576 = tpu.memref_squeeze %dma_start3A_575 : memref<1x64x448xf32, #tpu.memory_space<vmem>> -> memref<64x448xf32, #tpu.memory_space<vmem>>
      %dma_start3A_577 = arith.constant 0 : i32
      %dma_start3A_578 = tpu.memref_slice %arg3[%add3A_525, %mul3A_571, %dma_start3A_577] : memref<192x448x448xf32, #tpu.memory_space<hbm>> -> memref<1x64x448xf32, #tpu.memory_space<hbm>>
      %dma_start3A_579 = tpu.memref_squeeze %dma_start3A_578 : memref<1x64x448xf32, #tpu.memory_space<hbm>> -> memref<64x448xf32, #tpu.memory_space<hbm>>
      %dma_start3A_580 = arith.constant 0 : i32
      %dma_start3A_581 = tpu.memref_slice %arg3[%add3A_525, %mul3A_571, %dma_start3A_580] : memref<192x448x448xf32, #tpu.memory_space<hbm>> -> memref<1x64x448xf32, #tpu.memory_space<hbm>>
      %dma_start3A_582 = tpu.memref_squeeze %dma_start3A_581 : memref<1x64x448xf32, #tpu.memory_space<hbm>> -> memref<64x448xf32, #tpu.memory_space<hbm>>
      %dma_start3A_583 = arith.constant 0 : i32
      %dma_start3A_584 = arith.constant 0 : i32
      %dma_start3A_585 = tpu.memref_slice %arg5[%dma_start3A_572, %dma_start3A_583, %dma_start3A_584] : memref<2x64x448xf32, #tpu.memory_space<vmem>> -> memref<1x64x448xf32, #tpu.memory_space<vmem>>
      %dma_start3A_586 = tpu.memref_squeeze %dma_start3A_585 : memref<1x64x448xf32, #tpu.memory_space<vmem>> -> memref<64x448xf32, #tpu.memory_space<vmem>>
      tpu.enqueue_dma source(%dma_start3A_586 : memref<64x448xf32, #tpu.memory_space<vmem>>) target(%dma_start3A_582 : memref<64x448xf32, #tpu.memory_space<hbm>>) target_semaphore(%arg9 : memref<!tpu.dma_semaphore, #tpu.memory_space<semaphore_mem>>)
      %add3A_587 = arith.constant 2 : i32
      %add3A_588 = arith.addi %add3A_500, %add3A_587 : i32
      %jit3A_589 = arith.constant 7 : i32
      %div3A_590 = arith.divsi %add3A_588, %jit3A_589 : i32
      %sign3A_591 = arith.constant 0 : i32
      %sign3A_592 = arith.cmpi sgt, %add3A_588, %sign3A_591 : i32
      %sign3A_593 = arith.extui %sign3A_592 : i1 to i32
      %sign3A_594 = arith.constant 0 : i32
      %sign3A_595 = arith.cmpi slt, %add3A_588, %sign3A_594 : i32
      %sign3A_596 = arith.extui %sign3A_595 : i1 to i32
      %sign3A_597 = arith.subi %sign3A_593, %sign3A_596 : i32
      %sign3A_598 = arith.constant 0 : i32
      %sign3A_599 = arith.cmpi sgt, %jit3A_589, %sign3A_598 : i32
      %sign3A_600 = arith.extui %sign3A_599 : i1 to i32
      %sign3A_601 = arith.constant 0 : i32
      %sign3A_602 = arith.cmpi slt, %jit3A_589, %sign3A_601 : i32
      %sign3A_603 = arith.extui %sign3A_602 : i1 to i32
      %sign3A_604 = arith.subi %sign3A_600, %sign3A_603 : i32
      %ne3A_605 = arith.cmpi ne, %sign3A_597, %sign3A_604 : i32
      %rem3A_606 = arith.remsi %add3A_588, %jit3A_589 : i32
      %ne3A_607 = arith.constant 0 : i32
      %ne3A_608 = arith.cmpi ne, %rem3A_606, %ne3A_607 : i32
      %and3A_609 = arith.andi %ne3A_605, %ne3A_608 : i1
      %sub3A_610 = arith.constant 1 : i32
      %sub3A_611 = arith.subi %div3A_590, %sub3A_610 : i32
      %select_n3A_612 = arith.select %and3A_609, %sub3A_611, %div3A_590 : i32
      %add3A_613 = arith.addi %mul3A_2, %select_n3A_612 : i32
      %rem3A_614 = arith.constant 7 : i32
      %rem3A_615 = arith.remsi %add3A_588, %rem3A_614 : i32
      %mul3A_616 = arith.constant 64 : i32
      %mul3A_617 = arith.muli %rem3A_615, %mul3A_616 : i32
      %add3A_618 = arith.constant 32 : i32
      %add3A_619 = arith.addi %add3A_618, %mul3A_617 : i32
      %dma_start3A_620 = arith.constant 1 : i32
      %dma_start3A_621 = arith.constant 0 : i32
      %dma_start3A_622 = arith.constant 0 : i32
      %dma_start3A_623 = tpu.memref_slice %arg4[%dma_start3A_620, %dma_start3A_621, %dma_start3A_622] : memref<2x64x512xf32, #tpu.memory_space<vmem>> -> memref<1x64x512xf32, #tpu.memory_space<vmem>>
      %dma_start3A_624 = tpu.memref_squeeze %dma_start3A_623 : memref<1x64x512xf32, #tpu.memory_space<vmem>> -> memref<64x512xf32, #tpu.memory_space<vmem>>
      %dma_start3A_625 = arith.constant 0 : i32
      %dma_start3A_626 = tpu.memref_slice %arg2[%add3A_613, %add3A_619, %dma_start3A_625] : memref<192x512x512xf32, #tpu.memory_space<hbm>> -> memref<1x64x512xf32, #tpu.memory_space<hbm>>
      %dma_start3A_627 = tpu.memref_squeeze %dma_start3A_626 : memref<1x64x512xf32, #tpu.memory_space<hbm>> -> memref<64x512xf32, #tpu.memory_space<hbm>>
      %dma_start3A_628 = arith.constant 0 : i32
      %dma_start3A_629 = arith.constant 0 : i32
      %dma_start3A_630 = tpu.memref_slice %arg4[%dma_start3A_620, %dma_start3A_628, %dma_start3A_629] : memref<2x64x512xf32, #tpu.memory_space<vmem>> -> memref<1x64x512xf32, #tpu.memory_space<vmem>>
      %dma_start3A_631 = tpu.memref_squeeze %dma_start3A_630 : memref<1x64x512xf32, #tpu.memory_space<vmem>> -> memref<64x512xf32, #tpu.memory_space<vmem>>
      %dma_start3A_632 = arith.constant 0 : i32
      %dma_start3A_633 = tpu.memref_slice %arg2[%add3A_613, %add3A_619, %dma_start3A_632] : memref<192x512x512xf32, #tpu.memory_space<hbm>> -> memref<1x64x512xf32, #tpu.memory_space<hbm>>
      %dma_start3A_634 = tpu.memref_squeeze %dma_start3A_633 : memref<1x64x512xf32, #tpu.memory_space<hbm>> -> memref<64x512xf32, #tpu.memory_space<hbm>>
      tpu.enqueue_dma source(%dma_start3A_634 : memref<64x512xf32, #tpu.memory_space<hbm>>) target(%dma_start3A_631 : memref<64x512xf32, #tpu.memory_space<vmem>>) target_semaphore(%arg7 : memref<!tpu.dma_semaphore, #tpu.memory_space<semaphore_mem>>)
    }
    %scan3A_194 = arith.constant 19 : i32
    %add3A_195 = arith.constant 5 : i32
    %add3A_196 = arith.addi %mul3A_2, %add3A_195 : i32
    %rem3A_197 = arith.constant 40 : i32
    %rem3A_198 = arith.constant 7 : i32
    %rem3A_199 = arith.remsi %rem3A_197, %rem3A_198 : i32
    %mul3A_200 = arith.constant 64 : i32
    %mul3A_201 = arith.muli %rem3A_199, %mul3A_200 : i32
    %add3A_202 = arith.constant 32 : i32
    %add3A_203 = arith.addi %add3A_202, %mul3A_201 : i32
    %dma_wait3A_204 = arith.constant 0 : i32
    %dma_wait3A_205 = arith.constant 0 : i32
    %dma_wait3A_206 = arith.constant 0 : i32
    %dma_wait3A_207 = tpu.memref_slice %arg4[%dma_wait3A_204, %dma_wait3A_205, %dma_wait3A_206] : memref<2x64x512xf32, #tpu.memory_space<vmem>> -> memref<1x64x512xf32, #tpu.memory_space<vmem>>
    %dma_wait3A_208 = tpu.memref_squeeze %dma_wait3A_207 : memref<1x64x512xf32, #tpu.memory_space<vmem>> -> memref<64x512xf32, #tpu.memory_space<vmem>>
    %dma_wait3A_209 = arith.constant 0 : i32
    %dma_wait3A_210 = tpu.memref_slice %arg2[%add3A_196, %add3A_203, %dma_wait3A_209] : memref<192x512x512xf32, #tpu.memory_space<hbm>> -> memref<1x64x512xf32, #tpu.memory_space<hbm>>
    %dma_wait3A_211 = tpu.memref_squeeze %dma_wait3A_210 : memref<1x64x512xf32, #tpu.memory_space<hbm>> -> memref<64x512xf32, #tpu.memory_space<hbm>>
    %dma_wait3A_212 = arith.constant 0 : i32
    %dma_wait3A_213 = arith.constant 0 : i32
    %dma_wait3A_214 = tpu.memref_slice %arg4[%dma_wait3A_204, %dma_wait3A_212, %dma_wait3A_213] : memref<2x64x512xf32, #tpu.memory_space<vmem>> -> memref<1x64x512xf32, #tpu.memory_space<vmem>>
    %dma_wait3A_215 = tpu.memref_squeeze %dma_wait3A_214 : memref<1x64x512xf32, #tpu.memory_space<vmem>> -> memref<64x512xf32, #tpu.memory_space<vmem>>
    %dma_wait3A_216 = arith.constant 0 : i32
    %dma_wait3A_217 = tpu.memref_slice %arg2[%add3A_196, %add3A_203, %dma_wait3A_216] : memref<192x512x512xf32, #tpu.memory_space<hbm>> -> memref<1x64x512xf32, #tpu.memory_space<hbm>>
    %dma_wait3A_218 = tpu.memref_squeeze %dma_wait3A_217 : memref<1x64x512xf32, #tpu.memory_space<hbm>> -> memref<64x512xf32, #tpu.memory_space<hbm>>
    tpu.wait_dma2 semaphore(%arg6 : memref<!tpu.dma_semaphore, #tpu.memory_space<semaphore_mem>>) src(%dma_wait3A_218 : memref<64x512xf32, #tpu.memory_space<hbm>>) dst(%dma_wait3A_215 : memref<64x512xf32, #tpu.memory_space<vmem>>)
    %mul3A_219 = arith.constant 64 : i32
    %mul3A_220 = arith.muli %rem3A_199, %mul3A_219 : i32
    %dma_wait3A_221 = arith.constant 0 : i32
    %dma_wait3A_222 = arith.constant 0 : i32
    %dma_wait3A_223 = arith.constant 0 : i32
    %dma_wait3A_224 = tpu.memref_slice %arg5[%dma_wait3A_221, %dma_wait3A_222, %dma_wait3A_223] : memref<2x64x448xf32, #tpu.memory_space<vmem>> -> memref<1x64x448xf32, #tpu.memory_space<vmem>>
    %dma_wait3A_225 = tpu.memref_squeeze %dma_wait3A_224 : memref<1x64x448xf32, #tpu.memory_space<vmem>> -> memref<64x448xf32, #tpu.memory_space<vmem>>
    %dma_wait3A_226 = arith.constant 0 : i32
    %dma_wait3A_227 = tpu.memref_slice %arg3[%add3A_196, %mul3A_220, %dma_wait3A_226] : memref<192x448x448xf32, #tpu.memory_space<hbm>> -> memref<1x64x448xf32, #tpu.memory_space<hbm>>
    %dma_wait3A_228 = tpu.memref_squeeze %dma_wait3A_227 : memref<1x64x448xf32, #tpu.memory_space<hbm>> -> memref<64x448xf32, #tpu.memory_space<hbm>>
    %dma_wait3A_229 = arith.constant 0 : i32
    %dma_wait3A_230 = tpu.memref_slice %arg3[%add3A_196, %mul3A_220, %dma_wait3A_229] : memref<192x448x448xf32, #tpu.memory_space<hbm>> -> memref<1x64x448xf32, #tpu.memory_space<hbm>>
    %dma_wait3A_231 = tpu.memref_squeeze %dma_wait3A_230 : memref<1x64x448xf32, #tpu.memory_space<hbm>> -> memref<64x448xf32, #tpu.memory_space<hbm>>
    %dma_wait3A_232 = arith.constant 0 : i32
    %dma_wait3A_233 = arith.constant 0 : i32
    %dma_wait3A_234 = tpu.memref_slice %arg5[%dma_wait3A_221, %dma_wait3A_232, %dma_wait3A_233] : memref<2x64x448xf32, #tpu.memory_space<vmem>> -> memref<1x64x448xf32, #tpu.memory_space<vmem>>
    %dma_wait3A_235 = tpu.memref_squeeze %dma_wait3A_234 : memref<1x64x448xf32, #tpu.memory_space<vmem>> -> memref<64x448xf32, #tpu.memory_space<vmem>>
    tpu.wait_dma2 semaphore(%arg8 : memref<!tpu.dma_semaphore, #tpu.memory_space<semaphore_mem>>) src(%dma_wait3A_235 : memref<64x448xf32, #tpu.memory_space<vmem>>) dst(%dma_wait3A_231 : memref<64x448xf32, #tpu.memory_space<hbm>>)
    %scan3A_236 = arith.constant 0 : i32
    %scan3A_237 = arith.constant 0 : i32
    %scan3A_238 = arith.constant 64 : i32
    %scan3A_239 = arith.addi %scan3A_237, %scan3A_238 : i32
    %scan3A_240 = arith.constant 1 : i32
    scf.for %scan3A_367 = %scan3A_237 to %scan3A_239 step %scan3A_240  : i32 {
      %get3A = arith.constant 0 : i32
      %get3A_368 = arith.index_cast %get3A : i32 to index
      %get3A_369 = arith.index_cast %scan3A_367 : i32 to index
      %get3A_370 = arith.constant 32 : index
      %get3A_371 = tpu.vector_load %arg4[%get3A_368, %get3A_369, %get3A_370] {strides = array<i32>} : memref<2x64x512xf32, #tpu.memory_space<vmem>>, vector<1x1x16xf32>,
      %get3A_372 = vector.shape_cast %get3A_371 : vector<1x1x16xf32> to vector<16xf32>
      %swap3A = arith.constant 0 : i32
      %swap3A_373 = arith.index_cast %swap3A : i32 to index
      %swap3A_374 = arith.index_cast %scan3A_367 : i32 to index
      %swap3A_375 = arith.constant 0 : index
      %swap3A_376 = tpu.vector_load %arg5[%swap3A_373, %swap3A_374, %swap3A_375] {strides = array<i32>} : memref<2x64x448xf32, #tpu.memory_space<vmem>>, vector<1x1x16xf32>,
      %swap3A_377 = vector.shape_cast %swap3A_376 : vector<1x1x16xf32> to vector<16xf32>
      %swap3A_378 = vector.shape_cast %get3A_372 : vector<16xf32> to vector<1x1x16xf32>
      tpu.vector_store %arg5[%swap3A_373, %swap3A_374, %swap3A_375], %swap3A_378 {strides = array<i32>} : memref<2x64x448xf32, #tpu.memory_space<vmem>>, vector<1x1x16xf32>,
      %get3A_379 = arith.constant 0 : i32
      %get3A_380 = arith.index_cast %get3A_379 : i32 to index
      %get3A_381 = arith.index_cast %scan3A_367 : i32 to index
      %get3A_382 = arith.constant 48 : index
      %get3A_383 = tpu.vector_load %arg4[%get3A_380, %get3A_381, %get3A_382] {strides = array<i32>} : memref<2x64x512xf32, #tpu.memory_space<vmem>>, vector<1x1x16xf32>,
      %get3A_384 = vector.shape_cast %get3A_383 : vector<1x1x16xf32> to vector<16xf32>
      %swap3A_385 = arith.constant 0 : i32
      %swap3A_386 = arith.index_cast %swap3A_385 : i32 to index
      %swap3A_387 = arith.index_cast %scan3A_367 : i32 to index
      %swap3A_388 = arith.constant 16 : index
      %swap3A_389 = tpu.vector_load %arg5[%swap3A_386, %swap3A_387, %swap3A_388] {strides = array<i32>} : memref<2x64x448xf32, #tpu.memory_space<vmem>>, vector<1x1x16xf32>,
      %swap3A_390 = vector.shape_cast %swap3A_389 : vector<1x1x16xf32> to vector<16xf32>
      %swap3A_391 = vector.shape_cast %get3A_384 : vector<16xf32> to vector<1x1x16xf32>
      tpu.vector_store %arg5[%swap3A_386, %swap3A_387, %swap3A_388], %swap3A_391 {strides = array<i32>} : memref<2x64x448xf32, #tpu.memory_space<vmem>>, vector<1x1x16xf32>,
      %get3A_392 = arith.constant 0 : i32
      %get3A_393 = arith.index_cast %get3A_392 : i32 to index
      %get3A_394 = arith.index_cast %scan3A_367 : i32 to index
      %get3A_395 = arith.constant 64 : index
      %get3A_396 = tpu.vector_load %arg4[%get3A_393, %get3A_394, %get3A_395] {strides = array<i32>} : memref<2x64x512xf32, #tpu.memory_space<vmem>>, vector<1x1x16xf32>,
      %get3A_397 = vector.shape_cast %get3A_396 : vector<1x1x16xf32> to vector<16xf32>
      %swap3A_398 = arith.constant 0 : i32
      %swap3A_399 = arith.index_cast %swap3A_398 : i32 to index
      %swap3A_400 = arith.index_cast %scan3A_367 : i32 to index
      %swap3A_401 = arith.constant 32 : index
      %swap3A_402 = tpu.vector_load %arg5[%swap3A_399, %swap3A_400, %swap3A_401] {strides = array<i32>} : memref<2x64x448xf32, #tpu.memory_space<vmem>>, vector<1x1x16xf32>,
      %swap3A_403 = vector.shape_cast %swap3A_402 : vector<1x1x16xf32> to vector<16xf32>
      %swap3A_404 = vector.shape_cast %get3A_397 : vector<16xf32> to vector<1x1x16xf32>
      tpu.vector_store %arg5[%swap3A_399, %swap3A_400, %swap3A_401], %swap3A_404 {strides = array<i32>} : memref<2x64x448xf32, #tpu.memory_space<vmem>>, vector<1x1x16xf32>,
      %get3A_405 = arith.constant 0 : i32
      %get3A_406 = arith.index_cast %get3A_405 : i32 to index
      %get3A_407 = arith.index_cast %scan3A_367 : i32 to index
      %get3A_408 = arith.constant 80 : index
      %get3A_409 = tpu.vector_load %arg4[%get3A_406, %get3A_407, %get3A_408] {strides = array<i32>} : memref<2x64x512xf32, #tpu.memory_space<vmem>>, vector<1x1x16xf32>,
      %get3A_410 = vector.shape_cast %get3A_409 : vector<1x1x16xf32> to vector<16xf32>
      %swap3A_411 = arith.constant 0 : i32
      %swap3A_412 = arith.index_cast %swap3A_411 : i32 to index
      %swap3A_413 = arith.index_cast %scan3A_367 : i32 to index
      %swap3A_414 = arith.constant 48 : index
      %swap3A_415 = tpu.vector_load %arg5[%swap3A_412, %swap3A_413, %swap3A_414] {strides = array<i32>} : memref<2x64x448xf32, #tpu.memory_space<vmem>>, vector<1x1x16xf32>,
      %swap3A_416 = vector.shape_cast %swap3A_415 : vector<1x1x16xf32> to vector<16xf32>
      %swap3A_417 = vector.shape_cast %get3A_410 : vector<16xf32> to vector<1x1x16xf32>
      tpu.vector_store %arg5[%swap3A_412, %swap3A_413, %swap3A_414], %swap3A_417 {strides = array<i32>} : memref<2x64x448xf32, #tpu.memory_space<vmem>>, vector<1x1x16xf32>,
      %get3A_418 = arith.constant 0 : i32
      %get3A_419 = arith.index_cast %get3A_418 : i32 to index
      %get3A_420 = arith.index_cast %scan3A_367 : i32 to index
      %get3A_421 = arith.constant 96 : index
      %get3A_422 = tpu.vector_load %arg4[%get3A_419, %get3A_420, %get3A_421] {strides = array<i32>} : memref<2x64x512xf32, #tpu.memory_space<vmem>>, vector<1x1x16xf32>,
      %get3A_423 = vector.shape_cast %get3A_422 : vector<1x1x16xf32> to vector<16xf32>
      %swap3A_424 = arith.constant 0 : i32
      %swap3A_425 = arith.index_cast %swap3A_424 : i32 to index
      %swap3A_426 = arith.index_cast %scan3A_367 : i32 to index
      %swap3A_427 = arith.constant 64 : index
      %swap3A_428 = tpu.vector_load %arg5[%swap3A_425, %swap3A_426, %swap3A_427] {strides = array<i32>} : memref<2x64x448xf32, #tpu.memory_space<vmem>>, vector<1x1x16xf32>,
      %swap3A_429 = vector.shape_cast %swap3A_428 : vector<1x1x16xf32> to vector<16xf32>
      %swap3A_430 = vector.shape_cast %get3A_423 : vector<16xf32> to vector<1x1x16xf32>
      tpu.vector_store %arg5[%swap3A_425, %swap3A_426, %swap3A_427], %swap3A_430 {strides = array<i32>} : memref<2x64x448xf32, #tpu.memory_space<vmem>>, vector<1x1x16xf32>,
      %get3A_431 = arith.constant 0 : i32
      %get3A_432 = arith.index_cast %get3A_431 : i32 to index
      %get3A_433 = arith.index_cast %scan3A_367 : i32 to index
      %get3A_434 = arith.constant 112 : index
      %get3A_435 = tpu.vector_load %arg4[%get3A_432, %get3A_433, %get3A_434] {strides = array<i32>} : memref<2x64x512xf32, #tpu.memory_space<vmem>>, vector<1x1x16xf32>,
      %get3A_436 = vector.shape_cast %get3A_435 : vector<1x1x16xf32> to vector<16xf32>
      %swap3A_437 = arith.constant 0 : i32
      %swap3A_438 = arith.index_cast %swap3A_437 : i32 to index
      %swap3A_439 = arith.index_cast %scan3A_367 : i32 to index
      %swap3A_440 = arith.constant 80 : index
      %swap3A_441 = tpu.vector_load %arg5[%swap3A_438, %swap3A_439, %swap3A_440] {strides = array<i32>} : memref<2x64x448xf32, #tpu.memory_space<vmem>>, vector<1x1x16xf32>,
      %swap3A_442 = vector.shape_cast %swap3A_441 : vector<1x1x16xf32> to vector<16xf32>
      %swap3A_443 = vector.shape_cast %get3A_436 : vector<16xf32> to vector<1x1x16xf32>
      tpu.vector_store %arg5[%swap3A_438, %swap3A_439, %swap3A_440], %swap3A_443 {strides = array<i32>} : memref<2x64x448xf32, #tpu.memory_space<vmem>>, vector<1x1x16xf32>,
      %get3A_444 = arith.constant 0 : i32
      %get3A_445 = arith.index_cast %get3A_444 : i32 to index
      %get3A_446 = arith.index_cast %scan3A_367 : i32 to index
      %get3A_447 = arith.constant 128 : index
      %get3A_448 = tpu.vector_load %arg4[%get3A_445, %get3A_446, %get3A_447] {strides = array<i32>} : memref<2x64x512xf32, #tpu.memory_space<vmem>>, vector<1x1x16xf32>,
      %get3A_449 = vector.shape_cast %get3A_448 : vector<1x1x16xf32> to vector<16xf32>
      %swap3A_450 = arith.constant 0 : i32
      %swap3A_451 = arith.index_cast %swap3A_450 : i32 to index
      %swap3A_452 = arith.index_cast %scan3A_367 : i32 to index
      %swap3A_453 = arith.constant 96 : index
      %swap3A_454 = tpu.vector_load %arg5[%swap3A_451, %swap3A_452, %swap3A_453] {strides = array<i32>} : memref<2x64x448xf32, #tpu.memory_space<vmem>>, vector<1x1x16xf32>,
      %swap3A_455 = vector.shape_cast %swap3A_454 : vector<1x1x16xf32> to vector<16xf32>
      %swap3A_456 = vector.shape_cast %get3A_449 : vector<16xf32> to vector<1x1x16xf32>
      tpu.vector_store %arg5[%swap3A_451, %swap3A_452, %swap3A_453], %swap3A_456 {strides = array<i32>} : memref<2x64x448xf32, #tpu.memory_space<vmem>>, vector<1x1x16xf32>,
      %get3A_457 = arith.constant 0 : i32
      %get3A_458 = arith.index_cast %get3A_457 : i32 to index
      %get3A_459 = arith.index_cast %scan3A_367 : i32 to index
      %get3A_460 = arith.constant 144 : index
      %get3A_461 = tpu.vector_load %arg4[%get3A_458, %get3A_459, %get3A_460] {strides = array<i32>} : memref<2x64x512xf32, #tpu.memory_space<vmem>>, vector<1x1x16xf32>,
      %get3A_462 = vector.shape_cast %get3A_461 : vector<1x1x16xf32> to vector<16xf32>
      %swap3A_463 = arith.constant 0 : i32
      %swap3A_464 = arith.index_cast %swap3A_463 : i32 to index
      %swap3A_465 = arith.index_cast %scan3A_367 : i32 to index
      %swap3A_466 = arith.constant 112 : index
      %swap3A_467 = tpu.vector_load %arg5[%swap3A_464, %swap3A_465, %swap3A_466] {strides = array<i32>} : memref<2x64x448xf32, #tpu.memory_space<vmem>>, vector<1x1x16xf32>,
      %swap3A_468 = vector.shape_cast %swap3A_467 : vector<1x1x16xf32> to vector<16xf32>
      %swap3A_469 = vector.shape_cast %get3A_462 : vector<16xf32> to vector<1x1x16xf32>
      tpu.vector_store %arg5[%swap3A_464, %swap3A_465, %swap3A_466], %swap3A_469 {strides = array<i32>} : memref<2x64x448xf32, #tpu.memory_space<vmem>>, vector<1x1x16xf32>,
      %get3A_470 = arith.constant 0 : i32
      %get3A_471 = arith.index_cast %get3A_470 : i32 to index
      %get3A_472 = arith.index_cast %scan3A_367 : i32 to index
      %get3A_473 = arith.constant 160 : index
      %get3A_474 = tpu.vector_load %arg4[%get3A_471, %get3A_472, %get3A_473] {strides = array<i32>} : memref<2x64x512xf32, #tpu.memory_space<vmem>>, vector<1x1x16xf32>,
      %get3A_475 = vector.shape_cast %get3A_474 : vector<1x1x16xf32> to vector<16xf32>
      %swap3A_476 = arith.constant 0 : i32
      %swap3A_477 = arith.index_cast %swap3A_476 : i32 to index
      %swap3A_478 = arith.index_cast %scan3A_367 : i32 to index
      %swap3A_479 = arith.constant 128 : index
      %swap3A_480 = tpu.vector_load %arg5[%swap3A_477, %swap3A_478, %swap3A_479] {strides = array<i32>} : memref<2x64x448xf32, #tpu.memory_space<vmem>>, vector<1x1x16xf32>,
      %swap3A_481 = vector.shape_cast %swap3A_480 : vector<1x1x16xf32> to vector<16xf32>
      %swap3A_482 = vector.shape_cast %get3A_475 : vector<16xf32> to vector<1x1x16xf32>
      tpu.vector_store %arg5[%swap3A_477, %swap3A_478, %swap3A_479], %swap3A_482 {strides = array<i32>} : memref<2x64x448xf32, #tpu.memory_space<vmem>>, vector<1x1x16xf32>,
      %get3A_483 = arith.constant 0 : i32
      %get3A_484 = arith.index_cast %get3A_483 : i32 to index
      %get3A_485 = arith.index_cast %scan3A_367 : i32 to index
      %get3A_486 = arith.constant 176 : index
      %get3A_487 = tpu.vector_load %arg4[%get3A_484, %get3A_485, %get3A_486] {strides = array<i32>} : memref<2x64x512xf32, #tpu.memory_space<vmem>>, vector<1x1x16xf32>,
      %get3A_488 = vector.shape_cast %get3A_487 : vector<1x1x16xf32> to vector<16xf32>
      %swap3A_489 = arith.constant 0 : i32
      %swap3A_490 = arith.index_cast %swap3A_489 : i32 to index
      %swap3A_491 = arith.index_cast %scan3A_367 : i32 to index
      %swap3A_492 = arith.constant 144 : index
      %swap3A_493 = tpu.vector_load %arg5[%swap3A_490, %swap3A_491, %swap3A_492] {strides = array<i32>} : memref<2x64x448xf32, #tpu.memory_space<vmem>>, vector<1x1x16xf32>,
      %swap3A_494 = vector.shape_cast %swap3A_493 : vector<1x1x16xf32> to vector<16xf32>
      %swap3A_495 = vector.shape_cast %get3A_488 : vector<16xf32> to vector<1x1x16xf32>
      tpu.vector_store %arg5[%swap3A_490, %swap3A_491, %swap3A_492], %swap3A_495 {strides = array<i32>} : memref<2x64x448xf32, #tpu.memory_space<vmem>>, vector<1x1x16xf32>,
      %get3A_496 = arith.constant 0 : i32
      %get3A_497 = arith.index_cast %get3A_496 : i32 to index
      %get3A_498 = arith.index_cast %scan3A_367 : i32 to index
      %get3A_499 = arith.constant 192 : index
      %get3A_500 = tpu.vector_load %arg4[%get3A_497, %get3A_498, %get3A_499] {strides = array<i32>} : memref<2x64x512xf32, #tpu.memory_space<vmem>>, vector<1x1x16xf32>,
      %get3A_501 = vector.shape_cast %get3A_500 : vector<1x1x16xf32> to vector<16xf32>
      %swap3A_502 = arith.constant 0 : i32
      %swap3A_503 = arith.index_cast %swap3A_502 : i32 to index
      %swap3A_504 = arith.index_cast %scan3A_367 : i32 to index
      %swap3A_505 = arith.constant 160 : index
      %swap3A_506 = tpu.vector_load %arg5[%swap3A_503, %swap3A_504, %swap3A_505] {strides = array<i32>} : memref<2x64x448xf32, #tpu.memory_space<vmem>>, vector<1x1x16xf32>,
      %swap3A_507 = vector.shape_cast %swap3A_506 : vector<1x1x16xf32> to vector<16xf32>
      %swap3A_508 = vector.shape_cast %get3A_501 : vector<16xf32> to vector<1x1x16xf32>
      tpu.vector_store %arg5[%swap3A_503, %swap3A_504, %swap3A_505], %swap3A_508 {strides = array<i32>} : memref<2x64x448xf32, #tpu.memory_space<vmem>>, vector<1x1x16xf32>,
      %get3A_509 = arith.constant 0 : i32
      %get3A_510 = arith.index_cast %get3A_509 : i32 to index
      %get3A_511 = arith.index_cast %scan3A_367 : i32 to index
      %get3A_512 = arith.constant 208 : index
      %get3A_513 = tpu.vector_load %arg4[%get3A_510, %get3A_511, %get3A_512] {strides = array<i32>} : memref<2x64x512xf32, #tpu.memory_space<vmem>>, vector<1x1x16xf32>,
      %get3A_514 = vector.shape_cast %get3A_513 : vector<1x1x16xf32> to vector<16xf32>
      %swap3A_515 = arith.constant 0 : i32
      %swap3A_516 = arith.index_cast %swap3A_515 : i32 to index
      %swap3A_517 = arith.index_cast %scan3A_367 : i32 to index
      %swap3A_518 = arith.constant 176 : index
      %swap3A_519 = tpu.vector_load %arg5[%swap3A_516, %swap3A_517, %swap3A_518] {strides = array<i32>} : memref<2x64x448xf32, #tpu.memory_space<vmem>>, vector<1x1x16xf32>,
      %swap3A_520 = vector.shape_cast %swap3A_519 : vector<1x1x16xf32> to vector<16xf32>
      %swap3A_521 = vector.shape_cast %get3A_514 : vector<16xf32> to vector<1x1x16xf32>
      tpu.vector_store %arg5[%swap3A_516, %swap3A_517, %swap3A_518], %swap3A_521 {strides = array<i32>} : memref<2x64x448xf32, #tpu.memory_space<vmem>>, vector<1x1x16xf32>,
      %get3A_522 = arith.constant 0 : i32
      %get3A_523 = arith.index_cast %get3A_522 : i32 to index
      %get3A_524 = arith.index_cast %scan3A_367 : i32 to index
      %get3A_525 = arith.constant 224 : index
      %get3A_526 = tpu.vector_load %arg4[%get3A_523, %get3A_524, %get3A_525] {strides = array<i32>} : memref<2x64x512xf32, #tpu.memory_space<vmem>>, vector<1x1x16xf32>,
      %get3A_527 = vector.shape_cast %get3A_526 : vector<1x1x16xf32> to vector<16xf32>
      %swap3A_528 = arith.constant 0 : i32
      %swap3A_529 = arith.index_cast %swap3A_528 : i32 to index
      %swap3A_530 = arith.index_cast %scan3A_367 : i32 to index
      %swap3A_531 = arith.constant 192 : index
      %swap3A_532 = tpu.vector_load %arg5[%swap3A_529, %swap3A_530, %swap3A_531] {strides = array<i32>} : memref<2x64x448xf32, #tpu.memory_space<vmem>>, vector<1x1x16xf32>,
      %swap3A_533 = vector.shape_cast %swap3A_532 : vector<1x1x16xf32> to vector<16xf32>
      %swap3A_534 = vector.shape_cast %get3A_527 : vector<16xf32> to vector<1x1x16xf32>
      tpu.vector_store %arg5[%swap3A_529, %swap3A_530, %swap3A_531], %swap3A_534 {strides = array<i32>} : memref<2x64x448xf32, #tpu.memory_space<vmem>>, vector<1x1x16xf32>,
      %get3A_535 = arith.constant 0 : i32
      %get3A_536 = arith.index_cast %get3A_535 : i32 to index
      %get3A_537 = arith.index_cast %scan3A_367 : i32 to index
      %get3A_538 = arith.constant 240 : index
      %get3A_539 = tpu.vector_load %arg4[%get3A_536, %get3A_537, %get3A_538] {strides = array<i32>} : memref<2x64x512xf32, #tpu.memory_space<vmem>>, vector<1x1x16xf32>,
      %get3A_540 = vector.shape_cast %get3A_539 : vector<1x1x16xf32> to vector<16xf32>
      %swap3A_541 = arith.constant 0 : i32
      %swap3A_542 = arith.index_cast %swap3A_541 : i32 to index
      %swap3A_543 = arith.index_cast %scan3A_367 : i32 to index
      %swap3A_544 = arith.constant 208 : index
      %swap3A_545 = tpu.vector_load %arg5[%swap3A_542, %swap3A_543, %swap3A_544] {strides = array<i32>} : memref<2x64x448xf32, #tpu.memory_space<vmem>>, vector<1x1x16xf32>,
      %swap3A_546 = vector.shape_cast %swap3A_545 : vector<1x1x16xf32> to vector<16xf32>
      %swap3A_547 = vector.shape_cast %get3A_540 : vector<16xf32> to vector<1x1x16xf32>
      tpu.vector_store %arg5[%swap3A_542, %swap3A_543, %swap3A_544], %swap3A_547 {strides = array<i32>} : memref<2x64x448xf32, #tpu.memory_space<vmem>>, vector<1x1x16xf32>,
      %get3A_548 = arith.constant 0 : i32
      %get3A_549 = arith.index_cast %get3A_548 : i32 to index
      %get3A_550 = arith.index_cast %scan3A_367 : i32 to index
      %get3A_551 = arith.constant 256 : index
      %get3A_552 = tpu.vector_load %arg4[%get3A_549, %get3A_550, %get3A_551] {strides = array<i32>} : memref<2x64x512xf32, #tpu.memory_space<vmem>>, vector<1x1x16xf32>,
      %get3A_553 = vector.shape_cast %get3A_552 : vector<1x1x16xf32> to vector<16xf32>
      %swap3A_554 = arith.constant 0 : i32
      %swap3A_555 = arith.index_cast %swap3A_554 : i32 to index
      %swap3A_556 = arith.index_cast %scan3A_367 : i32 to index
      %swap3A_557 = arith.constant 224 : index
      %swap3A_558 = tpu.vector_load %arg5[%swap3A_555, %swap3A_556, %swap3A_557] {strides = array<i32>} : memref<2x64x448xf32, #tpu.memory_space<vmem>>, vector<1x1x16xf32>,
      %swap3A_559 = vector.shape_cast %swap3A_558 : vector<1x1x16xf32> to vector<16xf32>
      %swap3A_560 = vector.shape_cast %get3A_553 : vector<16xf32> to vector<1x1x16xf32>
      tpu.vector_store %arg5[%swap3A_555, %swap3A_556, %swap3A_557], %swap3A_560 {strides = array<i32>} : memref<2x64x448xf32, #tpu.memory_space<vmem>>, vector<1x1x16xf32>,
      %get3A_561 = arith.constant 0 : i32
      %get3A_562 = arith.index_cast %get3A_561 : i32 to index
      %get3A_563 = arith.index_cast %scan3A_367 : i32 to index
      %get3A_564 = arith.constant 272 : index
      %get3A_565 = tpu.vector_load %arg4[%get3A_562, %get3A_563, %get3A_564] {strides = array<i32>} : memref<2x64x512xf32, #tpu.memory_space<vmem>>, vector<1x1x16xf32>,
      %get3A_566 = vector.shape_cast %get3A_565 : vector<1x1x16xf32> to vector<16xf32>
      %swap3A_567 = arith.constant 0 : i32
      %swap3A_568 = arith.index_cast %swap3A_567 : i32 to index
      %swap3A_569 = arith.index_cast %scan3A_367 : i32 to index
      %swap3A_570 = arith.constant 240 : index
      %swap3A_571 = tpu.vector_load %arg5[%swap3A_568, %swap3A_569, %swap3A_570] {strides = array<i32>} : memref<2x64x448xf32, #tpu.memory_space<vmem>>, vector<1x1x16xf32>,
      %swap3A_572 = vector.shape_cast %swap3A_571 : vector<1x1x16xf32> to vector<16xf32>
      %swap3A_573 = vector.shape_cast %get3A_566 : vector<16xf32> to vector<1x1x16xf32>
      tpu.vector_store %arg5[%swap3A_568, %swap3A_569, %swap3A_570], %swap3A_573 {strides = array<i32>} : memref<2x64x448xf32, #tpu.memory_space<vmem>>, vector<1x1x16xf32>,
      %get3A_574 = arith.constant 0 : i32
      %get3A_575 = arith.index_cast %get3A_574 : i32 to index
      %get3A_576 = arith.index_cast %scan3A_367 : i32 to index
      %get3A_577 = arith.constant 288 : index
      %get3A_578 = tpu.vector_load %arg4[%get3A_575, %get3A_576, %get3A_577] {strides = array<i32>} : memref<2x64x512xf32, #tpu.memory_space<vmem>>, vector<1x1x16xf32>,
      %get3A_579 = vector.shape_cast %get3A_578 : vector<1x1x16xf32> to vector<16xf32>
      %swap3A_580 = arith.constant 0 : i32
      %swap3A_581 = arith.index_cast %swap3A_580 : i32 to index
      %swap3A_582 = arith.index_cast %scan3A_367 : i32 to index
      %swap3A_583 = arith.constant 256 : index
      %swap3A_584 = tpu.vector_load %arg5[%swap3A_581, %swap3A_582, %swap3A_583] {strides = array<i32>} : memref<2x64x448xf32, #tpu.memory_space<vmem>>, vector<1x1x16xf32>,
      %swap3A_585 = vector.shape_cast %swap3A_584 : vector<1x1x16xf32> to vector<16xf32>
      %swap3A_586 = vector.shape_cast %get3A_579 : vector<16xf32> to vector<1x1x16xf32>
      tpu.vector_store %arg5[%swap3A_581, %swap3A_582, %swap3A_583], %swap3A_586 {strides = array<i32>} : memref<2x64x448xf32, #tpu.memory_space<vmem>>, vector<1x1x16xf32>,
      %get3A_587 = arith.constant 0 : i32
      %get3A_588 = arith.index_cast %get3A_587 : i32 to index
      %get3A_589 = arith.index_cast %scan3A_367 : i32 to index
      %get3A_590 = arith.constant 304 : index
      %get3A_591 = tpu.vector_load %arg4[%get3A_588, %get3A_589, %get3A_590] {strides = array<i32>} : memref<2x64x512xf32, #tpu.memory_space<vmem>>, vector<1x1x16xf32>,
      %get3A_592 = vector.shape_cast %get3A_591 : vector<1x1x16xf32> to vector<16xf32>
      %swap3A_593 = arith.constant 0 : i32
      %swap3A_594 = arith.index_cast %swap3A_593 : i32 to index
      %swap3A_595 = arith.index_cast %scan3A_367 : i32 to index
      %swap3A_596 = arith.constant 272 : index
      %swap3A_597 = tpu.vector_load %arg5[%swap3A_594, %swap3A_595, %swap3A_596] {strides = array<i32>} : memref<2x64x448xf32, #tpu.memory_space<vmem>>, vector<1x1x16xf32>,
      %swap3A_598 = vector.shape_cast %swap3A_597 : vector<1x1x16xf32> to vector<16xf32>
      %swap3A_599 = vector.shape_cast %get3A_592 : vector<16xf32> to vector<1x1x16xf32>
      tpu.vector_store %arg5[%swap3A_594, %swap3A_595, %swap3A_596], %swap3A_599 {strides = array<i32>} : memref<2x64x448xf32, #tpu.memory_space<vmem>>, vector<1x1x16xf32>,
      %get3A_600 = arith.constant 0 : i32
      %get3A_601 = arith.index_cast %get3A_600 : i32 to index
      %get3A_602 = arith.index_cast %scan3A_367 : i32 to index
      %get3A_603 = arith.constant 320 : index
      %get3A_604 = tpu.vector_load %arg4[%get3A_601, %get3A_602, %get3A_603] {strides = array<i32>} : memref<2x64x512xf32, #tpu.memory_space<vmem>>, vector<1x1x16xf32>,
      %get3A_605 = vector.shape_cast %get3A_604 : vector<1x1x16xf32> to vector<16xf32>
      %swap3A_606 = arith.constant 0 : i32
      %swap3A_607 = arith.index_cast %swap3A_606 : i32 to index
      %swap3A_608 = arith.index_cast %scan3A_367 : i32 to index
      %swap3A_609 = arith.constant 288 : index
      %swap3A_610 = tpu.vector_load %arg5[%swap3A_607, %swap3A_608, %swap3A_609] {strides = array<i32>} : memref<2x64x448xf32, #tpu.memory_space<vmem>>, vector<1x1x16xf32>,
      %swap3A_611 = vector.shape_cast %swap3A_610 : vector<1x1x16xf32> to vector<16xf32>
      %swap3A_612 = vector.shape_cast %get3A_605 : vector<16xf32> to vector<1x1x16xf32>
      tpu.vector_store %arg5[%swap3A_607, %swap3A_608, %swap3A_609], %swap3A_612 {strides = array<i32>} : memref<2x64x448xf32, #tpu.memory_space<vmem>>, vector<1x1x16xf32>,
      %get3A_613 = arith.constant 0 : i32
      %get3A_614 = arith.index_cast %get3A_613 : i32 to index
      %get3A_615 = arith.index_cast %scan3A_367 : i32 to index
      %get3A_616 = arith.constant 336 : index
      %get3A_617 = tpu.vector_load %arg4[%get3A_614, %get3A_615, %get3A_616] {strides = array<i32>} : memref<2x64x512xf32, #tpu.memory_space<vmem>>, vector<1x1x16xf32>,
      %get3A_618 = vector.shape_cast %get3A_617 : vector<1x1x16xf32> to vector<16xf32>
      %swap3A_619 = arith.constant 0 : i32
      %swap3A_620 = arith.index_cast %swap3A_619 : i32 to index
      %swap3A_621 = arith.index_cast %scan3A_367 : i32 to index
      %swap3A_622 = arith.constant 304 : index
      %swap3A_623 = tpu.vector_load %arg5[%swap3A_620, %swap3A_621, %swap3A_622] {strides = array<i32>} : memref<2x64x448xf32, #tpu.memory_space<vmem>>, vector<1x1x16xf32>,
      %swap3A_624 = vector.shape_cast %swap3A_623 : vector<1x1x16xf32> to vector<16xf32>
      %swap3A_625 = vector.shape_cast %get3A_618 : vector<16xf32> to vector<1x1x16xf32>
      tpu.vector_store %arg5[%swap3A_620, %swap3A_621, %swap3A_622], %swap3A_625 {strides = array<i32>} : memref<2x64x448xf32, #tpu.memory_space<vmem>>, vector<1x1x16xf32>,
      %get3A_626 = arith.constant 0 : i32
      %get3A_627 = arith.index_cast %get3A_626 : i32 to index
      %get3A_628 = arith.index_cast %scan3A_367 : i32 to index
      %get3A_629 = arith.constant 352 : index
      %get3A_630 = tpu.vector_load %arg4[%get3A_627, %get3A_628, %get3A_629] {strides = array<i32>} : memref<2x64x512xf32, #tpu.memory_space<vmem>>, vector<1x1x16xf32>,
      %get3A_631 = vector.shape_cast %get3A_630 : vector<1x1x16xf32> to vector<16xf32>
      %swap3A_632 = arith.constant 0 : i32
      %swap3A_633 = arith.index_cast %swap3A_632 : i32 to index
      %swap3A_634 = arith.index_cast %scan3A_367 : i32 to index
      %swap3A_635 = arith.constant 320 : index
      %swap3A_636 = tpu.vector_load %arg5[%swap3A_633, %swap3A_634, %swap3A_635] {strides = array<i32>} : memref<2x64x448xf32, #tpu.memory_space<vmem>>, vector<1x1x16xf32>,
      %swap3A_637 = vector.shape_cast %swap3A_636 : vector<1x1x16xf32> to vector<16xf32>
      %swap3A_638 = vector.shape_cast %get3A_631 : vector<16xf32> to vector<1x1x16xf32>
      tpu.vector_store %arg5[%swap3A_633, %swap3A_634, %swap3A_635], %swap3A_638 {strides = array<i32>} : memref<2x64x448xf32, #tpu.memory_space<vmem>>, vector<1x1x16xf32>,
      %get3A_639 = arith.constant 0 : i32
      %get3A_640 = arith.index_cast %get3A_639 : i32 to index
      %get3A_641 = arith.index_cast %scan3A_367 : i32 to index
      %get3A_642 = arith.constant 368 : index
      %get3A_643 = tpu.vector_load %arg4[%get3A_640, %get3A_641, %get3A_642] {strides = array<i32>} : memref<2x64x512xf32, #tpu.memory_space<vmem>>, vector<1x1x16xf32>,
      %get3A_644 = vector.shape_cast %get3A_643 : vector<1x1x16xf32> to vector<16xf32>
      %swap3A_645 = arith.constant 0 : i32
      %swap3A_646 = arith.index_cast %swap3A_645 : i32 to index
      %swap3A_647 = arith.index_cast %scan3A_367 : i32 to index
      %swap3A_648 = arith.constant 336 : index
      %swap3A_649 = tpu.vector_load %arg5[%swap3A_646, %swap3A_647, %swap3A_648] {strides = array<i32>} : memref<2x64x448xf32, #tpu.memory_space<vmem>>, vector<1x1x16xf32>,
      %swap3A_650 = vector.shape_cast %swap3A_649 : vector<1x1x16xf32> to vector<16xf32>
      %swap3A_651 = vector.shape_cast %get3A_644 : vector<16xf32> to vector<1x1x16xf32>
      tpu.vector_store %arg5[%swap3A_646, %swap3A_647, %swap3A_648], %swap3A_651 {strides = array<i32>} : memref<2x64x448xf32, #tpu.memory_space<vmem>>, vector<1x1x16xf32>,
      %get3A_652 = arith.constant 0 : i32
      %get3A_653 = arith.index_cast %get3A_652 : i32 to index
      %get3A_654 = arith.index_cast %scan3A_367 : i32 to index
      %get3A_655 = arith.constant 384 : index
      %get3A_656 = tpu.vector_load %arg4[%get3A_653, %get3A_654, %get3A_655] {strides = array<i32>} : memref<2x64x512xf32, #tpu.memory_space<vmem>>, vector<1x1x16xf32>,
      %get3A_657 = vector.shape_cast %get3A_656 : vector<1x1x16xf32> to vector<16xf32>
      %swap3A_658 = arith.constant 0 : i32
      %swap3A_659 = arith.index_cast %swap3A_658 : i32 to index
      %swap3A_660 = arith.index_cast %scan3A_367 : i32 to index
      %swap3A_661 = arith.constant 352 : index
      %swap3A_662 = tpu.vector_load %arg5[%swap3A_659, %swap3A_660, %swap3A_661] {strides = array<i32>} : memref<2x64x448xf32, #tpu.memory_space<vmem>>, vector<1x1x16xf32>,
      %swap3A_663 = vector.shape_cast %swap3A_662 : vector<1x1x16xf32> to vector<16xf32>
      %swap3A_664 = vector.shape_cast %get3A_657 : vector<16xf32> to vector<1x1x16xf32>
      tpu.vector_store %arg5[%swap3A_659, %swap3A_660, %swap3A_661], %swap3A_664 {strides = array<i32>} : memref<2x64x448xf32, #tpu.memory_space<vmem>>, vector<1x1x16xf32>,
      %get3A_665 = arith.constant 0 : i32
      %get3A_666 = arith.index_cast %get3A_665 : i32 to index
      %get3A_667 = arith.index_cast %scan3A_367 : i32 to index
      %get3A_668 = arith.constant 400 : index
      %get3A_669 = tpu.vector_load %arg4[%get3A_666, %get3A_667, %get3A_668] {strides = array<i32>} : memref<2x64x512xf32, #tpu.memory_space<vmem>>, vector<1x1x16xf32>,
      %get3A_670 = vector.shape_cast %get3A_669 : vector<1x1x16xf32> to vector<16xf32>
      %swap3A_671 = arith.constant 0 : i32
      %swap3A_672 = arith.index_cast %swap3A_671 : i32 to index
      %swap3A_673 = arith.index_cast %scan3A_367 : i32 to index
      %swap3A_674 = arith.constant 368 : index
      %swap3A_675 = tpu.vector_load %arg5[%swap3A_672, %swap3A_673, %swap3A_674] {strides = array<i32>} : memref<2x64x448xf32, #tpu.memory_space<vmem>>, vector<1x1x16xf32>,
      %swap3A_676 = vector.shape_cast %swap3A_675 : vector<1x1x16xf32> to vector<16xf32>
      %swap3A_677 = vector.shape_cast %get3A_670 : vector<16xf32> to vector<1x1x16xf32>
      tpu.vector_store %arg5[%swap3A_672, %swap3A_673, %swap3A_674], %swap3A_677 {strides = array<i32>} : memref<2x64x448xf32, #tpu.memory_space<vmem>>, vector<1x1x16xf32>,
      %get3A_678 = arith.constant 0 : i32
      %get3A_679 = arith.index_cast %get3A_678 : i32 to index
      %get3A_680 = arith.index_cast %scan3A_367 : i32 to index
      %get3A_681 = arith.constant 416 : index
      %get3A_682 = tpu.vector_load %arg4[%get3A_679, %get3A_680, %get3A_681] {strides = array<i32>} : memref<2x64x512xf32, #tpu.memory_space<vmem>>, vector<1x1x16xf32>,
      %get3A_683 = vector.shape_cast %get3A_682 : vector<1x1x16xf32> to vector<16xf32>
      %swap3A_684 = arith.constant 0 : i32
      %swap3A_685 = arith.index_cast %swap3A_684 : i32 to index
      %swap3A_686 = arith.index_cast %scan3A_367 : i32 to index
      %swap3A_687 = arith.constant 384 : index
      %swap3A_688 = tpu.vector_load %arg5[%swap3A_685, %swap3A_686, %swap3A_687] {strides = array<i32>} : memref<2x64x448xf32, #tpu.memory_space<vmem>>, vector<1x1x16xf32>,
      %swap3A_689 = vector.shape_cast %swap3A_688 : vector<1x1x16xf32> to vector<16xf32>
      %swap3A_690 = vector.shape_cast %get3A_683 : vector<16xf32> to vector<1x1x16xf32>
      tpu.vector_store %arg5[%swap3A_685, %swap3A_686, %swap3A_687], %swap3A_690 {strides = array<i32>} : memref<2x64x448xf32, #tpu.memory_space<vmem>>, vector<1x1x16xf32>,
      %get3A_691 = arith.constant 0 : i32
      %get3A_692 = arith.index_cast %get3A_691 : i32 to index
      %get3A_693 = arith.index_cast %scan3A_367 : i32 to index
      %get3A_694 = arith.constant 432 : index
      %get3A_695 = tpu.vector_load %arg4[%get3A_692, %get3A_693, %get3A_694] {strides = array<i32>} : memref<2x64x512xf32, #tpu.memory_space<vmem>>, vector<1x1x16xf32>,
      %get3A_696 = vector.shape_cast %get3A_695 : vector<1x1x16xf32> to vector<16xf32>
      %swap3A_697 = arith.constant 0 : i32
      %swap3A_698 = arith.index_cast %swap3A_697 : i32 to index
      %swap3A_699 = arith.index_cast %scan3A_367 : i32 to index
      %swap3A_700 = arith.constant 400 : index
      %swap3A_701 = tpu.vector_load %arg5[%swap3A_698, %swap3A_699, %swap3A_700] {strides = array<i32>} : memref<2x64x448xf32, #tpu.memory_space<vmem>>, vector<1x1x16xf32>,
      %swap3A_702 = vector.shape_cast %swap3A_701 : vector<1x1x16xf32> to vector<16xf32>
      %swap3A_703 = vector.shape_cast %get3A_696 : vector<16xf32> to vector<1x1x16xf32>
      tpu.vector_store %arg5[%swap3A_698, %swap3A_699, %swap3A_700], %swap3A_703 {strides = array<i32>} : memref<2x64x448xf32, #tpu.memory_space<vmem>>, vector<1x1x16xf32>,
      %get3A_704 = arith.constant 0 : i32
      %get3A_705 = arith.index_cast %get3A_704 : i32 to index
      %get3A_706 = arith.index_cast %scan3A_367 : i32 to index
      %get3A_707 = arith.constant 448 : index
      %get3A_708 = tpu.vector_load %arg4[%get3A_705, %get3A_706, %get3A_707] {strides = array<i32>} : memref<2x64x512xf32, #tpu.memory_space<vmem>>, vector<1x1x16xf32>,
      %get3A_709 = vector.shape_cast %get3A_708 : vector<1x1x16xf32> to vector<16xf32>
      %swap3A_710 = arith.constant 0 : i32
      %swap3A_711 = arith.index_cast %swap3A_710 : i32 to index
      %swap3A_712 = arith.index_cast %scan3A_367 : i32 to index
      %swap3A_713 = arith.constant 416 : index
      %swap3A_714 = tpu.vector_load %arg5[%swap3A_711, %swap3A_712, %swap3A_713] {strides = array<i32>} : memref<2x64x448xf32, #tpu.memory_space<vmem>>, vector<1x1x16xf32>,
      %swap3A_715 = vector.shape_cast %swap3A_714 : vector<1x1x16xf32> to vector<16xf32>
      %swap3A_716 = vector.shape_cast %get3A_709 : vector<16xf32> to vector<1x1x16xf32>
      tpu.vector_store %arg5[%swap3A_711, %swap3A_712, %swap3A_713], %swap3A_716 {strides = array<i32>} : memref<2x64x448xf32, #tpu.memory_space<vmem>>, vector<1x1x16xf32>,
      %get3A_717 = arith.constant 0 : i32
      %get3A_718 = arith.index_cast %get3A_717 : i32 to index
      %get3A_719 = arith.index_cast %scan3A_367 : i32 to index
      %get3A_720 = arith.constant 464 : index
      %get3A_721 = tpu.vector_load %arg4[%get3A_718, %get3A_719, %get3A_720] {strides = array<i32>} : memref<2x64x512xf32, #tpu.memory_space<vmem>>, vector<1x1x16xf32>,
      %get3A_722 = vector.shape_cast %get3A_721 : vector<1x1x16xf32> to vector<16xf32>
      %swap3A_723 = arith.constant 0 : i32
      %swap3A_724 = arith.index_cast %swap3A_723 : i32 to index
      %swap3A_725 = arith.index_cast %scan3A_367 : i32 to index
      %swap3A_726 = arith.constant 432 : index
      %swap3A_727 = tpu.vector_load %arg5[%swap3A_724, %swap3A_725, %swap3A_726] {strides = array<i32>} : memref<2x64x448xf32, #tpu.memory_space<vmem>>, vector<1x1x16xf32>,
      %swap3A_728 = vector.shape_cast %swap3A_727 : vector<1x1x16xf32> to vector<16xf32>
      %swap3A_729 = vector.shape_cast %get3A_722 : vector<16xf32> to vector<1x1x16xf32>
      tpu.vector_store %arg5[%swap3A_724, %swap3A_725, %swap3A_726], %swap3A_729 {strides = array<i32>} : memref<2x64x448xf32, #tpu.memory_space<vmem>>, vector<1x1x16xf32>,
    }
    %scan3A_241 = arith.constant 64 : i32
    %mul3A_242 = arith.constant 64 : i32
    %mul3A_243 = arith.muli %rem3A_199, %mul3A_242 : i32
    %dma_start3A_244 = arith.constant 0 : i32
    %dma_start3A_245 = arith.constant 0 : i32
    %dma_start3A_246 = arith.constant 0 : i32
    %dma_start3A_247 = tpu.memref_slice %arg5[%dma_start3A_244, %dma_start3A_245, %dma_start3A_246] : memref<2x64x448xf32, #tpu.memory_space<vmem>> -> memref<1x64x448xf32, #tpu.memory_space<vmem>>
    %dma_start3A_248 = tpu.memref_squeeze %dma_start3A_247 : memref<1x64x448xf32, #tpu.memory_space<vmem>> -> memref<64x448xf32, #tpu.memory_space<vmem>>
    %dma_start3A_249 = arith.constant 0 : i32
    %dma_start3A_250 = tpu.memref_slice %arg3[%add3A_196, %mul3A_243, %dma_start3A_249] : memref<192x448x448xf32, #tpu.memory_space<hbm>> -> memref<1x64x448xf32, #tpu.memory_space<hbm>>
    %dma_start3A_251 = tpu.memref_squeeze %dma_start3A_250 : memref<1x64x448xf32, #tpu.memory_space<hbm>> -> memref<64x448xf32, #tpu.memory_space<hbm>>
    %dma_start3A_252 = arith.constant 0 : i32
    %dma_start3A_253 = tpu.memref_slice %arg3[%add3A_196, %mul3A_243, %dma_start3A_252] : memref<192x448x448xf32, #tpu.memory_space<hbm>> -> memref<1x64x448xf32, #tpu.memory_space<hbm>>
    %dma_start3A_254 = tpu.memref_squeeze %dma_start3A_253 : memref<1x64x448xf32, #tpu.memory_space<hbm>> -> memref<64x448xf32, #tpu.memory_space<hbm>>
    %dma_start3A_255 = arith.constant 0 : i32
    %dma_start3A_256 = arith.constant 0 : i32
    %dma_start3A_257 = tpu.memref_slice %arg5[%dma_start3A_244, %dma_start3A_255, %dma_start3A_256] : memref<2x64x448xf32, #tpu.memory_space<vmem>> -> memref<1x64x448xf32, #tpu.memory_space<vmem>>
    %dma_start3A_258 = tpu.memref_squeeze %dma_start3A_257 : memref<1x64x448xf32, #tpu.memory_space<vmem>> -> memref<64x448xf32, #tpu.memory_space<vmem>>
    tpu.enqueue_dma source(%dma_start3A_258 : memref<64x448xf32, #tpu.memory_space<vmem>>) target(%dma_start3A_254 : memref<64x448xf32, #tpu.memory_space<hbm>>) target_semaphore(%arg8 : memref<!tpu.dma_semaphore, #tpu.memory_space<semaphore_mem>>)
    %add3A_259 = arith.constant 5 : i32
    %add3A_260 = arith.addi %mul3A_2, %add3A_259 : i32
    %rem3A_261 = arith.constant 41 : i32
    %rem3A_262 = arith.constant 7 : i32
    %rem3A_263 = arith.remsi %rem3A_261, %rem3A_262 : i32
    %mul3A_264 = arith.constant 64 : i32
    %mul3A_265 = arith.muli %rem3A_263, %mul3A_264 : i32
    %add3A_266 = arith.constant 32 : i32
    %add3A_267 = arith.addi %add3A_266, %mul3A_265 : i32
    %dma_wait3A_268 = arith.constant 1 : i32
    %dma_wait3A_269 = arith.constant 0 : i32
    %dma_wait3A_270 = arith.constant 0 : i32
    %dma_wait3A_271 = tpu.memref_slice %arg4[%dma_wait3A_268, %dma_wait3A_269, %dma_wait3A_270] : memref<2x64x512xf32, #tpu.memory_space<vmem>> -> memref<1x64x512xf32, #tpu.memory_space<vmem>>
    %dma_wait3A_272 = tpu.memref_squeeze %dma_wait3A_271 : memref<1x64x512xf32, #tpu.memory_space<vmem>> -> memref<64x512xf32, #tpu.memory_space<vmem>>
    %dma_wait3A_273 = arith.constant 0 : i32
    %dma_wait3A_274 = tpu.memref_slice %arg2[%add3A_260, %add3A_267, %dma_wait3A_273] : memref<192x512x512xf32, #tpu.memory_space<hbm>> -> memref<1x64x512xf32, #tpu.memory_space<hbm>>
    %dma_wait3A_275 = tpu.memref_squeeze %dma_wait3A_274 : memref<1x64x512xf32, #tpu.memory_space<hbm>> -> memref<64x512xf32, #tpu.memory_space<hbm>>
    %dma_wait3A_276 = arith.constant 0 : i32
    %dma_wait3A_277 = arith.constant 0 : i32
    %dma_wait3A_278 = tpu.memref_slice %arg4[%dma_wait3A_268, %dma_wait3A_276, %dma_wait3A_277] : memref<2x64x512xf32, #tpu.memory_space<vmem>> -> memref<1x64x512xf32, #tpu.memory_space<vmem>>
    %dma_wait3A_279 = tpu.memref_squeeze %dma_wait3A_278 : memref<1x64x512xf32, #tpu.memory_space<vmem>> -> memref<64x512xf32, #tpu.memory_space<vmem>>
    %dma_wait3A_280 = arith.constant 0 : i32
    %dma_wait3A_281 = tpu.memref_slice %arg2[%add3A_260, %add3A_267, %dma_wait3A_280] : memref<192x512x512xf32, #tpu.memory_space<hbm>> -> memref<1x64x512xf32, #tpu.memory_space<hbm>>
    %dma_wait3A_282 = tpu.memref_squeeze %dma_wait3A_281 : memref<1x64x512xf32, #tpu.memory_space<hbm>> -> memref<64x512xf32, #tpu.memory_space<hbm>>
    tpu.wait_dma2 semaphore(%arg7 : memref<!tpu.dma_semaphore, #tpu.memory_space<semaphore_mem>>) src(%dma_wait3A_282 : memref<64x512xf32, #tpu.memory_space<hbm>>) dst(%dma_wait3A_279 : memref<64x512xf32, #tpu.memory_space<vmem>>)
    %mul3A_283 = arith.constant 64 : i32
    %mul3A_284 = arith.muli %rem3A_263, %mul3A_283 : i32
    %dma_wait3A_285 = arith.constant 1 : i32
    %dma_wait3A_286 = arith.constant 0 : i32
    %dma_wait3A_287 = arith.constant 0 : i32
    %dma_wait3A_288 = tpu.memref_slice %arg5[%dma_wait3A_285, %dma_wait3A_286, %dma_wait3A_287] : memref<2x64x448xf32, #tpu.memory_space<vmem>> -> memref<1x64x448xf32, #tpu.memory_space<vmem>>
    %dma_wait3A_289 = tpu.memref_squeeze %dma_wait3A_288 : memref<1x64x448xf32, #tpu.memory_space<vmem>> -> memref<64x448xf32, #tpu.memory_space<vmem>>
    %dma_wait3A_290 = arith.constant 0 : i32
    %dma_wait3A_291 = tpu.memref_slice %arg3[%add3A_260, %mul3A_284, %dma_wait3A_290] : memref<192x448x448xf32, #tpu.memory_space<hbm>> -> memref<1x64x448xf32, #tpu.memory_space<hbm>>
    %dma_wait3A_292 = tpu.memref_squeeze %dma_wait3A_291 : memref<1x64x448xf32, #tpu.memory_space<hbm>> -> memref<64x448xf32, #tpu.memory_space<hbm>>
    %dma_wait3A_293 = arith.constant 0 : i32
    %dma_wait3A_294 = tpu.memref_slice %arg3[%add3A_260, %mul3A_284, %dma_wait3A_293] : memref<192x448x448xf32, #tpu.memory_space<hbm>> -> memref<1x64x448xf32, #tpu.memory_space<hbm>>
    %dma_wait3A_295 = tpu.memref_squeeze %dma_wait3A_294 : memref<1x64x448xf32, #tpu.memory_space<hbm>> -> memref<64x448xf32, #tpu.memory_space<hbm>>
    %dma_wait3A_296 = arith.constant 0 : i32
    %dma_wait3A_297 = arith.constant 0 : i32
    %dma_wait3A_298 = tpu.memref_slice %arg5[%dma_wait3A_285, %dma_wait3A_296, %dma_wait3A_297] : memref<2x64x448xf32, #tpu.memory_space<vmem>> -> memref<1x64x448xf32, #tpu.memory_space<vmem>>
    %dma_wait3A_299 = tpu.memref_squeeze %dma_wait3A_298 : memref<1x64x448xf32, #tpu.memory_space<vmem>> -> memref<64x448xf32, #tpu.memory_space<vmem>>
    tpu.wait_dma2 semaphore(%arg9 : memref<!tpu.dma_semaphore, #tpu.memory_space<semaphore_mem>>) src(%dma_wait3A_299 : memref<64x448xf32, #tpu.memory_space<vmem>>) dst(%dma_wait3A_295 : memref<64x448xf32, #tpu.memory_space<hbm>>)
    %scan3A_300 = arith.constant 0 : i32
    %scan3A_301 = arith.constant 0 : i32
    %scan3A_302 = arith.constant 64 : i32
    %scan3A_303 = arith.addi %scan3A_301, %scan3A_302 : i32
    %scan3A_304 = arith.constant 1 : i32
    scf.for %scan3A_367 = %scan3A_301 to %scan3A_303 step %scan3A_304  : i32 {
      %get3A = arith.constant 1 : i32
      %get3A_368 = arith.index_cast %get3A : i32 to index
      %get3A_369 = arith.index_cast %scan3A_367 : i32 to index
      %get3A_370 = arith.constant 32 : index
      %get3A_371 = tpu.vector_load %arg4[%get3A_368, %get3A_369, %get3A_370] {strides = array<i32>} : memref<2x64x512xf32, #tpu.memory_space<vmem>>, vector<1x1x16xf32>,
      %get3A_372 = vector.shape_cast %get3A_371 : vector<1x1x16xf32> to vector<16xf32>
      %swap3A = arith.constant 1 : i32
      %swap3A_373 = arith.index_cast %swap3A : i32 to index
      %swap3A_374 = arith.index_cast %scan3A_367 : i32 to index
      %swap3A_375 = arith.constant 0 : index
      %swap3A_376 = tpu.vector_load %arg5[%swap3A_373, %swap3A_374, %swap3A_375] {strides = array<i32>} : memref<2x64x448xf32, #tpu.memory_space<vmem>>, vector<1x1x16xf32>,
      %swap3A_377 = vector.shape_cast %swap3A_376 : vector<1x1x16xf32> to vector<16xf32>
      %swap3A_378 = vector.shape_cast %get3A_372 : vector<16xf32> to vector<1x1x16xf32>
      tpu.vector_store %arg5[%swap3A_373, %swap3A_374, %swap3A_375], %swap3A_378 {strides = array<i32>} : memref<2x64x448xf32, #tpu.memory_space<vmem>>, vector<1x1x16xf32>,
      %get3A_379 = arith.constant 1 : i32
      %get3A_380 = arith.index_cast %get3A_379 : i32 to index
      %get3A_381 = arith.index_cast %scan3A_367 : i32 to index
      %get3A_382 = arith.constant 48 : index
      %get3A_383 = tpu.vector_load %arg4[%get3A_380, %get3A_381, %get3A_382] {strides = array<i32>} : memref<2x64x512xf32, #tpu.memory_space<vmem>>, vector<1x1x16xf32>,
      %get3A_384 = vector.shape_cast %get3A_383 : vector<1x1x16xf32> to vector<16xf32>
      %swap3A_385 = arith.constant 1 : i32
      %swap3A_386 = arith.index_cast %swap3A_385 : i32 to index
      %swap3A_387 = arith.index_cast %scan3A_367 : i32 to index
      %swap3A_388 = arith.constant 16 : index
      %swap3A_389 = tpu.vector_load %arg5[%swap3A_386, %swap3A_387, %swap3A_388] {strides = array<i32>} : memref<2x64x448xf32, #tpu.memory_space<vmem>>, vector<1x1x16xf32>,
      %swap3A_390 = vector.shape_cast %swap3A_389 : vector<1x1x16xf32> to vector<16xf32>
      %swap3A_391 = vector.shape_cast %get3A_384 : vector<16xf32> to vector<1x1x16xf32>
      tpu.vector_store %arg5[%swap3A_386, %swap3A_387, %swap3A_388], %swap3A_391 {strides = array<i32>} : memref<2x64x448xf32, #tpu.memory_space<vmem>>, vector<1x1x16xf32>,
      %get3A_392 = arith.constant 1 : i32
      %get3A_393 = arith.index_cast %get3A_392 : i32 to index
      %get3A_394 = arith.index_cast %scan3A_367 : i32 to index
      %get3A_395 = arith.constant 64 : index
      %get3A_396 = tpu.vector_load %arg4[%get3A_393, %get3A_394, %get3A_395] {strides = array<i32>} : memref<2x64x512xf32, #tpu.memory_space<vmem>>, vector<1x1x16xf32>,
      %get3A_397 = vector.shape_cast %get3A_396 : vector<1x1x16xf32> to vector<16xf32>
      %swap3A_398 = arith.constant 1 : i32
      %swap3A_399 = arith.index_cast %swap3A_398 : i32 to index
      %swap3A_400 = arith.index_cast %scan3A_367 : i32 to index
      %swap3A_401 = arith.constant 32 : index
      %swap3A_402 = tpu.vector_load %arg5[%swap3A_399, %swap3A_400, %swap3A_401] {strides = array<i32>} : memref<2x64x448xf32, #tpu.memory_space<vmem>>, vector<1x1x16xf32>,
      %swap3A_403 = vector.shape_cast %swap3A_402 : vector<1x1x16xf32> to vector<16xf32>
      %swap3A_404 = vector.shape_cast %get3A_397 : vector<16xf32> to vector<1x1x16xf32>
      tpu.vector_store %arg5[%swap3A_399, %swap3A_400, %swap3A_401], %swap3A_404 {strides = array<i32>} : memref<2x64x448xf32, #tpu.memory_space<vmem>>, vector<1x1x16xf32>,
      %get3A_405 = arith.constant 1 : i32
      %get3A_406 = arith.index_cast %get3A_405 : i32 to index
      %get3A_407 = arith.index_cast %scan3A_367 : i32 to index
      %get3A_408 = arith.constant 80 : index
      %get3A_409 = tpu.vector_load %arg4[%get3A_406, %get3A_407, %get3A_408] {strides = array<i32>} : memref<2x64x512xf32, #tpu.memory_space<vmem>>, vector<1x1x16xf32>,
      %get3A_410 = vector.shape_cast %get3A_409 : vector<1x1x16xf32> to vector<16xf32>
      %swap3A_411 = arith.constant 1 : i32
      %swap3A_412 = arith.index_cast %swap3A_411 : i32 to index
      %swap3A_413 = arith.index_cast %scan3A_367 : i32 to index
      %swap3A_414 = arith.constant 48 : index
      %swap3A_415 = tpu.vector_load %arg5[%swap3A_412, %swap3A_413, %swap3A_414] {strides = array<i32>} : memref<2x64x448xf32, #tpu.memory_space<vmem>>, vector<1x1x16xf32>,
      %swap3A_416 = vector.shape_cast %swap3A_415 : vector<1x1x16xf32> to vector<16xf32>
      %swap3A_417 = vector.shape_cast %get3A_410 : vector<16xf32> to vector<1x1x16xf32>
      tpu.vector_store %arg5[%swap3A_412, %swap3A_413, %swap3A_414], %swap3A_417 {strides = array<i32>} : memref<2x64x448xf32, #tpu.memory_space<vmem>>, vector<1x1x16xf32>,
      %get3A_418 = arith.constant 1 : i32
      %get3A_419 = arith.index_cast %get3A_418 : i32 to index
      %get3A_420 = arith.index_cast %scan3A_367 : i32 to index
      %get3A_421 = arith.constant 96 : index
      %get3A_422 = tpu.vector_load %arg4[%get3A_419, %get3A_420, %get3A_421] {strides = array<i32>} : memref<2x64x512xf32, #tpu.memory_space<vmem>>, vector<1x1x16xf32>,
      %get3A_423 = vector.shape_cast %get3A_422 : vector<1x1x16xf32> to vector<16xf32>
      %swap3A_424 = arith.constant 1 : i32
      %swap3A_425 = arith.index_cast %swap3A_424 : i32 to index
      %swap3A_426 = arith.index_cast %scan3A_367 : i32 to index
      %swap3A_427 = arith.constant 64 : index
      %swap3A_428 = tpu.vector_load %arg5[%swap3A_425, %swap3A_426, %swap3A_427] {strides = array<i32>} : memref<2x64x448xf32, #tpu.memory_space<vmem>>, vector<1x1x16xf32>,
      %swap3A_429 = vector.shape_cast %swap3A_428 : vector<1x1x16xf32> to vector<16xf32>
      %swap3A_430 = vector.shape_cast %get3A_423 : vector<16xf32> to vector<1x1x16xf32>
      tpu.vector_store %arg5[%swap3A_425, %swap3A_426, %swap3A_427], %swap3A_430 {strides = array<i32>} : memref<2x64x448xf32, #tpu.memory_space<vmem>>, vector<1x1x16xf32>,
      %get3A_431 = arith.constant 1 : i32
      %get3A_432 = arith.index_cast %get3A_431 : i32 to index
      %get3A_433 = arith.index_cast %scan3A_367 : i32 to index
      %get3A_434 = arith.constant 112 : index
      %get3A_435 = tpu.vector_load %arg4[%get3A_432, %get3A_433, %get3A_434] {strides = array<i32>} : memref<2x64x512xf32, #tpu.memory_space<vmem>>, vector<1x1x16xf32>,
      %get3A_436 = vector.shape_cast %get3A_435 : vector<1x1x16xf32> to vector<16xf32>
      %swap3A_437 = arith.constant 1 : i32
      %swap3A_438 = arith.index_cast %swap3A_437 : i32 to index
      %swap3A_439 = arith.index_cast %scan3A_367 : i32 to index
      %swap3A_440 = arith.constant 80 : index
      %swap3A_441 = tpu.vector_load %arg5[%swap3A_438, %swap3A_439, %swap3A_440] {strides = array<i32>} : memref<2x64x448xf32, #tpu.memory_space<vmem>>, vector<1x1x16xf32>,
      %swap3A_442 = vector.shape_cast %swap3A_441 : vector<1x1x16xf32> to vector<16xf32>
      %swap3A_443 = vector.shape_cast %get3A_436 : vector<16xf32> to vector<1x1x16xf32>
      tpu.vector_store %arg5[%swap3A_438, %swap3A_439, %swap3A_440], %swap3A_443 {strides = array<i32>} : memref<2x64x448xf32, #tpu.memory_space<vmem>>, vector<1x1x16xf32>,
      %get3A_444 = arith.constant 1 : i32
      %get3A_445 = arith.index_cast %get3A_444 : i32 to index
      %get3A_446 = arith.index_cast %scan3A_367 : i32 to index
      %get3A_447 = arith.constant 128 : index
      %get3A_448 = tpu.vector_load %arg4[%get3A_445, %get3A_446, %get3A_447] {strides = array<i32>} : memref<2x64x512xf32, #tpu.memory_space<vmem>>, vector<1x1x16xf32>,
      %get3A_449 = vector.shape_cast %get3A_448 : vector<1x1x16xf32> to vector<16xf32>
      %swap3A_450 = arith.constant 1 : i32
      %swap3A_451 = arith.index_cast %swap3A_450 : i32 to index
      %swap3A_452 = arith.index_cast %scan3A_367 : i32 to index
      %swap3A_453 = arith.constant 96 : index
      %swap3A_454 = tpu.vector_load %arg5[%swap3A_451, %swap3A_452, %swap3A_453] {strides = array<i32>} : memref<2x64x448xf32, #tpu.memory_space<vmem>>, vector<1x1x16xf32>,
      %swap3A_455 = vector.shape_cast %swap3A_454 : vector<1x1x16xf32> to vector<16xf32>
      %swap3A_456 = vector.shape_cast %get3A_449 : vector<16xf32> to vector<1x1x16xf32>
      tpu.vector_store %arg5[%swap3A_451, %swap3A_452, %swap3A_453], %swap3A_456 {strides = array<i32>} : memref<2x64x448xf32, #tpu.memory_space<vmem>>, vector<1x1x16xf32>,
      %get3A_457 = arith.constant 1 : i32
      %get3A_458 = arith.index_cast %get3A_457 : i32 to index
      %get3A_459 = arith.index_cast %scan3A_367 : i32 to index
      %get3A_460 = arith.constant 144 : index
      %get3A_461 = tpu.vector_load %arg4[%get3A_458, %get3A_459, %get3A_460] {strides = array<i32>} : memref<2x64x512xf32, #tpu.memory_space<vmem>>, vector<1x1x16xf32>,
      %get3A_462 = vector.shape_cast %get3A_461 : vector<1x1x16xf32> to vector<16xf32>
      %swap3A_463 = arith.constant 1 : i32
      %swap3A_464 = arith.index_cast %swap3A_463 : i32 to index
      %swap3A_465 = arith.index_cast %scan3A_367 : i32 to index
      %swap3A_466 = arith.constant 112 : index
      %swap3A_467 = tpu.vector_load %arg5[%swap3A_464, %swap3A_465, %swap3A_466] {strides = array<i32>} : memref<2x64x448xf32, #tpu.memory_space<vmem>>, vector<1x1x16xf32>,
      %swap3A_468 = vector.shape_cast %swap3A_467 : vector<1x1x16xf32> to vector<16xf32>
      %swap3A_469 = vector.shape_cast %get3A_462 : vector<16xf32> to vector<1x1x16xf32>
      tpu.vector_store %arg5[%swap3A_464, %swap3A_465, %swap3A_466], %swap3A_469 {strides = array<i32>} : memref<2x64x448xf32, #tpu.memory_space<vmem>>, vector<1x1x16xf32>,
      %get3A_470 = arith.constant 1 : i32
      %get3A_471 = arith.index_cast %get3A_470 : i32 to index
      %get3A_472 = arith.index_cast %scan3A_367 : i32 to index
      %get3A_473 = arith.constant 160 : index
      %get3A_474 = tpu.vector_load %arg4[%get3A_471, %get3A_472, %get3A_473] {strides = array<i32>} : memref<2x64x512xf32, #tpu.memory_space<vmem>>, vector<1x1x16xf32>,
      %get3A_475 = vector.shape_cast %get3A_474 : vector<1x1x16xf32> to vector<16xf32>
      %swap3A_476 = arith.constant 1 : i32
      %swap3A_477 = arith.index_cast %swap3A_476 : i32 to index
      %swap3A_478 = arith.index_cast %scan3A_367 : i32 to index
      %swap3A_479 = arith.constant 128 : index
      %swap3A_480 = tpu.vector_load %arg5[%swap3A_477, %swap3A_478, %swap3A_479] {strides = array<i32>} : memref<2x64x448xf32, #tpu.memory_space<vmem>>, vector<1x1x16xf32>,
      %swap3A_481 = vector.shape_cast %swap3A_480 : vector<1x1x16xf32> to vector<16xf32>
      %swap3A_482 = vector.shape_cast %get3A_475 : vector<16xf32> to vector<1x1x16xf32>
      tpu.vector_store %arg5[%swap3A_477, %swap3A_478, %swap3A_479], %swap3A_482 {strides = array<i32>} : memref<2x64x448xf32, #tpu.memory_space<vmem>>, vector<1x1x16xf32>,
      %get3A_483 = arith.constant 1 : i32
      %get3A_484 = arith.index_cast %get3A_483 : i32 to index
      %get3A_485 = arith.index_cast %scan3A_367 : i32 to index
      %get3A_486 = arith.constant 176 : index
      %get3A_487 = tpu.vector_load %arg4[%get3A_484, %get3A_485, %get3A_486] {strides = array<i32>} : memref<2x64x512xf32, #tpu.memory_space<vmem>>, vector<1x1x16xf32>,
      %get3A_488 = vector.shape_cast %get3A_487 : vector<1x1x16xf32> to vector<16xf32>
      %swap3A_489 = arith.constant 1 : i32
      %swap3A_490 = arith.index_cast %swap3A_489 : i32 to index
      %swap3A_491 = arith.index_cast %scan3A_367 : i32 to index
      %swap3A_492 = arith.constant 144 : index
      %swap3A_493 = tpu.vector_load %arg5[%swap3A_490, %swap3A_491, %swap3A_492] {strides = array<i32>} : memref<2x64x448xf32, #tpu.memory_space<vmem>>, vector<1x1x16xf32>,
      %swap3A_494 = vector.shape_cast %swap3A_493 : vector<1x1x16xf32> to vector<16xf32>
      %swap3A_495 = vector.shape_cast %get3A_488 : vector<16xf32> to vector<1x1x16xf32>
      tpu.vector_store %arg5[%swap3A_490, %swap3A_491, %swap3A_492], %swap3A_495 {strides = array<i32>} : memref<2x64x448xf32, #tpu.memory_space<vmem>>, vector<1x1x16xf32>,
      %get3A_496 = arith.constant 1 : i32
      %get3A_497 = arith.index_cast %get3A_496 : i32 to index
      %get3A_498 = arith.index_cast %scan3A_367 : i32 to index
      %get3A_499 = arith.constant 192 : index
      %get3A_500 = tpu.vector_load %arg4[%get3A_497, %get3A_498, %get3A_499] {strides = array<i32>} : memref<2x64x512xf32, #tpu.memory_space<vmem>>, vector<1x1x16xf32>,
      %get3A_501 = vector.shape_cast %get3A_500 : vector<1x1x16xf32> to vector<16xf32>
      %swap3A_502 = arith.constant 1 : i32
      %swap3A_503 = arith.index_cast %swap3A_502 : i32 to index
      %swap3A_504 = arith.index_cast %scan3A_367 : i32 to index
      %swap3A_505 = arith.constant 160 : index
      %swap3A_506 = tpu.vector_load %arg5[%swap3A_503, %swap3A_504, %swap3A_505] {strides = array<i32>} : memref<2x64x448xf32, #tpu.memory_space<vmem>>, vector<1x1x16xf32>,
      %swap3A_507 = vector.shape_cast %swap3A_506 : vector<1x1x16xf32> to vector<16xf32>
      %swap3A_508 = vector.shape_cast %get3A_501 : vector<16xf32> to vector<1x1x16xf32>
      tpu.vector_store %arg5[%swap3A_503, %swap3A_504, %swap3A_505], %swap3A_508 {strides = array<i32>} : memref<2x64x448xf32, #tpu.memory_space<vmem>>, vector<1x1x16xf32>,
      %get3A_509 = arith.constant 1 : i32
      %get3A_510 = arith.index_cast %get3A_509 : i32 to index
      %get3A_511 = arith.index_cast %scan3A_367 : i32 to index
      %get3A_512 = arith.constant 208 : index
      %get3A_513 = tpu.vector_load %arg4[%get3A_510, %get3A_511, %get3A_512] {strides = array<i32>} : memref<2x64x512xf32, #tpu.memory_space<vmem>>, vector<1x1x16xf32>,
      %get3A_514 = vector.shape_cast %get3A_513 : vector<1x1x16xf32> to vector<16xf32>
      %swap3A_515 = arith.constant 1 : i32
      %swap3A_516 = arith.index_cast %swap3A_515 : i32 to index
      %swap3A_517 = arith.index_cast %scan3A_367 : i32 to index
      %swap3A_518 = arith.constant 176 : index
      %swap3A_519 = tpu.vector_load %arg5[%swap3A_516, %swap3A_517, %swap3A_518] {strides = array<i32>} : memref<2x64x448xf32, #tpu.memory_space<vmem>>, vector<1x1x16xf32>,
      %swap3A_520 = vector.shape_cast %swap3A_519 : vector<1x1x16xf32> to vector<16xf32>
      %swap3A_521 = vector.shape_cast %get3A_514 : vector<16xf32> to vector<1x1x16xf32>
      tpu.vector_store %arg5[%swap3A_516, %swap3A_517, %swap3A_518], %swap3A_521 {strides = array<i32>} : memref<2x64x448xf32, #tpu.memory_space<vmem>>, vector<1x1x16xf32>,
      %get3A_522 = arith.constant 1 : i32
      %get3A_523 = arith.index_cast %get3A_522 : i32 to index
      %get3A_524 = arith.index_cast %scan3A_367 : i32 to index
      %get3A_525 = arith.constant 224 : index
      %get3A_526 = tpu.vector_load %arg4[%get3A_523, %get3A_524, %get3A_525] {strides = array<i32>} : memref<2x64x512xf32, #tpu.memory_space<vmem>>, vector<1x1x16xf32>,
      %get3A_527 = vector.shape_cast %get3A_526 : vector<1x1x16xf32> to vector<16xf32>
      %swap3A_528 = arith.constant 1 : i32
      %swap3A_529 = arith.index_cast %swap3A_528 : i32 to index
      %swap3A_530 = arith.index_cast %scan3A_367 : i32 to index
      %swap3A_531 = arith.constant 192 : index
      %swap3A_532 = tpu.vector_load %arg5[%swap3A_529, %swap3A_530, %swap3A_531] {strides = array<i32>} : memref<2x64x448xf32, #tpu.memory_space<vmem>>, vector<1x1x16xf32>,
      %swap3A_533 = vector.shape_cast %swap3A_532 : vector<1x1x16xf32> to vector<16xf32>
      %swap3A_534 = vector.shape_cast %get3A_527 : vector<16xf32> to vector<1x1x16xf32>
      tpu.vector_store %arg5[%swap3A_529, %swap3A_530, %swap3A_531], %swap3A_534 {strides = array<i32>} : memref<2x64x448xf32, #tpu.memory_space<vmem>>, vector<1x1x16xf32>,
      %get3A_535 = arith.constant 1 : i32
      %get3A_536 = arith.index_cast %get3A_535 : i32 to index
      %get3A_537 = arith.index_cast %scan3A_367 : i32 to index
      %get3A_538 = arith.constant 240 : index
      %get3A_539 = tpu.vector_load %arg4[%get3A_536, %get3A_537, %get3A_538] {strides = array<i32>} : memref<2x64x512xf32, #tpu.memory_space<vmem>>, vector<1x1x16xf32>,
      %get3A_540 = vector.shape_cast %get3A_539 : vector<1x1x16xf32> to vector<16xf32>
      %swap3A_541 = arith.constant 1 : i32
      %swap3A_542 = arith.index_cast %swap3A_541 : i32 to index
      %swap3A_543 = arith.index_cast %scan3A_367 : i32 to index
      %swap3A_544 = arith.constant 208 : index
      %swap3A_545 = tpu.vector_load %arg5[%swap3A_542, %swap3A_543, %swap3A_544] {strides = array<i32>} : memref<2x64x448xf32, #tpu.memory_space<vmem>>, vector<1x1x16xf32>,
      %swap3A_546 = vector.shape_cast %swap3A_545 : vector<1x1x16xf32> to vector<16xf32>
      %swap3A_547 = vector.shape_cast %get3A_540 : vector<16xf32> to vector<1x1x16xf32>
      tpu.vector_store %arg5[%swap3A_542, %swap3A_543, %swap3A_544], %swap3A_547 {strides = array<i32>} : memref<2x64x448xf32, #tpu.memory_space<vmem>>, vector<1x1x16xf32>,
      %get3A_548 = arith.constant 1 : i32
      %get3A_549 = arith.index_cast %get3A_548 : i32 to index
      %get3A_550 = arith.index_cast %scan3A_367 : i32 to index
      %get3A_551 = arith.constant 256 : index
      %get3A_552 = tpu.vector_load %arg4[%get3A_549, %get3A_550, %get3A_551] {strides = array<i32>} : memref<2x64x512xf32, #tpu.memory_space<vmem>>, vector<1x1x16xf32>,
      %get3A_553 = vector.shape_cast %get3A_552 : vector<1x1x16xf32> to vector<16xf32>
      %swap3A_554 = arith.constant 1 : i32
      %swap3A_555 = arith.index_cast %swap3A_554 : i32 to index
      %swap3A_556 = arith.index_cast %scan3A_367 : i32 to index
      %swap3A_557 = arith.constant 224 : index
      %swap3A_558 = tpu.vector_load %arg5[%swap3A_555, %swap3A_556, %swap3A_557] {strides = array<i32>} : memref<2x64x448xf32, #tpu.memory_space<vmem>>, vector<1x1x16xf32>,
      %swap3A_559 = vector.shape_cast %swap3A_558 : vector<1x1x16xf32> to vector<16xf32>
      %swap3A_560 = vector.shape_cast %get3A_553 : vector<16xf32> to vector<1x1x16xf32>
      tpu.vector_store %arg5[%swap3A_555, %swap3A_556, %swap3A_557], %swap3A_560 {strides = array<i32>} : memref<2x64x448xf32, #tpu.memory_space<vmem>>, vector<1x1x16xf32>,
      %get3A_561 = arith.constant 1 : i32
      %get3A_562 = arith.index_cast %get3A_561 : i32 to index
      %get3A_563 = arith.index_cast %scan3A_367 : i32 to index
      %get3A_564 = arith.constant 272 : index
      %get3A_565 = tpu.vector_load %arg4[%get3A_562, %get3A_563, %get3A_564] {strides = array<i32>} : memref<2x64x512xf32, #tpu.memory_space<vmem>>, vector<1x1x16xf32>,
      %get3A_566 = vector.shape_cast %get3A_565 : vector<1x1x16xf32> to vector<16xf32>
      %swap3A_567 = arith.constant 1 : i32
      %swap3A_568 = arith.index_cast %swap3A_567 : i32 to index
      %swap3A_569 = arith.index_cast %scan3A_367 : i32 to index
      %swap3A_570 = arith.constant 240 : index
      %swap3A_571 = tpu.vector_load %arg5[%swap3A_568, %swap3A_569, %swap3A_570] {strides = array<i32>} : memref<2x64x448xf32, #tpu.memory_space<vmem>>, vector<1x1x16xf32>,
      %swap3A_572 = vector.shape_cast %swap3A_571 : vector<1x1x16xf32> to vector<16xf32>
      %swap3A_573 = vector.shape_cast %get3A_566 : vector<16xf32> to vector<1x1x16xf32>
      tpu.vector_store %arg5[%swap3A_568, %swap3A_569, %swap3A_570], %swap3A_573 {strides = array<i32>} : memref<2x64x448xf32, #tpu.memory_space<vmem>>, vector<1x1x16xf32>,
      %get3A_574 = arith.constant 1 : i32
      %get3A_575 = arith.index_cast %get3A_574 : i32 to index
      %get3A_576 = arith.index_cast %scan3A_367 : i32 to index
      %get3A_577 = arith.constant 288 : index
      %get3A_578 = tpu.vector_load %arg4[%get3A_575, %get3A_576, %get3A_577] {strides = array<i32>} : memref<2x64x512xf32, #tpu.memory_space<vmem>>, vector<1x1x16xf32>,
      %get3A_579 = vector.shape_cast %get3A_578 : vector<1x1x16xf32> to vector<16xf32>
      %swap3A_580 = arith.constant 1 : i32
      %swap3A_581 = arith.index_cast %swap3A_580 : i32 to index
      %swap3A_582 = arith.index_cast %scan3A_367 : i32 to index
      %swap3A_583 = arith.constant 256 : index
      %swap3A_584 = tpu.vector_load %arg5[%swap3A_581, %swap3A_582, %swap3A_583] {strides = array<i32>} : memref<2x64x448xf32, #tpu.memory_space<vmem>>, vector<1x1x16xf32>,
      %swap3A_585 = vector.shape_cast %swap3A_584 : vector<1x1x16xf32> to vector<16xf32>
      %swap3A_586 = vector.shape_cast %get3A_579 : vector<16xf32> to vector<1x1x16xf32>
      tpu.vector_store %arg5[%swap3A_581, %swap3A_582, %swap3A_583], %swap3A_586 {strides = array<i32>} : memref<2x64x448xf32, #tpu.memory_space<vmem>>, vector<1x1x16xf32>,
      %get3A_587 = arith.constant 1 : i32
      %get3A_588 = arith.index_cast %get3A_587 : i32 to index
      %get3A_589 = arith.index_cast %scan3A_367 : i32 to index
      %get3A_590 = arith.constant 304 : index
      %get3A_591 = tpu.vector_load %arg4[%get3A_588, %get3A_589, %get3A_590] {strides = array<i32>} : memref<2x64x512xf32, #tpu.memory_space<vmem>>, vector<1x1x16xf32>,
      %get3A_592 = vector.shape_cast %get3A_591 : vector<1x1x16xf32> to vector<16xf32>
      %swap3A_593 = arith.constant 1 : i32
      %swap3A_594 = arith.index_cast %swap3A_593 : i32 to index
      %swap3A_595 = arith.index_cast %scan3A_367 : i32 to index
      %swap3A_596 = arith.constant 272 : index
      %swap3A_597 = tpu.vector_load %arg5[%swap3A_594, %swap3A_595, %swap3A_596] {strides = array<i32>} : memref<2x64x448xf32, #tpu.memory_space<vmem>>, vector<1x1x16xf32>,
      %swap3A_598 = vector.shape_cast %swap3A_597 : vector<1x1x16xf32> to vector<16xf32>
      %swap3A_599 = vector.shape_cast %get3A_592 : vector<16xf32> to vector<1x1x16xf32>
      tpu.vector_store %arg5[%swap3A_594, %swap3A_595, %swap3A_596], %swap3A_599 {strides = array<i32>} : memref<2x64x448xf32, #tpu.memory_space<vmem>>, vector<1x1x16xf32>,
      %get3A_600 = arith.constant 1 : i32
      %get3A_601 = arith.index_cast %get3A_600 : i32 to index
      %get3A_602 = arith.index_cast %scan3A_367 : i32 to index
      %get3A_603 = arith.constant 320 : index
      %get3A_604 = tpu.vector_load %arg4[%get3A_601, %get3A_602, %get3A_603] {strides = array<i32>} : memref<2x64x512xf32, #tpu.memory_space<vmem>>, vector<1x1x16xf32>,
      %get3A_605 = vector.shape_cast %get3A_604 : vector<1x1x16xf32> to vector<16xf32>
      %swap3A_606 = arith.constant 1 : i32
      %swap3A_607 = arith.index_cast %swap3A_606 : i32 to index
      %swap3A_608 = arith.index_cast %scan3A_367 : i32 to index
      %swap3A_609 = arith.constant 288 : index
      %swap3A_610 = tpu.vector_load %arg5[%swap3A_607, %swap3A_608, %swap3A_609] {strides = array<i32>} : memref<2x64x448xf32, #tpu.memory_space<vmem>>, vector<1x1x16xf32>,
      %swap3A_611 = vector.shape_cast %swap3A_610 : vector<1x1x16xf32> to vector<16xf32>
      %swap3A_612 = vector.shape_cast %get3A_605 : vector<16xf32> to vector<1x1x16xf32>
      tpu.vector_store %arg5[%swap3A_607, %swap3A_608, %swap3A_609], %swap3A_612 {strides = array<i32>} : memref<2x64x448xf32, #tpu.memory_space<vmem>>, vector<1x1x16xf32>,
      %get3A_613 = arith.constant 1 : i32
      %get3A_614 = arith.index_cast %get3A_613 : i32 to index
      %get3A_615 = arith.index_cast %scan3A_367 : i32 to index
      %get3A_616 = arith.constant 336 : index
      %get3A_617 = tpu.vector_load %arg4[%get3A_614, %get3A_615, %get3A_616] {strides = array<i32>} : memref<2x64x512xf32, #tpu.memory_space<vmem>>, vector<1x1x16xf32>,
      %get3A_618 = vector.shape_cast %get3A_617 : vector<1x1x16xf32> to vector<16xf32>
      %swap3A_619 = arith.constant 1 : i32
      %swap3A_620 = arith.index_cast %swap3A_619 : i32 to index
      %swap3A_621 = arith.index_cast %scan3A_367 : i32 to index
      %swap3A_622 = arith.constant 304 : index
      %swap3A_623 = tpu.vector_load %arg5[%swap3A_620, %swap3A_621, %swap3A_622] {strides = array<i32>} : memref<2x64x448xf32, #tpu.memory_space<vmem>>, vector<1x1x16xf32>,
      %swap3A_624 = vector.shape_cast %swap3A_623 : vector<1x1x16xf32> to vector<16xf32>
      %swap3A_625 = vector.shape_cast %get3A_618 : vector<16xf32> to vector<1x1x16xf32>
      tpu.vector_store %arg5[%swap3A_620, %swap3A_621, %swap3A_622], %swap3A_625 {strides = array<i32>} : memref<2x64x448xf32, #tpu.memory_space<vmem>>, vector<1x1x16xf32>,
      %get3A_626 = arith.constant 1 : i32
      %get3A_627 = arith.index_cast %get3A_626 : i32 to index
      %get3A_628 = arith.index_cast %scan3A_367 : i32 to index
      %get3A_629 = arith.constant 352 : index
      %get3A_630 = tpu.vector_load %arg4[%get3A_627, %get3A_628, %get3A_629] {strides = array<i32>} : memref<2x64x512xf32, #tpu.memory_space<vmem>>, vector<1x1x16xf32>,
      %get3A_631 = vector.shape_cast %get3A_630 : vector<1x1x16xf32> to vector<16xf32>
      %swap3A_632 = arith.constant 1 : i32
      %swap3A_633 = arith.index_cast %swap3A_632 : i32 to index
      %swap3A_634 = arith.index_cast %scan3A_367 : i32 to index
      %swap3A_635 = arith.constant 320 : index
      %swap3A_636 = tpu.vector_load %arg5[%swap3A_633, %swap3A_634, %swap3A_635] {strides = array<i32>} : memref<2x64x448xf32, #tpu.memory_space<vmem>>, vector<1x1x16xf32>,
      %swap3A_637 = vector.shape_cast %swap3A_636 : vector<1x1x16xf32> to vector<16xf32>
      %swap3A_638 = vector.shape_cast %get3A_631 : vector<16xf32> to vector<1x1x16xf32>
      tpu.vector_store %arg5[%swap3A_633, %swap3A_634, %swap3A_635], %swap3A_638 {strides = array<i32>} : memref<2x64x448xf32, #tpu.memory_space<vmem>>, vector<1x1x16xf32>,
      %get3A_639 = arith.constant 1 : i32
      %get3A_640 = arith.index_cast %get3A_639 : i32 to index
      %get3A_641 = arith.index_cast %scan3A_367 : i32 to index
      %get3A_642 = arith.constant 368 : index
      %get3A_643 = tpu.vector_load %arg4[%get3A_640, %get3A_641, %get3A_642] {strides = array<i32>} : memref<2x64x512xf32, #tpu.memory_space<vmem>>, vector<1x1x16xf32>,
      %get3A_644 = vector.shape_cast %get3A_643 : vector<1x1x16xf32> to vector<16xf32>
      %swap3A_645 = arith.constant 1 : i32
      %swap3A_646 = arith.index_cast %swap3A_645 : i32 to index
      %swap3A_647 = arith.index_cast %scan3A_367 : i32 to index
      %swap3A_648 = arith.constant 336 : index
      %swap3A_649 = tpu.vector_load %arg5[%swap3A_646, %swap3A_647, %swap3A_648] {strides = array<i32>} : memref<2x64x448xf32, #tpu.memory_space<vmem>>, vector<1x1x16xf32>,
      %swap3A_650 = vector.shape_cast %swap3A_649 : vector<1x1x16xf32> to vector<16xf32>
      %swap3A_651 = vector.shape_cast %get3A_644 : vector<16xf32> to vector<1x1x16xf32>
      tpu.vector_store %arg5[%swap3A_646, %swap3A_647, %swap3A_648], %swap3A_651 {strides = array<i32>} : memref<2x64x448xf32, #tpu.memory_space<vmem>>, vector<1x1x16xf32>,
      %get3A_652 = arith.constant 1 : i32
      %get3A_653 = arith.index_cast %get3A_652 : i32 to index
      %get3A_654 = arith.index_cast %scan3A_367 : i32 to index
      %get3A_655 = arith.constant 384 : index
      %get3A_656 = tpu.vector_load %arg4[%get3A_653, %get3A_654, %get3A_655] {strides = array<i32>} : memref<2x64x512xf32, #tpu.memory_space<vmem>>, vector<1x1x16xf32>,
      %get3A_657 = vector.shape_cast %get3A_656 : vector<1x1x16xf32> to vector<16xf32>
      %swap3A_658 = arith.constant 1 : i32
      %swap3A_659 = arith.index_cast %swap3A_658 : i32 to index
      %swap3A_660 = arith.index_cast %scan3A_367 : i32 to index
      %swap3A_661 = arith.constant 352 : index
      %swap3A_662 = tpu.vector_load %arg5[%swap3A_659, %swap3A_660, %swap3A_661] {strides = array<i32>} : memref<2x64x448xf32, #tpu.memory_space<vmem>>, vector<1x1x16xf32>,
      %swap3A_663 = vector.shape_cast %swap3A_662 : vector<1x1x16xf32> to vector<16xf32>
      %swap3A_664 = vector.shape_cast %get3A_657 : vector<16xf32> to vector<1x1x16xf32>
      tpu.vector_store %arg5[%swap3A_659, %swap3A_660, %swap3A_661], %swap3A_664 {strides = array<i32>} : memref<2x64x448xf32, #tpu.memory_space<vmem>>, vector<1x1x16xf32>,
      %get3A_665 = arith.constant 1 : i32
      %get3A_666 = arith.index_cast %get3A_665 : i32 to index
      %get3A_667 = arith.index_cast %scan3A_367 : i32 to index
      %get3A_668 = arith.constant 400 : index
      %get3A_669 = tpu.vector_load %arg4[%get3A_666, %get3A_667, %get3A_668] {strides = array<i32>} : memref<2x64x512xf32, #tpu.memory_space<vmem>>, vector<1x1x16xf32>,
      %get3A_670 = vector.shape_cast %get3A_669 : vector<1x1x16xf32> to vector<16xf32>
      %swap3A_671 = arith.constant 1 : i32
      %swap3A_672 = arith.index_cast %swap3A_671 : i32 to index
      %swap3A_673 = arith.index_cast %scan3A_367 : i32 to index
      %swap3A_674 = arith.constant 368 : index
      %swap3A_675 = tpu.vector_load %arg5[%swap3A_672, %swap3A_673, %swap3A_674] {strides = array<i32>} : memref<2x64x448xf32, #tpu.memory_space<vmem>>, vector<1x1x16xf32>,
      %swap3A_676 = vector.shape_cast %swap3A_675 : vector<1x1x16xf32> to vector<16xf32>
      %swap3A_677 = vector.shape_cast %get3A_670 : vector<16xf32> to vector<1x1x16xf32>
      tpu.vector_store %arg5[%swap3A_672, %swap3A_673, %swap3A_674], %swap3A_677 {strides = array<i32>} : memref<2x64x448xf32, #tpu.memory_space<vmem>>, vector<1x1x16xf32>,
      %get3A_678 = arith.constant 1 : i32
      %get3A_679 = arith.index_cast %get3A_678 : i32 to index
      %get3A_680 = arith.index_cast %scan3A_367 : i32 to index
      %get3A_681 = arith.constant 416 : index
      %get3A_682 = tpu.vector_load %arg4[%get3A_679, %get3A_680, %get3A_681] {strides = array<i32>} : memref<2x64x512xf32, #tpu.memory_space<vmem>>, vector<1x1x16xf32>,
      %get3A_683 = vector.shape_cast %get3A_682 : vector<1x1x16xf32> to vector<16xf32>
      %swap3A_684 = arith.constant 1 : i32
      %swap3A_685 = arith.index_cast %swap3A_684 : i32 to index
      %swap3A_686 = arith.index_cast %scan3A_367 : i32 to index
      %swap3A_687 = arith.constant 384 : index
      %swap3A_688 = tpu.vector_load %arg5[%swap3A_685, %swap3A_686, %swap3A_687] {strides = array<i32>} : memref<2x64x448xf32, #tpu.memory_space<vmem>>, vector<1x1x16xf32>,
      %swap3A_689 = vector.shape_cast %swap3A_688 : vector<1x1x16xf32> to vector<16xf32>
      %swap3A_690 = vector.shape_cast %get3A_683 : vector<16xf32> to vector<1x1x16xf32>
      tpu.vector_store %arg5[%swap3A_685, %swap3A_686, %swap3A_687], %swap3A_690 {strides = array<i32>} : memref<2x64x448xf32, #tpu.memory_space<vmem>>, vector<1x1x16xf32>,
      %get3A_691 = arith.constant 1 : i32
      %get3A_692 = arith.index_cast %get3A_691 : i32 to index
      %get3A_693 = arith.index_cast %scan3A_367 : i32 to index
      %get3A_694 = arith.constant 432 : index
      %get3A_695 = tpu.vector_load %arg4[%get3A_692, %get3A_693, %get3A_694] {strides = array<i32>} : memref<2x64x512xf32, #tpu.memory_space<vmem>>, vector<1x1x16xf32>,
      %get3A_696 = vector.shape_cast %get3A_695 : vector<1x1x16xf32> to vector<16xf32>
      %swap3A_697 = arith.constant 1 : i32
      %swap3A_698 = arith.index_cast %swap3A_697 : i32 to index
      %swap3A_699 = arith.index_cast %scan3A_367 : i32 to index
      %swap3A_700 = arith.constant 400 : index
      %swap3A_701 = tpu.vector_load %arg5[%swap3A_698, %swap3A_699, %swap3A_700] {strides = array<i32>} : memref<2x64x448xf32, #tpu.memory_space<vmem>>, vector<1x1x16xf32>,
      %swap3A_702 = vector.shape_cast %swap3A_701 : vector<1x1x16xf32> to vector<16xf32>
      %swap3A_703 = vector.shape_cast %get3A_696 : vector<16xf32> to vector<1x1x16xf32>
      tpu.vector_store %arg5[%swap3A_698, %swap3A_699, %swap3A_700], %swap3A_703 {strides = array<i32>} : memref<2x64x448xf32, #tpu.memory_space<vmem>>, vector<1x1x16xf32>,
      %get3A_704 = arith.constant 1 : i32
      %get3A_705 = arith.index_cast %get3A_704 : i32 to index
      %get3A_706 = arith.index_cast %scan3A_367 : i32 to index
      %get3A_707 = arith.constant 448 : index
      %get3A_708 = tpu.vector_load %arg4[%get3A_705, %get3A_706, %get3A_707] {strides = array<i32>} : memref<2x64x512xf32, #tpu.memory_space<vmem>>, vector<1x1x16xf32>,
      %get3A_709 = vector.shape_cast %get3A_708 : vector<1x1x16xf32> to vector<16xf32>
      %swap3A_710 = arith.constant 1 : i32
      %swap3A_711 = arith.index_cast %swap3A_710 : i32 to index
      %swap3A_712 = arith.index_cast %scan3A_367 : i32 to index
      %swap3A_713 = arith.constant 416 : index
      %swap3A_714 = tpu.vector_load %arg5[%swap3A_711, %swap3A_712, %swap3A_713] {strides = array<i32>} : memref<2x64x448xf32, #tpu.memory_space<vmem>>, vector<1x1x16xf32>,
      %swap3A_715 = vector.shape_cast %swap3A_714 : vector<1x1x16xf32> to vector<16xf32>
      %swap3A_716 = vector.shape_cast %get3A_709 : vector<16xf32> to vector<1x1x16xf32>
      tpu.vector_store %arg5[%swap3A_711, %swap3A_712, %swap3A_713], %swap3A_716 {strides = array<i32>} : memref<2x64x448xf32, #tpu.memory_space<vmem>>, vector<1x1x16xf32>,
      %get3A_717 = arith.constant 1 : i32
      %get3A_718 = arith.index_cast %get3A_717 : i32 to index
      %get3A_719 = arith.index_cast %scan3A_367 : i32 to index
      %get3A_720 = arith.constant 464 : index
      %get3A_721 = tpu.vector_load %arg4[%get3A_718, %get3A_719, %get3A_720] {strides = array<i32>} : memref<2x64x512xf32, #tpu.memory_space<vmem>>, vector<1x1x16xf32>,
      %get3A_722 = vector.shape_cast %get3A_721 : vector<1x1x16xf32> to vector<16xf32>
      %swap3A_723 = arith.constant 1 : i32
      %swap3A_724 = arith.index_cast %swap3A_723 : i32 to index
      %swap3A_725 = arith.index_cast %scan3A_367 : i32 to index
      %swap3A_726 = arith.constant 432 : index
      %swap3A_727 = tpu.vector_load %arg5[%swap3A_724, %swap3A_725, %swap3A_726] {strides = array<i32>} : memref<2x64x448xf32, #tpu.memory_space<vmem>>, vector<1x1x16xf32>,
      %swap3A_728 = vector.shape_cast %swap3A_727 : vector<1x1x16xf32> to vector<16xf32>
      %swap3A_729 = vector.shape_cast %get3A_722 : vector<16xf32> to vector<1x1x16xf32>
      tpu.vector_store %arg5[%swap3A_724, %swap3A_725, %swap3A_726], %swap3A_729 {strides = array<i32>} : memref<2x64x448xf32, #tpu.memory_space<vmem>>, vector<1x1x16xf32>,
    }
    %scan3A_305 = arith.constant 64 : i32
    %mul3A_306 = arith.constant 64 : i32
    %mul3A_307 = arith.muli %rem3A_263, %mul3A_306 : i32
    %dma_start3A_308 = arith.constant 1 : i32
    %dma_start3A_309 = arith.constant 0 : i32
    %dma_start3A_310 = arith.constant 0 : i32
    %dma_start3A_311 = tpu.memref_slice %arg5[%dma_start3A_308, %dma_start3A_309, %dma_start3A_310] : memref<2x64x448xf32, #tpu.memory_space<vmem>> -> memref<1x64x448xf32, #tpu.memory_space<vmem>>
    %dma_start3A_312 = tpu.memref_squeeze %dma_start3A_311 : memref<1x64x448xf32, #tpu.memory_space<vmem>> -> memref<64x448xf32, #tpu.memory_space<vmem>>
    %dma_start3A_313 = arith.constant 0 : i32
    %dma_start3A_314 = tpu.memref_slice %arg3[%add3A_260, %mul3A_307, %dma_start3A_313] : memref<192x448x448xf32, #tpu.memory_space<hbm>> -> memref<1x64x448xf32, #tpu.memory_space<hbm>>
    %dma_start3A_315 = tpu.memref_squeeze %dma_start3A_314 : memref<1x64x448xf32, #tpu.memory_space<hbm>> -> memref<64x448xf32, #tpu.memory_space<hbm>>
    %dma_start3A_316 = arith.constant 0 : i32
    %dma_start3A_317 = tpu.memref_slice %arg3[%add3A_260, %mul3A_307, %dma_start3A_316] : memref<192x448x448xf32, #tpu.memory_space<hbm>> -> memref<1x64x448xf32, #tpu.memory_space<hbm>>
    %dma_start3A_318 = tpu.memref_squeeze %dma_start3A_317 : memref<1x64x448xf32, #tpu.memory_space<hbm>> -> memref<64x448xf32, #tpu.memory_space<hbm>>
    %dma_start3A_319 = arith.constant 0 : i32
    %dma_start3A_320 = arith.constant 0 : i32
    %dma_start3A_321 = tpu.memref_slice %arg5[%dma_start3A_308, %dma_start3A_319, %dma_start3A_320] : memref<2x64x448xf32, #tpu.memory_space<vmem>> -> memref<1x64x448xf32, #tpu.memory_space<vmem>>
    %dma_start3A_322 = tpu.memref_squeeze %dma_start3A_321 : memref<1x64x448xf32, #tpu.memory_space<vmem>> -> memref<64x448xf32, #tpu.memory_space<vmem>>
    tpu.enqueue_dma source(%dma_start3A_322 : memref<64x448xf32, #tpu.memory_space<vmem>>) target(%dma_start3A_318 : memref<64x448xf32, #tpu.memory_space<hbm>>) target_semaphore(%arg9 : memref<!tpu.dma_semaphore, #tpu.memory_space<semaphore_mem>>)
    %add3A_323 = arith.constant 5 : i32
    %add3A_324 = arith.addi %mul3A_2, %add3A_323 : i32
    %rem3A_325 = arith.constant 40 : i32
    %rem3A_326 = arith.constant 7 : i32
    %rem3A_327 = arith.remsi %rem3A_325, %rem3A_326 : i32
    %mul3A_328 = arith.constant 64 : i32
    %mul3A_329 = arith.muli %rem3A_327, %mul3A_328 : i32
    %dma_wait3A_330 = arith.constant 0 : i32
    %dma_wait3A_331 = arith.constant 0 : i32
    %dma_wait3A_332 = arith.constant 0 : i32
    %dma_wait3A_333 = tpu.memref_slice %arg5[%dma_wait3A_330, %dma_wait3A_331, %dma_wait3A_332] : memref<2x64x448xf32, #tpu.memory_space<vmem>> -> memref<1x64x448xf32, #tpu.memory_space<vmem>>
    %dma_wait3A_334 = tpu.memref_squeeze %dma_wait3A_333 : memref<1x64x448xf32, #tpu.memory_space<vmem>> -> memref<64x448xf32, #tpu.memory_space<vmem>>
    %dma_wait3A_335 = arith.constant 0 : i32
    %dma_wait3A_336 = tpu.memref_slice %arg3[%add3A_324, %mul3A_329, %dma_wait3A_335] : memref<192x448x448xf32, #tpu.memory_space<hbm>> -> memref<1x64x448xf32, #tpu.memory_space<hbm>>
    %dma_wait3A_337 = tpu.memref_squeeze %dma_wait3A_336 : memref<1x64x448xf32, #tpu.memory_space<hbm>> -> memref<64x448xf32, #tpu.memory_space<hbm>>
    %dma_wait3A_338 = arith.constant 0 : i32
    %dma_wait3A_339 = tpu.memref_slice %arg3[%add3A_324, %mul3A_329, %dma_wait3A_338] : memref<192x448x448xf32, #tpu.memory_space<hbm>> -> memref<1x64x448xf32, #tpu.memory_space<hbm>>
    %dma_wait3A_340 = tpu.memref_squeeze %dma_wait3A_339 : memref<1x64x448xf32, #tpu.memory_space<hbm>> -> memref<64x448xf32, #tpu.memory_space<hbm>>
    %dma_wait3A_341 = arith.constant 0 : i32
    %dma_wait3A_342 = arith.constant 0 : i32
    %dma_wait3A_343 = tpu.memref_slice %arg5[%dma_wait3A_330, %dma_wait3A_341, %dma_wait3A_342] : memref<2x64x448xf32, #tpu.memory_space<vmem>> -> memref<1x64x448xf32, #tpu.memory_space<vmem>>
    %dma_wait3A_344 = tpu.memref_squeeze %dma_wait3A_343 : memref<1x64x448xf32, #tpu.memory_space<vmem>> -> memref<64x448xf32, #tpu.memory_space<vmem>>
    tpu.wait_dma2 semaphore(%arg8 : memref<!tpu.dma_semaphore, #tpu.memory_space<semaphore_mem>>) src(%dma_wait3A_344 : memref<64x448xf32, #tpu.memory_space<vmem>>) dst(%dma_wait3A_340 : memref<64x448xf32, #tpu.memory_space<hbm>>)
    %add3A_345 = arith.constant 5 : i32
    %add3A_346 = arith.addi %mul3A_2, %add3A_345 : i32
    %rem3A_347 = arith.constant 41 : i32
    %rem3A_348 = arith.constant 7 : i32
    %rem3A_349 = arith.remsi %rem3A_347, %rem3A_348 : i32
    %mul3A_350 = arith.constant 64 : i32
    %mul3A_351 = arith.muli %rem3A_349, %mul3A_350 : i32
    %dma_wait3A_352 = arith.constant 1 : i32
    %dma_wait3A_353 = arith.constant 0 : i32
    %dma_wait3A_354 = arith.constant 0 : i32
    %dma_wait3A_355 = tpu.memref_slice %arg5[%dma_wait3A_352, %dma_wait3A_353, %dma_wait3A_354] : memref<2x64x448xf32, #tpu.memory_space<vmem>> -> memref<1x64x448xf32, #tpu.memory_space<vmem>>
    %dma_wait3A_356 = tpu.memref_squeeze %dma_wait3A_355 : memref<1x64x448xf32, #tpu.memory_space<vmem>> -> memref<64x448xf32, #tpu.memory_space<vmem>>
    %dma_wait3A_357 = arith.constant 0 : i32
    %dma_wait3A_358 = tpu.memref_slice %arg3[%add3A_346, %mul3A_351, %dma_wait3A_357] : memref<192x448x448xf32, #tpu.memory_space<hbm>> -> memref<1x64x448xf32, #tpu.memory_space<hbm>>
    %dma_wait3A_359 = tpu.memref_squeeze %dma_wait3A_358 : memref<1x64x448xf32, #tpu.memory_space<hbm>> -> memref<64x448xf32, #tpu.memory_space<hbm>>
    %dma_wait3A_360 = arith.constant 0 : i32
    %dma_wait3A_361 = tpu.memref_slice %arg3[%add3A_346, %mul3A_351, %dma_wait3A_360] : memref<192x448x448xf32, #tpu.memory_space<hbm>> -> memref<1x64x448xf32, #tpu.memory_space<hbm>>
    %dma_wait3A_362 = tpu.memref_squeeze %dma_wait3A_361 : memref<1x64x448xf32, #tpu.memory_space<hbm>> -> memref<64x448xf32, #tpu.memory_space<hbm>>
    %dma_wait3A_363 = arith.constant 0 : i32
    %dma_wait3A_364 = arith.constant 0 : i32
    %dma_wait3A_365 = tpu.memref_slice %arg5[%dma_wait3A_352, %dma_wait3A_363, %dma_wait3A_364] : memref<2x64x448xf32, #tpu.memory_space<vmem>> -> memref<1x64x448xf32, #tpu.memory_space<vmem>>
    %dma_wait3A_366 = tpu.memref_squeeze %dma_wait3A_365 : memref<1x64x448xf32, #tpu.memory_space<vmem>> -> memref<64x448xf32, #tpu.memory_space<vmem>>
    tpu.wait_dma2 semaphore(%arg9 : memref<!tpu.dma_semaphore, #tpu.memory_space<semaphore_mem>>) src(%dma_wait3A_366 : memref<64x448xf32, #tpu.memory_space<vmem>>) dst(%dma_wait3A_362 : memref<64x448xf32, #tpu.memory_space<hbm>>)
    return
  }
}

</mosaic_0001>

<sc_bundles>
// kernel: kernel.3.cloned.1.call-start
scs
__scs_entry_jumppad:
0x0: {  	(pc) =	sbr.rel $0x88, $3  }
0x1: {  	(tag) =	ssettag $0x0;
	lr =	simm.s32 $0x1  }
0x2: {  	[smem:$0x3FA0] =	sst lr;
	_ =	strace $0xD0000000  }
0x3: {  	_ = 	snop  }
0x4: {  	_ = 	snop  }
0x5: {  	_ = 	snop  }
0x6: {  	_ = 	snop  }
0x7: {  	_ = 	snop  }
__scs_overlays_trampoline_lowered:
0x8: {  	[smem:$0x3FAF] =	sst s0  }
0x9: {  	[smem:$0x3FB0] =	sst s1  }
0xa: {  	[smem:$0x3FB1] =	sst s2  }
0xb: {  	[smem:$0x3FB2] =	sst s3  }
0xc: {  	[smem:$0x3FB3] =	sst s4  }
0xd: {  	[smem:$0x3FB4] =	sst s5  }
0xe: {  	[smem:$0x3FB5] =	sst s6  }
0xf: {  	[smem:$0x3FB6] =	sst s7  }
0x10: {  	[smem:$0x3FB7] =	sst s8  }
0x11: {  	[smem:$0x3FB8] =	sst s9;
	s0 =	simm.s32 @!p0 $0x0  }
0x12: {  	s1 =	sld [smem:$0x3F9E];
	s0 =	simm.s32 @p0 $0x1  }
0x13: {  	[smem:$0x3FB9] =	sst s0;
	s0 =	simm.s32 @!p1 $0x0  }
0x14: {  	s2 =	sld [smem:$0x3F9D];
	s0 =	simm.s32 @p1 $0x1  }
0x15: {  	[smem:$0x3FBA] =	sst s0;
	s0 =	simm.s32 @!p2 $0x0  }
0x16: {  	s3 =	sld [smem:$0x3FDB];
	s0 =	simm.s32 @p2 $0x1  }
0x17: {  	s4 =	simm.s32 $0x1BF5;
	[smem:$0x3FBC] =	sst s0  }
0x18: {  	s0 =	sld [smem:$0x3F9F];
	_ =	swait.ge [sflag:s4], $0x0  }
0x19: {  	s7 =	sld [smem:$0x3FA0]  }
0x1a: {  	s8 =	sadd.s32 $0xFFFFE003, lr  }
0x1b: {  	s9 =	sadd.s32 $0xFFFFFEF7, lr;
	s5 =	simm.s32 $0xFFFFFFFF;
	p2 =	slt.u32 s8, $0xFFFFF086  }
0x1c: {  	p1 =	slt.u32 s9, $0xF7A;
	s5 =	simm.s32 @!p2 $0x0  }
0x1d: {  	s5 =	simm.s32 @p1 $0x1;
	p0 =	seq.s32 s7, s2  }
0x1e: {  	s7 =	smul.u32 @!p0 $0xF7A, s2;
	p2 =	seq.s32 @!p0 s5, $0x0  }
0x1f: {  	s9 =	smul.u32 $0xF7A, s1;
	s8 =	simm.s32 @!p0 $0x1BF5;
	p2 =	por !p2, p0  }
0x20: {  	[sflag:s8] =	ssyncset.s32 @!p0 $0xFFFFF086;
	s6 =	sadd.s32 @!p0 s3, s7;
	s7 =	simm.s32 @!p0 $0x108  }
0x21: {  	s3 =	sadd.s32 s3, s9;
	s6 =	sadd.s32 @!p0 $0x88, s6;
	s7 =	simm.s32 @p2 $0x1082  }
0x22: {  	[simem:s7], [sflag:s8] =	dma.local @!p0 [hbm:s6], $0xF7A  }
0x23: {  	s9 =	sor.u32 $0xD0000000, s2;
	s6 =	simm.s32 $0x108;
	_ =	swait.ge @!p0 [sflag:s8], $0x0  }
0x24: {  	s3 =	sadd.s32 $0x88, s3;
	s6 =	simm.s32 @!p1 $0x1082;
	[sflag:s4] =	ssyncset.s32 $0xFFFFF086  }
0x25: {  	[simem:s6], [sflag:s4] =	dma.local [hbm:s3], $0xF7A  }
0x26: {  	[smem:$0x3FA0] =	sst s1;
	(tag) =	ssettag s2;
	_ =	strace s9  }
0x27: {  	s1 =	sld [smem:$0x3FB0]  }
0x28: {  	s2 =	sld [smem:$0x3FB1]  }
0x29: {  	s4 =	sld [smem:$0x3FB3]  }
0x2a: {  	p0 =	seq.s32 s5, $0x0;
	s5 =	sld [smem:$0x3FB4]  }
0x2b: {  	s6 =	sld [smem:$0x3FB5]  }
0x2c: {  	s7 =	sld [smem:$0x3FB6]  }
0x2d: {  	s3 =	simm.s32 $0x108;
	s8 =	sld [smem:$0x3FB7]  }
0x2e: {  	s3 =	simm.s32 @!p0 $0x1082;
	s9 =	sld [smem:$0x3FB8]  }
0x2f: {  	lr =	sadd.s32 s0, s3;
	s0 =	sld [smem:$0x3FAF]  }
0x30: {  	s3 =	sld [smem:$0x3FB2]  }
0x31: {  	[smem:$0x3FBB] =	sst s10  }
0x32: {  	s10 =	sld [smem:$0x3FB9];
	_ =	sdelay $0x3  }
0x33: {  	p0 =	seq.s32 s10, $0x1;
	s10 =	sld [smem:$0x3FBB];
	_ =	sdelay $0x3  }
0x34: {  	[smem:$0x3FBB] =	sst s10  }
0x35: {  	s10 =	sld [smem:$0x3FBA];
	_ =	sdelay $0x3  }
0x36: {  	p1 =	seq.s32 s10, $0x1;
	s10 =	sld [smem:$0x3FBB];
	_ =	sdelay $0x3  }
0x37: {  	[smem:$0x3FBB] =	sst s10  }
0x38: {  	s10 =	sld [smem:$0x3FBC]  }
0x39: {  	_ = 	snop;
	(pc) =	sbr.ind lr, $3  }
0x3a: {  	_ = 	snop  }
0x3b: {  	_ = 	snop  }
0x3c: {  	p2 =	seq.s32 s10, $0x1;
	s10 =	sld [smem:$0x3FBB]  }
0x3d: {  	_ =	shalt  }
0x3e: {  	_ =	shalt  }
0x3f: {  	_ =	shalt  }
0x40: {  	_ =	shalt  }
0x41: {  	_ =	shalt  }
0x42: {  	_ =	shalt  }
0x43: {  	_ =	shalt  }
0x44: {  	_ =	shalt  }
0x45: {  	_ =	shalt  }
0x46: {  	_ =	shalt  }
0x47: {  	_ =	shalt  }
0x48: {  	_ =	shalt  }
0x49: {  	_ =	shalt  }
0x4a: {  	_ =	shalt  }
0x4b: {  	_ =	shalt  }
0x4c: {  	_ =	shalt  }
0x4d: {  	_ =	shalt  }
0x4e: {  	_ =	shalt  }
0x4f: {  	_ =	shalt  }
0x50: {  	_ =	shalt  }
0x51: {  	_ =	shalt  }
0x52: {  	_ =	shalt  }
0x53: {  	_ =	shalt  }
0x54: {  	_ =	shalt  }
0x55: {  	_ =	shalt  }
0x56: {  	_ =	shalt  }
0x57: {  	_ =	shalt  }
0x58: {  	_ =	shalt  }
0x59: {  	_ =	shalt  }
0x5a: {  	_ =	shalt  }
0x5b: {  	_ =	shalt  }
0x5c: {  	_ =	shalt  }
0x5d: {  	_ =	shalt  }
0x5e: {  	_ =	shalt  }
0x5f: {  	_ =	shalt  }
0x60: {  	_ =	shalt  }
0x61: {  	_ =	shalt  }
0x62: {  	_ =	shalt  }
0x63: {  	_ =	shalt  }
0x64: {  	_ =	shalt  }
0x65: {  	_ =	shalt  }
0x66: {  	_ =	shalt  }
0x67: {  	_ =	shalt  }
0x68: {  	_ =	shalt  }
0x69: {  	_ =	shalt  }
0x6a: {  	_ =	shalt  }
0x6b: {  	_ =	shalt  }
0x6c: {  	_ =	shalt  }
0x6d: {  	_ =	shalt  }
0x6e: {  	_ =	shalt  }
0x6f: {  	_ =	shalt  }
0x70: {  	_ =	shalt  }
0x71: {  	_ =	shalt  }
0x72: {  	_ =	shalt  }
0x73: {  	_ =	shalt  }
0x74: {  	_ =	shalt  }
0x75: {  	_ =	shalt  }
0x76: {  	_ =	shalt  }
0x77: {  	_ =	shalt  }
0x78: {  	_ =	shalt  }
0x79: {  	_ =	shalt  }
0x7a: {  	_ =	shalt  }
0x7b: {  	_ =	shalt  }
0x7c: {  	_ =	shalt  }
0x7d: {  	_ =	shalt  }
0x7e: {  	_ =	shalt  }
0x7f: {  	_ =	shalt  }
0x80: {  	_ =	shalt  }
0x81: {  	_ =	shalt  }
0x82: {  	_ =	shalt  }
0x83: {  	_ =	shalt  }
0x84: {  	_ =	shalt  }
0x85: {  	_ =	shalt  }
0x86: {  	_ =	shalt  }
0x87: {  	_ =	shalt  }
.Lfunc_end0:
.L_simem_size_0:
called_computation_lowered:
.L_overlay_start_0:
0x88: {  	s2 =	sld [smem:$0x3FD9]  }
0x89: {  	s3 =	sld [smem:$0x3FFE];
	_ =	sdelay $0x1  }
0x8a: {  	s1 =	srdreg.scid  }
0x8b: {  	s0 =	sand.u32 $0x1, s1  }
0x8c: {  	s18 =	sshll.u32 s0, $0xA;
	s2 =	sadd.s32 s3, s2  }
0x8d: {  	s2 =	sadd.s32 s2, s18  }
0x8e: {  	[smem:$0x3FC7] =	sst s2  }
0x8f: {  	_ = 	snop  }
0x90: {  	s2 =	sld [smem:$0x3FC9]  }
0x91: {  	s19 =	sld [smem:$0x3FD0];
	(tm) =	ssettm $0x1  }
0x92: {  	s4 =	sld [smem:$0x3FFB];
	_ =	sdelay $0x3  }
0x93: {  	_ =	strace s4  }
0x94: {  	s4 =	sld [smem:$0x3FFC];
	_ =	sdelay $0x3  }
0x95: {  	_ =	strace s4  }
0x96: {  	s4 =	sld [smem:$0x3FFD];
	_ =	sdelay $0x3  }
0x97: {  	_ =	strace s4  }
0x98: {  	_ =	strace $0x8FFFFFFF  }
0x99: {  	s20 =	sld [smem:$0x3FDB];
	_ =	sdelay $0x1  }
0x9a: {  	s5 =	simm.s32 $_scs_section_size  }
0x9b: {  	s6 =	simm.s32 $_size__tile_overlayer_lowered;
	s7 =	simm.s32 $_tile_overlayer_lowered  }
0x9c: {  	s23 =	simm.s32 $0x1BFF;
	s22 =	sshll.u32 s7, $0x1;
	s4 =	sadd.s32 s5, s20  }
0x9d: {  	s8 =	simm.s32 $0x0;
	s21 =	sshll.u32 s6, $0x1;
	s6 =	sadd.s32 s22, s4  }
0x9e: {  	[timem:s8], [sflag:s23] =	dma.local [hbm:s6], s21  }
0x9f: {  	_ =	swait.ge [sflag:s23], s21  }
0xa0: {  	s5 =	ssub.s32 $0x0, s21;
	[sflag:s23] =	ssyncset.done $0x0  }
0xa1: {  	[sflag:s23] =	ssyncadd.s32 s5;
	_ =	sdelay $0x1  }
0xa2: {  	s24 =	simm.s32 $0x1B8B  }
0xa3: {  	_ =	swait.ge [sflag:s24], $0x1  }
0xa4: {  	[sflag:s24] =	ssyncset.done $0x0  }
0xa5: {  	s25 =	simm.s32 $0x1B8E;
	[sflag:s24] =	ssyncadd.s32 $0xFFFFFFFF  }
0xa6: {  	s26 =	simm.s32 $execute0_lowered;
	[smem:$0x3FD2] =	sst s25  }
0xa7: {  	s5 =	sshll.u32 s26, $0x1;
	_ =	strace $0x80000046;
	[dreg:$0x1] =	wrdreg $0xFFFFFFFF  }
0xa8: {  	s28 =	simm.s32 $_size_execute0_lowered;
	s4 =	sadd.s32 s4, s5;
	[dreg:$0x0] =	wrdreg $0x0  }
0xa9: {  	s5 =	sshll.u32 s28, $0x1;
	[dreg:$0x2] =	wrdreg s4  }
0xaa: {  	[dreg:$0x3] =	wrdreg s5  }
0xab: {  	[dreg:$0x4] =	wrdreg $0xC0  }
0xac: {  	_ =	task [dreg:s8], $0x5FFFF  }
0xad: {  	[dreg:$0x1] =	wrdreg $0xFFFFFFFF  }
0xae: {  	[dreg:$0x0] =	wrdreg $0x60  }
0xaf: {  	[dreg:$0x2] =	wrdreg s2  }
0xb0: {  	[dreg:$0x3] =	wrdreg s19  }
0xb1: {  	[dreg:$0x4] =	wrdreg $0x9  }
0xb2: {  	_ =	task.clear_ibuf [dreg:s8], $0x5FFFF;
	_ =	strace $0x90000046  }
0xb3: {  	s29 =	simm.s32 $0x9;
	_ =	strace $0x80000048  }
0xb4: {  	_ =	swait.ge [sflag:s29], $0x1  }
0xb5: {  	[sflag:s29] =	ssyncadd.s32 $0xFFFFFFFF  }
0xb6: {  	_ =	strace $0x90000048  }
0xb7: {  	_ =	sfence  }
0xb8: {  	s30 =	sld [smem:$0x0];
	_ =	sdelay $0x2  }
0xb9: {  	s31 =	sshll.u32 s1, $0xD;
	s1 =	sshrl.u32 s1, $0x2  }
0xba: {  	s3 =	sand.u32 $0x4000, s31;
	s1 =	sadd.s32 s1, s30  }
0xbb: {  	s0 =	sor.u32 s3, s0;
	s1 =	sshll.u32 s1, $0x11  }
0xbc: {  	s0 =	sor.u32 s1, s0  }
0xbd: {  	s0 =	sadd.s32 $0x8F2B, s0  }
0xbe: {  	[sflag:s0] =	ssyncadd.remote.s32 $0x1  }
0xbf: {  	_ =	sfence.sel $0xFFFF  }
0xc0: {  	[dreg:$0x0] =	wrdreg $0xFFFFFFFF;
	(pc) =	sbr.abs _section_cstart, $3  }
0xc1: {  	[dreg:$0x1] =	wrdreg $0xFFFFFFFF  }
0xc2: {  	_ =	task.clear_ibuf [dreg:s8], $0x2FFFF;
	_ =	strace $0x9FFFFFFF  }
0xc3: {  	(tm) =	ssettm $0x7FFFFFFF  }
tec
execute0_lowered:
.L_overlay_start_1:
0x0: {  	(tag) =	ssettag $0x1  }
0x1: {  	s7 =	rddreg [dreg:$0x0]  }
0x2: {  	s2 =	rddreg [dreg:$0x1]  }
0x3: {  	s3 =	srdreg.scid;
	s1 =	stileid.u32  }
0x4: {  	s0 =	rddreg [dreg:$0x2];
	s15 =	simm.s32 $0x8000;
	s16 =	simm.s32 $0x1  }
0x5: {  	s17 =	simm.s32 $0x10000;
	s18 =	simm.s32 $0x2;
	s19 =	simm.s32 $0x18000  }
0x6: {  	s20 =	simm.s32 $0x3;
	s4 =	sand.u32 $0x1, s3;
	s5 =	sshll.u32 s1, $0x1  }
0x7: {  	s21 =	simm.s32 $0x4;
	s6 =	ssub.s32 $0x2, s4;
	s4 =	sor.u32 s4, s5  }
0x8: {  	s22 =	simm.s32 $0x0;
	s3 =	simm.s32 $0x0;
	s8 =	smul.u32 $0x150000, s4  }
0x9: {  	[smem:$0x7FF] =	sst s3;
	s5 =	sadd.s32 $0x800, s7;
	s9 =	smul.u32 $0x30000, s4  }
0xa: {  	s31 =	sshrl.u32 s6, $0x1;
	_ =	strace $0x80000047;
	s4 =	smul.u32 $0x6, s4  }
0xb: {  	s14 =	ssub.s32 s6, s31;
	s8 =	sshrl.u32 s8, $0x3;
	s6 =	sadd.s32 s9, s5  }
0xc: {  	s11 =	sadd.s32 s9, s7;
	s14 =	smax.u32 s14, $0x1;
	s7 =	sadd.s32 s2, s8  }
0xd: {  	s8 =	sadd.s32 $0x1800, s11;
	s9 =	sadd.s32 $0x2800, s11;
	s11 =	sadd.s32 $0x3800, s11  }
0xe: {  	s10 =	sadd.s32 $0x1000, s7;
	s12 =	sadd.s32 $0x28000, s7;
	s13 =	sadd.s32 $0x29000, s7  }
.LBB2_1:
0xf: {  	[tilespmem:s3], [sflag:$0x1] =	stream.linear.gather [hbm4b:s6+s3], $0x8000, $0x38;
	v63 =	vld [tilespmem:$0x0]  }
0x10: {  	_ = 	snop  }
0x11: {  	[tilespmem:s15], [sflag:$0x2] =	stream.linear.gather [hbm4b:s8+s3], $0x8000, $0x38;
	v63 =	vld [tilespmem:$0x0]  }
0x12: {  	_ =	swait.ge [sflag:s16], $0x8000  }
0x13: {  	s23 =	sand.u32 $0x7000, s3;
	s24 =	sand.u32 $0x380, s3;
	[sflag:s16] =	ssyncset.done $0x0  }
0x14: {  	s23 =	sor.u32 s24, s23;
	[sflag:s16] =	ssyncadd.s32 $0xFFFF8000  }
0x15: {  	v0 =	vld [tilespmem:s23+$0xC50]  }
0x16: {  	v1 =	vld [tilespmem:s23+$0x20]  }
0x17: {  	v2 =	vld [tilespmem:s23+$0x30]  }
0x18: {  	v3 =	vld [tilespmem:s23+$0x40]  }
0x19: {  	v4 =	vld [tilespmem:s23+$0x50]  }
0x1a: {  	v5 =	vld [tilespmem:s23+$0x60];
	[tilespmem:s23+$0x10C30] =	vst v0  }
0x1b: {  	v6 =	vld [tilespmem:s23+$0x860];
	[tilespmem:s23+$0x10000] =	vst v1  }
0x1c: {  	v0 =	vld [tilespmem:s23+$0x70];
	[tilespmem:s23+$0x10010] =	vst v2  }
0x1d: {  	v1 =	vld [tilespmem:s23+$0x400];
	[tilespmem:s23+$0x10020] =	vst v3  }
0x1e: {  	v2 =	vld [tilespmem:s23+$0x410];
	[tilespmem:s23+$0x10030] =	vst v4  }
0x1f: {  	v3 =	vld [tilespmem:s23+$0x420];
	[tilespmem:s23+$0x10040] =	vst v5  }
0x20: {  	v4 =	vld [tilespmem:s23+$0x430];
	[tilespmem:s23+$0x10840] =	vst v6  }
0x21: {  	v5 =	vld [tilespmem:s23+$0x840];
	[tilespmem:s23+$0x10050] =	vst v0  }
0x22: {  	v0 =	vld [tilespmem:s23+$0x440];
	[tilespmem:s23+$0x10060] =	vst v1  }
0x23: {  	v1 =	vld [tilespmem:s23+$0x450];
	[tilespmem:s23+$0x10070] =	vst v2  }
0x24: {  	v2 =	vld [tilespmem:s23+$0x460];
	[tilespmem:s23+$0x10400] =	vst v3  }
0x25: {  	[tilespmem:s23+$0x10410] =	vst v4;
	v4 =	vld [tilespmem:s23+$0x800]  }
0x26: {  	v3 =	vld [tilespmem:s23+$0x470];
	[tilespmem:s23+$0x10820] =	vst v5  }
0x27: {  	[tilespmem:s23+$0x10420] =	vst v0;
	v0 =	vld [tilespmem:s23+$0x810]  }
0x28: {  	[tilespmem:s23+$0x10430] =	vst v1;
	v1 =	vld [tilespmem:s23+$0x820]  }
0x29: {  	[tilespmem:s23+$0x10440] =	vst v2;
	v2 =	vld [tilespmem:s23+$0x830]  }
0x2a: {  	[tilespmem:s23+$0x10460] =	vst v4;
	v4 =	vld [tilespmem:s23+$0x850]  }
0x2b: {  	[tilespmem:s23+$0x10450] =	vst v3;
	v3 =	vld [tilespmem:s23+$0x870]  }
0x2c: {  	[tilespmem:s23+$0x10470] =	vst v0;
	v0 =	vld [tilespmem:s23+$0xC00]  }
0x2d: {  	[tilespmem:s23+$0x10800] =	vst v1;
	v1 =	vld [tilespmem:s23+$0xC10]  }
0x2e: {  	s25 =	simm.s32 $0x200;
	s24 =	simm.s32 $0x80;
	[tilespmem:s23+$0x10810] =	vst v2;
	v2 =	vld [tilespmem:s23+$0xC20]  }
0x2f: {  	s26 =	sand.u32 $0x7000, s25;
	s25 =	simm.s32 $0x400;
	s28 =	sand.u32 $0x380, s24;
	[tilespmem:s23+$0x10830] =	vst v4;
	v4 =	vld [tilespmem:s23+$0xC30]  }
.LBB2_2:
0x30: {  	p0 =	sne.s32 s25, $0x7E00;
	s26 =	sor.u32 s28, s26;
	[tilespmem:s23+$0x10850] =	vst v3;
	v3 =	vld [tilespmem:s23+$0xC40]  }
0x31: {  	v5 =	vld [tilespmem:s26+$0xC50];
	[tilespmem:s23+$0x10860] =	vst v0  }
0x32: {  	v0 =	vld [tilespmem:s26+$0x20];
	[tilespmem:s23+$0x10870] =	vst v1  }
0x33: {  	v1 =	vld [tilespmem:s26+$0x30];
	[tilespmem:s23+$0x10C00] =	vst v2  }
0x34: {  	v2 =	vld [tilespmem:s26+$0x40];
	[tilespmem:s23+$0x10C10] =	vst v4  }
0x35: {  	v4 =	vld [tilespmem:s26+$0x50];
	[tilespmem:s23+$0x10C20] =	vst v3;
	s23 =	smov.u32 s26  }
0x36: {  	v3 =	vld [tilespmem:s23+$0x60];
	[tilespmem:s23+$0x10C30] =	vst v5  }
0x37: {  	[tilespmem:s23+$0x10000] =	vst v0;
	v0 =	vld [tilespmem:s23+$0x70]  }
0x38: {  	[tilespmem:s23+$0x10010] =	vst v1;
	v1 =	vld [tilespmem:s23+$0x400]  }
0x39: {  	[tilespmem:s23+$0x10020] =	vst v2;
	v2 =	vld [tilespmem:s23+$0x410]  }
0x3a: {  	[tilespmem:s23+$0x10030] =	vst v4;
	v4 =	vld [tilespmem:s23+$0x420]  }
0x3b: {  	[tilespmem:s23+$0x10040] =	vst v3;
	v3 =	vld [tilespmem:s23+$0x430]  }
0x3c: {  	[tilespmem:s23+$0x10050] =	vst v0;
	v0 =	vld [tilespmem:s23+$0x440]  }
0x3d: {  	[tilespmem:s23+$0x10060] =	vst v1;
	v1 =	vld [tilespmem:s23+$0x450]  }
0x3e: {  	[tilespmem:s23+$0x10070] =	vst v2;
	v2 =	vld [tilespmem:s23+$0x460]  }
0x3f: {  	[tilespmem:s23+$0x10400] =	vst v4;
	v4 =	vld [tilespmem:s23+$0x470]  }
0x40: {  	[tilespmem:s23+$0x10410] =	vst v3;
	v3 =	vld [tilespmem:s23+$0x800]  }
0x41: {  	[tilespmem:s23+$0x10420] =	vst v0;
	v0 =	vld [tilespmem:s23+$0x810]  }
0x42: {  	[tilespmem:s23+$0x10430] =	vst v1;
	v1 =	vld [tilespmem:s23+$0x820]  }
0x43: {  	[tilespmem:s23+$0x10440] =	vst v2;
	v2 =	vld [tilespmem:s23+$0x830]  }
0x44: {  	[tilespmem:s23+$0x10450] =	vst v4;
	v4 =	vld [tilespmem:s23+$0x840]  }
0x45: {  	[tilespmem:s23+$0x10460] =	vst v3;
	v5 =	vld [tilespmem:s23+$0x850]  }
0x46: {  	[tilespmem:s23+$0x10470] =	vst v0;
	v6 =	vld [tilespmem:s23+$0x860]  }
.Ltmp0:
0x47: {  	[tilespmem:s23+$0x10800] =	vst v1;
	v3 =	vld [tilespmem:s23+$0x870];
	(pc) =	sbr.rel @p0 .LBB2_2-.Ltmp0, $4  }
0x48: {  	[tilespmem:s23+$0x10810] =	vst v2;
	v0 =	vld [tilespmem:s23+$0xC00]  }
0x49: {  	[tilespmem:s23+$0x10820] =	vst v4;
	v1 =	vld [tilespmem:s23+$0xC10]  }
0x4a: {  	s24 =	sadd.s32 $0x80, s24;
	[tilespmem:s23+$0x10830] =	vst v5;
	v2 =	vld [tilespmem:s23+$0xC20]  }
0x4b: {  	s28 =	sand.u32 $0x380, s24;
	s26 =	sand.u32 $0x7000, s25;
	s25 =	sadd.s32 $0x200, s25;
	[tilespmem:s23+$0x10840] =	vst v6;
	v4 =	vld [tilespmem:s23+$0xC30]  }
0x4c: {  	[tilespmem:s23+$0x10850] =	vst v3;
	s24 =	sor.u32 s28, s26;
	v3 =	vld [tilespmem:s23+$0xC40]  }
0x4d: {  	v5 =	vld [tilespmem:s24+$0xC50];
	[tilespmem:s23+$0x10860] =	vst v0  }
0x4e: {  	v0 =	vld [tilespmem:s24+$0x20];
	[tilespmem:s23+$0x10870] =	vst v1  }
0x4f: {  	v1 =	vld [tilespmem:s24+$0x30];
	[tilespmem:s23+$0x10C00] =	vst v2  }
0x50: {  	v2 =	vld [tilespmem:s24+$0x40];
	[tilespmem:s23+$0x10C10] =	vst v4  }
0x51: {  	v4 =	vld [tilespmem:s24+$0x50];
	[tilespmem:s23+$0x10C20] =	vst v3  }
0x52: {  	v3 =	vld [tilespmem:s24+$0x60];
	[tilespmem:s24+$0x10C30] =	vst v5  }
0x53: {  	[tilespmem:s24+$0x10000] =	vst v0;
	v0 =	vld [tilespmem:s24+$0x70]  }
0x54: {  	[tilespmem:s24+$0x10010] =	vst v1;
	v1 =	vld [tilespmem:s24+$0x400]  }
0x55: {  	[tilespmem:s24+$0x10020] =	vst v2;
	v2 =	vld [tilespmem:s24+$0x410]  }
0x56: {  	[tilespmem:s24+$0x10030] =	vst v4;
	v4 =	vld [tilespmem:s24+$0x420]  }
0x57: {  	[tilespmem:s24+$0x10040] =	vst v3;
	v3 =	vld [tilespmem:s24+$0x430]  }
0x58: {  	[tilespmem:s24+$0x10050] =	vst v0;
	v0 =	vld [tilespmem:s24+$0x440]  }
0x59: {  	[tilespmem:s24+$0x10060] =	vst v1;
	v1 =	vld [tilespmem:s24+$0x450]  }
0x5a: {  	[tilespmem:s24+$0x10070] =	vst v2;
	v2 =	vld [tilespmem:s24+$0x460]  }
0x5b: {  	[tilespmem:s24+$0x10400] =	vst v4;
	v4 =	vld [tilespmem:s24+$0x470]  }
0x5c: {  	[tilespmem:s24+$0x10410] =	vst v3;
	v3 =	vld [tilespmem:s24+$0x800]  }
0x5d: {  	[tilespmem:s24+$0x10420] =	vst v0;
	v0 =	vld [tilespmem:s24+$0x810]  }
0x5e: {  	[tilespmem:s24+$0x10430] =	vst v1;
	v1 =	vld [tilespmem:s24+$0x820]  }
0x5f: {  	[tilespmem:s24+$0x10440] =	vst v2;
	v2 =	vld [tilespmem:s24+$0x830]  }
0x60: {  	[tilespmem:s24+$0x10450] =	vst v4;
	v4 =	vld [tilespmem:s24+$0x840]  }
0x61: {  	[tilespmem:s24+$0x10460] =	vst v3;
	v3 =	vld [tilespmem:s24+$0x850]  }
0x62: {  	[tilespmem:s24+$0x10470] =	vst v0;
	v0 =	vld [tilespmem:s24+$0x860]  }
0x63: {  	[tilespmem:s24+$0x10800] =	vst v1;
	v1 =	vld [tilespmem:s24+$0x870]  }
0x64: {  	[tilespmem:s24+$0x10810] =	vst v2;
	v2 =	vld [tilespmem:s24+$0xC00]  }
0x65: {  	[tilespmem:s24+$0x10820] =	vst v4;
	v4 =	vld [tilespmem:s24+$0xC10]  }
0x66: {  	[tilespmem:s24+$0x10830] =	vst v3;
	v3 =	vld [tilespmem:s24+$0xC20]  }
0x67: {  	[tilespmem:s24+$0x10840] =	vst v0;
	v0 =	vld [tilespmem:s24+$0xC30]  }
0x68: {  	[tilespmem:s24+$0x10850] =	vst v1;
	v1 =	vld [tilespmem:s24+$0xC40]  }
0x69: {  	[tilespmem:s24+$0x10860] =	vst v2  }
0x6a: {  	[tilespmem:s24+$0x10870] =	vst v4  }
0x6b: {  	[tilespmem:s24+$0x10C00] =	vst v3  }
0x6c: {  	[tilespmem:s24+$0x10C10] =	vst v0  }
0x6d: {  	s30 =	simm.s32 $0x0;
	[tilespmem:s24+$0x10C20] =	vst v1  }
0x6e: {  	[hbm4b:s7+s30] =	stream.linear.scatter [tilespmem:s17], [sflag:$0x3], $0x8000, $0x38;
	v63 =	vld [tilespmem:$0x0]  }
0x6f: {  	_ = 	snop  }
0x70: {  	[tilespmem:s30], [sflag:$0x1] =	stream.linear.gather [hbm4b:s9+s30], $0x8000, $0x38;
	v63 =	vld [tilespmem:$0x0]  }
0x71: {  	_ =	swait.ge [sflag:s18], $0x8000  }
0x72: {  	s31 =	sand.u32 $0x7000, s30;
	s23 =	sand.u32 $0x380, s30;
	[sflag:s18] =	ssyncset.done $0x0  }
0x73: {  	s23 =	sor.u32 s23, s31;
	[sflag:s18] =	ssyncadd.s32 $0xFFFF8000  }
0x74: {  	v0 =	vld [tilespmem:s23+$0x8C50]  }
0x75: {  	v1 =	vld [tilespmem:s23+$0x8020]  }
0x76: {  	v2 =	vld [tilespmem:s23+$0x8030]  }
0x77: {  	v3 =	vld [tilespmem:s23+$0x8040]  }
0x78: {  	v4 =	vld [tilespmem:s23+$0x8050]  }
0x79: {  	v5 =	vld [tilespmem:s23+$0x8060];
	[tilespmem:s23+$0x18C30] =	vst v0  }
0x7a: {  	v6 =	vld [tilespmem:s23+$0x8860];
	[tilespmem:s23+$0x18000] =	vst v1  }
0x7b: {  	v0 =	vld [tilespmem:s23+$0x8070];
	[tilespmem:s23+$0x18010] =	vst v2  }
0x7c: {  	v1 =	vld [tilespmem:s23+$0x8400];
	[tilespmem:s23+$0x18020] =	vst v3  }
0x7d: {  	v2 =	vld [tilespmem:s23+$0x8410];
	[tilespmem:s23+$0x18030] =	vst v4  }
0x7e: {  	v3 =	vld [tilespmem:s23+$0x8420];
	[tilespmem:s23+$0x18040] =	vst v5  }
0x7f: {  	v4 =	vld [tilespmem:s23+$0x8430];
	[tilespmem:s23+$0x18840] =	vst v6  }
0x80: {  	v5 =	vld [tilespmem:s23+$0x8840];
	[tilespmem:s23+$0x18050] =	vst v0  }
0x81: {  	v0 =	vld [tilespmem:s23+$0x8440];
	[tilespmem:s23+$0x18060] =	vst v1  }
0x82: {  	v1 =	vld [tilespmem:s23+$0x8450];
	[tilespmem:s23+$0x18070] =	vst v2  }
0x83: {  	v2 =	vld [tilespmem:s23+$0x8460];
	[tilespmem:s23+$0x18400] =	vst v3  }
0x84: {  	[tilespmem:s23+$0x18410] =	vst v4;
	v4 =	vld [tilespmem:s23+$0x8800]  }
0x85: {  	v3 =	vld [tilespmem:s23+$0x8470];
	[tilespmem:s23+$0x18820] =	vst v5  }
0x86: {  	[tilespmem:s23+$0x18420] =	vst v0;
	v0 =	vld [tilespmem:s23+$0x8810]  }
0x87: {  	[tilespmem:s23+$0x18430] =	vst v1;
	v1 =	vld [tilespmem:s23+$0x8820]  }
0x88: {  	[tilespmem:s23+$0x18440] =	vst v2;
	v2 =	vld [tilespmem:s23+$0x8830]  }
0x89: {  	[tilespmem:s23+$0x18460] =	vst v4;
	v4 =	vld [tilespmem:s23+$0x8850]  }
0x8a: {  	[tilespmem:s23+$0x18450] =	vst v3;
	v3 =	vld [tilespmem:s23+$0x8870]  }
0x8b: {  	[tilespmem:s23+$0x18470] =	vst v0;
	v0 =	vld [tilespmem:s23+$0x8C00]  }
0x8c: {  	[tilespmem:s23+$0x18800] =	vst v1;
	v1 =	vld [tilespmem:s23+$0x8C10]  }
0x8d: {  	s25 =	simm.s32 $0x200;
	s24 =	simm.s32 $0x80;
	[tilespmem:s23+$0x18810] =	vst v2;
	v2 =	vld [tilespmem:s23+$0x8C20]  }
0x8e: {  	s26 =	sand.u32 $0x7000, s25;
	s25 =	simm.s32 $0x400;
	s28 =	sand.u32 $0x380, s24;
	[tilespmem:s23+$0x18830] =	vst v4;
	v4 =	vld [tilespmem:s23+$0x8C30]  }
.LBB2_4:
0x8f: {  	p0 =	sne.s32 s25, $0x7E00;
	s26 =	sor.u32 s28, s26;
	[tilespmem:s23+$0x18850] =	vst v3;
	v3 =	vld [tilespmem:s23+$0x8C40]  }
0x90: {  	v5 =	vld [tilespmem:s26+$0x8C50];
	[tilespmem:s23+$0x18860] =	vst v0  }
0x91: {  	v0 =	vld [tilespmem:s26+$0x8020];
	[tilespmem:s23+$0x18870] =	vst v1  }
0x92: {  	v1 =	vld [tilespmem:s26+$0x8030];
	[tilespmem:s23+$0x18C00] =	vst v2  }
0x93: {  	v2 =	vld [tilespmem:s26+$0x8040];
	[tilespmem:s23+$0x18C10] =	vst v4  }
0x94: {  	v4 =	vld [tilespmem:s26+$0x8050];
	[tilespmem:s23+$0x18C20] =	vst v3;
	s23 =	smov.u32 s26  }
0x95: {  	v3 =	vld [tilespmem:s23+$0x8060];
	[tilespmem:s23+$0x18C30] =	vst v5  }
0x96: {  	[tilespmem:s23+$0x18000] =	vst v0;
	v0 =	vld [tilespmem:s23+$0x8070]  }
0x97: {  	[tilespmem:s23+$0x18010] =	vst v1;
	v1 =	vld [tilespmem:s23+$0x8400]  }
0x98: {  	[tilespmem:s23+$0x18020] =	vst v2;
	v2 =	vld [tilespmem:s23+$0x8410]  }
0x99: {  	[tilespmem:s23+$0x18030] =	vst v4;
	v4 =	vld [tilespmem:s23+$0x8420]  }
0x9a: {  	[tilespmem:s23+$0x18040] =	vst v3;
	v3 =	vld [tilespmem:s23+$0x8430]  }
0x9b: {  	[tilespmem:s23+$0x18050] =	vst v0;
	v0 =	vld [tilespmem:s23+$0x8440]  }
0x9c: {  	[tilespmem:s23+$0x18060] =	vst v1;
	v1 =	vld [tilespmem:s23+$0x8450]  }
0x9d: {  	[tilespmem:s23+$0x18070] =	vst v2;
	v2 =	vld [tilespmem:s23+$0x8460]  }
0x9e: {  	[tilespmem:s23+$0x18400] =	vst v4;
	v4 =	vld [tilespmem:s23+$0x8470]  }
0x9f: {  	[tilespmem:s23+$0x18410] =	vst v3;
	v3 =	vld [tilespmem:s23+$0x8800]  }
0xa0: {  	[tilespmem:s23+$0x18420] =	vst v0;
	v0 =	vld [tilespmem:s23+$0x8810]  }
0xa1: {  	[tilespmem:s23+$0x18430] =	vst v1;
	v1 =	vld [tilespmem:s23+$0x8820]  }
0xa2: {  	[tilespmem:s23+$0x18440] =	vst v2;
	v2 =	vld [tilespmem:s23+$0x8830]  }
0xa3: {  	[tilespmem:s23+$0x18450] =	vst v4;
	v4 =	vld [tilespmem:s23+$0x8840]  }
0xa4: {  	[tilespmem:s23+$0x18460] =	vst v3;
	v5 =	vld [tilespmem:s23+$0x8850]  }
0xa5: {  	[tilespmem:s23+$0x18470] =	vst v0;
	v6 =	vld [tilespmem:s23+$0x8860]  }
.Ltmp1:
0xa6: {  	[tilespmem:s23+$0x18800] =	vst v1;
	v3 =	vld [tilespmem:s23+$0x8870];
	(pc) =	sbr.rel @p0 .LBB2_4-.Ltmp1, $4  }
0xa7: {  	[tilespmem:s23+$0x18810] =	vst v2;
	v0 =	vld [tilespmem:s23+$0x8C00]  }
0xa8: {  	[tilespmem:s23+$0x18820] =	vst v4;
	v1 =	vld [tilespmem:s23+$0x8C10]  }
0xa9: {  	s24 =	sadd.s32 $0x80, s24;
	[tilespmem:s23+$0x18830] =	vst v5;
	v2 =	vld [tilespmem:s23+$0x8C20]  }
0xaa: {  	s28 =	sand.u32 $0x380, s24;
	s26 =	sand.u32 $0x7000, s25;
	s25 =	sadd.s32 $0x200, s25;
	[tilespmem:s23+$0x18840] =	vst v6;
	v4 =	vld [tilespmem:s23+$0x8C30]  }
0xab: {  	[tilespmem:s23+$0x18850] =	vst v3;
	s24 =	sor.u32 s28, s26;
	v40 =	vld [tilespmem:s23+$0x8C40]  }
0xac: {  	v5 =	vld [tilespmem:s24+$0x8C50];
	[tilespmem:s23+$0x18860] =	vst v0  }
0xad: {  	v0 =	vld [tilespmem:s24+$0x8020];
	[tilespmem:s23+$0x18870] =	vst v1  }
0xae: {  	v1 =	vld [tilespmem:s24+$0x8030];
	[tilespmem:s23+$0x18C00] =	vst v2  }
0xaf: {  	v2 =	vld [tilespmem:s24+$0x8040];
	[tilespmem:s23+$0x18C10] =	vst v4  }
0xb0: {  	v4 =	vld [tilespmem:s24+$0x8050];
	[tilespmem:s23+$0x18C20] =	vst v40  }
0xb1: {  	v3 =	vld [tilespmem:s24+$0x8060];
	[tilespmem:s24+$0x18C30] =	vst v5  }
0xb2: {  	v41 =	vld [tilespmem:s24+$0x8070];
	[tilespmem:s24+$0x18000] =	vst v0  }
0xb3: {  	v42 =	vld [tilespmem:s24+$0x8400];
	[tilespmem:s24+$0x18010] =	vst v1  }
0xb4: {  	v43 =	vld [tilespmem:s24+$0x8410];
	[tilespmem:s24+$0x18020] =	vst v2  }
0xb5: {  	v44 =	vld [tilespmem:s24+$0x8420];
	[tilespmem:s24+$0x18030] =	vst v4  }
0xb6: {  	v45 =	vld [tilespmem:s24+$0x8430];
	[tilespmem:s24+$0x18040] =	vst v3  }
0xb7: {  	v46 =	vld [tilespmem:s24+$0x8440];
	[tilespmem:s24+$0x18050] =	vst v41  }
0xb8: {  	v47 =	vld [tilespmem:s24+$0x8450];
	[tilespmem:s24+$0x18060] =	vst v42  }
0xb9: {  	v48 =	vld [tilespmem:s24+$0x8460];
	[tilespmem:s24+$0x18070] =	vst v43  }
0xba: {  	v49 =	vld [tilespmem:s24+$0x8470];
	[tilespmem:s24+$0x18400] =	vst v44  }
0xbb: {  	v50 =	vld [tilespmem:s24+$0x8800];
	[tilespmem:s24+$0x18410] =	vst v45  }
0xbc: {  	v51 =	vld [tilespmem:s24+$0x8810];
	[tilespmem:s24+$0x18420] =	vst v46  }
0xbd: {  	v52 =	vld [tilespmem:s24+$0x8820];
	[tilespmem:s24+$0x18430] =	vst v47  }
0xbe: {  	v53 =	vld [tilespmem:s24+$0x8830];
	[tilespmem:s24+$0x18440] =	vst v48  }
0xbf: {  	v54 =	vld [tilespmem:s24+$0x8840];
	[tilespmem:s24+$0x18450] =	vst v49  }
0xc0: {  	v55 =	vld [tilespmem:s24+$0x8850];
	[tilespmem:s24+$0x18460] =	vst v50  }
0xc1: {  	v56 =	vld [tilespmem:s24+$0x8860];
	[tilespmem:s24+$0x18470] =	vst v51  }
0xc2: {  	v57 =	vld [tilespmem:s24+$0x8870];
	[tilespmem:s24+$0x18800] =	vst v52  }
0xc3: {  	v58 =	vld [tilespmem:s24+$0x8C00];
	[tilespmem:s24+$0x18810] =	vst v53  }
0xc4: {  	v59 =	vld [tilespmem:s24+$0x8C10];
	[tilespmem:s24+$0x18820] =	vst v54  }
0xc5: {  	v60 =	vld [tilespmem:s24+$0x8C20];
	[tilespmem:s24+$0x18830] =	vst v55  }
0xc6: {  	v61 =	vld [tilespmem:s24+$0x8C30];
	[tilespmem:s24+$0x18840] =	vst v56  }
0xc7: {  	v62 =	vld [tilespmem:s24+$0x8C40];
	[tilespmem:s24+$0x18850] =	vst v57  }
0xc8: {  	[tilespmem:s24+$0x18860] =	vst v58  }
0xc9: {  	[tilespmem:s24+$0x18870] =	vst v59  }
0xca: {  	[tilespmem:s24+$0x18C00] =	vst v60  }
0xcb: {  	[tilespmem:s24+$0x18C10] =	vst v61  }
0xcc: {  	[tilespmem:s24+$0x18C20] =	vst v62  }
0xcd: {  	[hbm4b:s10+s3] =	stream.linear.scatter [tilespmem:s19], [sflag:$0x4], $0x8000, $0x38;
	v63 =	vld [tilespmem:$0x0]  }
0xce: {  	s23 =	simm.s32 $0x1  }
0xcf: {  	[tilespmem:s15], [sflag:$0x2] =	stream.linear.gather [hbm4b:s11+s3], $0x8000, $0x38;
	v63 =	vld [tilespmem:$0x0]  }
.LBB2_6:
0xd0: {  	_ =	swait.ge [sflag:s16], $0x8000  }
0xd1: {  	[sflag:s16] =	ssyncset.done $0x0  }
0xd2: {  	[sflag:s16] =	ssyncadd.s32 $0xFFFF8000  }
0xd3: {  	s24 =	simm.s32 $0x0;
	_ =	swait.ge [sflag:s20], $0x8000  }
0xd4: {  	s25 =	sand.u32 $0x7000, s24;
	s24 =	sand.u32 $0x380, s24;
	[sflag:s20] =	ssyncset.done $0x0  }
0xd5: {  	s25 =	sor.u32 s24, s25;
	[sflag:s20] =	ssyncadd.s32 $0xFFFF8000  }
0xd6: {  	v0 =	vld [tilespmem:s25+$0xC50]  }
0xd7: {  	v1 =	vld [tilespmem:s25+$0x20]  }
0xd8: {  	v2 =	vld [tilespmem:s25+$0x30]  }
0xd9: {  	v3 =	vld [tilespmem:s25+$0x40]  }
0xda: {  	v4 =	vld [tilespmem:s25+$0x50]  }
0xdb: {  	v5 =	vld [tilespmem:s25+$0x60];
	[tilespmem:s25+$0x10C30] =	vst v0  }
0xdc: {  	[tilespmem:s25+$0x10000] =	vst v1;
	v0 =	vld [tilespmem:s25+$0x70]  }
0xdd: {  	[tilespmem:s25+$0x10010] =	vst v2;
	v1 =	vld [tilespmem:s25+$0x400]  }
0xde: {  	[tilespmem:s25+$0x10020] =	vst v3;
	v2 =	vld [tilespmem:s25+$0x410]  }
0xdf: {  	[tilespmem:s25+$0x10030] =	vst v4;
	v3 =	vld [tilespmem:s25+$0x420]  }
0xe0: {  	s26 =	smul.u32 $0x4A, s23;
	[tilespmem:s25+$0x10040] =	vst v5;
	v4 =	vld [tilespmem:s25+$0x430]  }
0xe1: {  	v5 =	vld [tilespmem:s25+$0x860];
	[tilespmem:s25+$0x10050] =	vst v0  }
0xe2: {  	s24 =	sshll.u32 s23, $0x1;
	s26 =	sshrl.u32 s26, $0x8;
	[tilespmem:s25+$0x10060] =	vst v1;
	v1 =	vld [tilespmem:s25+$0x450]  }
0xe3: {  	s28 =	ssub.s32 s24, s26;
	v0 =	vld [tilespmem:s25+$0x440];
	[tilespmem:s25+$0x10070] =	vst v2  }
0xe4: {  	s28 =	sand.u32 $0xFE, s28;
	v2 =	vld [tilespmem:s25+$0x460];
	[tilespmem:s25+$0x10400] =	vst v3  }
0xe5: {  	s28 =	sshrl.u32 s28, $0x1;
	v3 =	vld [tilespmem:s25+$0x470];
	[tilespmem:s25+$0x10410] =	vst v4  }
0xe6: {  	s26 =	sadd.s32 s26, s28;
	v4 =	vld [tilespmem:s25+$0x800];
	[tilespmem:s25+$0x10840] =	vst v5  }
0xe7: {  	s26 =	sand.u32 $0xFC, s26;
	[tilespmem:s25+$0x10430] =	vst v1;
	v1 =	vld [tilespmem:s25+$0x820]  }
0xe8: {  	s26 =	sshrl.u32 s26, $0x2;
	[tilespmem:s25+$0x10420] =	vst v0;
	v0 =	vld [tilespmem:s25+$0x810]  }
0xe9: {  	s28 =	smul.u32 $0x7, s26;
	[tilespmem:s25+$0x10440] =	vst v2;
	v2 =	vld [tilespmem:s25+$0x830]  }
0xea: {  	[tilespmem:s25+$0x10450] =	vst v3;
	v3 =	vld [tilespmem:s25+$0x840]  }
0xeb: {  	s26 =	sadd.s32 s26, s4;
	s28 =	ssub.s32 s24, s28;
	[tilespmem:s25+$0x10460] =	vst v4;
	v4 =	vld [tilespmem:s25+$0x850]  }
0xec: {  	s26 =	smul.u32 $0x38000, s26;
	s28 =	sand.u32 $0xFF, s28;
	[tilespmem:s25+$0x10800] =	vst v1;
	v1 =	vld [tilespmem:s25+$0x870]  }
0xed: {  	s28 =	sshll.u32 s28, $0xF;
	[tilespmem:s25+$0x10470] =	vst v0;
	v0 =	vld [tilespmem:s25+$0xC00]  }
0xee: {  	s29 =	simm.s32 $0x200;
	s26 =	sadd.s32 s28, s26;
	[tilespmem:s25+$0x10810] =	vst v2;
	v2 =	vld [tilespmem:s25+$0xC10]  }
0xef: {  	s30 =	sand.u32 $0x7000, s29;
	s28 =	simm.s32 $0x80;
	s26 =	sshrl.u32 s26, $0x3;
	[tilespmem:s25+$0x10820] =	vst v3;
	v3 =	vld [tilespmem:s25+$0xC20]  }
0xf0: {  	s29 =	simm.s32 $0x400;
	s31 =	sand.u32 $0x380, s28;
	s26 =	sadd.s32 s2, s26;
	[tilespmem:s25+$0x10830] =	vst v4;
	v4 =	vld [tilespmem:s25+$0xC30]  }
.LBB2_7:
0xf1: {  	p0 =	sne.s32 s29, $0x7E00;
	s30 =	sor.u32 s31, s30;
	[tilespmem:s25+$0x10850] =	vst v1;
	v1 =	vld [tilespmem:s25+$0xC40]  }
0xf2: {  	v5 =	vld [tilespmem:s30+$0xC50];
	[tilespmem:s25+$0x10860] =	vst v0  }
0xf3: {  	v0 =	vld [tilespmem:s30+$0x20];
	[tilespmem:s25+$0x10870] =	vst v2  }
0xf4: {  	v2 =	vld [tilespmem:s30+$0x30];
	[tilespmem:s25+$0x10C00] =	vst v3  }
0xf5: {  	v3 =	vld [tilespmem:s30+$0x40];
	[tilespmem:s25+$0x10C10] =	vst v4  }
0xf6: {  	v4 =	vld [tilespmem:s30+$0x50];
	[tilespmem:s25+$0x10C20] =	vst v1;
	s25 =	smov.u32 s30  }
0xf7: {  	v1 =	vld [tilespmem:s25+$0x60];
	[tilespmem:s25+$0x10C30] =	vst v5  }
0xf8: {  	[tilespmem:s25+$0x10000] =	vst v0;
	v0 =	vld [tilespmem:s25+$0x70]  }
0xf9: {  	[tilespmem:s25+$0x10010] =	vst v2;
	v2 =	vld [tilespmem:s25+$0x400]  }
0xfa: {  	[tilespmem:s25+$0x10020] =	vst v3;
	v3 =	vld [tilespmem:s25+$0x410]  }
0xfb: {  	[tilespmem:s25+$0x10030] =	vst v4;
	v4 =	vld [tilespmem:s25+$0x420]  }
0xfc: {  	[tilespmem:s25+$0x10040] =	vst v1;
	v1 =	vld [tilespmem:s25+$0x430]  }
0xfd: {  	[tilespmem:s25+$0x10050] =	vst v0;
	v0 =	vld [tilespmem:s25+$0x440]  }
0xfe: {  	[tilespmem:s25+$0x10060] =	vst v2;
	v2 =	vld [tilespmem:s25+$0x450]  }
0xff: {  	[tilespmem:s25+$0x10070] =	vst v3;
	v3 =	vld [tilespmem:s25+$0x460]  }
0x100: {  	[tilespmem:s25+$0x10400] =	vst v4;
	v4 =	vld [tilespmem:s25+$0x470]  }
0x101: {  	[tilespmem:s25+$0x10410] =	vst v1;
	v1 =	vld [tilespmem:s25+$0x800]  }
0x102: {  	[tilespmem:s25+$0x10420] =	vst v0;
	v0 =	vld [tilespmem:s25+$0x810]  }
0x103: {  	[tilespmem:s25+$0x10430] =	vst v2;
	v2 =	vld [tilespmem:s25+$0x820]  }
0x104: {  	[tilespmem:s25+$0x10440] =	vst v3;
	v3 =	vld [tilespmem:s25+$0x830]  }
0x105: {  	[tilespmem:s25+$0x10450] =	vst v4;
	v4 =	vld [tilespmem:s25+$0x840]  }
0x106: {  	[tilespmem:s25+$0x10460] =	vst v1;
	v5 =	vld [tilespmem:s25+$0x850]  }
0x107: {  	[tilespmem:s25+$0x10470] =	vst v0;
	v6 =	vld [tilespmem:s25+$0x860]  }
.Ltmp2:
0x108: {  	[tilespmem:s25+$0x10800] =	vst v2;
	v1 =	vld [tilespmem:s25+$0x870];
	(pc) =	sbr.rel @p0 .LBB2_7-.Ltmp2, $4  }
0x109: {  	[tilespmem:s25+$0x10810] =	vst v3;
	v0 =	vld [tilespmem:s25+$0xC00]  }
0x10a: {  	[tilespmem:s25+$0x10820] =	vst v4;
	v2 =	vld [tilespmem:s25+$0xC10]  }
0x10b: {  	s28 =	sadd.s32 $0x80, s28;
	[tilespmem:s25+$0x10830] =	vst v5;
	v3 =	vld [tilespmem:s25+$0xC20]  }
0x10c: {  	s31 =	sand.u32 $0x380, s28;
	s30 =	sand.u32 $0x7000, s29;
	s29 =	sadd.s32 $0x200, s29;
	[tilespmem:s25+$0x10840] =	vst v6;
	v4 =	vld [tilespmem:s25+$0xC30]  }
0x10d: {  	[tilespmem:s25+$0x10850] =	vst v1;
	s28 =	sor.u32 s31, s30;
	v1 =	vld [tilespmem:s25+$0xC40]  }
0x10e: {  	v5 =	vld [tilespmem:s28+$0xC50];
	[tilespmem:s25+$0x10860] =	vst v0  }
0x10f: {  	v0 =	vld [tilespmem:s28+$0x20];
	[tilespmem:s25+$0x10870] =	vst v2  }
0x110: {  	v2 =	vld [tilespmem:s28+$0x30];
	[tilespmem:s25+$0x10C00] =	vst v3  }
0x111: {  	v3 =	vld [tilespmem:s28+$0x40];
	[tilespmem:s25+$0x10C10] =	vst v4  }
0x112: {  	v4 =	vld [tilespmem:s28+$0x50];
	[tilespmem:s25+$0x10C20] =	vst v1  }
0x113: {  	v1 =	vld [tilespmem:s28+$0x60];
	[tilespmem:s28+$0x10C30] =	vst v5  }
0x114: {  	[tilespmem:s28+$0x10000] =	vst v0;
	v0 =	vld [tilespmem:s28+$0x70]  }
0x115: {  	[tilespmem:s28+$0x10010] =	vst v2;
	v2 =	vld [tilespmem:s28+$0x400]  }
0x116: {  	[tilespmem:s28+$0x10020] =	vst v3;
	v3 =	vld [tilespmem:s28+$0x410]  }
0x117: {  	[tilespmem:s28+$0x10030] =	vst v4;
	v4 =	vld [tilespmem:s28+$0x420]  }
0x118: {  	[tilespmem:s28+$0x10040] =	vst v1;
	v1 =	vld [tilespmem:s28+$0x430]  }
0x119: {  	[tilespmem:s28+$0x10050] =	vst v0;
	v0 =	vld [tilespmem:s28+$0x440]  }
0x11a: {  	[tilespmem:s28+$0x10060] =	vst v2;
	v2 =	vld [tilespmem:s28+$0x450]  }
0x11b: {  	[tilespmem:s28+$0x10070] =	vst v3;
	v3 =	vld [tilespmem:s28+$0x460]  }
0x11c: {  	[tilespmem:s28+$0x10400] =	vst v4;
	v4 =	vld [tilespmem:s28+$0x470]  }
0x11d: {  	[tilespmem:s28+$0x10410] =	vst v1;
	v1 =	vld [tilespmem:s28+$0x800]  }
0x11e: {  	[tilespmem:s28+$0x10420] =	vst v0;
	v0 =	vld [tilespmem:s28+$0x810]  }
0x11f: {  	[tilespmem:s28+$0x10430] =	vst v2;
	v2 =	vld [tilespmem:s28+$0x820]  }
0x120: {  	[tilespmem:s28+$0x10440] =	vst v3;
	v3 =	vld [tilespmem:s28+$0x830]  }
0x121: {  	[tilespmem:s28+$0x10450] =	vst v4;
	v4 =	vld [tilespmem:s28+$0x840]  }
0x122: {  	[tilespmem:s28+$0x10460] =	vst v1;
	v1 =	vld [tilespmem:s28+$0x850]  }
0x123: {  	[tilespmem:s28+$0x10470] =	vst v0;
	v0 =	vld [tilespmem:s28+$0x860]  }
0x124: {  	[tilespmem:s28+$0x10800] =	vst v2;
	v2 =	vld [tilespmem:s28+$0x870]  }
0x125: {  	[tilespmem:s28+$0x10810] =	vst v3;
	v3 =	vld [tilespmem:s28+$0xC00]  }
0x126: {  	[tilespmem:s28+$0x10820] =	vst v4;
	v4 =	vld [tilespmem:s28+$0xC10]  }
0x127: {  	[tilespmem:s28+$0x10830] =	vst v1;
	v1 =	vld [tilespmem:s28+$0xC20]  }
0x128: {  	s25 =	sadd.s32 $0x2, s24;
	[tilespmem:s28+$0x10840] =	vst v0;
	v0 =	vld [tilespmem:s28+$0xC30]  }
0x129: {  	s29 =	smulhi.u32 $0x92492493, s25;
	[tilespmem:s28+$0x10850] =	vst v2;
	v2 =	vld [tilespmem:s28+$0xC40]  }
0x12a: {  	[tilespmem:s28+$0x10860] =	vst v3  }
0x12b: {  	s29 =	sshrl.u32 s29, $0x2;
	[tilespmem:s28+$0x10870] =	vst v4  }
0x12c: {  	s30 =	smul.u32 $0x7, s29;
	[tilespmem:s28+$0x10C00] =	vst v1  }
0x12d: {  	[tilespmem:s28+$0x10C10] =	vst v0  }
0x12e: {  	s25 =	ssub.s32 s25, s30;
	[tilespmem:s28+$0x10C20] =	vst v2;
	s28 =	simm.s32 $0x0  }
0x12f: {  	[hbm4b:s26+s28] =	stream.linear.scatter [tilespmem:s17], [sflag:$0x3], $0x8000, $0x38;
	v63 =	vld [tilespmem:$0x0]  }
0x130: {  	s25 =	sshll.u32 s25, $0xC;
	s26 =	sadd.s32 s4, s29  }
0x131: {  	s25 =	sadd.s32 s25, s5;
	s26 =	sshll.u32 s26, $0xF  }
0x132: {  	s25 =	sadd.s32 s26, s25  }
0x133: {  	[tilespmem:s28], [sflag:$0x1] =	stream.linear.gather [hbm4b:s25+s28], $0x8000, $0x38;
	v63 =	vld [tilespmem:$0x0]  }
0x134: {  	_ =	swait.ge [sflag:s18], $0x8000  }
0x135: {  	[sflag:s18] =	ssyncset.done $0x0  }
0x136: {  	[sflag:s18] =	ssyncadd.s32 $0xFFFF8000  }
0x137: {  	_ =	swait.ge [sflag:s21], $0x8000  }
0x138: {  	s26 =	sand.u32 $0x380, s28;
	s25 =	sand.u32 $0x7000, s28;
	[sflag:s21] =	ssyncset.done $0x0  }
0x139: {  	s25 =	sor.u32 s26, s25;
	[sflag:s21] =	ssyncadd.s32 $0xFFFF8000  }
0x13a: {  	v0 =	vld [tilespmem:s25+$0x8C50]  }
0x13b: {  	v1 =	vld [tilespmem:s25+$0x8020]  }
0x13c: {  	v2 =	vld [tilespmem:s25+$0x8030]  }
0x13d: {  	v3 =	vld [tilespmem:s25+$0x8040]  }
0x13e: {  	v4 =	vld [tilespmem:s25+$0x8050]  }
0x13f: {  	v5 =	vld [tilespmem:s25+$0x8060];
	[tilespmem:s25+$0x18C30] =	vst v0  }
0x140: {  	[tilespmem:s25+$0x18000] =	vst v1;
	v0 =	vld [tilespmem:s25+$0x8070]  }
0x141: {  	[tilespmem:s25+$0x18010] =	vst v2;
	v1 =	vld [tilespmem:s25+$0x8400]  }
0x142: {  	[tilespmem:s25+$0x18020] =	vst v3;
	v2 =	vld [tilespmem:s25+$0x8410]  }
0x143: {  	[tilespmem:s25+$0x18030] =	vst v4;
	v3 =	vld [tilespmem:s25+$0x8420]  }
0x144: {  	[tilespmem:s25+$0x18040] =	vst v5;
	v4 =	vld [tilespmem:s25+$0x8430]  }
0x145: {  	v5 =	vld [tilespmem:s25+$0x8860];
	[tilespmem:s25+$0x18050] =	vst v0  }
0x146: {  	[tilespmem:s25+$0x18060] =	vst v1;
	v1 =	vld [tilespmem:s25+$0x8450]  }
0x147: {  	v0 =	vld [tilespmem:s25+$0x8440];
	[tilespmem:s25+$0x18070] =	vst v2  }
0x148: {  	v2 =	vld [tilespmem:s25+$0x8460];
	[tilespmem:s25+$0x18400] =	vst v3  }
0x149: {  	v3 =	vld [tilespmem:s25+$0x8470];
	[tilespmem:s25+$0x18410] =	vst v4  }
0x14a: {  	s26 =	sor.u32 $0x1, s24;
	v4 =	vld [tilespmem:s25+$0x8800];
	[tilespmem:s25+$0x18840] =	vst v5  }
0x14b: {  	s28 =	smulhi.u32 $0x92492493, s26;
	[tilespmem:s25+$0x18430] =	vst v1;
	v1 =	vld [tilespmem:s25+$0x8820]  }
0x14c: {  	[tilespmem:s25+$0x18420] =	vst v0;
	v0 =	vld [tilespmem:s25+$0x8810]  }
0x14d: {  	s28 =	sshrl.u32 s28, $0x2;
	[tilespmem:s25+$0x18440] =	vst v2;
	v2 =	vld [tilespmem:s25+$0x8830]  }
0x14e: {  	s29 =	smul.u32 $0x7, s28;
	[tilespmem:s25+$0x18450] =	vst v3;
	v3 =	vld [tilespmem:s25+$0x8840]  }
0x14f: {  	s28 =	sadd.s32 s4, s28;
	[tilespmem:s25+$0x18460] =	vst v4;
	v4 =	vld [tilespmem:s25+$0x8850]  }
0x150: {  	s28 =	smul.u32 $0x38000, s28;
	s26 =	ssub.s32 s26, s29;
	[tilespmem:s25+$0x18800] =	vst v1;
	v1 =	vld [tilespmem:s25+$0x8870]  }
0x151: {  	s26 =	sshll.u32 s26, $0xF;
	[tilespmem:s25+$0x18470] =	vst v0;
	v0 =	vld [tilespmem:s25+$0x8C00]  }
0x152: {  	s29 =	simm.s32 $0x200;
	s26 =	sadd.s32 s26, s28;
	[tilespmem:s25+$0x18810] =	vst v2;
	v2 =	vld [tilespmem:s25+$0x8C10]  }
0x153: {  	s30 =	sand.u32 $0x7000, s29;
	s28 =	simm.s32 $0x80;
	s26 =	sshrl.u32 s26, $0x3;
	[tilespmem:s25+$0x18820] =	vst v3;
	v3 =	vld [tilespmem:s25+$0x8C20]  }
0x154: {  	s29 =	simm.s32 $0x400;
	s31 =	sand.u32 $0x380, s28;
	s26 =	sadd.s32 s2, s26;
	[tilespmem:s25+$0x18830] =	vst v4;
	v4 =	vld [tilespmem:s25+$0x8C30]  }
.LBB2_9:
0x155: {  	p0 =	sne.s32 s29, $0x7E00;
	s30 =	sor.u32 s31, s30;
	[tilespmem:s25+$0x18850] =	vst v1;
	v1 =	vld [tilespmem:s25+$0x8C40]  }
0x156: {  	v5 =	vld [tilespmem:s30+$0x8C50];
	[tilespmem:s25+$0x18860] =	vst v0  }
0x157: {  	v0 =	vld [tilespmem:s30+$0x8020];
	[tilespmem:s25+$0x18870] =	vst v2  }
0x158: {  	v2 =	vld [tilespmem:s30+$0x8030];
	[tilespmem:s25+$0x18C00] =	vst v3  }
0x159: {  	v3 =	vld [tilespmem:s30+$0x8040];
	[tilespmem:s25+$0x18C10] =	vst v4  }
0x15a: {  	v4 =	vld [tilespmem:s30+$0x8050];
	[tilespmem:s25+$0x18C20] =	vst v1;
	s25 =	smov.u32 s30  }
0x15b: {  	v1 =	vld [tilespmem:s25+$0x8060];
	[tilespmem:s25+$0x18C30] =	vst v5  }
0x15c: {  	[tilespmem:s25+$0x18000] =	vst v0;
	v0 =	vld [tilespmem:s25+$0x8070]  }
0x15d: {  	[tilespmem:s25+$0x18010] =	vst v2;
	v2 =	vld [tilespmem:s25+$0x8400]  }
0x15e: {  	[tilespmem:s25+$0x18020] =	vst v3;
	v3 =	vld [tilespmem:s25+$0x8410]  }
0x15f: {  	[tilespmem:s25+$0x18030] =	vst v4;
	v4 =	vld [tilespmem:s25+$0x8420]  }
0x160: {  	[tilespmem:s25+$0x18040] =	vst v1;
	v1 =	vld [tilespmem:s25+$0x8430]  }
0x161: {  	[tilespmem:s25+$0x18050] =	vst v0;
	v0 =	vld [tilespmem:s25+$0x8440]  }
0x162: {  	[tilespmem:s25+$0x18060] =	vst v2;
	v2 =	vld [tilespmem:s25+$0x8450]  }
0x163: {  	[tilespmem:s25+$0x18070] =	vst v3;
	v3 =	vld [tilespmem:s25+$0x8460]  }
0x164: {  	[tilespmem:s25+$0x18400] =	vst v4;
	v4 =	vld [tilespmem:s25+$0x8470]  }
0x165: {  	[tilespmem:s25+$0x18410] =	vst v1;
	v1 =	vld [tilespmem:s25+$0x8800]  }
0x166: {  	[tilespmem:s25+$0x18420] =	vst v0;
	v0 =	vld [tilespmem:s25+$0x8810]  }
0x167: {  	[tilespmem:s25+$0x18430] =	vst v2;
	v2 =	vld [tilespmem:s25+$0x8820]  }
0x168: {  	[tilespmem:s25+$0x18440] =	vst v3;
	v3 =	vld [tilespmem:s25+$0x8830]  }
0x169: {  	[tilespmem:s25+$0x18450] =	vst v4;
	v4 =	vld [tilespmem:s25+$0x8840]  }
0x16a: {  	[tilespmem:s25+$0x18460] =	vst v1;
	v5 =	vld [tilespmem:s25+$0x8850]  }
0x16b: {  	[tilespmem:s25+$0x18470] =	vst v0;
	v6 =	vld [tilespmem:s25+$0x8860]  }
.Ltmp3:
0x16c: {  	[tilespmem:s25+$0x18800] =	vst v2;
	v1 =	vld [tilespmem:s25+$0x8870];
	(pc) =	sbr.rel @p0 .LBB2_9-.Ltmp3, $4  }
0x16d: {  	[tilespmem:s25+$0x18810] =	vst v3;
	v0 =	vld [tilespmem:s25+$0x8C00]  }
0x16e: {  	[tilespmem:s25+$0x18820] =	vst v4;
	v2 =	vld [tilespmem:s25+$0x8C10]  }
0x16f: {  	s28 =	sadd.s32 $0x80, s28;
	[tilespmem:s25+$0x18830] =	vst v5;
	v3 =	vld [tilespmem:s25+$0x8C20]  }
0x170: {  	s31 =	sand.u32 $0x380, s28;
	s30 =	sand.u32 $0x7000, s29;
	s29 =	sadd.s32 $0x200, s29;
	[tilespmem:s25+$0x18840] =	vst v6;
	v4 =	vld [tilespmem:s25+$0x8C30]  }
0x171: {  	[tilespmem:s25+$0x18850] =	vst v1;
	s28 =	sor.u32 s31, s30;
	v40 =	vld [tilespmem:s25+$0x8C40]  }
0x172: {  	v5 =	vld [tilespmem:s28+$0x8C50];
	[tilespmem:s25+$0x18860] =	vst v0  }
0x173: {  	v0 =	vld [tilespmem:s28+$0x8020];
	[tilespmem:s25+$0x18870] =	vst v2  }
0x174: {  	v2 =	vld [tilespmem:s28+$0x8030];
	[tilespmem:s25+$0x18C00] =	vst v3  }
0x175: {  	v3 =	vld [tilespmem:s28+$0x8040];
	[tilespmem:s25+$0x18C10] =	vst v4  }
0x176: {  	v4 =	vld [tilespmem:s28+$0x8050];
	[tilespmem:s25+$0x18C20] =	vst v40  }
0x177: {  	v1 =	vld [tilespmem:s28+$0x8060];
	[tilespmem:s28+$0x18C30] =	vst v5  }
0x178: {  	v41 =	vld [tilespmem:s28+$0x8070];
	[tilespmem:s28+$0x18000] =	vst v0  }
0x179: {  	v42 =	vld [tilespmem:s28+$0x8400];
	[tilespmem:s28+$0x18010] =	vst v2  }
0x17a: {  	v43 =	vld [tilespmem:s28+$0x8410];
	[tilespmem:s28+$0x18020] =	vst v3  }
0x17b: {  	v44 =	vld [tilespmem:s28+$0x8420];
	[tilespmem:s28+$0x18030] =	vst v4  }
0x17c: {  	v45 =	vld [tilespmem:s28+$0x8430];
	[tilespmem:s28+$0x18040] =	vst v1  }
0x17d: {  	v46 =	vld [tilespmem:s28+$0x8440];
	[tilespmem:s28+$0x18050] =	vst v41  }
0x17e: {  	v47 =	vld [tilespmem:s28+$0x8450];
	[tilespmem:s28+$0x18060] =	vst v42  }
0x17f: {  	v48 =	vld [tilespmem:s28+$0x8460];
	[tilespmem:s28+$0x18070] =	vst v43  }
0x180: {  	v49 =	vld [tilespmem:s28+$0x8470];
	[tilespmem:s28+$0x18400] =	vst v44  }
0x181: {  	v50 =	vld [tilespmem:s28+$0x8800];
	[tilespmem:s28+$0x18410] =	vst v45  }
0x182: {  	v51 =	vld [tilespmem:s28+$0x8810];
	[tilespmem:s28+$0x18420] =	vst v46  }
0x183: {  	v52 =	vld [tilespmem:s28+$0x8820];
	[tilespmem:s28+$0x18430] =	vst v47  }
0x184: {  	v53 =	vld [tilespmem:s28+$0x8830];
	[tilespmem:s28+$0x18440] =	vst v48  }
0x185: {  	v54 =	vld [tilespmem:s28+$0x8840];
	[tilespmem:s28+$0x18450] =	vst v49  }
0x186: {  	v55 =	vld [tilespmem:s28+$0x8850];
	[tilespmem:s28+$0x18460] =	vst v50  }
0x187: {  	v56 =	vld [tilespmem:s28+$0x8860];
	[tilespmem:s28+$0x18470] =	vst v51  }
0x188: {  	v57 =	vld [tilespmem:s28+$0x8870];
	[tilespmem:s28+$0x18800] =	vst v52  }
0x189: {  	v58 =	vld [tilespmem:s28+$0x8C00];
	[tilespmem:s28+$0x18810] =	vst v53  }
0x18a: {  	s24 =	sadd.s32 $0x3, s24;
	v59 =	vld [tilespmem:s28+$0x8C10];
	[tilespmem:s28+$0x18820] =	vst v54  }
0x18b: {  	s30 =	smulhi.u32 $0x92492493, s24;
	v60 =	vld [tilespmem:s28+$0x8C20];
	[tilespmem:s28+$0x18830] =	vst v55  }
0x18c: {  	v61 =	vld [tilespmem:s28+$0x8C30];
	[tilespmem:s28+$0x18840] =	vst v56  }
0x18d: {  	s25 =	sshrl.u32 s30, $0x2;
	v62 =	vld [tilespmem:s28+$0x8C40];
	[tilespmem:s28+$0x18850] =	vst v57  }
0x18e: {  	s31 =	smul.u32 $0x7, s25;
	[tilespmem:s28+$0x18860] =	vst v58  }
0x18f: {  	s23 =	sadd.s32 $0x1, s23;
	[tilespmem:s28+$0x18870] =	vst v59  }
0x190: {  	p0 =	sne.s32 s23, $0x14;
	s24 =	ssub.s32 s24, s31;
	[tilespmem:s28+$0x18C00] =	vst v60  }
.Ltmp4:
0x191: {  	s25 =	sadd.s32 s4, s25;
	s24 =	sshll.u32 s24, $0xC;
	[tilespmem:s28+$0x18C10] =	vst v61;
	(pc) =	sbr.rel @p0 .LBB2_6-.Ltmp4, $4  }
0x192: {  	s25 =	sshll.u32 s25, $0xF;
	s24 =	sadd.s32 s24, s5;
	[tilespmem:s28+$0x18C20] =	vst v62  }
0x193: {  	[hbm4b:s26+s3] =	stream.linear.scatter [tilespmem:s19], [sflag:$0x4], $0x8000, $0x38;
	v63 =	vld [tilespmem:$0x0]  }
0x194: {  	s24 =	sadd.s32 s25, s24  }
0x195: {  	[tilespmem:s15], [sflag:$0x2] =	stream.linear.gather [hbm4b:s24+s3], $0x8000, $0x38;
	v63 =	vld [tilespmem:$0x0]  }
0x196: {  	_ =	swait.ge [sflag:s16], $0x8000  }
0x197: {  	[sflag:s16] =	ssyncset.done $0x0  }
0x198: {  	[sflag:s16] =	ssyncadd.s32 $0xFFFF8000  }
0x199: {  	s23 =	simm.s32 $0x0;
	_ =	swait.ge [sflag:s20], $0x8000  }
0x19a: {  	s24 =	sand.u32 $0x7000, s23;
	s23 =	sand.u32 $0x380, s23;
	[sflag:s20] =	ssyncset.done $0x0  }
0x19b: {  	s23 =	sor.u32 s23, s24;
	[sflag:s20] =	ssyncadd.s32 $0xFFFF8000  }
0x19c: {  	v0 =	vld [tilespmem:s23+$0xC50]  }
0x19d: {  	v1 =	vld [tilespmem:s23+$0x20]  }
0x19e: {  	v2 =	vld [tilespmem:s23+$0x30]  }
0x19f: {  	v3 =	vld [tilespmem:s23+$0x40]  }
0x1a0: {  	v4 =	vld [tilespmem:s23+$0x50]  }
0x1a1: {  	v5 =	vld [tilespmem:s23+$0x60];
	[tilespmem:s23+$0x10C30] =	vst v0  }
0x1a2: {  	v6 =	vld [tilespmem:s23+$0x860];
	[tilespmem:s23+$0x10000] =	vst v1  }
0x1a3: {  	v0 =	vld [tilespmem:s23+$0x70];
	[tilespmem:s23+$0x10010] =	vst v2  }
0x1a4: {  	v1 =	vld [tilespmem:s23+$0x400];
	[tilespmem:s23+$0x10020] =	vst v3  }
0x1a5: {  	v2 =	vld [tilespmem:s23+$0x410];
	[tilespmem:s23+$0x10030] =	vst v4  }
0x1a6: {  	v3 =	vld [tilespmem:s23+$0x420];
	[tilespmem:s23+$0x10040] =	vst v5  }
0x1a7: {  	v4 =	vld [tilespmem:s23+$0x430];
	[tilespmem:s23+$0x10840] =	vst v6  }
0x1a8: {  	v5 =	vld [tilespmem:s23+$0x840];
	[tilespmem:s23+$0x10050] =	vst v0  }
0x1a9: {  	v0 =	vld [tilespmem:s23+$0x440];
	[tilespmem:s23+$0x10060] =	vst v1  }
0x1aa: {  	v1 =	vld [tilespmem:s23+$0x450];
	[tilespmem:s23+$0x10070] =	vst v2  }
0x1ab: {  	v2 =	vld [tilespmem:s23+$0x460];
	[tilespmem:s23+$0x10400] =	vst v3  }
0x1ac: {  	[tilespmem:s23+$0x10410] =	vst v4;
	v4 =	vld [tilespmem:s23+$0x800]  }
0x1ad: {  	v3 =	vld [tilespmem:s23+$0x470];
	[tilespmem:s23+$0x10820] =	vst v5  }
0x1ae: {  	[tilespmem:s23+$0x10420] =	vst v0;
	v0 =	vld [tilespmem:s23+$0x810]  }
0x1af: {  	[tilespmem:s23+$0x10430] =	vst v1;
	v1 =	vld [tilespmem:s23+$0x820]  }
0x1b0: {  	[tilespmem:s23+$0x10440] =	vst v2;
	v2 =	vld [tilespmem:s23+$0x830]  }
0x1b1: {  	[tilespmem:s23+$0x10460] =	vst v4;
	v4 =	vld [tilespmem:s23+$0x850]  }
0x1b2: {  	[tilespmem:s23+$0x10450] =	vst v3;
	v3 =	vld [tilespmem:s23+$0x870]  }
0x1b3: {  	[tilespmem:s23+$0x10470] =	vst v0;
	v0 =	vld [tilespmem:s23+$0xC00]  }
0x1b4: {  	[tilespmem:s23+$0x10800] =	vst v1;
	v1 =	vld [tilespmem:s23+$0xC10]  }
0x1b5: {  	s25 =	simm.s32 $0x200;
	s24 =	simm.s32 $0x80;
	[tilespmem:s23+$0x10810] =	vst v2;
	v2 =	vld [tilespmem:s23+$0xC20]  }
0x1b6: {  	s26 =	sand.u32 $0x7000, s25;
	s25 =	simm.s32 $0x400;
	s28 =	sand.u32 $0x380, s24;
	[tilespmem:s23+$0x10830] =	vst v4;
	v4 =	vld [tilespmem:s23+$0xC30]  }
.LBB2_12:
0x1b7: {  	p0 =	sne.s32 s25, $0x7E00;
	s26 =	sor.u32 s28, s26;
	[tilespmem:s23+$0x10850] =	vst v3;
	v3 =	vld [tilespmem:s23+$0xC40]  }
0x1b8: {  	v5 =	vld [tilespmem:s26+$0xC50];
	[tilespmem:s23+$0x10860] =	vst v0  }
0x1b9: {  	v0 =	vld [tilespmem:s26+$0x20];
	[tilespmem:s23+$0x10870] =	vst v1  }
0x1ba: {  	v1 =	vld [tilespmem:s26+$0x30];
	[tilespmem:s23+$0x10C00] =	vst v2  }
0x1bb: {  	v2 =	vld [tilespmem:s26+$0x40];
	[tilespmem:s23+$0x10C10] =	vst v4  }
0x1bc: {  	v4 =	vld [tilespmem:s26+$0x50];
	[tilespmem:s23+$0x10C20] =	vst v3;
	s23 =	smov.u32 s26  }
0x1bd: {  	v3 =	vld [tilespmem:s23+$0x60];
	[tilespmem:s23+$0x10C30] =	vst v5  }
0x1be: {  	[tilespmem:s23+$0x10000] =	vst v0;
	v0 =	vld [tilespmem:s23+$0x70]  }
0x1bf: {  	[tilespmem:s23+$0x10010] =	vst v1;
	v1 =	vld [tilespmem:s23+$0x400]  }
0x1c0: {  	[tilespmem:s23+$0x10020] =	vst v2;
	v2 =	vld [tilespmem:s23+$0x410]  }
0x1c1: {  	[tilespmem:s23+$0x10030] =	vst v4;
	v4 =	vld [tilespmem:s23+$0x420]  }
0x1c2: {  	[tilespmem:s23+$0x10040] =	vst v3;
	v3 =	vld [tilespmem:s23+$0x430]  }
0x1c3: {  	[tilespmem:s23+$0x10050] =	vst v0;
	v0 =	vld [tilespmem:s23+$0x440]  }
0x1c4: {  	[tilespmem:s23+$0x10060] =	vst v1;
	v1 =	vld [tilespmem:s23+$0x450]  }
0x1c5: {  	[tilespmem:s23+$0x10070] =	vst v2;
	v2 =	vld [tilespmem:s23+$0x460]  }
0x1c6: {  	[tilespmem:s23+$0x10400] =	vst v4;
	v4 =	vld [tilespmem:s23+$0x470]  }
0x1c7: {  	[tilespmem:s23+$0x10410] =	vst v3;
	v3 =	vld [tilespmem:s23+$0x800]  }
0x1c8: {  	[tilespmem:s23+$0x10420] =	vst v0;
	v0 =	vld [tilespmem:s23+$0x810]  }
0x1c9: {  	[tilespmem:s23+$0x10430] =	vst v1;
	v1 =	vld [tilespmem:s23+$0x820]  }
0x1ca: {  	[tilespmem:s23+$0x10440] =	vst v2;
	v2 =	vld [tilespmem:s23+$0x830]  }
0x1cb: {  	[tilespmem:s23+$0x10450] =	vst v4;
	v4 =	vld [tilespmem:s23+$0x840]  }
0x1cc: {  	[tilespmem:s23+$0x10460] =	vst v3;
	v5 =	vld [tilespmem:s23+$0x850]  }
0x1cd: {  	[tilespmem:s23+$0x10470] =	vst v0;
	v6 =	vld [tilespmem:s23+$0x860]  }
.Ltmp5:
0x1ce: {  	[tilespmem:s23+$0x10800] =	vst v1;
	v3 =	vld [tilespmem:s23+$0x870];
	(pc) =	sbr.rel @p0 .LBB2_12-.Ltmp5, $4  }
0x1cf: {  	[tilespmem:s23+$0x10810] =	vst v2;
	v0 =	vld [tilespmem:s23+$0xC00]  }
0x1d0: {  	[tilespmem:s23+$0x10820] =	vst v4;
	v1 =	vld [tilespmem:s23+$0xC10]  }
0x1d1: {  	s24 =	sadd.s32 $0x80, s24;
	[tilespmem:s23+$0x10830] =	vst v5;
	v2 =	vld [tilespmem:s23+$0xC20]  }
0x1d2: {  	s28 =	sand.u32 $0x380, s24;
	s26 =	sand.u32 $0x7000, s25;
	s25 =	sadd.s32 $0x200, s25;
	[tilespmem:s23+$0x10840] =	vst v6;
	v4 =	vld [tilespmem:s23+$0xC30]  }
0x1d3: {  	[tilespmem:s23+$0x10850] =	vst v3;
	s24 =	sor.u32 s28, s26;
	v3 =	vld [tilespmem:s23+$0xC40]  }
0x1d4: {  	v5 =	vld [tilespmem:s24+$0xC50];
	[tilespmem:s23+$0x10860] =	vst v0  }
0x1d5: {  	v0 =	vld [tilespmem:s24+$0x20];
	[tilespmem:s23+$0x10870] =	vst v1  }
0x1d6: {  	v1 =	vld [tilespmem:s24+$0x30];
	[tilespmem:s23+$0x10C00] =	vst v2  }
0x1d7: {  	v2 =	vld [tilespmem:s24+$0x40];
	[tilespmem:s23+$0x10C10] =	vst v4  }
0x1d8: {  	v4 =	vld [tilespmem:s24+$0x50];
	[tilespmem:s23+$0x10C20] =	vst v3  }
0x1d9: {  	v3 =	vld [tilespmem:s24+$0x60];
	[tilespmem:s24+$0x10C30] =	vst v5  }
0x1da: {  	[tilespmem:s24+$0x10000] =	vst v0;
	v0 =	vld [tilespmem:s24+$0x70]  }
0x1db: {  	[tilespmem:s24+$0x10010] =	vst v1;
	v1 =	vld [tilespmem:s24+$0x400]  }
0x1dc: {  	[tilespmem:s24+$0x10020] =	vst v2;
	v2 =	vld [tilespmem:s24+$0x410]  }
0x1dd: {  	[tilespmem:s24+$0x10030] =	vst v4;
	v4 =	vld [tilespmem:s24+$0x420]  }
0x1de: {  	[tilespmem:s24+$0x10040] =	vst v3;
	v3 =	vld [tilespmem:s24+$0x430]  }
0x1df: {  	[tilespmem:s24+$0x10050] =	vst v0;
	v0 =	vld [tilespmem:s24+$0x440]  }
0x1e0: {  	[tilespmem:s24+$0x10060] =	vst v1;
	v1 =	vld [tilespmem:s24+$0x450]  }
0x1e1: {  	[tilespmem:s24+$0x10070] =	vst v2;
	v2 =	vld [tilespmem:s24+$0x460]  }
0x1e2: {  	[tilespmem:s24+$0x10400] =	vst v4;
	v4 =	vld [tilespmem:s24+$0x470]  }
0x1e3: {  	[tilespmem:s24+$0x10410] =	vst v3;
	v3 =	vld [tilespmem:s24+$0x800]  }
0x1e4: {  	[tilespmem:s24+$0x10420] =	vst v0;
	v0 =	vld [tilespmem:s24+$0x810]  }
0x1e5: {  	[tilespmem:s24+$0x10430] =	vst v1;
	v1 =	vld [tilespmem:s24+$0x820]  }
0x1e6: {  	[tilespmem:s24+$0x10440] =	vst v2;
	v2 =	vld [tilespmem:s24+$0x830]  }
0x1e7: {  	[tilespmem:s24+$0x10450] =	vst v4;
	v4 =	vld [tilespmem:s24+$0x840]  }
0x1e8: {  	[tilespmem:s24+$0x10460] =	vst v3;
	v3 =	vld [tilespmem:s24+$0x850]  }
0x1e9: {  	[tilespmem:s24+$0x10470] =	vst v0;
	v0 =	vld [tilespmem:s24+$0x860]  }
0x1ea: {  	[tilespmem:s24+$0x10800] =	vst v1;
	v1 =	vld [tilespmem:s24+$0x870]  }
0x1eb: {  	[tilespmem:s24+$0x10810] =	vst v2;
	v2 =	vld [tilespmem:s24+$0xC00]  }
0x1ec: {  	[tilespmem:s24+$0x10820] =	vst v4;
	v4 =	vld [tilespmem:s24+$0xC10]  }
0x1ed: {  	[tilespmem:s24+$0x10830] =	vst v3;
	v3 =	vld [tilespmem:s24+$0xC20]  }
0x1ee: {  	[tilespmem:s24+$0x10840] =	vst v0;
	v0 =	vld [tilespmem:s24+$0xC30]  }
0x1ef: {  	[tilespmem:s24+$0x10850] =	vst v1;
	v1 =	vld [tilespmem:s24+$0xC40]  }
0x1f0: {  	[tilespmem:s24+$0x10860] =	vst v2  }
0x1f1: {  	[tilespmem:s24+$0x10870] =	vst v4  }
0x1f2: {  	[tilespmem:s24+$0x10C00] =	vst v3  }
0x1f3: {  	[tilespmem:s24+$0x10C10] =	vst v0  }
0x1f4: {  	s30 =	simm.s32 $0x0;
	[tilespmem:s24+$0x10C20] =	vst v1  }
0x1f5: {  	[hbm4b:s12+s30] =	stream.linear.scatter [tilespmem:s17], [sflag:$0x3], $0x8000, $0x38;
	v63 =	vld [tilespmem:$0x0]  }
0x1f6: {  	_ =	swait.ge [sflag:s18], $0x8000  }
0x1f7: {  	[sflag:s18] =	ssyncset.done $0x0  }
0x1f8: {  	[sflag:s18] =	ssyncadd.s32 $0xFFFF8000  }
0x1f9: {  	_ =	swait.ge [sflag:s21], $0x8000  }
0x1fa: {  	s31 =	sand.u32 $0x7000, s30;
	s23 =	sand.u32 $0x380, s30;
	[sflag:s21] =	ssyncset.done $0x0  }
0x1fb: {  	s23 =	sor.u32 s23, s31;
	[sflag:s21] =	ssyncadd.s32 $0xFFFF8000  }
0x1fc: {  	v0 =	vld [tilespmem:s23+$0x8C50]  }
0x1fd: {  	v1 =	vld [tilespmem:s23+$0x8020]  }
0x1fe: {  	v2 =	vld [tilespmem:s23+$0x8030]  }
0x1ff: {  	v3 =	vld [tilespmem:s23+$0x8040]  }
0x200: {  	v4 =	vld [tilespmem:s23+$0x8050]  }
0x201: {  	v5 =	vld [tilespmem:s23+$0x8060];
	[tilespmem:s23+$0x18C30] =	vst v0  }
0x202: {  	v6 =	vld [tilespmem:s23+$0x8860];
	[tilespmem:s23+$0x18000] =	vst v1  }
0x203: {  	v0 =	vld [tilespmem:s23+$0x8070];
	[tilespmem:s23+$0x18010] =	vst v2  }
0x204: {  	v1 =	vld [tilespmem:s23+$0x8400];
	[tilespmem:s23+$0x18020] =	vst v3  }
0x205: {  	v2 =	vld [tilespmem:s23+$0x8410];
	[tilespmem:s23+$0x18030] =	vst v4  }
0x206: {  	v3 =	vld [tilespmem:s23+$0x8420];
	[tilespmem:s23+$0x18040] =	vst v5  }
0x207: {  	v4 =	vld [tilespmem:s23+$0x8430];
	[tilespmem:s23+$0x18840] =	vst v6  }
0x208: {  	v5 =	vld [tilespmem:s23+$0x8840];
	[tilespmem:s23+$0x18050] =	vst v0  }
0x209: {  	v0 =	vld [tilespmem:s23+$0x8440];
	[tilespmem:s23+$0x18060] =	vst v1  }
0x20a: {  	v1 =	vld [tilespmem:s23+$0x8450];
	[tilespmem:s23+$0x18070] =	vst v2  }
0x20b: {  	v2 =	vld [tilespmem:s23+$0x8460];
	[tilespmem:s23+$0x18400] =	vst v3  }
0x20c: {  	[tilespmem:s23+$0x18410] =	vst v4;
	v4 =	vld [tilespmem:s23+$0x8800]  }
0x20d: {  	v3 =	vld [tilespmem:s23+$0x8470];
	[tilespmem:s23+$0x18820] =	vst v5  }
0x20e: {  	[tilespmem:s23+$0x18420] =	vst v0;
	v0 =	vld [tilespmem:s23+$0x8810]  }
0x20f: {  	[tilespmem:s23+$0x18430] =	vst v1;
	v1 =	vld [tilespmem:s23+$0x8820]  }
0x210: {  	[tilespmem:s23+$0x18440] =	vst v2;
	v2 =	vld [tilespmem:s23+$0x8830]  }
0x211: {  	[tilespmem:s23+$0x18460] =	vst v4;
	v4 =	vld [tilespmem:s23+$0x8850]  }
0x212: {  	[tilespmem:s23+$0x18450] =	vst v3;
	v3 =	vld [tilespmem:s23+$0x8870]  }
0x213: {  	[tilespmem:s23+$0x18470] =	vst v0;
	v0 =	vld [tilespmem:s23+$0x8C00]  }
0x214: {  	[tilespmem:s23+$0x18800] =	vst v1;
	v1 =	vld [tilespmem:s23+$0x8C10]  }
0x215: {  	s25 =	simm.s32 $0x200;
	s24 =	simm.s32 $0x80;
	[tilespmem:s23+$0x18810] =	vst v2;
	v2 =	vld [tilespmem:s23+$0x8C20]  }
0x216: {  	s26 =	sand.u32 $0x7000, s25;
	s25 =	simm.s32 $0x400;
	s28 =	sand.u32 $0x380, s24;
	[tilespmem:s23+$0x18830] =	vst v4;
	v4 =	vld [tilespmem:s23+$0x8C30]  }
.LBB2_14:
0x217: {  	p0 =	sne.s32 s25, $0x7E00;
	s26 =	sor.u32 s28, s26;
	[tilespmem:s23+$0x18850] =	vst v3;
	v3 =	vld [tilespmem:s23+$0x8C40]  }
0x218: {  	v5 =	vld [tilespmem:s26+$0x8C50];
	[tilespmem:s23+$0x18860] =	vst v0  }
0x219: {  	v0 =	vld [tilespmem:s26+$0x8020];
	[tilespmem:s23+$0x18870] =	vst v1  }
0x21a: {  	v1 =	vld [tilespmem:s26+$0x8030];
	[tilespmem:s23+$0x18C00] =	vst v2  }
0x21b: {  	v2 =	vld [tilespmem:s26+$0x8040];
	[tilespmem:s23+$0x18C10] =	vst v4  }
0x21c: {  	v4 =	vld [tilespmem:s26+$0x8050];
	[tilespmem:s23+$0x18C20] =	vst v3;
	s23 =	smov.u32 s26  }
0x21d: {  	v3 =	vld [tilespmem:s23+$0x8060];
	[tilespmem:s23+$0x18C30] =	vst v5  }
0x21e: {  	[tilespmem:s23+$0x18000] =	vst v0;
	v0 =	vld [tilespmem:s23+$0x8070]  }
0x21f: {  	[tilespmem:s23+$0x18010] =	vst v1;
	v1 =	vld [tilespmem:s23+$0x8400]  }
0x220: {  	[tilespmem:s23+$0x18020] =	vst v2;
	v2 =	vld [tilespmem:s23+$0x8410]  }
0x221: {  	[tilespmem:s23+$0x18030] =	vst v4;
	v4 =	vld [tilespmem:s23+$0x8420]  }
0x222: {  	[tilespmem:s23+$0x18040] =	vst v3;
	v3 =	vld [tilespmem:s23+$0x8430]  }
0x223: {  	[tilespmem:s23+$0x18050] =	vst v0;
	v0 =	vld [tilespmem:s23+$0x8440]  }
0x224: {  	[tilespmem:s23+$0x18060] =	vst v1;
	v1 =	vld [tilespmem:s23+$0x8450]  }
0x225: {  	[tilespmem:s23+$0x18070] =	vst v2;
	v2 =	vld [tilespmem:s23+$0x8460]  }
0x226: {  	[tilespmem:s23+$0x18400] =	vst v4;
	v4 =	vld [tilespmem:s23+$0x8470]  }
0x227: {  	[tilespmem:s23+$0x18410] =	vst v3;
	v3 =	vld [tilespmem:s23+$0x8800]  }
0x228: {  	[tilespmem:s23+$0x18420] =	vst v0;
	v0 =	vld [tilespmem:s23+$0x8810]  }
0x229: {  	[tilespmem:s23+$0x18430] =	vst v1;
	v1 =	vld [tilespmem:s23+$0x8820]  }
0x22a: {  	[tilespmem:s23+$0x18440] =	vst v2;
	v2 =	vld [tilespmem:s23+$0x8830]  }
0x22b: {  	[tilespmem:s23+$0x18450] =	vst v4;
	v4 =	vld [tilespmem:s23+$0x8840]  }
0x22c: {  	[tilespmem:s23+$0x18460] =	vst v3;
	v5 =	vld [tilespmem:s23+$0x8850]  }
0x22d: {  	[tilespmem:s23+$0x18470] =	vst v0;
	v6 =	vld [tilespmem:s23+$0x8860]  }
.Ltmp6:
0x22e: {  	[tilespmem:s23+$0x18800] =	vst v1;
	v3 =	vld [tilespmem:s23+$0x8870];
	(pc) =	sbr.rel @p0 .LBB2_14-.Ltmp6, $4  }
0x22f: {  	[tilespmem:s23+$0x18810] =	vst v2;
	v0 =	vld [tilespmem:s23+$0x8C00]  }
0x230: {  	[tilespmem:s23+$0x18820] =	vst v4;
	v1 =	vld [tilespmem:s23+$0x8C10]  }
0x231: {  	s24 =	sadd.s32 $0x80, s24;
	[tilespmem:s23+$0x18830] =	vst v5;
	v2 =	vld [tilespmem:s23+$0x8C20]  }
0x232: {  	s28 =	sand.u32 $0x380, s24;
	s26 =	sand.u32 $0x7000, s25;
	s25 =	sadd.s32 $0x200, s25;
	[tilespmem:s23+$0x18840] =	vst v6;
	v4 =	vld [tilespmem:s23+$0x8C30]  }
0x233: {  	[tilespmem:s23+$0x18850] =	vst v3;
	s24 =	sor.u32 s28, s26;
	v40 =	vld [tilespmem:s23+$0x8C40]  }
0x234: {  	v5 =	vld [tilespmem:s24+$0x8C50];
	[tilespmem:s23+$0x18860] =	vst v0  }
0x235: {  	v0 =	vld [tilespmem:s24+$0x8020];
	[tilespmem:s23+$0x18870] =	vst v1  }
0x236: {  	v1 =	vld [tilespmem:s24+$0x8030];
	[tilespmem:s23+$0x18C00] =	vst v2  }
0x237: {  	v2 =	vld [tilespmem:s24+$0x8040];
	[tilespmem:s23+$0x18C10] =	vst v4  }
0x238: {  	v4 =	vld [tilespmem:s24+$0x8050];
	[tilespmem:s23+$0x18C20] =	vst v40  }
0x239: {  	v3 =	vld [tilespmem:s24+$0x8060];
	[tilespmem:s24+$0x18C30] =	vst v5  }
0x23a: {  	v41 =	vld [tilespmem:s24+$0x8070];
	[tilespmem:s24+$0x18000] =	vst v0  }
0x23b: {  	v42 =	vld [tilespmem:s24+$0x8400];
	[tilespmem:s24+$0x18010] =	vst v1  }
0x23c: {  	v43 =	vld [tilespmem:s24+$0x8410];
	[tilespmem:s24+$0x18020] =	vst v2  }
0x23d: {  	v44 =	vld [tilespmem:s24+$0x8420];
	[tilespmem:s24+$0x18030] =	vst v4  }
0x23e: {  	v45 =	vld [tilespmem:s24+$0x8430];
	[tilespmem:s24+$0x18040] =	vst v3  }
0x23f: {  	v46 =	vld [tilespmem:s24+$0x8440];
	[tilespmem:s24+$0x18050] =	vst v41  }
0x240: {  	v47 =	vld [tilespmem:s24+$0x8450];
	[tilespmem:s24+$0x18060] =	vst v42  }
0x241: {  	v48 =	vld [tilespmem:s24+$0x8460];
	[tilespmem:s24+$0x18070] =	vst v43  }
0x242: {  	v49 =	vld [tilespmem:s24+$0x8470];
	[tilespmem:s24+$0x18400] =	vst v44  }
0x243: {  	v50 =	vld [tilespmem:s24+$0x8800];
	[tilespmem:s24+$0x18410] =	vst v45  }
0x244: {  	v51 =	vld [tilespmem:s24+$0x8810];
	[tilespmem:s24+$0x18420] =	vst v46  }
0x245: {  	v52 =	vld [tilespmem:s24+$0x8820];
	[tilespmem:s24+$0x18430] =	vst v47  }
0x246: {  	v53 =	vld [tilespmem:s24+$0x8830];
	[tilespmem:s24+$0x18440] =	vst v48  }
0x247: {  	v54 =	vld [tilespmem:s24+$0x8840];
	[tilespmem:s24+$0x18450] =	vst v49  }
0x248: {  	v55 =	vld [tilespmem:s24+$0x8850];
	[tilespmem:s24+$0x18460] =	vst v50  }
0x249: {  	v56 =	vld [tilespmem:s24+$0x8860];
	[tilespmem:s24+$0x18470] =	vst v51  }
0x24a: {  	v57 =	vld [tilespmem:s24+$0x8870];
	[tilespmem:s24+$0x18800] =	vst v52  }
0x24b: {  	v58 =	vld [tilespmem:s24+$0x8C00];
	[tilespmem:s24+$0x18810] =	vst v53  }
0x24c: {  	v59 =	vld [tilespmem:s24+$0x8C10];
	[tilespmem:s24+$0x18820] =	vst v54  }
0x24d: {  	v60 =	vld [tilespmem:s24+$0x8C20];
	[tilespmem:s24+$0x18830] =	vst v55  }
0x24e: {  	v61 =	vld [tilespmem:s24+$0x8C30];
	[tilespmem:s24+$0x18840] =	vst v56  }
0x24f: {  	v62 =	vld [tilespmem:s24+$0x8C40];
	[tilespmem:s24+$0x18850] =	vst v57  }
0x250: {  	[tilespmem:s24+$0x18860] =	vst v58  }
0x251: {  	[tilespmem:s24+$0x18870] =	vst v59  }
0x252: {  	[tilespmem:s24+$0x18C00] =	vst v60  }
0x253: {  	[tilespmem:s24+$0x18C10] =	vst v61  }
0x254: {  	s22 =	sadd.s32 $0x1, s22;
	[tilespmem:s24+$0x18C20] =	vst v62  }
0x255: {  	[hbm4b:s13+s3] =	stream.linear.scatter [tilespmem:s19], [sflag:$0x4], $0x8000, $0x38;
	v63 =	vld [tilespmem:$0x0]  }
0x256: {  	p0 =	sne.s32 s22, s14;
	_ =	swait.ge [sflag:s20], $0x8000  }
.Ltmp7:
0x257: {  	[sflag:s20] =	ssyncset.done $0x0;
	(pc) =	sbr.rel @p0 .LBB2_1-.Ltmp7, $4  }
0x258: {  	[sflag:s20] =	ssyncadd.s32 $0xFFFF8000  }
0x259: {  	_ =	swait.ge [sflag:s21], $0x8000  }
0x25a: {  	[sflag:s21] =	ssyncset.done $0x0  }
0x25b: {  	[sflag:s21] =	ssyncadd.s32 $0xFFFF8000  }
0x25c: {  	_ =	sfence.sel $0x180000  }
0x25d: {  	[bflag:$0x0] =	sbarrier.arrive $0xFFFF  }
0x25e: {  	p0 =	sne.s32 s1, $0x0;
	_ =	strace $0x90000047  }
0x25f: {  	s0 =	sadd.s32 @!p0 $0x100000, s0;
	[bflag:$0x2] =	sbarrier.arrive $0xFFFF  }
0x260: {  	[sflag:s0] =	ssyncadd.tile.s32 @!p0 $0x1;
	_ =	shalt  }
.Lfunc_end2:
_tile_overlayer_lowered:
.L_overlay_start_2:
0x261: {  	(tag) =	ssettag $0x2  }
0x262: {  	s0 =	rddreg [dreg:$0x0];
	s2 =	stileid.u32  }
0x263: {  	s1 =	rddreg [dreg:$0x1];
	p0 =	sne.s32 s2, $0x0  }
0x264: {  	s3 =	rddreg [dreg:$0x2];
	[bflag:$0x3] =	sbarrier.arrive $0xFFFF;
	s2 =	simm.s32 @!p0 $0x1C05  }
0x265: {  	[timem:s3], [sflag:s2] =	dma.local @!p0 [hbm:s0], s1  }
0x266: {  	s0 =	simm.s32 @!p0 $0x5  }
0x267: {  	_ =	swait.ge @!p0 [sflag:s0], s1  }
0x268: {  	s1 =	ssub.s32 @!p0 $0x0, s1;
	[sflag:s0] =	ssyncset.done @!p0 $0x0  }
0x269: {  	[sflag:s0] =	ssyncadd.s32 @!p0 s1  }
0x26a: {  	[bflag:$0x3] =	sbarrier.arrive $0xFFFF  }
0x26b: {  	_ =	shalt  }

</sc_bundles>
